<compile_context>
chip_gen: v7x
topology: tpu7x:2x2x1
jax: 0.10.2.dev20260603
libtpu: 0.0.44.dev20260713+nightly
codegen_flags: <defaults>
</compile_context>

<pallas_src>
import functools

import jax
import jax.numpy as jnp
from jax import lax
from jax.experimental import pallas as pl
from jax.experimental.pallas import tpu as pltpu
from jax.experimental.pallas import tpu_sc as plsc

N = 10000
NPAD = 10240
E = 160000
EPAD = 163840
F_IN = 256
H = 512
G = 64

NC = 2
NS = 16
CK = 64
NCH = EPAD // (NS * CK)
NSC = NCH // 4
EPT32 = EPAD // 32
NG32 = EPT32 // 16

BN = 512
GT = NPAD // BN
RZ = NPAD // NS

_mesh = plsc.VectorSubcoreMesh(core_axis_name="c", subcore_axis_name="s")
_sc_params = pltpu.CompilerParams(needs_layout_passes=False)


@functools.partial(
    pl.kernel,
    out_type=jax.ShapeDtypeStruct((32, NPAD), jnp.float32),
    mesh=_mesh,
    compiler_params=_sc_params,
    scratch_types=[
        pltpu.VMEM((NG32, 16), jnp.int32),
        pltpu.VMEM((NPAD,), jnp.float32),
    ],
)
def _deg_kernel(dst_hbm, out_hbm, dstb, hist):
  wid = lax.axis_index("s") * NC + lax.axis_index("c")
  zeros16 = jnp.zeros((16,), jnp.float32)
  ones16 = jnp.ones((16,), jnp.float32)

  def zero_body(i, _):
    hist[pl.ds(i * 16, 16)] = zeros16
    return 0

  lax.fori_loop(0, NPAD // 16, zero_body, 0)
  pltpu.sync_copy(dst_hbm.at[wid], dstb)

  def edge_body(j, _):
    idx = dstb[j]
    plsc.addupdate_scatter(hist, [idx], ones16)
    return 0

  lax.fori_loop(0, NG32, edge_body, 0)
  pltpu.sync_copy(hist, out_hbm.at[wid])



def _make_spmm(nb):
  nbps = nb // 2

  @functools.partial(
      pl.kernel,
      out_type=jax.ShapeDtypeStruct((nb * NPAD, 128), jnp.float32),
      mesh=_mesh,
      compiler_params=_sc_params,
      scratch_types=[
          pltpu.VMEM((2, 4, CK), jnp.int32),
          pltpu.VMEM((2, 4, CK), jnp.int32),
          pltpu.VMEM((CK, 128), jnp.float32),
          pltpu.VMEM((CK, 128), jnp.float32),
          pltpu.VMEM((CK, 128), jnp.float32),
          pltpu.VMEM((CK, 128), jnp.float32),
          pltpu.VMEM_SHARED((NPAD, 128), jnp.float32),
          pltpu.SemaphoreType.DMA,
          pltpu.SemaphoreType.DMA,
          pltpu.SemaphoreType.DMA,
          pltpu.SemaphoreType.DMA,
          pltpu.SemaphoreType.DMA,
          pltpu.SemaphoreType.DMA,
          pltpu.SemaphoreType.DMA,
          pltpu.SemaphoreType.DMA,
      ],
  )
  def spmm(src_hbm, dst_hbm, h_hbm, zeros_hbm, out_hbm,
           sidx, didx, r0, r1, r2, r3, acc,
           m0, m1, m2, m3, t0, t1, t2, t3):
    cid = lax.axis_index("c")
    sid = lax.axis_index("s")
    rows = (r0, r1, r2, r3)
    sems = (m0, m1, m2, m3)
    ssems = (t0, t1, t2, t3)

    def gather(p, c, buf):
      return pltpu.async_copy(h_hbm.at[sidx.at[p, c]], rows[buf], sems[buf])

    def gwait(p, c, buf):
      pltpu.make_async_copy(h_hbm.at[sidx.at[p, c]], rows[buf],
                            sems[buf]).wait()

    def scatter(p, c, buf):
      pltpu.async_copy(rows[buf], acc.at[didx.at[p, c]], ssems[buf],
                       add=True)

    def swait(p, c, buf):
      pltpu.make_async_copy(rows[buf], acc.at[didx.at[p, c]],
                            ssems[buf]).wait()

    for bi in range(nbps):
      b = cid * nbps + bi
      pltpu.sync_copy(zeros_hbm, acc.at[pl.ds(sid * RZ, RZ)])
      plsc.subcore_barrier()

      pltpu.sync_copy(src_hbm.at[b, sid, pl.ds(0, 4)], sidx.at[0])
      pltpu.sync_copy(dst_hbm.at[sid, pl.ds(0, 4)], didx.at[0])
      gather(0, 0, 0)
      gather(0, 1, 1)

      def superchunk(j, _):
        p = lax.rem(j, 2)
        pn = lax.rem(j + 1, 2)
        not_last = j < NSC - 1

        @pl.when(not_last)
        def _():
          pltpu.sync_copy(src_hbm.at[b, sid, pl.ds(4 * (j + 1), 4)],
                          sidx.at[pn])
          pltpu.sync_copy(dst_hbm.at[sid, pl.ds(4 * (j + 1), 4)],
                          didx.at[pn])

        gwait(p, 0, 0)

        @pl.when(j > 0)
        def _():
          swait(pn, 2, 2)

        gather(p, 2, 2)
        scatter(p, 0, 0)
        gwait(p, 1, 1)

        @pl.when(j > 0)
        def _():
          swait(pn, 3, 3)

        gather(p, 3, 3)
        scatter(p, 1, 1)
        gwait(p, 2, 2)

        @pl.when(not_last)
        def _():
          swait(p, 0, 0)
          gather(pn, 0, 0)

        scatter(p, 2, 2)
        gwait(p, 3, 3)

        @pl.when(not_last)
        def _():
          swait(p, 1, 1)
          gather(pn, 1, 1)

        scatter(p, 3, 3)
        return 0

      lax.fori_loop(0, NSC, superchunk, 0)
      pl_last = (NSC - 1) % 2
      swait(pl_last, 0, 0)
      swait(pl_last, 1, 1)
      swait(pl_last, 2, 2)
      swait(pl_last, 3, 3)
      plsc.subcore_barrier()
      pltpu.sync_copy(acc.at[pl.ds(sid * RZ, RZ)],
                      out_hbm.at[pl.ds(b * NPAD + sid * RZ, RZ)])
      plsc.subcore_barrier()

  return spmm


_spmm4 = _make_spmm(4)


def _prep_body(degp_ref, dinv_ref):
  ones32 = jnp.ones((32, 1), jnp.float32)
  deg = lax.dot_general(degp_ref[...], ones32, (((0,), (0,)), ((), ())),
                        preferred_element_type=jnp.float32)
  dinv_ref[...] = lax.rsqrt(deg + 1.0)


def _prep_call(degp):
  return pl.pallas_call(
      _prep_body,
      grid=(GT,),
      in_specs=[pl.BlockSpec((32, BN), lambda i: (0, i))],
      out_specs=pl.BlockSpec((BN, 1), lambda i: (i, 0)),
      out_shape=jax.ShapeDtypeStruct((NPAD, 1), jnp.float32),
  )(degp)


def _mm1_body(x_ref, w_ref, dinv_ref, out_ref):
  h = jnp.dot(x_ref[...], w_ref[...], preferred_element_type=jnp.float32)
  dinv = dinv_ref[...]
  for b in range(4):
    out_ref[b] = dinv * h[:, b * 128:(b + 1) * 128]


def _mm1_call(xpad, W1, dinv):
  return pl.pallas_call(
      _mm1_body,
      grid=(GT,),
      in_specs=[
          pl.BlockSpec((BN, F_IN), lambda i: (i, 0)),
          pl.BlockSpec((F_IN, H), lambda i: (0, 0)),
          pl.BlockSpec((BN, 1), lambda i: (i, 0)),
      ],
      out_specs=pl.BlockSpec((4, BN, 128), lambda i: (0, i, 0)),
      out_shape=jax.ShapeDtypeStruct((4, NPAD, 128), jnp.float32),
  )(xpad, W1, dinv)


def _mid_body(acc_ref, hb_ref, dinv_ref, w_ref, bias_ref, out_ref):
  dinv = dinv_ref[...]
  hprev = jnp.concatenate(
      [dinv * (acc_ref[b] + hb_ref[b]) for b in range(4)], axis=1)
  hprev = jnp.maximum(hprev + bias_ref[...], 0.0)
  h = jnp.dot(hprev, w_ref[...], preferred_element_type=jnp.float32)
  for b in range(4):
    out_ref[b] = dinv * h[:, b * 128:(b + 1) * 128]


def _mid_call(acc, hb, dinv, W, bias_r):
  return pl.pallas_call(
      _mid_body,
      grid=(GT,),
      in_specs=[
          pl.BlockSpec((4, BN, 128), lambda i: (0, i, 0)),
          pl.BlockSpec((4, BN, 128), lambda i: (0, i, 0)),
          pl.BlockSpec((BN, 1), lambda i: (i, 0)),
          pl.BlockSpec((H, H), lambda i: (0, 0)),
          pl.BlockSpec((1, H), lambda i: (0, 0)),
      ],
      out_specs=pl.BlockSpec((4, BN, 128), lambda i: (0, i, 0)),
      out_shape=jax.ShapeDtypeStruct((4, NPAD, 128), jnp.float32),
  )(acc, hb, dinv, W, bias_r)


def _pool_body(acc_ref, gb_ref, dinv_ref, batch_ref, b3_ref,
               sums_ref, counts_ref):
  i = pl.program_id(0)
  dinv = dinv_ref[...]
  h3 = jnp.concatenate(
      [dinv * (acc_ref[b] + gb_ref[b]) for b in range(4)], axis=1)
  h3 = h3 + b3_ref[...]
  ids = lax.broadcasted_iota(jnp.int32, (G, BN), 0)
  m = (batch_ref[...] == ids).astype(jnp.float32)
  part = lax.dot_general(m, h3, (((1,), (0,)), ((), ())),
                         preferred_element_type=jnp.float32,
                         precision=lax.Precision.HIGHEST)
  cnt = jnp.sum(m, axis=1, keepdims=True)

  @pl.when(i == 0)
  def _():
    sums_ref[...] = jnp.zeros_like(sums_ref)
    counts_ref[...] = jnp.zeros_like(counts_ref)

  sums_ref[...] += part
  counts_ref[...] += cnt


def _pool_call(acc, gb, dinv, batch_row, b3r):
  return pl.pallas_call(
      _pool_body,
      grid=(GT,),
      in_specs=[
          pl.BlockSpec((4, BN, 128), lambda i: (0, i, 0)),
          pl.BlockSpec((4, BN, 128), lambda i: (0, i, 0)),
          pl.BlockSpec((BN, 1), lambda i: (i, 0)),
          pl.BlockSpec((1, BN), lambda i: (0, i)),
          pl.BlockSpec((1, H), lambda i: (0, 0)),
      ],
      out_specs=[
          pl.BlockSpec((G, H), lambda i: (0, 0)),
          pl.BlockSpec((G, 1), lambda i: (0, 0)),
      ],
      out_shape=[
          jax.ShapeDtypeStruct((G, H), jnp.float32),
          jax.ShapeDtypeStruct((G, 1), jnp.float32),
      ],
  )(acc, gb, dinv, batch_row, b3r)


def _head_body(sums_ref, counts_ref, wp_ref, bp_ref, out_ref):
  pooled = sums_ref[...] / jnp.maximum(counts_ref[...], 1.0)
  out_ref[...] = jnp.dot(pooled, wp_ref[...],
                         preferred_element_type=jnp.float32) + bp_ref[...]


def _head_call(sums, counts, Wp, bpr):
  return pl.pallas_call(
      _head_body,
      out_shape=jax.ShapeDtypeStruct((G, 1), jnp.float32),
  )(sums, counts, Wp, bpr)



@jax.jit
def kernel(x, edge_index, batch, W1, b1, W2, b2, W3, b3, Wp, bp):
  src = edge_index[0]
  dst = edge_index[1]
  padn = EPAD - E
  srcp = jnp.concatenate([src, jnp.zeros((padn,), jnp.int32)])
  dstp = jnp.concatenate([dst, jnp.full((padn,), N, jnp.int32)])

  dst16 = dstp.reshape(NS, NCH, CK)
  dst32 = dstp.reshape(32, NG32, 16)
  off4 = (srcp[None, :] + (jnp.arange(4, dtype=jnp.int32) * NPAD)[:, None])
  src4 = off4.reshape(4, NS, NCH, CK)

  xpad = jnp.concatenate(
      [x.astype(jnp.float32), jnp.zeros((NPAD - N, F_IN), jnp.float32)])
  batchp = jnp.concatenate(
      [batch, jnp.full((NPAD - N,), G, jnp.int32)]).reshape(1, NPAD)
  zeros_blk = jnp.zeros((RZ, 128), jnp.float32)

  degp = _deg_kernel(dst32)
  dinv = _prep_call(degp)
  h1b = _mm1_call(xpad, W1, dinv)
  acc1 = _spmm4(src4, dst16, h1b.reshape(4 * NPAD, 128), zeros_blk)
  h2b = _mid_call(acc1.reshape(4, NPAD, 128), h1b, dinv, W2,
                  b1.reshape(1, H))
  acc2 = _spmm4(src4, dst16, h2b.reshape(4 * NPAD, 128), zeros_blk)
  gb = _mid_call(acc2.reshape(4, NPAD, 128), h2b, dinv, W3,
                 b2.reshape(1, H))
  acc3 = _spmm4(src4, dst16, gb.reshape(4 * NPAD, 128), zeros_blk)
  sums, counts = _pool_call(acc3.reshape(4, NPAD, 128), gb, dinv,
                            batchp, b3.reshape(1, H))
  return _head_call(sums, counts, Wp, bp.reshape(1, 1))

# --- scband reference (transcript-rebuilt; emitter-appended) ---
"""Pipeline reference for scband-molecular-energy-predictor-16303695855962 (READ-ONLY COPY).

The authoritative reference and input builder live on the scoring server;
editing this copy changes nothing except your own understanding.
"""

import jax, jax.numpy as jnp
import numpy as np

N = 10000
E = 160000
F_IN = 256
H = 512
G = 64


def setup_inputs(seed: int = 0) -> dict:
    key = jax.random.key(seed)
    ks = jax.random.split(key, 12)
    x = jax.random.normal(ks[0], (N, F_IN), dtype=jnp.float32)
    edge_index = jax.random.randint(ks[1], (2, E), 0, N, dtype=jnp.int32)
    batch = jnp.sort(jax.random.randint(ks[2], (N,), 0, G, dtype=jnp.int32))
    W1 = jax.random.normal(ks[3], (F_IN, H), dtype=jnp.float32) * (1.0 / np.sqrt(F_IN))
    b1 = jnp.zeros((H,), dtype=jnp.float32)
    W2 = jax.random.normal(ks[4], (H, H), dtype=jnp.float32) * (1.0 / np.sqrt(H))
    b2 = jnp.zeros((H,), dtype=jnp.float32)
    W3 = jax.random.normal(ks[5], (H, H), dtype=jnp.float32) * (1.0 / np.sqrt(H))
    b3 = jnp.zeros((H,), dtype=jnp.float32)
    Wp = jax.random.normal(ks[6], (H, 1), dtype=jnp.float32) * (1.0 / np.sqrt(H))
    bp = jnp.zeros((1,), dtype=jnp.float32)
    return {"x": x, "edge_index": edge_index, "batch": batch,
            "W1": W1, "b1": b1, "W2": W2, "b2": b2, "W3": W3, "b3": b3,
            "Wp": Wp, "bp": bp}


def _gcn_conv(x, edge_index, W, b):
    n = x.shape[0]
    src = edge_index[0]
    dst = edge_index[1]
    loop = jnp.arange(n, dtype=src.dtype)
    src = jnp.concatenate([src, loop])
    dst = jnp.concatenate([dst, loop])
    deg = jnp.zeros((n,), dtype=jnp.float32).at[dst].add(1.0)
    dinv = jnp.where(deg > 0, 1.0 / jnp.sqrt(deg), 0.0)
    norm = dinv[src] * dinv[dst]
    h = x @ W
    msg = h[src] * norm[:, None]
    out = jax.ops.segment_sum(msg, dst, num_segments=n)
    return out + b


def reference(x, edge_index, batch, W1, b1, W2, b2, W3, b3, Wp, bp):
    # layer 1
    h = _gcn_conv(x.astype(jnp.float32), edge_index, W1, b1)
    h = jax.nn.relu(h)  # dropout is identity in eval mode
    # layer 2
    h = _gcn_conv(h, edge_index, W2, b2)
    h = jax.nn.relu(h)
    # layer 3 (no relu/dropout after final conv)
    h = _gcn_conv(h, edge_index, W3, b3)
    # global mean pool over graphs
    counts = jax.ops.segment_sum(jnp.ones((x.shape[0],), dtype=jnp.float32), batch, num_segments=G)
    pooled = jax.ops.segment_sum(h, batch, num_segments=G)
    pooled = pooled / jnp.maximum(counts, 1.0)[:, None]
    # linear predictor
    return pooled @ Wp + bp

if __name__ == "__main__":
    import jax
    _d = setup_inputs()
    print(jax.jit(kernel)(*tuple(_d.values())))

</pallas_src>

<mosaic_0001>
#map = affine_map<(d0, d1) -> (0, 0, 0)>
#map1 = affine_map<(d0, d1) -> (0, 0)>
module attributes {stable_mosaic.version = 14 : i64} {
  func.func @_deg_kernel(%arg0: i32, %arg1: i32, %arg2: memref<32x320x16xi32, #tpu.memory_space<hbm>>, %arg3: memref<32x10240xf32, #tpu.memory_space<hbm>>, %arg4: memref<320x16xi32, #tpu.memory_space<vmem>>, %arg5: memref<10240xf32, #tpu.memory_space<vmem>>) attributes {dimension_semantics = [#tpu.dimension_semantics<core_parallel>, #tpu.dimension_semantics<subcore_parallel>], iteration_bounds = array<i64: 2, 16>, scalar_prefetch = 0 : i64, scratch_operands = 2 : i64, tpu.core_type = #tpu.core_type<sc_vector_subcore>, window_params = [{transform_indices = #map}, {transform_indices = #map1}]} {
    %mul3A = arith.constant 2 : i32
    %mul3A_0 = arith.muli %arg1, %mul3A : i32
    %add3A = arith.addi %mul3A_0, %arg0 : i32
    %broadcast_in_dim3A = arith.constant 0.000000e+00 : f32
    %broadcast_in_dim3A_1 = vector.broadcast %broadcast_in_dim3A : f32 to vector<16xf32>
    %broadcast_in_dim3A_2 = arith.constant 1.000000e+00 : f32
    %broadcast_in_dim3A_3 = vector.broadcast %broadcast_in_dim3A_2 : f32 to vector<16xf32>
    %scan3A = arith.constant 0 : i32
    %scan3A_4 = arith.constant 0 : i32
    %scan3A_5 = arith.constant 640 : i32
    %scan3A_6 = arith.addi %scan3A_4, %scan3A_5 : i32
    %scan3A_7 = arith.constant 1 : i32
    %scan3A_8 = scf.for %scan3A_17 = %scan3A_4 to %scan3A_6 step %scan3A_7 iter_args(%scan3A_18 = %scan3A) -> (i32)  : i32 {
      %mul3A_19 = arith.constant 16 : i32
      %mul3A_20 = arith.muli %scan3A_17, %mul3A_19 : i32
      %swap3A = arith.index_cast %mul3A_20 : i32 to index
      %swap3A_21 = tpu.vector_load %arg5[%swap3A] {strides = array<i32>} : memref<10240xf32, #tpu.memory_space<vmem>>, vector<16xf32>,
      tpu.vector_store %arg5[%swap3A], %broadcast_in_dim3A_1 {strides = array<i32>} : memref<10240xf32, #tpu.memory_space<vmem>>, vector<16xf32>,
      %scan3A_22 = arith.constant 0 : i32
      scf.yield %scan3A_22 : i32
    }
    %scan3A_9 = arith.constant 640 : i32
    "tpu.region"() ({
      %run_scoped3A = tpu.sem_alloc : memref<!tpu.dma_semaphore, #tpu.memory_space<semaphore_mem>>
      %dma_start3A = arith.constant 0 : i32
      %dma_start3A_17 = arith.constant 0 : i32
      %dma_start3A_18 = tpu.memref_slice %arg2[%add3A, %dma_start3A, %dma_start3A_17] : memref<32x320x16xi32, #tpu.memory_space<hbm>> -> memref<1x320x16xi32, #tpu.memory_space<hbm>>
      %dma_start3A_19 = tpu.memref_squeeze %dma_start3A_18 : memref<1x320x16xi32, #tpu.memory_space<hbm>> -> memref<320x16xi32, #tpu.memory_space<hbm>>
      %dma_start3A_20 = arith.constant 0 : i32
      %dma_start3A_21 = arith.constant 0 : i32
      %dma_start3A_22 = tpu.memref_slice %arg2[%add3A, %dma_start3A_20, %dma_start3A_21] : memref<32x320x16xi32, #tpu.memory_space<hbm>> -> memref<1x320x16xi32, #tpu.memory_space<hbm>>
      %dma_start3A_23 = tpu.memref_squeeze %dma_start3A_22 : memref<1x320x16xi32, #tpu.memory_space<hbm>> -> memref<320x16xi32, #tpu.memory_space<hbm>>
      tpu.enqueue_dma source(%dma_start3A_23 : memref<320x16xi32, #tpu.memory_space<hbm>>) target(%arg4 : memref<320x16xi32, #tpu.memory_space<vmem>>) target_semaphore(%run_scoped3A : memref<!tpu.dma_semaphore, #tpu.memory_space<semaphore_mem>>)
      %dma_wait3A = arith.constant 0 : i32
      %dma_wait3A_24 = arith.constant 0 : i32
      %dma_wait3A_25 = tpu.memref_slice %arg2[%add3A, %dma_wait3A, %dma_wait3A_24] : memref<32x320x16xi32, #tpu.memory_space<hbm>> -> memref<1x320x16xi32, #tpu.memory_space<hbm>>
      %dma_wait3A_26 = tpu.memref_squeeze %dma_wait3A_25 : memref<1x320x16xi32, #tpu.memory_space<hbm>> -> memref<320x16xi32, #tpu.memory_space<hbm>>
      %dma_wait3A_27 = arith.constant 0 : i32
      %dma_wait3A_28 = arith.constant 0 : i32
      %dma_wait3A_29 = tpu.memref_slice %arg2[%add3A, %dma_wait3A_27, %dma_wait3A_28] : memref<32x320x16xi32, #tpu.memory_space<hbm>> -> memref<1x320x16xi32, #tpu.memory_space<hbm>>
      %dma_wait3A_30 = tpu.memref_squeeze %dma_wait3A_29 : memref<1x320x16xi32, #tpu.memory_space<hbm>> -> memref<320x16xi32, #tpu.memory_space<hbm>>
      tpu.wait_dma2 semaphore(%run_scoped3A : memref<!tpu.dma_semaphore, #tpu.memory_space<semaphore_mem>>) src(%dma_wait3A_30 : memref<320x16xi32, #tpu.memory_space<hbm>>) dst(%arg4 : memref<320x16xi32, #tpu.memory_space<vmem>>)
      tpu.yield
    }) : () -> ()
    %scan3A_10 = arith.constant 0 : i32
    %scan3A_11 = arith.constant 0 : i32
    %scan3A_12 = arith.constant 320 : i32
    %scan3A_13 = arith.addi %scan3A_11, %scan3A_12 : i32
    %scan3A_14 = arith.constant 1 : i32
    %scan3A_15 = scf.for %scan3A_17 = %scan3A_11 to %scan3A_13 step %scan3A_14 iter_args(%scan3A_18 = %scan3A_10) -> (i32)  : i32 {
      %get3A = arith.index_cast %scan3A_17 : i32 to index
      %get3A_19 = arith.constant 0 : index
      %get3A_20 = tpu.vector_load %arg4[%get3A, %get3A_19] {strides = array<i32>} : memref<320x16xi32, #tpu.memory_space<vmem>>, vector<16xi32>,
      tpu.vector_store_idx %arg5[%get3A_20], %broadcast_in_dim3A_3 {add = true} : memref<10240xf32, #tpu.memory_space<vmem>>[vector<16xi32>], vector<16xf32>,
      %scan3A_21 = arith.constant 0 : i32
      scf.yield %scan3A_21 : i32
    }
    %scan3A_16 = arith.constant 320 : i32
    "tpu.region"() ({
      %run_scoped3A = tpu.sem_alloc : memref<!tpu.dma_semaphore, #tpu.memory_space<semaphore_mem>>
      %dma_start3A = arith.constant 0 : i32
      %dma_start3A_17 = tpu.memref_slice %arg3[%add3A, %dma_start3A] : memref<32x10240xf32, #tpu.memory_space<hbm>> -> memref<1x10240xf32, #tpu.memory_space<hbm>>
      %dma_start3A_18 = tpu.memref_squeeze %dma_start3A_17 : memref<1x10240xf32, #tpu.memory_space<hbm>> -> memref<10240xf32, #tpu.memory_space<hbm>>
      %dma_start3A_19 = arith.constant 0 : i32
      %dma_start3A_20 = tpu.memref_slice %arg3[%add3A, %dma_start3A_19] : memref<32x10240xf32, #tpu.memory_space<hbm>> -> memref<1x10240xf32, #tpu.memory_space<hbm>>
      %dma_start3A_21 = tpu.memref_squeeze %dma_start3A_20 : memref<1x10240xf32, #tpu.memory_space<hbm>> -> memref<10240xf32, #tpu.memory_space<hbm>>
      tpu.enqueue_dma source(%arg5 : memref<10240xf32, #tpu.memory_space<vmem>>) target(%dma_start3A_21 : memref<10240xf32, #tpu.memory_space<hbm>>) target_semaphore(%run_scoped3A : memref<!tpu.dma_semaphore, #tpu.memory_space<semaphore_mem>>)
      %dma_wait3A = arith.constant 0 : i32
      %dma_wait3A_22 = tpu.memref_slice %arg3[%add3A, %dma_wait3A] : memref<32x10240xf32, #tpu.memory_space<hbm>> -> memref<1x10240xf32, #tpu.memory_space<hbm>>
      %dma_wait3A_23 = tpu.memref_squeeze %dma_wait3A_22 : memref<1x10240xf32, #tpu.memory_space<hbm>> -> memref<10240xf32, #tpu.memory_space<hbm>>
      %dma_wait3A_24 = arith.constant 0 : i32
      %dma_wait3A_25 = tpu.memref_slice %arg3[%add3A, %dma_wait3A_24] : memref<32x10240xf32, #tpu.memory_space<hbm>> -> memref<1x10240xf32, #tpu.memory_space<hbm>>
      %dma_wait3A_26 = tpu.memref_squeeze %dma_wait3A_25 : memref<1x10240xf32, #tpu.memory_space<hbm>> -> memref<10240xf32, #tpu.memory_space<hbm>>
      tpu.wait_dma2 semaphore(%run_scoped3A : memref<!tpu.dma_semaphore, #tpu.memory_space<semaphore_mem>>) src(%arg5 : memref<10240xf32, #tpu.memory_space<vmem>>) dst(%dma_wait3A_26 : memref<10240xf32, #tpu.memory_space<hbm>>)
      tpu.yield
    }) : () -> ()
    return
  }
}

#map = affine_map<(d0, d1) -> (0, 0, 0, 0)>
#map1 = affine_map<(d0, d1) -> (0, 0, 0)>
#map2 = affine_map<(d0, d1) -> (0, 0)>
module attributes {stable_mosaic.version = 14 : i64} {
  func.func @spmm(%arg0: i32, %arg1: i32, %arg2: memref<4x16x160x64xi32, #tpu.memory_space<hbm>>, %arg3: memref<16x160x64xi32, #tpu.memory_space<hbm>>, %arg4: memref<40960x128xf32, #tpu.memory_space<hbm>>, %arg5: memref<640x128xf32, #tpu.memory_space<hbm>>, %arg6: memref<40960x128xf32, #tpu.memory_space<hbm>>, %arg7: memref<2x4x64xi32, #tpu.memory_space<vmem>>, %arg8: memref<2x4x64xi32, #tpu.memory_space<vmem>>, %arg9: memref<64x128xf32, #tpu.memory_space<vmem>>, %arg10: memref<64x128xf32, #tpu.memory_space<vmem>>, %arg11: memref<64x128xf32, #tpu.memory_space<vmem>>, %arg12: memref<64x128xf32, #tpu.memory_space<vmem>>, %arg13: memref<10240x128xf32, #tpu.memory_space<vmem_shared>>, %arg14: memref<!tpu.dma_semaphore, #tpu.memory_space<semaphore_mem>>, %arg15: memref<!tpu.dma_semaphore, #tpu.memory_space<semaphore_mem>>, %arg16: memref<!tpu.dma_semaphore, #tpu.memory_space<semaphore_mem>>, %arg17: memref<!tpu.dma_semaphore, #tpu.memory_space<semaphore_mem>>, %arg18: memref<!tpu.dma_semaphore, #tpu.memory_space<semaphore_mem>>, %arg19: memref<!tpu.dma_semaphore, #tpu.memory_space<semaphore_mem>>, %arg20: memref<!tpu.dma_semaphore, #tpu.memory_space<semaphore_mem>>, %arg21: memref<!tpu.dma_semaphore, #tpu.memory_space<semaphore_mem>>) attributes {dimension_semantics = [#tpu.dimension_semantics<core_parallel>, #tpu.dimension_semantics<subcore_parallel>], iteration_bounds = array<i64: 2, 16>, scalar_prefetch = 0 : i64, scratch_operands = 15 : i64, tpu.core_type = #tpu.core_type<sc_vector_subcore>, window_params = [{transform_indices = #map}, {transform_indices = #map1}, {transform_indices = #map2}, {transform_indices = #map2}, {transform_indices = #map2}]} {
    %mul3A = arith.constant 2 : i32
    %mul3A_0 = arith.muli %arg0, %mul3A : i32
    %add3A = arith.constant 0 : i32
    %add3A_1 = arith.addi %mul3A_0, %add3A : i32
    %mul3A_2 = arith.constant 640 : i32
    %mul3A_3 = arith.muli %arg1, %mul3A_2 : i32
    "tpu.region"() ({
      %run_scoped3A_139 = tpu.sem_alloc : memref<!tpu.dma_semaphore, #tpu.memory_space<semaphore_mem>>
      %dma_start3A_140 = arith.constant 0 : i32
      %dma_start3A_141 = tpu.memref_slice %arg13[%mul3A_3, %dma_start3A_140] : memref<10240x128xf32, #tpu.memory_space<vmem_shared>> -> memref<640x128xf32, #tpu.memory_space<vmem_shared>>
      tpu.enqueue_dma source(%arg5 : memref<640x128xf32, #tpu.memory_space<hbm>>) target(%dma_start3A_141 : memref<640x128xf32, #tpu.memory_space<vmem_shared>>) target_semaphore(%run_scoped3A_139 : memref<!tpu.dma_semaphore, #tpu.memory_space<semaphore_mem>>)
      %dma_wait3A_142 = arith.constant 0 : i32
      %dma_wait3A_143 = tpu.memref_slice %arg13[%mul3A_3, %dma_wait3A_142] : memref<10240x128xf32, #tpu.memory_space<vmem_shared>> -> memref<640x128xf32, #tpu.memory_space<vmem_shared>>
      tpu.wait_dma2 semaphore(%run_scoped3A_139 : memref<!tpu.dma_semaphore, #tpu.memory_space<semaphore_mem>>) src(%arg5 : memref<640x128xf32, #tpu.memory_space<hbm>>) dst(%dma_wait3A_143 : memref<640x128xf32, #tpu.memory_space<vmem_shared>>)
      tpu.yield
    }) : () -> ()
    %barrier3A = arith.constant 0 : index
    tpu.barrier barrier_id(%barrier3A)
    %run_scoped3A = arith.constant 0 : i32
    "tpu.region"() ({
      %run_scoped3A_139 = tpu.sem_alloc : memref<!tpu.dma_semaphore, #tpu.memory_space<semaphore_mem>>
      %dma_start3A_140 = arith.constant 0 : i32
      %dma_start3A_141 = arith.constant 0 : i32
      %dma_start3A_142 = tpu.memref_slice %arg7[%run_scoped3A, %dma_start3A_140, %dma_start3A_141] : memref<2x4x64xi32, #tpu.memory_space<vmem>> -> memref<1x4x64xi32, #tpu.memory_space<vmem>>
      %dma_start3A_143 = tpu.memref_squeeze %dma_start3A_142 : memref<1x4x64xi32, #tpu.memory_space<vmem>> -> memref<4x64xi32, #tpu.memory_space<vmem>>
      %dma_start3A_144 = arith.constant 0 : i32
      %dma_start3A_145 = arith.constant 0 : i32
      %dma_start3A_146 = tpu.memref_slice %arg2[%add3A_1, %arg1, %dma_start3A_144, %dma_start3A_145] : memref<4x16x160x64xi32, #tpu.memory_space<hbm>> -> memref<1x1x4x64xi32, #tpu.memory_space<hbm>>
      %dma_start3A_147 = tpu.memref_squeeze %dma_start3A_146 : memref<1x1x4x64xi32, #tpu.memory_space<hbm>> -> memref<4x64xi32, #tpu.memory_space<hbm>>
      %dma_start3A_148 = arith.constant 0 : i32
      %dma_start3A_149 = arith.constant 0 : i32
      %dma_start3A_150 = tpu.memref_slice %arg7[%run_scoped3A, %dma_start3A_148, %dma_start3A_149] : memref<2x4x64xi32, #tpu.memory_space<vmem>> -> memref<1x4x64xi32, #tpu.memory_space<vmem>>
      %dma_start3A_151 = tpu.memref_squeeze %dma_start3A_150 : memref<1x4x64xi32, #tpu.memory_space<vmem>> -> memref<4x64xi32, #tpu.memory_space<vmem>>
      %dma_start3A_152 = arith.constant 0 : i32
      %dma_start3A_153 = arith.constant 0 : i32
      %dma_start3A_154 = tpu.memref_slice %arg2[%add3A_1, %arg1, %dma_start3A_152, %dma_start3A_153] : memref<4x16x160x64xi32, #tpu.memory_space<hbm>> -> memref<1x1x4x64xi32, #tpu.memory_space<hbm>>
      %dma_start3A_155 = tpu.memref_squeeze %dma_start3A_154 : memref<1x1x4x64xi32, #tpu.memory_space<hbm>> -> memref<4x64xi32, #tpu.memory_space<hbm>>
      tpu.enqueue_dma source(%dma_start3A_155 : memref<4x64xi32, #tpu.memory_space<hbm>>) target(%dma_start3A_151 : memref<4x64xi32, #tpu.memory_space<vmem>>) target_semaphore(%run_scoped3A_139 : memref<!tpu.dma_semaphore, #tpu.memory_space<semaphore_mem>>)
      %dma_wait3A_156 = arith.constant 0 : i32
      %dma_wait3A_157 = arith.constant 0 : i32
      %dma_wait3A_158 = tpu.memref_slice %arg7[%run_scoped3A, %dma_wait3A_156, %dma_wait3A_157] : memref<2x4x64xi32, #tpu.memory_space<vmem>> -> memref<1x4x64xi32, #tpu.memory_space<vmem>>
      %dma_wait3A_159 = tpu.memref_squeeze %dma_wait3A_158 : memref<1x4x64xi32, #tpu.memory_space<vmem>> -> memref<4x64xi32, #tpu.memory_space<vmem>>
      %dma_wait3A_160 = arith.constant 0 : i32
      %dma_wait3A_161 = arith.constant 0 : i32
      %dma_wait3A_162 = tpu.memref_slice %arg2[%add3A_1, %arg1, %dma_wait3A_160, %dma_wait3A_161] : memref<4x16x160x64xi32, #tpu.memory_space<hbm>> -> memref<1x1x4x64xi32, #tpu.memory_space<hbm>>
      %dma_wait3A_163 = tpu.memref_squeeze %dma_wait3A_162 : memref<1x1x4x64xi32, #tpu.memory_space<hbm>> -> memref<4x64xi32, #tpu.memory_space<hbm>>
      %dma_wait3A_164 = arith.constant 0 : i32
      %dma_wait3A_165 = arith.constant 0 : i32
      %dma_wait3A_166 = tpu.memref_slice %arg7[%run_scoped3A, %dma_wait3A_164, %dma_wait3A_165] : memref<2x4x64xi32, #tpu.memory_space<vmem>> -> memref<1x4x64xi32, #tpu.memory_space<vmem>>
      %dma_wait3A_167 = tpu.memref_squeeze %dma_wait3A_166 : memref<1x4x64xi32, #tpu.memory_space<vmem>> -> memref<4x64xi32, #tpu.memory_space<vmem>>
      %dma_wait3A_168 = arith.constant 0 : i32
      %dma_wait3A_169 = arith.constant 0 : i32
      %dma_wait3A_170 = tpu.memref_slice %arg2[%add3A_1, %arg1, %dma_wait3A_168, %dma_wait3A_169] : memref<4x16x160x64xi32, #tpu.memory_space<hbm>> -> memref<1x1x4x64xi32, #tpu.memory_space<hbm>>
      %dma_wait3A_171 = tpu.memref_squeeze %dma_wait3A_170 : memref<1x1x4x64xi32, #tpu.memory_space<hbm>> -> memref<4x64xi32, #tpu.memory_space<hbm>>
      tpu.wait_dma2 semaphore(%run_scoped3A_139 : memref<!tpu.dma_semaphore, #tpu.memory_space<semaphore_mem>>) src(%dma_wait3A_171 : memref<4x64xi32, #tpu.memory_space<hbm>>) dst(%dma_wait3A_167 : memref<4x64xi32, #tpu.memory_space<vmem>>)
      tpu.yield
    }) : () -> ()
    %run_scoped3A_4 = arith.constant 0 : i32
    "tpu.region"() ({
      %run_scoped3A_139 = tpu.sem_alloc : memref<!tpu.dma_semaphore, #tpu.memory_space<semaphore_mem>>
      %dma_start3A_140 = arith.constant 0 : i32
      %dma_start3A_141 = arith.constant 0 : i32
      %dma_start3A_142 = tpu.memref_slice %arg8[%run_scoped3A_4, %dma_start3A_140, %dma_start3A_141] : memref<2x4x64xi32, #tpu.memory_space<vmem>> -> memref<1x4x64xi32, #tpu.memory_space<vmem>>
      %dma_start3A_143 = tpu.memref_squeeze %dma_start3A_142 : memref<1x4x64xi32, #tpu.memory_space<vmem>> -> memref<4x64xi32, #tpu.memory_space<vmem>>
      %dma_start3A_144 = arith.constant 0 : i32
      %dma_start3A_145 = arith.constant 0 : i32
      %dma_start3A_146 = tpu.memref_slice %arg3[%arg1, %dma_start3A_144, %dma_start3A_145] : memref<16x160x64xi32, #tpu.memory_space<hbm>> -> memref<1x4x64xi32, #tpu.memory_space<hbm>>
      %dma_start3A_147 = tpu.memref_squeeze %dma_start3A_146 : memref<1x4x64xi32, #tpu.memory_space<hbm>> -> memref<4x64xi32, #tpu.memory_space<hbm>>
      %dma_start3A_148 = arith.constant 0 : i32
      %dma_start3A_149 = arith.constant 0 : i32
      %dma_start3A_150 = tpu.memref_slice %arg8[%run_scoped3A_4, %dma_start3A_148, %dma_start3A_149] : memref<2x4x64xi32, #tpu.memory_space<vmem>> -> memref<1x4x64xi32, #tpu.memory_space<vmem>>
      %dma_start3A_151 = tpu.memref_squeeze %dma_start3A_150 : memref<1x4x64xi32, #tpu.memory_space<vmem>> -> memref<4x64xi32, #tpu.memory_space<vmem>>
      %dma_start3A_152 = arith.constant 0 : i32
      %dma_start3A_153 = arith.constant 0 : i32
      %dma_start3A_154 = tpu.memref_slice %arg3[%arg1, %dma_start3A_152, %dma_start3A_153] : memref<16x160x64xi32, #tpu.memory_space<hbm>> -> memref<1x4x64xi32, #tpu.memory_space<hbm>>
      %dma_start3A_155 = tpu.memref_squeeze %dma_start3A_154 : memref<1x4x64xi32, #tpu.memory_space<hbm>> -> memref<4x64xi32, #tpu.memory_space<hbm>>
      tpu.enqueue_dma source(%dma_start3A_155 : memref<4x64xi32, #tpu.memory_space<hbm>>) target(%dma_start3A_151 : memref<4x64xi32, #tpu.memory_space<vmem>>) target_semaphore(%run_scoped3A_139 : memref<!tpu.dma_semaphore, #tpu.memory_space<semaphore_mem>>)
      %dma_wait3A_156 = arith.constant 0 : i32
      %dma_wait3A_157 = arith.constant 0 : i32
      %dma_wait3A_158 = tpu.memref_slice %arg8[%run_scoped3A_4, %dma_wait3A_156, %dma_wait3A_157] : memref<2x4x64xi32, #tpu.memory_space<vmem>> -> memref<1x4x64xi32, #tpu.memory_space<vmem>>
      %dma_wait3A_159 = tpu.memref_squeeze %dma_wait3A_158 : memref<1x4x64xi32, #tpu.memory_space<vmem>> -> memref<4x64xi32, #tpu.memory_space<vmem>>
      %dma_wait3A_160 = arith.constant 0 : i32
      %dma_wait3A_161 = arith.constant 0 : i32
      %dma_wait3A_162 = tpu.memref_slice %arg3[%arg1, %dma_wait3A_160, %dma_wait3A_161] : memref<16x160x64xi32, #tpu.memory_space<hbm>> -> memref<1x4x64xi32, #tpu.memory_space<hbm>>
      %dma_wait3A_163 = tpu.memref_squeeze %dma_wait3A_162 : memref<1x4x64xi32, #tpu.memory_space<hbm>> -> memref<4x64xi32, #tpu.memory_space<hbm>>
      %dma_wait3A_164 = arith.constant 0 : i32
      %dma_wait3A_165 = arith.constant 0 : i32
      %dma_wait3A_166 = tpu.memref_slice %arg8[%run_scoped3A_4, %dma_wait3A_164, %dma_wait3A_165] : memref<2x4x64xi32, #tpu.memory_space<vmem>> -> memref<1x4x64xi32, #tpu.memory_space<vmem>>
      %dma_wait3A_167 = tpu.memref_squeeze %dma_wait3A_166 : memref<1x4x64xi32, #tpu.memory_space<vmem>> -> memref<4x64xi32, #tpu.memory_space<vmem>>
      %dma_wait3A_168 = arith.constant 0 : i32
      %dma_wait3A_169 = arith.constant 0 : i32
      %dma_wait3A_170 = tpu.memref_slice %arg3[%arg1, %dma_wait3A_168, %dma_wait3A_169] : memref<16x160x64xi32, #tpu.memory_space<hbm>> -> memref<1x4x64xi32, #tpu.memory_space<hbm>>
      %dma_wait3A_171 = tpu.memref_squeeze %dma_wait3A_170 : memref<1x4x64xi32, #tpu.memory_space<hbm>> -> memref<4x64xi32, #tpu.memory_space<hbm>>
      tpu.wait_dma2 semaphore(%run_scoped3A_139 : memref<!tpu.dma_semaphore, #tpu.memory_space<semaphore_mem>>) src(%dma_wait3A_171 : memref<4x64xi32, #tpu.memory_space<hbm>>) dst(%dma_wait3A_167 : memref<4x64xi32, #tpu.memory_space<vmem>>)
      tpu.yield
    }) : () -> ()
    %dma_start3A = arith.constant 0 : i32
    %dma_start3A_5 = arith.constant 0 : i32
    %dma_start3A_6 = arith.constant 0 : i32
    %dma_start3A_7 = tpu.memref_slice %arg7[%dma_start3A, %dma_start3A_5, %dma_start3A_6] : memref<2x4x64xi32, #tpu.memory_space<vmem>> -> memref<1x1x64xi32, #tpu.memory_space<vmem>>
    %dma_start3A_8 = tpu.memref_squeeze %dma_start3A_7 : memref<1x1x64xi32, #tpu.memory_space<vmem>> -> memref<64xi32, #tpu.memory_space<vmem>>
    %dma_start3A_9 = arith.constant 0 : i32
    %dma_start3A_10 = arith.constant 0 : i32
    %dma_start3A_11 = tpu.memref_slice %arg4[%dma_start3A_9, %dma_start3A_10] : memref<40960x128xf32, #tpu.memory_space<hbm>> -> memref<40960x128xf32, #tpu.memory_space<hbm>>
    tpu.enqueue_indirect_dma source(%dma_start3A_11 : memref<40960x128xf32, #tpu.memory_space<hbm>>) target(%arg9 : memref<64x128xf32, #tpu.memory_space<vmem>>) offsets(%dma_start3A_8 : memref<64xi32, #tpu.memory_space<vmem>>) semaphore(%arg14 : memref<!tpu.dma_semaphore, #tpu.memory_space<semaphore_mem>>)
    %dma_start3A_12 = arith.constant 0 : i32
    %dma_start3A_13 = arith.constant 1 : i32
    %dma_start3A_14 = arith.constant 0 : i32
    %dma_start3A_15 = tpu.memref_slice %arg7[%dma_start3A_12, %dma_start3A_13, %dma_start3A_14] : memref<2x4x64xi32, #tpu.memory_space<vmem>> -> memref<1x1x64xi32, #tpu.memory_space<vmem>>
    %dma_start3A_16 = tpu.memref_squeeze %dma_start3A_15 : memref<1x1x64xi32, #tpu.memory_space<vmem>> -> memref<64xi32, #tpu.memory_space<vmem>>
    %dma_start3A_17 = arith.constant 0 : i32
    %dma_start3A_18 = arith.constant 0 : i32
    %dma_start3A_19 = tpu.memref_slice %arg4[%dma_start3A_17, %dma_start3A_18] : memref<40960x128xf32, #tpu.memory_space<hbm>> -> memref<40960x128xf32, #tpu.memory_space<hbm>>
    tpu.enqueue_indirect_dma source(%dma_start3A_19 : memref<40960x128xf32, #tpu.memory_space<hbm>>) target(%arg10 : memref<64x128xf32, #tpu.memory_space<vmem>>) offsets(%dma_start3A_16 : memref<64xi32, #tpu.memory_space<vmem>>) semaphore(%arg15 : memref<!tpu.dma_semaphore, #tpu.memory_space<semaphore_mem>>)
    %scan3A = arith.constant 0 : i32
    %scan3A_20 = arith.constant 0 : i32
    %scan3A_21 = arith.constant 40 : i32
    %scan3A_22 = arith.addi %scan3A_20, %scan3A_21 : i32
    %scan3A_23 = arith.constant 1 : i32
    %scan3A_24 = scf.for %scan3A_139 = %scan3A_20 to %scan3A_22 step %scan3A_23 iter_args(%scan3A_140 = %scan3A) -> (i32)  : i32 {
      %rem3A = arith.constant 2 : i32
      %rem3A_141 = arith.remsi %scan3A_139, %rem3A : i32
      %add3A_142 = arith.constant 1 : i32
      %add3A_143 = arith.addi %scan3A_139, %add3A_142 : i32
      %rem3A_144 = arith.constant 2 : i32
      %rem3A_145 = arith.remsi %add3A_143, %rem3A_144 : i32
      %lt3A = arith.constant 39 : i32
      %lt3A_146 = arith.cmpi slt, %scan3A_139, %lt3A : i32
      %convert_element_type3A = arith.extui %lt3A_146 : i1 to i32
      %cond3A = arith.constant 0 : i32
      %cond3A_147 = arith.cmpi ne, %convert_element_type3A, %cond3A : i32
      scf.if %cond3A_147 {
        %add3A_234 = arith.constant 1 : i32
        %add3A_235 = arith.addi %scan3A_139, %add3A_234 : i32
        %mul3A_236 = arith.constant 4 : i32
        %mul3A_237 = arith.muli %mul3A_236, %add3A_235 : i32
        "tpu.region"() ({
          %run_scoped3A_242 = tpu.sem_alloc : memref<!tpu.dma_semaphore, #tpu.memory_space<semaphore_mem>>
          %dma_start3A_243 = arith.constant 0 : i32
          %dma_start3A_244 = arith.constant 0 : i32
          %dma_start3A_245 = tpu.memref_slice %arg7[%rem3A_145, %dma_start3A_243, %dma_start3A_244] : memref<2x4x64xi32, #tpu.memory_space<vmem>> -> memref<1x4x64xi32, #tpu.memory_space<vmem>>
          %dma_start3A_246 = tpu.memref_squeeze %dma_start3A_245 : memref<1x4x64xi32, #tpu.memory_space<vmem>> -> memref<4x64xi32, #tpu.memory_space<vmem>>
          %dma_start3A_247 = arith.constant 0 : i32
          %dma_start3A_248 = tpu.memref_slice %arg2[%add3A_1, %arg1, %mul3A_237, %dma_start3A_247] : memref<4x16x160x64xi32, #tpu.memory_space<hbm>> -> memref<1x1x4x64xi32, #tpu.memory_space<hbm>>
          %dma_start3A_249 = tpu.memref_squeeze %dma_start3A_248 : memref<1x1x4x64xi32, #tpu.memory_space<hbm>> -> memref<4x64xi32, #tpu.memory_space<hbm>>
          %dma_start3A_250 = arith.constant 0 : i32
          %dma_start3A_251 = arith.constant 0 : i32
          %dma_start3A_252 = tpu.memref_slice %arg7[%rem3A_145, %dma_start3A_250, %dma_start3A_251] : memref<2x4x64xi32, #tpu.memory_space<vmem>> -> memref<1x4x64xi32, #tpu.memory_space<vmem>>
          %dma_start3A_253 = tpu.memref_squeeze %dma_start3A_252 : memref<1x4x64xi32, #tpu.memory_space<vmem>> -> memref<4x64xi32, #tpu.memory_space<vmem>>
          %dma_start3A_254 = arith.constant 0 : i32
          %dma_start3A_255 = tpu.memref_slice %arg2[%add3A_1, %arg1, %mul3A_237, %dma_start3A_254] : memref<4x16x160x64xi32, #tpu.memory_space<hbm>> -> memref<1x1x4x64xi32, #tpu.memory_space<hbm>>
          %dma_start3A_256 = tpu.memref_squeeze %dma_start3A_255 : memref<1x1x4x64xi32, #tpu.memory_space<hbm>> -> memref<4x64xi32, #tpu.memory_space<hbm>>
          tpu.enqueue_dma source(%dma_start3A_256 : memref<4x64xi32, #tpu.memory_space<hbm>>) target(%dma_start3A_253 : memref<4x64xi32, #tpu.memory_space<vmem>>) target_semaphore(%run_scoped3A_242 : memref<!tpu.dma_semaphore, #tpu.memory_space<semaphore_mem>>)
          %dma_wait3A_257 = arith.constant 0 : i32
          %dma_wait3A_258 = arith.constant 0 : i32
          %dma_wait3A_259 = tpu.memref_slice %arg7[%rem3A_145, %dma_wait3A_257, %dma_wait3A_258] : memref<2x4x64xi32, #tpu.memory_space<vmem>> -> memref<1x4x64xi32, #tpu.memory_space<vmem>>
          %dma_wait3A_260 = tpu.memref_squeeze %dma_wait3A_259 : memref<1x4x64xi32, #tpu.memory_space<vmem>> -> memref<4x64xi32, #tpu.memory_space<vmem>>
          %dma_wait3A_261 = arith.constant 0 : i32
          %dma_wait3A_262 = tpu.memref_slice %arg2[%add3A_1, %arg1, %mul3A_237, %dma_wait3A_261] : memref<4x16x160x64xi32, #tpu.memory_space<hbm>> -> memref<1x1x4x64xi32, #tpu.memory_space<hbm>>
          %dma_wait3A_263 = tpu.memref_squeeze %dma_wait3A_262 : memref<1x1x4x64xi32, #tpu.memory_space<hbm>> -> memref<4x64xi32, #tpu.memory_space<hbm>>
          %dma_wait3A_264 = arith.constant 0 : i32
          %dma_wait3A_265 = arith.constant 0 : i32
          %dma_wait3A_266 = tpu.memref_slice %arg7[%rem3A_145, %dma_wait3A_264, %dma_wait3A_265] : memref<2x4x64xi32, #tpu.memory_space<vmem>> -> memref<1x4x64xi32, #tpu.memory_space<vmem>>
          %dma_wait3A_267 = tpu.memref_squeeze %dma_wait3A_266 : memref<1x4x64xi32, #tpu.memory_space<vmem>> -> memref<4x64xi32, #tpu.memory_space<vmem>>
          %dma_wait3A_268 = arith.constant 0 : i32
          %dma_wait3A_269 = tpu.memref_slice %arg2[%add3A_1, %arg1, %mul3A_237, %dma_wait3A_268] : memref<4x16x160x64xi32, #tpu.memory_space<hbm>> -> memref<1x1x4x64xi32, #tpu.memory_space<hbm>>
          %dma_wait3A_270 = tpu.memref_squeeze %dma_wait3A_269 : memref<1x1x4x64xi32, #tpu.memory_space<hbm>> -> memref<4x64xi32, #tpu.memory_space<hbm>>
          tpu.wait_dma2 semaphore(%run_scoped3A_242 : memref<!tpu.dma_semaphore, #tpu.memory_space<semaphore_mem>>) src(%dma_wait3A_270 : memref<4x64xi32, #tpu.memory_space<hbm>>) dst(%dma_wait3A_267 : memref<4x64xi32, #tpu.memory_space<vmem>>)
          tpu.yield
        }) : () -> ()
        %add3A_238 = arith.constant 1 : i32
        %add3A_239 = arith.addi %scan3A_139, %add3A_238 : i32
        %mul3A_240 = arith.constant 4 : i32
        %mul3A_241 = arith.muli %mul3A_240, %add3A_239 : i32
        "tpu.region"() ({
          %run_scoped3A_242 = tpu.sem_alloc : memref<!tpu.dma_semaphore, #tpu.memory_space<semaphore_mem>>
          %dma_start3A_243 = arith.constant 0 : i32
          %dma_start3A_244 = arith.constant 0 : i32
          %dma_start3A_245 = tpu.memref_slice %arg8[%rem3A_145, %dma_start3A_243, %dma_start3A_244] : memref<2x4x64xi32, #tpu.memory_space<vmem>> -> memref<1x4x64xi32, #tpu.memory_space<vmem>>
          %dma_start3A_246 = tpu.memref_squeeze %dma_start3A_245 : memref<1x4x64xi32, #tpu.memory_space<vmem>> -> memref<4x64xi32, #tpu.memory_space<vmem>>
          %dma_start3A_247 = arith.constant 0 : i32
          %dma_start3A_248 = tpu.memref_slice %arg3[%arg1, %mul3A_241, %dma_start3A_247] : memref<16x160x64xi32, #tpu.memory_space<hbm>> -> memref<1x4x64xi32, #tpu.memory_space<hbm>>
          %dma_start3A_249 = tpu.memref_squeeze %dma_start3A_248 : memref<1x4x64xi32, #tpu.memory_space<hbm>> -> memref<4x64xi32, #tpu.memory_space<hbm>>
          %dma_start3A_250 = arith.constant 0 : i32
          %dma_start3A_251 = arith.constant 0 : i32
          %dma_start3A_252 = tpu.memref_slice %arg8[%rem3A_145, %dma_start3A_250, %dma_start3A_251] : memref<2x4x64xi32, #tpu.memory_space<vmem>> -> memref<1x4x64xi32, #tpu.memory_space<vmem>>
          %dma_start3A_253 = tpu.memref_squeeze %dma_start3A_252 : memref<1x4x64xi32, #tpu.memory_space<vmem>> -> memref<4x64xi32, #tpu.memory_space<vmem>>
          %dma_start3A_254 = arith.constant 0 : i32
          %dma_start3A_255 = tpu.memref_slice %arg3[%arg1, %mul3A_241, %dma_start3A_254] : memref<16x160x64xi32, #tpu.memory_space<hbm>> -> memref<1x4x64xi32, #tpu.memory_space<hbm>>
          %dma_start3A_256 = tpu.memref_squeeze %dma_start3A_255 : memref<1x4x64xi32, #tpu.memory_space<hbm>> -> memref<4x64xi32, #tpu.memory_space<hbm>>
          tpu.enqueue_dma source(%dma_start3A_256 : memref<4x64xi32, #tpu.memory_space<hbm>>) target(%dma_start3A_253 : memref<4x64xi32, #tpu.memory_space<vmem>>) target_semaphore(%run_scoped3A_242 : memref<!tpu.dma_semaphore, #tpu.memory_space<semaphore_mem>>)
          %dma_wait3A_257 = arith.constant 0 : i32
          %dma_wait3A_258 = arith.constant 0 : i32
          %dma_wait3A_259 = tpu.memref_slice %arg8[%rem3A_145, %dma_wait3A_257, %dma_wait3A_258] : memref<2x4x64xi32, #tpu.memory_space<vmem>> -> memref<1x4x64xi32, #tpu.memory_space<vmem>>
          %dma_wait3A_260 = tpu.memref_squeeze %dma_wait3A_259 : memref<1x4x64xi32, #tpu.memory_space<vmem>> -> memref<4x64xi32, #tpu.memory_space<vmem>>
          %dma_wait3A_261 = arith.constant 0 : i32
          %dma_wait3A_262 = tpu.memref_slice %arg3[%arg1, %mul3A_241, %dma_wait3A_261] : memref<16x160x64xi32, #tpu.memory_space<hbm>> -> memref<1x4x64xi32, #tpu.memory_space<hbm>>
          %dma_wait3A_263 = tpu.memref_squeeze %dma_wait3A_262 : memref<1x4x64xi32, #tpu.memory_space<hbm>> -> memref<4x64xi32, #tpu.memory_space<hbm>>
          %dma_wait3A_264 = arith.constant 0 : i32
          %dma_wait3A_265 = arith.constant 0 : i32
          %dma_wait3A_266 = tpu.memref_slice %arg8[%rem3A_145, %dma_wait3A_264, %dma_wait3A_265] : memref<2x4x64xi32, #tpu.memory_space<vmem>> -> memref<1x4x64xi32, #tpu.memory_space<vmem>>
          %dma_wait3A_267 = tpu.memref_squeeze %dma_wait3A_266 : memref<1x4x64xi32, #tpu.memory_space<vmem>> -> memref<4x64xi32, #tpu.memory_space<vmem>>
          %dma_wait3A_268 = arith.constant 0 : i32
          %dma_wait3A_269 = tpu.memref_slice %arg3[%arg1, %mul3A_241, %dma_wait3A_268] : memref<16x160x64xi32, #tpu.memory_space<hbm>> -> memref<1x4x64xi32, #tpu.memory_space<hbm>>
          %dma_wait3A_270 = tpu.memref_squeeze %dma_wait3A_269 : memref<1x4x64xi32, #tpu.memory_space<hbm>> -> memref<4x64xi32, #tpu.memory_space<hbm>>
          tpu.wait_dma2 semaphore(%run_scoped3A_242 : memref<!tpu.dma_semaphore, #tpu.memory_space<semaphore_mem>>) src(%dma_wait3A_270 : memref<4x64xi32, #tpu.memory_space<hbm>>) dst(%dma_wait3A_267 : memref<4x64xi32, #tpu.memory_space<vmem>>)
          tpu.yield
        }) : () -> ()
      } else {
      }
      %dma_wait3A_148 = arith.constant 0 : i32
      %dma_wait3A_149 = arith.constant 0 : i32
      %dma_wait3A_150 = tpu.memref_slice %arg7[%rem3A_141, %dma_wait3A_148, %dma_wait3A_149] : memref<2x4x64xi32, #tpu.memory_space<vmem>> -> memref<1x1x64xi32, #tpu.memory_space<vmem>>
      %dma_wait3A_151 = tpu.memref_squeeze %dma_wait3A_150 : memref<1x1x64xi32, #tpu.memory_space<vmem>> -> memref<64xi32, #tpu.memory_space<vmem>>
      %dma_wait3A_152 = arith.constant 0 : i32
      %dma_wait3A_153 = arith.constant 0 : i32
      %dma_wait3A_154 = tpu.memref_slice %arg4[%dma_wait3A_152, %dma_wait3A_153] : memref<40960x128xf32, #tpu.memory_space<hbm>> -> memref<40960x128xf32, #tpu.memory_space<hbm>>
      tpu.wait_indirect_dma semaphore(%arg14 : memref<!tpu.dma_semaphore, #tpu.memory_space<semaphore_mem>>) src(%dma_wait3A_154 : memref<40960x128xf32, #tpu.memory_space<hbm>>) dst(%arg9 : memref<64x128xf32, #tpu.memory_space<vmem>>)
      %gt3A = arith.constant 0 : i32
      %gt3A_155 = arith.cmpi sgt, %scan3A_139, %gt3A : i32
      %convert_element_type3A_156 = arith.extui %gt3A_155 : i1 to i32
      %cond3A_157 = arith.constant 0 : i32
      %cond3A_158 = arith.cmpi ne, %convert_element_type3A_156, %cond3A_157 : i32
      scf.if %cond3A_158 {
        %dma_wait3A_234 = arith.constant 2 : i32
        %dma_wait3A_235 = arith.constant 0 : i32
        %dma_wait3A_236 = tpu.memref_slice %arg8[%rem3A_145, %dma_wait3A_234, %dma_wait3A_235] : memref<2x4x64xi32, #tpu.memory_space<vmem>> -> memref<1x1x64xi32, #tpu.memory_space<vmem>>
        %dma_wait3A_237 = tpu.memref_squeeze %dma_wait3A_236 : memref<1x1x64xi32, #tpu.memory_space<vmem>> -> memref<64xi32, #tpu.memory_space<vmem>>
        %dma_wait3A_238 = arith.constant 0 : i32
        %dma_wait3A_239 = arith.constant 0 : i32
        %dma_wait3A_240 = tpu.memref_slice %arg13[%dma_wait3A_238, %dma_wait3A_239] : memref<10240x128xf32, #tpu.memory_space<vmem_shared>> -> memref<10240x128xf32, #tpu.memory_space<vmem_shared>>
        tpu.wait_indirect_dma semaphore(%arg20 : memref<!tpu.dma_semaphore, #tpu.memory_space<semaphore_mem>>) src(%arg11 : memref<64x128xf32, #tpu.memory_space<vmem>>) dst(%dma_wait3A_240 : memref<10240x128xf32, #tpu.memory_space<vmem_shared>>)
      } else {
      }
      %dma_start3A_159 = arith.constant 2 : i32
      %dma_start3A_160 = arith.constant 0 : i32
      %dma_start3A_161 = tpu.memref_slice %arg7[%rem3A_141, %dma_start3A_159, %dma_start3A_160] : memref<2x4x64xi32, #tpu.memory_space<vmem>> -> memref<1x1x64xi32, #tpu.memory_space<vmem>>
      %dma_start3A_162 = tpu.memref_squeeze %dma_start3A_161 : memref<1x1x64xi32, #tpu.memory_space<vmem>> -> memref<64xi32, #tpu.memory_space<vmem>>
      %dma_start3A_163 = arith.constant 0 : i32
      %dma_start3A_164 = arith.constant 0 : i32
      %dma_start3A_165 = tpu.memref_slice %arg4[%dma_start3A_163, %dma_start3A_164] : memref<40960x128xf32, #tpu.memory_space<hbm>> -> memref<40960x128xf32, #tpu.memory_space<hbm>>
      tpu.enqueue_indirect_dma source(%dma_start3A_165 : memref<40960x128xf32, #tpu.memory_space<hbm>>) target(%arg11 : memref<64x128xf32, #tpu.memory_space<vmem>>) offsets(%dma_start3A_162 : memref<64xi32, #tpu.memory_space<vmem>>) semaphore(%arg16 : memref<!tpu.dma_semaphore, #tpu.memory_space<semaphore_mem>>)
      %dma_start3A_166 = arith.constant 0 : i32
      %dma_start3A_167 = arith.constant 0 : i32
      %dma_start3A_168 = tpu.memref_slice %arg8[%rem3A_141, %dma_start3A_166, %dma_start3A_167] : memref<2x4x64xi32, #tpu.memory_space<vmem>> -> memref<1x1x64xi32, #tpu.memory_space<vmem>>
      %dma_start3A_169 = tpu.memref_squeeze %dma_start3A_168 : memref<1x1x64xi32, #tpu.memory_space<vmem>> -> memref<64xi32, #tpu.memory_space<vmem>>
      %dma_start3A_170 = arith.constant 0 : i32
      %dma_start3A_171 = arith.constant 0 : i32
      %dma_start3A_172 = tpu.memref_slice %arg13[%dma_start3A_170, %dma_start3A_171] : memref<10240x128xf32, #tpu.memory_space<vmem_shared>> -> memref<10240x128xf32, #tpu.memory_space<vmem_shared>>
      tpu.enqueue_indirect_dma source(%arg9 : memref<64x128xf32, #tpu.memory_space<vmem>>) target(%dma_start3A_172 : memref<10240x128xf32, #tpu.memory_space<vmem_shared>>) offsets(%dma_start3A_169 : memref<64xi32, #tpu.memory_space<vmem>>) semaphore(%arg18 : memref<!tpu.dma_semaphore, #tpu.memory_space<semaphore_mem>>) {add = true}
      %dma_wait3A_173 = arith.constant 1 : i32
      %dma_wait3A_174 = arith.constant 0 : i32
      %dma_wait3A_175 = tpu.memref_slice %arg7[%rem3A_141, %dma_wait3A_173, %dma_wait3A_174] : memref<2x4x64xi32, #tpu.memory_space<vmem>> -> memref<1x1x64xi32, #tpu.memory_space<vmem>>
      %dma_wait3A_176 = tpu.memref_squeeze %dma_wait3A_175 : memref<1x1x64xi32, #tpu.memory_space<vmem>> -> memref<64xi32, #tpu.memory_space<vmem>>
      %dma_wait3A_177 = arith.constant 0 : i32
      %dma_wait3A_178 = arith.constant 0 : i32
      %dma_wait3A_179 = tpu.memref_slice %arg4[%dma_wait3A_177, %dma_wait3A_178] : memref<40960x128xf32, #tpu.memory_space<hbm>> -> memref<40960x128xf32, #tpu.memory_space<hbm>>
      tpu.wait_indirect_dma semaphore(%arg15 : memref<!tpu.dma_semaphore, #tpu.memory_space<semaphore_mem>>) src(%dma_wait3A_179 : memref<40960x128xf32, #tpu.memory_space<hbm>>) dst(%arg10 : memref<64x128xf32, #tpu.memory_space<vmem>>)
      %gt3A_180 = arith.constant 0 : i32
      %gt3A_181 = arith.cmpi sgt, %scan3A_139, %gt3A_180 : i32
      %convert_element_type3A_182 = arith.extui %gt3A_181 : i1 to i32
      %cond3A_183 = arith.constant 0 : i32
      %cond3A_184 = arith.cmpi ne, %convert_element_type3A_182, %cond3A_183 : i32
      scf.if %cond3A_184 {
        %dma_wait3A_234 = arith.constant 3 : i32
        %dma_wait3A_235 = arith.constant 0 : i32
        %dma_wait3A_236 = tpu.memref_slice %arg8[%rem3A_145, %dma_wait3A_234, %dma_wait3A_235] : memref<2x4x64xi32, #tpu.memory_space<vmem>> -> memref<1x1x64xi32, #tpu.memory_space<vmem>>
        %dma_wait3A_237 = tpu.memref_squeeze %dma_wait3A_236 : memref<1x1x64xi32, #tpu.memory_space<vmem>> -> memref<64xi32, #tpu.memory_space<vmem>>
        %dma_wait3A_238 = arith.constant 0 : i32
        %dma_wait3A_239 = arith.constant 0 : i32
        %dma_wait3A_240 = tpu.memref_slice %arg13[%dma_wait3A_238, %dma_wait3A_239] : memref<10240x128xf32, #tpu.memory_space<vmem_shared>> -> memref<10240x128xf32, #tpu.memory_space<vmem_shared>>
        tpu.wait_indirect_dma semaphore(%arg21 : memref<!tpu.dma_semaphore, #tpu.memory_space<semaphore_mem>>) src(%arg12 : memref<64x128xf32, #tpu.memory_space<vmem>>) dst(%dma_wait3A_240 : memref<10240x128xf32, #tpu.memory_space<vmem_shared>>)
      } else {
      }
      %dma_start3A_185 = arith.constant 3 : i32
      %dma_start3A_186 = arith.constant 0 : i32
      %dma_start3A_187 = tpu.memref_slice %arg7[%rem3A_141, %dma_start3A_185, %dma_start3A_186] : memref<2x4x64xi32, #tpu.memory_space<vmem>> -> memref<1x1x64xi32, #tpu.memory_space<vmem>>
      %dma_start3A_188 = tpu.memref_squeeze %dma_start3A_187 : memref<1x1x64xi32, #tpu.memory_space<vmem>> -> memref<64xi32, #tpu.memory_space<vmem>>
      %dma_start3A_189 = arith.constant 0 : i32
      %dma_start3A_190 = arith.constant 0 : i32
      %dma_start3A_191 = tpu.memref_slice %arg4[%dma_start3A_189, %dma_start3A_190] : memref<40960x128xf32, #tpu.memory_space<hbm>> -> memref<40960x128xf32, #tpu.memory_space<hbm>>
      tpu.enqueue_indirect_dma source(%dma_start3A_191 : memref<40960x128xf32, #tpu.memory_space<hbm>>) target(%arg12 : memref<64x128xf32, #tpu.memory_space<vmem>>) offsets(%dma_start3A_188 : memref<64xi32, #tpu.memory_space<vmem>>) semaphore(%arg17 : memref<!tpu.dma_semaphore, #tpu.memory_space<semaphore_mem>>)
      %dma_start3A_192 = arith.constant 1 : i32
      %dma_start3A_193 = arith.constant 0 : i32
      %dma_start3A_194 = tpu.memref_slice %arg8[%rem3A_141, %dma_start3A_192, %dma_start3A_193] : memref<2x4x64xi32, #tpu.memory_space<vmem>> -> memref<1x1x64xi32, #tpu.memory_space<vmem>>
      %dma_start3A_195 = tpu.memref_squeeze %dma_start3A_194 : memref<1x1x64xi32, #tpu.memory_space<vmem>> -> memref<64xi32, #tpu.memory_space<vmem>>
      %dma_start3A_196 = arith.constant 0 : i32
      %dma_start3A_197 = arith.constant 0 : i32
      %dma_start3A_198 = tpu.memref_slice %arg13[%dma_start3A_196, %dma_start3A_197] : memref<10240x128xf32, #tpu.memory_space<vmem_shared>> -> memref<10240x128xf32, #tpu.memory_space<vmem_shared>>
      tpu.enqueue_indirect_dma source(%arg10 : memref<64x128xf32, #tpu.memory_space<vmem>>) target(%dma_start3A_198 : memref<10240x128xf32, #tpu.memory_space<vmem_shared>>) offsets(%dma_start3A_195 : memref<64xi32, #tpu.memory_space<vmem>>) semaphore(%arg19 : memref<!tpu.dma_semaphore, #tpu.memory_space<semaphore_mem>>) {add = true}
      %dma_wait3A_199 = arith.constant 2 : i32
      %dma_wait3A_200 = arith.constant 0 : i32
      %dma_wait3A_201 = tpu.memref_slice %arg7[%rem3A_141, %dma_wait3A_199, %dma_wait3A_200] : memref<2x4x64xi32, #tpu.memory_space<vmem>> -> memref<1x1x64xi32, #tpu.memory_space<vmem>>
      %dma_wait3A_202 = tpu.memref_squeeze %dma_wait3A_201 : memref<1x1x64xi32, #tpu.memory_space<vmem>> -> memref<64xi32, #tpu.memory_space<vmem>>
      %dma_wait3A_203 = arith.constant 0 : i32
      %dma_wait3A_204 = arith.constant 0 : i32
      %dma_wait3A_205 = tpu.memref_slice %arg4[%dma_wait3A_203, %dma_wait3A_204] : memref<40960x128xf32, #tpu.memory_space<hbm>> -> memref<40960x128xf32, #tpu.memory_space<hbm>>
      tpu.wait_indirect_dma semaphore(%arg16 : memref<!tpu.dma_semaphore, #tpu.memory_space<semaphore_mem>>) src(%dma_wait3A_205 : memref<40960x128xf32, #tpu.memory_space<hbm>>) dst(%arg11 : memref<64x128xf32, #tpu.memory_space<vmem>>)
      %convert_element_type3A_206 = arith.extui %lt3A_146 : i1 to i32
      %cond3A_207 = arith.constant 0 : i32
      %cond3A_208 = arith.cmpi ne, %convert_element_type3A_206, %cond3A_207 : i32
      scf.if %cond3A_208 {
        %dma_wait3A_234 = arith.constant 0 : i32
        %dma_wait3A_235 = arith.constant 0 : i32
        %dma_wait3A_236 = tpu.memref_slice %arg8[%rem3A_141, %dma_wait3A_234, %dma_wait3A_235] : memref<2x4x64xi32, #tpu.memory_space<vmem>> -> memref<1x1x64xi32, #tpu.memory_space<vmem>>
        %dma_wait3A_237 = tpu.memref_squeeze %dma_wait3A_236 : memref<1x1x64xi32, #tpu.memory_space<vmem>> -> memref<64xi32, #tpu.memory_space<vmem>>
        %dma_wait3A_238 = arith.constant 0 : i32
        %dma_wait3A_239 = arith.constant 0 : i32
        %dma_wait3A_240 = tpu.memref_slice %arg13[%dma_wait3A_238, %dma_wait3A_239] : memref<10240x128xf32, #tpu.memory_space<vmem_shared>> -> memref<10240x128xf32, #tpu.memory_space<vmem_shared>>
        tpu.wait_indirect_dma semaphore(%arg18 : memref<!tpu.dma_semaphore, #tpu.memory_space<semaphore_mem>>) src(%arg9 : memref<64x128xf32, #tpu.memory_space<vmem>>) dst(%dma_wait3A_240 : memref<10240x128xf32, #tpu.memory_space<vmem_shared>>)
        %dma_start3A_241 = arith.constant 0 : i32
        %dma_start3A_242 = arith.constant 0 : i32
        %dma_start3A_243 = tpu.memref_slice %arg7[%rem3A_145, %dma_start3A_241, %dma_start3A_242] : memref<2x4x64xi32, #tpu.memory_space<vmem>> -> memref<1x1x64xi32, #tpu.memory_space<vmem>>
        %dma_start3A_244 = tpu.memref_squeeze %dma_start3A_243 : memref<1x1x64xi32, #tpu.memory_space<vmem>> -> memref<64xi32, #tpu.memory_space<vmem>>
        %dma_start3A_245 = arith.constant 0 : i32
        %dma_start3A_246 = arith.constant 0 : i32
        %dma_start3A_247 = tpu.memref_slice %arg4[%dma_start3A_245, %dma_start3A_246] : memref<40960x128xf32, #tpu.memory_space<hbm>> -> memref<40960x128xf32, #tpu.memory_space<hbm>>
        tpu.enqueue_indirect_dma source(%dma_start3A_247 : memref<40960x128xf32, #tpu.memory_space<hbm>>) target(%arg9 : memref<64x128xf32, #tpu.memory_space<vmem>>) offsets(%dma_start3A_244 : memref<64xi32, #tpu.memory_space<vmem>>) semaphore(%arg14 : memref<!tpu.dma_semaphore, #tpu.memory_space<semaphore_mem>>)
      } else {
      }
      %dma_start3A_209 = arith.constant 2 : i32
      %dma_start3A_210 = arith.constant 0 : i32
      %dma_start3A_211 = tpu.memref_slice %arg8[%rem3A_141, %dma_start3A_209, %dma_start3A_210] : memref<2x4x64xi32, #tpu.memory_space<vmem>> -> memref<1x1x64xi32, #tpu.memory_space<vmem>>
      %dma_start3A_212 = tpu.memref_squeeze %dma_start3A_211 : memref<1x1x64xi32, #tpu.memory_space<vmem>> -> memref<64xi32, #tpu.memory_space<vmem>>
      %dma_start3A_213 = arith.constant 0 : i32
      %dma_start3A_214 = arith.constant 0 : i32
      %dma_start3A_215 = tpu.memref_slice %arg13[%dma_start3A_213, %dma_start3A_214] : memref<10240x128xf32, #tpu.memory_space<vmem_shared>> -> memref<10240x128xf32, #tpu.memory_space<vmem_shared>>
      tpu.enqueue_indirect_dma source(%arg11 : memref<64x128xf32, #tpu.memory_space<vmem>>) target(%dma_start3A_215 : memref<10240x128xf32, #tpu.memory_space<vmem_shared>>) offsets(%dma_start3A_212 : memref<64xi32, #tpu.memory_space<vmem>>) semaphore(%arg20 : memref<!tpu.dma_semaphore, #tpu.memory_space<semaphore_mem>>) {add = true}
      %dma_wait3A_216 = arith.constant 3 : i32
      %dma_wait3A_217 = arith.constant 0 : i32
      %dma_wait3A_218 = tpu.memref_slice %arg7[%rem3A_141, %dma_wait3A_216, %dma_wait3A_217] : memref<2x4x64xi32, #tpu.memory_space<vmem>> -> memref<1x1x64xi32, #tpu.memory_space<vmem>>
      %dma_wait3A_219 = tpu.memref_squeeze %dma_wait3A_218 : memref<1x1x64xi32, #tpu.memory_space<vmem>> -> memref<64xi32, #tpu.memory_space<vmem>>
      %dma_wait3A_220 = arith.constant 0 : i32
      %dma_wait3A_221 = arith.constant 0 : i32
      %dma_wait3A_222 = tpu.memref_slice %arg4[%dma_wait3A_220, %dma_wait3A_221] : memref<40960x128xf32, #tpu.memory_space<hbm>> -> memref<40960x128xf32, #tpu.memory_space<hbm>>
      tpu.wait_indirect_dma semaphore(%arg17 : memref<!tpu.dma_semaphore, #tpu.memory_space<semaphore_mem>>) src(%dma_wait3A_222 : memref<40960x128xf32, #tpu.memory_space<hbm>>) dst(%arg12 : memref<64x128xf32, #tpu.memory_space<vmem>>)
      %convert_element_type3A_223 = arith.extui %lt3A_146 : i1 to i32
      %cond3A_224 = arith.constant 0 : i32
      %cond3A_225 = arith.cmpi ne, %convert_element_type3A_223, %cond3A_224 : i32
      scf.if %cond3A_225 {
        %dma_wait3A_234 = arith.constant 1 : i32
        %dma_wait3A_235 = arith.constant 0 : i32
        %dma_wait3A_236 = tpu.memref_slice %arg8[%rem3A_141, %dma_wait3A_234, %dma_wait3A_235] : memref<2x4x64xi32, #tpu.memory_space<vmem>> -> memref<1x1x64xi32, #tpu.memory_space<vmem>>
        %dma_wait3A_237 = tpu.memref_squeeze %dma_wait3A_236 : memref<1x1x64xi32, #tpu.memory_space<vmem>> -> memref<64xi32, #tpu.memory_space<vmem>>
        %dma_wait3A_238 = arith.constant 0 : i32
        %dma_wait3A_239 = arith.constant 0 : i32
        %dma_wait3A_240 = tpu.memref_slice %arg13[%dma_wait3A_238, %dma_wait3A_239] : memref<10240x128xf32, #tpu.memory_space<vmem_shared>> -> memref<10240x128xf32, #tpu.memory_space<vmem_shared>>
        tpu.wait_indirect_dma semaphore(%arg19 : memref<!tpu.dma_semaphore, #tpu.memory_space<semaphore_mem>>) src(%arg10 : memref<64x128xf32, #tpu.memory_space<vmem>>) dst(%dma_wait3A_240 : memref<10240x128xf32, #tpu.memory_space<vmem_shared>>)
        %dma_start3A_241 = arith.constant 1 : i32
        %dma_start3A_242 = arith.constant 0 : i32
        %dma_start3A_243 = tpu.memref_slice %arg7[%rem3A_145, %dma_start3A_241, %dma_start3A_242] : memref<2x4x64xi32, #tpu.memory_space<vmem>> -> memref<1x1x64xi32, #tpu.memory_space<vmem>>
        %dma_start3A_244 = tpu.memref_squeeze %dma_start3A_243 : memref<1x1x64xi32, #tpu.memory_space<vmem>> -> memref<64xi32, #tpu.memory_space<vmem>>
        %dma_start3A_245 = arith.constant 0 : i32
        %dma_start3A_246 = arith.constant 0 : i32
        %dma_start3A_247 = tpu.memref_slice %arg4[%dma_start3A_245, %dma_start3A_246] : memref<40960x128xf32, #tpu.memory_space<hbm>> -> memref<40960x128xf32, #tpu.memory_space<hbm>>
        tpu.enqueue_indirect_dma source(%dma_start3A_247 : memref<40960x128xf32, #tpu.memory_space<hbm>>) target(%arg10 : memref<64x128xf32, #tpu.memory_space<vmem>>) offsets(%dma_start3A_244 : memref<64xi32, #tpu.memory_space<vmem>>) semaphore(%arg15 : memref<!tpu.dma_semaphore, #tpu.memory_space<semaphore_mem>>)
      } else {
      }
      %dma_start3A_226 = arith.constant 3 : i32
      %dma_start3A_227 = arith.constant 0 : i32
      %dma_start3A_228 = tpu.memref_slice %arg8[%rem3A_141, %dma_start3A_226, %dma_start3A_227] : memref<2x4x64xi32, #tpu.memory_space<vmem>> -> memref<1x1x64xi32, #tpu.memory_space<vmem>>
      %dma_start3A_229 = tpu.memref_squeeze %dma_start3A_228 : memref<1x1x64xi32, #tpu.memory_space<vmem>> -> memref<64xi32, #tpu.memory_space<vmem>>
      %dma_start3A_230 = arith.constant 0 : i32
      %dma_start3A_231 = arith.constant 0 : i32
      %dma_start3A_232 = tpu.memref_slice %arg13[%dma_start3A_230, %dma_start3A_231] : memref<10240x128xf32, #tpu.memory_space<vmem_shared>> -> memref<10240x128xf32, #tpu.memory_space<vmem_shared>>
      tpu.enqueue_indirect_dma source(%arg12 : memref<64x128xf32, #tpu.memory_space<vmem>>) target(%dma_start3A_232 : memref<10240x128xf32, #tpu.memory_space<vmem_shared>>) offsets(%dma_start3A_229 : memref<64xi32, #tpu.memory_space<vmem>>) semaphore(%arg21 : memref<!tpu.dma_semaphore, #tpu.memory_space<semaphore_mem>>) {add = true}
      %scan3A_233 = arith.constant 0 : i32
      scf.yield %scan3A_233 : i32
    }
    %scan3A_25 = arith.constant 40 : i32
    %dma_wait3A = arith.constant 1 : i32
    %dma_wait3A_26 = arith.constant 0 : i32
    %dma_wait3A_27 = arith.constant 0 : i32
    %dma_wait3A_28 = tpu.memref_slice %arg8[%dma_wait3A, %dma_wait3A_26, %dma_wait3A_27] : memref<2x4x64xi32, #tpu.memory_space<vmem>> -> memref<1x1x64xi32, #tpu.memory_space<vmem>>
    %dma_wait3A_29 = tpu.memref_squeeze %dma_wait3A_28 : memref<1x1x64xi32, #tpu.memory_space<vmem>> -> memref<64xi32, #tpu.memory_space<vmem>>
    %dma_wait3A_30 = arith.constant 0 : i32
    %dma_wait3A_31 = arith.constant 0 : i32
    %dma_wait3A_32 = tpu.memref_slice %arg13[%dma_wait3A_30, %dma_wait3A_31] : memref<10240x128xf32, #tpu.memory_space<vmem_shared>> -> memref<10240x128xf32, #tpu.memory_space<vmem_shared>>
    tpu.wait_indirect_dma semaphore(%arg18 : memref<!tpu.dma_semaphore, #tpu.memory_space<semaphore_mem>>) src(%arg9 : memref<64x128xf32, #tpu.memory_space<vmem>>) dst(%dma_wait3A_32 : memref<10240x128xf32, #tpu.memory_space<vmem_shared>>)
    %dma_wait3A_33 = arith.constant 1 : i32
    %dma_wait3A_34 = arith.constant 1 : i32
    %dma_wait3A_35 = arith.constant 0 : i32
    %dma_wait3A_36 = tpu.memref_slice %arg8[%dma_wait3A_33, %dma_wait3A_34, %dma_wait3A_35] : memref<2x4x64xi32, #tpu.memory_space<vmem>> -> memref<1x1x64xi32, #tpu.memory_space<vmem>>
    %dma_wait3A_37 = tpu.memref_squeeze %dma_wait3A_36 : memref<1x1x64xi32, #tpu.memory_space<vmem>> -> memref<64xi32, #tpu.memory_space<vmem>>
    %dma_wait3A_38 = arith.constant 0 : i32
    %dma_wait3A_39 = arith.constant 0 : i32
    %dma_wait3A_40 = tpu.memref_slice %arg13[%dma_wait3A_38, %dma_wait3A_39] : memref<10240x128xf32, #tpu.memory_space<vmem_shared>> -> memref<10240x128xf32, #tpu.memory_space<vmem_shared>>
    tpu.wait_indirect_dma semaphore(%arg19 : memref<!tpu.dma_semaphore, #tpu.memory_space<semaphore_mem>>) src(%arg10 : memref<64x128xf32, #tpu.memory_space<vmem>>) dst(%dma_wait3A_40 : memref<10240x128xf32, #tpu.memory_space<vmem_shared>>)
    %dma_wait3A_41 = arith.constant 1 : i32
    %dma_wait3A_42 = arith.constant 2 : i32
    %dma_wait3A_43 = arith.constant 0 : i32
    %dma_wait3A_44 = tpu.memref_slice %arg8[%dma_wait3A_41, %dma_wait3A_42, %dma_wait3A_43] : memref<2x4x64xi32, #tpu.memory_space<vmem>> -> memref<1x1x64xi32, #tpu.memory_space<vmem>>
    %dma_wait3A_45 = tpu.memref_squeeze %dma_wait3A_44 : memref<1x1x64xi32, #tpu.memory_space<vmem>> -> memref<64xi32, #tpu.memory_space<vmem>>
    %dma_wait3A_46 = arith.constant 0 : i32
    %dma_wait3A_47 = arith.constant 0 : i32
    %dma_wait3A_48 = tpu.memref_slice %arg13[%dma_wait3A_46, %dma_wait3A_47] : memref<10240x128xf32, #tpu.memory_space<vmem_shared>> -> memref<10240x128xf32, #tpu.memory_space<vmem_shared>>
    tpu.wait_indirect_dma semaphore(%arg20 : memref<!tpu.dma_semaphore, #tpu.memory_space<semaphore_mem>>) src(%arg11 : memref<64x128xf32, #tpu.memory_space<vmem>>) dst(%dma_wait3A_48 : memref<10240x128xf32, #tpu.memory_space<vmem_shared>>)
    %dma_wait3A_49 = arith.constant 1 : i32
    %dma_wait3A_50 = arith.constant 3 : i32
    %dma_wait3A_51 = arith.constant 0 : i32
    %dma_wait3A_52 = tpu.memref_slice %arg8[%dma_wait3A_49, %dma_wait3A_50, %dma_wait3A_51] : memref<2x4x64xi32, #tpu.memory_space<vmem>> -> memref<1x1x64xi32, #tpu.memory_space<vmem>>
    %dma_wait3A_53 = tpu.memref_squeeze %dma_wait3A_52 : memref<1x1x64xi32, #tpu.memory_space<vmem>> -> memref<64xi32, #tpu.memory_space<vmem>>
    %dma_wait3A_54 = arith.constant 0 : i32
    %dma_wait3A_55 = arith.constant 0 : i32
    %dma_wait3A_56 = tpu.memref_slice %arg13[%dma_wait3A_54, %dma_wait3A_55] : memref<10240x128xf32, #tpu.memory_space<vmem_shared>> -> memref<10240x128xf32, #tpu.memory_space<vmem_shared>>
    tpu.wait_indirect_dma semaphore(%arg21 : memref<!tpu.dma_semaphore, #tpu.memory_space<semaphore_mem>>) src(%arg12 : memref<64x128xf32, #tpu.memory_space<vmem>>) dst(%dma_wait3A_56 : memref<10240x128xf32, #tpu.memory_space<vmem_shared>>)
    %barrier3A_57 = arith.constant 0 : index
    tpu.barrier barrier_id(%barrier3A_57)
    %mul3A_58 = arith.constant 640 : i32
    %mul3A_59 = arith.muli %arg1, %mul3A_58 : i32
    %mul3A_60 = arith.constant 10240 : i32
    %mul3A_61 = arith.muli %add3A_1, %mul3A_60 : i32
    %mul3A_62 = arith.constant 640 : i32
    %mul3A_63 = arith.muli %arg1, %mul3A_62 : i32
    %add3A_64 = arith.addi %mul3A_61, %mul3A_63 : i32
    "tpu.region"() ({
      %run_scoped3A_139 = tpu.sem_alloc : memref<!tpu.dma_semaphore, #tpu.memory_space<semaphore_mem>>
      %dma_start3A_140 = arith.constant 0 : i32
      %dma_start3A_141 = tpu.memref_slice %arg6[%add3A_64, %dma_start3A_140] : memref<40960x128xf32, #tpu.memory_space<hbm>> -> memref<640x128xf32, #tpu.memory_space<hbm>>
      %dma_start3A_142 = arith.constant 0 : i32
      %dma_start3A_143 = tpu.memref_slice %arg13[%mul3A_59, %dma_start3A_142] : memref<10240x128xf32, #tpu.memory_space<vmem_shared>> -> memref<640x128xf32, #tpu.memory_space<vmem_shared>>
      tpu.enqueue_dma source(%dma_start3A_143 : memref<640x128xf32, #tpu.memory_space<vmem_shared>>) target(%dma_start3A_141 : memref<640x128xf32, #tpu.memory_space<hbm>>) target_semaphore(%run_scoped3A_139 : memref<!tpu.dma_semaphore, #tpu.memory_space<semaphore_mem>>)
      %dma_wait3A_144 = arith.constant 0 : i32
      %dma_wait3A_145 = tpu.memref_slice %arg6[%add3A_64, %dma_wait3A_144] : memref<40960x128xf32, #tpu.memory_space<hbm>> -> memref<640x128xf32, #tpu.memory_space<hbm>>
      %dma_wait3A_146 = arith.constant 0 : i32
      %dma_wait3A_147 = tpu.memref_slice %arg13[%mul3A_59, %dma_wait3A_146] : memref<10240x128xf32, #tpu.memory_space<vmem_shared>> -> memref<640x128xf32, #tpu.memory_space<vmem_shared>>
      tpu.wait_dma2 semaphore(%run_scoped3A_139 : memref<!tpu.dma_semaphore, #tpu.memory_space<semaphore_mem>>) src(%dma_wait3A_147 : memref<640x128xf32, #tpu.memory_space<vmem_shared>>) dst(%dma_wait3A_145 : memref<640x128xf32, #tpu.memory_space<hbm>>)
      tpu.yield
    }) : () -> ()
    %barrier3A_65 = arith.constant 0 : index
    tpu.barrier barrier_id(%barrier3A_65)
    %mul3A_66 = arith.constant 2 : i32
    %mul3A_67 = arith.muli %arg0, %mul3A_66 : i32
    %add3A_68 = arith.constant 1 : i32
    %add3A_69 = arith.addi %mul3A_67, %add3A_68 : i32
    %mul3A_70 = arith.constant 640 : i32
    %mul3A_71 = arith.muli %arg1, %mul3A_70 : i32
    "tpu.region"() ({
      %run_scoped3A_139 = tpu.sem_alloc : memref<!tpu.dma_semaphore, #tpu.memory_space<semaphore_mem>>
      %dma_start3A_140 = arith.constant 0 : i32
      %dma_start3A_141 = tpu.memref_slice %arg13[%mul3A_71, %dma_start3A_140] : memref<10240x128xf32, #tpu.memory_space<vmem_shared>> -> memref<640x128xf32, #tpu.memory_space<vmem_shared>>
      tpu.enqueue_dma source(%arg5 : memref<640x128xf32, #tpu.memory_space<hbm>>) target(%dma_start3A_141 : memref<640x128xf32, #tpu.memory_space<vmem_shared>>) target_semaphore(%run_scoped3A_139 : memref<!tpu.dma_semaphore, #tpu.memory_space<semaphore_mem>>)
      %dma_wait3A_142 = arith.constant 0 : i32
      %dma_wait3A_143 = tpu.memref_slice %arg13[%mul3A_71, %dma_wait3A_142] : memref<10240x128xf32, #tpu.memory_space<vmem_shared>> -> memref<640x128xf32, #tpu.memory_space<vmem_shared>>
      tpu.wait_dma2 semaphore(%run_scoped3A_139 : memref<!tpu.dma_semaphore, #tpu.memory_space<semaphore_mem>>) src(%arg5 : memref<640x128xf32, #tpu.memory_space<hbm>>) dst(%dma_wait3A_143 : memref<640x128xf32, #tpu.memory_space<vmem_shared>>)
      tpu.yield
    }) : () -> ()
    %barrier3A_72 = arith.constant 0 : index
    tpu.barrier barrier_id(%barrier3A_72)
    %run_scoped3A_73 = arith.constant 0 : i32
    "tpu.region"() ({
      %run_scoped3A_139 = tpu.sem_alloc : memref<!tpu.dma_semaphore, #tpu.memory_space<semaphore_mem>>
      %dma_start3A_140 = arith.constant 0 : i32
      %dma_start3A_141 = arith.constant 0 : i32
      %dma_start3A_142 = tpu.memref_slice %arg7[%run_scoped3A_73, %dma_start3A_140, %dma_start3A_141] : memref<2x4x64xi32, #tpu.memory_space<vmem>> -> memref<1x4x64xi32, #tpu.memory_space<vmem>>
      %dma_start3A_143 = tpu.memref_squeeze %dma_start3A_142 : memref<1x4x64xi32, #tpu.memory_space<vmem>> -> memref<4x64xi32, #tpu.memory_space<vmem>>
      %dma_start3A_144 = arith.constant 0 : i32
      %dma_start3A_145 = arith.constant 0 : i32
      %dma_start3A_146 = tpu.memref_slice %arg2[%add3A_69, %arg1, %dma_start3A_144, %dma_start3A_145] : memref<4x16x160x64xi32, #tpu.memory_space<hbm>> -> memref<1x1x4x64xi32, #tpu.memory_space<hbm>>
      %dma_start3A_147 = tpu.memref_squeeze %dma_start3A_146 : memref<1x1x4x64xi32, #tpu.memory_space<hbm>> -> memref<4x64xi32, #tpu.memory_space<hbm>>
      %dma_start3A_148 = arith.constant 0 : i32
      %dma_start3A_149 = arith.constant 0 : i32
      %dma_start3A_150 = tpu.memref_slice %arg7[%run_scoped3A_73, %dma_start3A_148, %dma_start3A_149] : memref<2x4x64xi32, #tpu.memory_space<vmem>> -> memref<1x4x64xi32, #tpu.memory_space<vmem>>
      %dma_start3A_151 = tpu.memref_squeeze %dma_start3A_150 : memref<1x4x64xi32, #tpu.memory_space<vmem>> -> memref<4x64xi32, #tpu.memory_space<vmem>>
      %dma_start3A_152 = arith.constant 0 : i32
      %dma_start3A_153 = arith.constant 0 : i32
      %dma_start3A_154 = tpu.memref_slice %arg2[%add3A_69, %arg1, %dma_start3A_152, %dma_start3A_153] : memref<4x16x160x64xi32, #tpu.memory_space<hbm>> -> memref<1x1x4x64xi32, #tpu.memory_space<hbm>>
      %dma_start3A_155 = tpu.memref_squeeze %dma_start3A_154 : memref<1x1x4x64xi32, #tpu.memory_space<hbm>> -> memref<4x64xi32, #tpu.memory_space<hbm>>
      tpu.enqueue_dma source(%dma_start3A_155 : memref<4x64xi32, #tpu.memory_space<hbm>>) target(%dma_start3A_151 : memref<4x64xi32, #tpu.memory_space<vmem>>) target_semaphore(%run_scoped3A_139 : memref<!tpu.dma_semaphore, #tpu.memory_space<semaphore_mem>>)
      %dma_wait3A_156 = arith.constant 0 : i32
      %dma_wait3A_157 = arith.constant 0 : i32
      %dma_wait3A_158 = tpu.memref_slice %arg7[%run_scoped3A_73, %dma_wait3A_156, %dma_wait3A_157] : memref<2x4x64xi32, #tpu.memory_space<vmem>> -> memref<1x4x64xi32, #tpu.memory_space<vmem>>
      %dma_wait3A_159 = tpu.memref_squeeze %dma_wait3A_158 : memref<1x4x64xi32, #tpu.memory_space<vmem>> -> memref<4x64xi32, #tpu.memory_space<vmem>>
      %dma_wait3A_160 = arith.constant 0 : i32
      %dma_wait3A_161 = arith.constant 0 : i32
      %dma_wait3A_162 = tpu.memref_slice %arg2[%add3A_69, %arg1, %dma_wait3A_160, %dma_wait3A_161] : memref<4x16x160x64xi32, #tpu.memory_space<hbm>> -> memref<1x1x4x64xi32, #tpu.memory_space<hbm>>
      %dma_wait3A_163 = tpu.memref_squeeze %dma_wait3A_162 : memref<1x1x4x64xi32, #tpu.memory_space<hbm>> -> memref<4x64xi32, #tpu.memory_space<hbm>>
      %dma_wait3A_164 = arith.constant 0 : i32
      %dma_wait3A_165 = arith.constant 0 : i32
      %dma_wait3A_166 = tpu.memref_slice %arg7[%run_scoped3A_73, %dma_wait3A_164, %dma_wait3A_165] : memref<2x4x64xi32, #tpu.memory_space<vmem>> -> memref<1x4x64xi32, #tpu.memory_space<vmem>>
      %dma_wait3A_167 = tpu.memref_squeeze %dma_wait3A_166 : memref<1x4x64xi32, #tpu.memory_space<vmem>> -> memref<4x64xi32, #tpu.memory_space<vmem>>
      %dma_wait3A_168 = arith.constant 0 : i32
      %dma_wait3A_169 = arith.constant 0 : i32
      %dma_wait3A_170 = tpu.memref_slice %arg2[%add3A_69, %arg1, %dma_wait3A_168, %dma_wait3A_169] : memref<4x16x160x64xi32, #tpu.memory_space<hbm>> -> memref<1x1x4x64xi32, #tpu.memory_space<hbm>>
      %dma_wait3A_171 = tpu.memref_squeeze %dma_wait3A_170 : memref<1x1x4x64xi32, #tpu.memory_space<hbm>> -> memref<4x64xi32, #tpu.memory_space<hbm>>
      tpu.wait_dma2 semaphore(%run_scoped3A_139 : memref<!tpu.dma_semaphore, #tpu.memory_space<semaphore_mem>>) src(%dma_wait3A_171 : memref<4x64xi32, #tpu.memory_space<hbm>>) dst(%dma_wait3A_167 : memref<4x64xi32, #tpu.memory_space<vmem>>)
      tpu.yield
    }) : () -> ()
    %run_scoped3A_74 = arith.constant 0 : i32
    "tpu.region"() ({
      %run_scoped3A_139 = tpu.sem_alloc : memref<!tpu.dma_semaphore, #tpu.memory_space<semaphore_mem>>
      %dma_start3A_140 = arith.constant 0 : i32
      %dma_start3A_141 = arith.constant 0 : i32
      %dma_start3A_142 = tpu.memref_slice %arg8[%run_scoped3A_74, %dma_start3A_140, %dma_start3A_141] : memref<2x4x64xi32, #tpu.memory_space<vmem>> -> memref<1x4x64xi32, #tpu.memory_space<vmem>>
      %dma_start3A_143 = tpu.memref_squeeze %dma_start3A_142 : memref<1x4x64xi32, #tpu.memory_space<vmem>> -> memref<4x64xi32, #tpu.memory_space<vmem>>
      %dma_start3A_144 = arith.constant 0 : i32
      %dma_start3A_145 = arith.constant 0 : i32
      %dma_start3A_146 = tpu.memref_slice %arg3[%arg1, %dma_start3A_144, %dma_start3A_145] : memref<16x160x64xi32, #tpu.memory_space<hbm>> -> memref<1x4x64xi32, #tpu.memory_space<hbm>>
      %dma_start3A_147 = tpu.memref_squeeze %dma_start3A_146 : memref<1x4x64xi32, #tpu.memory_space<hbm>> -> memref<4x64xi32, #tpu.memory_space<hbm>>
      %dma_start3A_148 = arith.constant 0 : i32
      %dma_start3A_149 = arith.constant 0 : i32
      %dma_start3A_150 = tpu.memref_slice %arg8[%run_scoped3A_74, %dma_start3A_148, %dma_start3A_149] : memref<2x4x64xi32, #tpu.memory_space<vmem>> -> memref<1x4x64xi32, #tpu.memory_space<vmem>>
      %dma_start3A_151 = tpu.memref_squeeze %dma_start3A_150 : memref<1x4x64xi32, #tpu.memory_space<vmem>> -> memref<4x64xi32, #tpu.memory_space<vmem>>
      %dma_start3A_152 = arith.constant 0 : i32
      %dma_start3A_153 = arith.constant 0 : i32
      %dma_start3A_154 = tpu.memref_slice %arg3[%arg1, %dma_start3A_152, %dma_start3A_153] : memref<16x160x64xi32, #tpu.memory_space<hbm>> -> memref<1x4x64xi32, #tpu.memory_space<hbm>>
      %dma_start3A_155 = tpu.memref_squeeze %dma_start3A_154 : memref<1x4x64xi32, #tpu.memory_space<hbm>> -> memref<4x64xi32, #tpu.memory_space<hbm>>
      tpu.enqueue_dma source(%dma_start3A_155 : memref<4x64xi32, #tpu.memory_space<hbm>>) target(%dma_start3A_151 : memref<4x64xi32, #tpu.memory_space<vmem>>) target_semaphore(%run_scoped3A_139 : memref<!tpu.dma_semaphore, #tpu.memory_space<semaphore_mem>>)
      %dma_wait3A_156 = arith.constant 0 : i32
      %dma_wait3A_157 = arith.constant 0 : i32
      %dma_wait3A_158 = tpu.memref_slice %arg8[%run_scoped3A_74, %dma_wait3A_156, %dma_wait3A_157] : memref<2x4x64xi32, #tpu.memory_space<vmem>> -> memref<1x4x64xi32, #tpu.memory_space<vmem>>
      %dma_wait3A_159 = tpu.memref_squeeze %dma_wait3A_158 : memref<1x4x64xi32, #tpu.memory_space<vmem>> -> memref<4x64xi32, #tpu.memory_space<vmem>>
      %dma_wait3A_160 = arith.constant 0 : i32
      %dma_wait3A_161 = arith.constant 0 : i32
      %dma_wait3A_162 = tpu.memref_slice %arg3[%arg1, %dma_wait3A_160, %dma_wait3A_161] : memref<16x160x64xi32, #tpu.memory_space<hbm>> -> memref<1x4x64xi32, #tpu.memory_space<hbm>>
      %dma_wait3A_163 = tpu.memref_squeeze %dma_wait3A_162 : memref<1x4x64xi32, #tpu.memory_space<hbm>> -> memref<4x64xi32, #tpu.memory_space<hbm>>
      %dma_wait3A_164 = arith.constant 0 : i32
      %dma_wait3A_165 = arith.constant 0 : i32
      %dma_wait3A_166 = tpu.memref_slice %arg8[%run_scoped3A_74, %dma_wait3A_164, %dma_wait3A_165] : memref<2x4x64xi32, #tpu.memory_space<vmem>> -> memref<1x4x64xi32, #tpu.memory_space<vmem>>
      %dma_wait3A_167 = tpu.memref_squeeze %dma_wait3A_166 : memref<1x4x64xi32, #tpu.memory_space<vmem>> -> memref<4x64xi32, #tpu.memory_space<vmem>>
      %dma_wait3A_168 = arith.constant 0 : i32
      %dma_wait3A_169 = arith.constant 0 : i32
      %dma_wait3A_170 = tpu.memref_slice %arg3[%arg1, %dma_wait3A_168, %dma_wait3A_169] : memref<16x160x64xi32, #tpu.memory_space<hbm>> -> memref<1x4x64xi32, #tpu.memory_space<hbm>>
      %dma_wait3A_171 = tpu.memref_squeeze %dma_wait3A_170 : memref<1x4x64xi32, #tpu.memory_space<hbm>> -> memref<4x64xi32, #tpu.memory_space<hbm>>
      tpu.wait_dma2 semaphore(%run_scoped3A_139 : memref<!tpu.dma_semaphore, #tpu.memory_space<semaphore_mem>>) src(%dma_wait3A_171 : memref<4x64xi32, #tpu.memory_space<hbm>>) dst(%dma_wait3A_167 : memref<4x64xi32, #tpu.memory_space<vmem>>)
      tpu.yield
    }) : () -> ()
    %dma_start3A_75 = arith.constant 0 : i32
    %dma_start3A_76 = arith.constant 0 : i32
    %dma_start3A_77 = arith.constant 0 : i32
    %dma_start3A_78 = tpu.memref_slice %arg7[%dma_start3A_75, %dma_start3A_76, %dma_start3A_77] : memref<2x4x64xi32, #tpu.memory_space<vmem>> -> memref<1x1x64xi32, #tpu.memory_space<vmem>>
    %dma_start3A_79 = tpu.memref_squeeze %dma_start3A_78 : memref<1x1x64xi32, #tpu.memory_space<vmem>> -> memref<64xi32, #tpu.memory_space<vmem>>
    %dma_start3A_80 = arith.constant 0 : i32
    %dma_start3A_81 = arith.constant 0 : i32
    %dma_start3A_82 = tpu.memref_slice %arg4[%dma_start3A_80, %dma_start3A_81] : memref<40960x128xf32, #tpu.memory_space<hbm>> -> memref<40960x128xf32, #tpu.memory_space<hbm>>
    tpu.enqueue_indirect_dma source(%dma_start3A_82 : memref<40960x128xf32, #tpu.memory_space<hbm>>) target(%arg9 : memref<64x128xf32, #tpu.memory_space<vmem>>) offsets(%dma_start3A_79 : memref<64xi32, #tpu.memory_space<vmem>>) semaphore(%arg14 : memref<!tpu.dma_semaphore, #tpu.memory_space<semaphore_mem>>)
    %dma_start3A_83 = arith.constant 0 : i32
    %dma_start3A_84 = arith.constant 1 : i32
    %dma_start3A_85 = arith.constant 0 : i32
    %dma_start3A_86 = tpu.memref_slice %arg7[%dma_start3A_83, %dma_start3A_84, %dma_start3A_85] : memref<2x4x64xi32, #tpu.memory_space<vmem>> -> memref<1x1x64xi32, #tpu.memory_space<vmem>>
    %dma_start3A_87 = tpu.memref_squeeze %dma_start3A_86 : memref<1x1x64xi32, #tpu.memory_space<vmem>> -> memref<64xi32, #tpu.memory_space<vmem>>
    %dma_start3A_88 = arith.constant 0 : i32
    %dma_start3A_89 = arith.constant 0 : i32
    %dma_start3A_90 = tpu.memref_slice %arg4[%dma_start3A_88, %dma_start3A_89] : memref<40960x128xf32, #tpu.memory_space<hbm>> -> memref<40960x128xf32, #tpu.memory_space<hbm>>
    tpu.enqueue_indirect_dma source(%dma_start3A_90 : memref<40960x128xf32, #tpu.memory_space<hbm>>) target(%arg10 : memref<64x128xf32, #tpu.memory_space<vmem>>) offsets(%dma_start3A_87 : memref<64xi32, #tpu.memory_space<vmem>>) semaphore(%arg15 : memref<!tpu.dma_semaphore, #tpu.memory_space<semaphore_mem>>)
    %scan3A_91 = arith.constant 0 : i32
    %scan3A_92 = arith.constant 0 : i32
    %scan3A_93 = arith.constant 40 : i32
    %scan3A_94 = arith.addi %scan3A_92, %scan3A_93 : i32
    %scan3A_95 = arith.constant 1 : i32
    %scan3A_96 = scf.for %scan3A_139 = %scan3A_92 to %scan3A_94 step %scan3A_95 iter_args(%scan3A_140 = %scan3A_91) -> (i32)  : i32 {
      %rem3A = arith.constant 2 : i32
      %rem3A_141 = arith.remsi %scan3A_139, %rem3A : i32
      %add3A_142 = arith.constant 1 : i32
      %add3A_143 = arith.addi %scan3A_139, %add3A_142 : i32
      %rem3A_144 = arith.constant 2 : i32
      %rem3A_145 = arith.remsi %add3A_143, %rem3A_144 : i32
      %lt3A = arith.constant 39 : i32
      %lt3A_146 = arith.cmpi slt, %scan3A_139, %lt3A : i32
      %convert_element_type3A = arith.extui %lt3A_146 : i1 to i32
      %cond3A = arith.constant 0 : i32
      %cond3A_147 = arith.cmpi ne, %convert_element_type3A, %cond3A : i32
      scf.if %cond3A_147 {
        %add3A_234 = arith.constant 1 : i32
        %add3A_235 = arith.addi %scan3A_139, %add3A_234 : i32
        %mul3A_236 = arith.constant 4 : i32
        %mul3A_237 = arith.muli %mul3A_236, %add3A_235 : i32
        "tpu.region"() ({
          %run_scoped3A_242 = tpu.sem_alloc : memref<!tpu.dma_semaphore, #tpu.memory_space<semaphore_mem>>
          %dma_start3A_243 = arith.constant 0 : i32
          %dma_start3A_244 = arith.constant 0 : i32
          %dma_start3A_245 = tpu.memref_slice %arg7[%rem3A_145, %dma_start3A_243, %dma_start3A_244] : memref<2x4x64xi32, #tpu.memory_space<vmem>> -> memref<1x4x64xi32, #tpu.memory_space<vmem>>
          %dma_start3A_246 = tpu.memref_squeeze %dma_start3A_245 : memref<1x4x64xi32, #tpu.memory_space<vmem>> -> memref<4x64xi32, #tpu.memory_space<vmem>>
          %dma_start3A_247 = arith.constant 0 : i32
          %dma_start3A_248 = tpu.memref_slice %arg2[%add3A_69, %arg1, %mul3A_237, %dma_start3A_247] : memref<4x16x160x64xi32, #tpu.memory_space<hbm>> -> memref<1x1x4x64xi32, #tpu.memory_space<hbm>>
          %dma_start3A_249 = tpu.memref_squeeze %dma_start3A_248 : memref<1x1x4x64xi32, #tpu.memory_space<hbm>> -> memref<4x64xi32, #tpu.memory_space<hbm>>
          %dma_start3A_250 = arith.constant 0 : i32
          %dma_start3A_251 = arith.constant 0 : i32
          %dma_start3A_252 = tpu.memref_slice %arg7[%rem3A_145, %dma_start3A_250, %dma_start3A_251] : memref<2x4x64xi32, #tpu.memory_space<vmem>> -> memref<1x4x64xi32, #tpu.memory_space<vmem>>
          %dma_start3A_253 = tpu.memref_squeeze %dma_start3A_252 : memref<1x4x64xi32, #tpu.memory_space<vmem>> -> memref<4x64xi32, #tpu.memory_space<vmem>>
          %dma_start3A_254 = arith.constant 0 : i32
          %dma_start3A_255 = tpu.memref_slice %arg2[%add3A_69, %arg1, %mul3A_237, %dma_start3A_254] : memref<4x16x160x64xi32, #tpu.memory_space<hbm>> -> memref<1x1x4x64xi32, #tpu.memory_space<hbm>>
          %dma_start3A_256 = tpu.memref_squeeze %dma_start3A_255 : memref<1x1x4x64xi32, #tpu.memory_space<hbm>> -> memref<4x64xi32, #tpu.memory_space<hbm>>
          tpu.enqueue_dma source(%dma_start3A_256 : memref<4x64xi32, #tpu.memory_space<hbm>>) target(%dma_start3A_253 : memref<4x64xi32, #tpu.memory_space<vmem>>) target_semaphore(%run_scoped3A_242 : memref<!tpu.dma_semaphore, #tpu.memory_space<semaphore_mem>>)
          %dma_wait3A_257 = arith.constant 0 : i32
          %dma_wait3A_258 = arith.constant 0 : i32
          %dma_wait3A_259 = tpu.memref_slice %arg7[%rem3A_145, %dma_wait3A_257, %dma_wait3A_258] : memref<2x4x64xi32, #tpu.memory_space<vmem>> -> memref<1x4x64xi32, #tpu.memory_space<vmem>>
          %dma_wait3A_260 = tpu.memref_squeeze %dma_wait3A_259 : memref<1x4x64xi32, #tpu.memory_space<vmem>> -> memref<4x64xi32, #tpu.memory_space<vmem>>
          %dma_wait3A_261 = arith.constant 0 : i32
          %dma_wait3A_262 = tpu.memref_slice %arg2[%add3A_69, %arg1, %mul3A_237, %dma_wait3A_261] : memref<4x16x160x64xi32, #tpu.memory_space<hbm>> -> memref<1x1x4x64xi32, #tpu.memory_space<hbm>>
          %dma_wait3A_263 = tpu.memref_squeeze %dma_wait3A_262 : memref<1x1x4x64xi32, #tpu.memory_space<hbm>> -> memref<4x64xi32, #tpu.memory_space<hbm>>
          %dma_wait3A_264 = arith.constant 0 : i32
          %dma_wait3A_265 = arith.constant 0 : i32
          %dma_wait3A_266 = tpu.memref_slice %arg7[%rem3A_145, %dma_wait3A_264, %dma_wait3A_265] : memref<2x4x64xi32, #tpu.memory_space<vmem>> -> memref<1x4x64xi32, #tpu.memory_space<vmem>>
          %dma_wait3A_267 = tpu.memref_squeeze %dma_wait3A_266 : memref<1x4x64xi32, #tpu.memory_space<vmem>> -> memref<4x64xi32, #tpu.memory_space<vmem>>
          %dma_wait3A_268 = arith.constant 0 : i32
          %dma_wait3A_269 = tpu.memref_slice %arg2[%add3A_69, %arg1, %mul3A_237, %dma_wait3A_268] : memref<4x16x160x64xi32, #tpu.memory_space<hbm>> -> memref<1x1x4x64xi32, #tpu.memory_space<hbm>>
          %dma_wait3A_270 = tpu.memref_squeeze %dma_wait3A_269 : memref<1x1x4x64xi32, #tpu.memory_space<hbm>> -> memref<4x64xi32, #tpu.memory_space<hbm>>
          tpu.wait_dma2 semaphore(%run_scoped3A_242 : memref<!tpu.dma_semaphore, #tpu.memory_space<semaphore_mem>>) src(%dma_wait3A_270 : memref<4x64xi32, #tpu.memory_space<hbm>>) dst(%dma_wait3A_267 : memref<4x64xi32, #tpu.memory_space<vmem>>)
          tpu.yield
        }) : () -> ()
        %add3A_238 = arith.constant 1 : i32
        %add3A_239 = arith.addi %scan3A_139, %add3A_238 : i32
        %mul3A_240 = arith.constant 4 : i32
        %mul3A_241 = arith.muli %mul3A_240, %add3A_239 : i32
        "tpu.region"() ({
          %run_scoped3A_242 = tpu.sem_alloc : memref<!tpu.dma_semaphore, #tpu.memory_space<semaphore_mem>>
          %dma_start3A_243 = arith.constant 0 : i32
          %dma_start3A_244 = arith.constant 0 : i32
          %dma_start3A_245 = tpu.memref_slice %arg8[%rem3A_145, %dma_start3A_243, %dma_start3A_244] : memref<2x4x64xi32, #tpu.memory_space<vmem>> -> memref<1x4x64xi32, #tpu.memory_space<vmem>>
          %dma_start3A_246 = tpu.memref_squeeze %dma_start3A_245 : memref<1x4x64xi32, #tpu.memory_space<vmem>> -> memref<4x64xi32, #tpu.memory_space<vmem>>
          %dma_start3A_247 = arith.constant 0 : i32
          %dma_start3A_248 = tpu.memref_slice %arg3[%arg1, %mul3A_241, %dma_start3A_247] : memref<16x160x64xi32, #tpu.memory_space<hbm>> -> memref<1x4x64xi32, #tpu.memory_space<hbm>>
          %dma_start3A_249 = tpu.memref_squeeze %dma_start3A_248 : memref<1x4x64xi32, #tpu.memory_space<hbm>> -> memref<4x64xi32, #tpu.memory_space<hbm>>
          %dma_start3A_250 = arith.constant 0 : i32
          %dma_start3A_251 = arith.constant 0 : i32
          %dma_start3A_252 = tpu.memref_slice %arg8[%rem3A_145, %dma_start3A_250, %dma_start3A_251] : memref<2x4x64xi32, #tpu.memory_space<vmem>> -> memref<1x4x64xi32, #tpu.memory_space<vmem>>
          %dma_start3A_253 = tpu.memref_squeeze %dma_start3A_252 : memref<1x4x64xi32, #tpu.memory_space<vmem>> -> memref<4x64xi32, #tpu.memory_space<vmem>>
          %dma_start3A_254 = arith.constant 0 : i32
          %dma_start3A_255 = tpu.memref_slice %arg3[%arg1, %mul3A_241, %dma_start3A_254] : memref<16x160x64xi32, #tpu.memory_space<hbm>> -> memref<1x4x64xi32, #tpu.memory_space<hbm>>
          %dma_start3A_256 = tpu.memref_squeeze %dma_start3A_255 : memref<1x4x64xi32, #tpu.memory_space<hbm>> -> memref<4x64xi32, #tpu.memory_space<hbm>>
          tpu.enqueue_dma source(%dma_start3A_256 : memref<4x64xi32, #tpu.memory_space<hbm>>) target(%dma_start3A_253 : memref<4x64xi32, #tpu.memory_space<vmem>>) target_semaphore(%run_scoped3A_242 : memref<!tpu.dma_semaphore, #tpu.memory_space<semaphore_mem>>)
          %dma_wait3A_257 = arith.constant 0 : i32
          %dma_wait3A_258 = arith.constant 0 : i32
          %dma_wait3A_259 = tpu.memref_slice %arg8[%rem3A_145, %dma_wait3A_257, %dma_wait3A_258] : memref<2x4x64xi32, #tpu.memory_space<vmem>> -> memref<1x4x64xi32, #tpu.memory_space<vmem>>
          %dma_wait3A_260 = tpu.memref_squeeze %dma_wait3A_259 : memref<1x4x64xi32, #tpu.memory_space<vmem>> -> memref<4x64xi32, #tpu.memory_space<vmem>>
          %dma_wait3A_261 = arith.constant 0 : i32
          %dma_wait3A_262 = tpu.memref_slice %arg3[%arg1, %mul3A_241, %dma_wait3A_261] : memref<16x160x64xi32, #tpu.memory_space<hbm>> -> memref<1x4x64xi32, #tpu.memory_space<hbm>>
          %dma_wait3A_263 = tpu.memref_squeeze %dma_wait3A_262 : memref<1x4x64xi32, #tpu.memory_space<hbm>> -> memref<4x64xi32, #tpu.memory_space<hbm>>
          %dma_wait3A_264 = arith.constant 0 : i32
          %dma_wait3A_265 = arith.constant 0 : i32
          %dma_wait3A_266 = tpu.memref_slice %arg8[%rem3A_145, %dma_wait3A_264, %dma_wait3A_265] : memref<2x4x64xi32, #tpu.memory_space<vmem>> -> memref<1x4x64xi32, #tpu.memory_space<vmem>>
          %dma_wait3A_267 = tpu.memref_squeeze %dma_wait3A_266 : memref<1x4x64xi32, #tpu.memory_space<vmem>> -> memref<4x64xi32, #tpu.memory_space<vmem>>
          %dma_wait3A_268 = arith.constant 0 : i32
          %dma_wait3A_269 = tpu.memref_slice %arg3[%arg1, %mul3A_241, %dma_wait3A_268] : memref<16x160x64xi32, #tpu.memory_space<hbm>> -> memref<1x4x64xi32, #tpu.memory_space<hbm>>
          %dma_wait3A_270 = tpu.memref_squeeze %dma_wait3A_269 : memref<1x4x64xi32, #tpu.memory_space<hbm>> -> memref<4x64xi32, #tpu.memory_space<hbm>>
          tpu.wait_dma2 semaphore(%run_scoped3A_242 : memref<!tpu.dma_semaphore, #tpu.memory_space<semaphore_mem>>) src(%dma_wait3A_270 : memref<4x64xi32, #tpu.memory_space<hbm>>) dst(%dma_wait3A_267 : memref<4x64xi32, #tpu.memory_space<vmem>>)
          tpu.yield
        }) : () -> ()
      } else {
      }
      %dma_wait3A_148 = arith.constant 0 : i32
      %dma_wait3A_149 = arith.constant 0 : i32
      %dma_wait3A_150 = tpu.memref_slice %arg7[%rem3A_141, %dma_wait3A_148, %dma_wait3A_149] : memref<2x4x64xi32, #tpu.memory_space<vmem>> -> memref<1x1x64xi32, #tpu.memory_space<vmem>>
      %dma_wait3A_151 = tpu.memref_squeeze %dma_wait3A_150 : memref<1x1x64xi32, #tpu.memory_space<vmem>> -> memref<64xi32, #tpu.memory_space<vmem>>
      %dma_wait3A_152 = arith.constant 0 : i32
      %dma_wait3A_153 = arith.constant 0 : i32
      %dma_wait3A_154 = tpu.memref_slice %arg4[%dma_wait3A_152, %dma_wait3A_153] : memref<40960x128xf32, #tpu.memory_space<hbm>> -> memref<40960x128xf32, #tpu.memory_space<hbm>>
      tpu.wait_indirect_dma semaphore(%arg14 : memref<!tpu.dma_semaphore, #tpu.memory_space<semaphore_mem>>) src(%dma_wait3A_154 : memref<40960x128xf32, #tpu.memory_space<hbm>>) dst(%arg9 : memref<64x128xf32, #tpu.memory_space<vmem>>)
      %gt3A = arith.constant 0 : i32
      %gt3A_155 = arith.cmpi sgt, %scan3A_139, %gt3A : i32
      %convert_element_type3A_156 = arith.extui %gt3A_155 : i1 to i32
      %cond3A_157 = arith.constant 0 : i32
      %cond3A_158 = arith.cmpi ne, %convert_element_type3A_156, %cond3A_157 : i32
      scf.if %cond3A_158 {
        %dma_wait3A_234 = arith.constant 2 : i32
        %dma_wait3A_235 = arith.constant 0 : i32
        %dma_wait3A_236 = tpu.memref_slice %arg8[%rem3A_145, %dma_wait3A_234, %dma_wait3A_235] : memref<2x4x64xi32, #tpu.memory_space<vmem>> -> memref<1x1x64xi32, #tpu.memory_space<vmem>>
        %dma_wait3A_237 = tpu.memref_squeeze %dma_wait3A_236 : memref<1x1x64xi32, #tpu.memory_space<vmem>> -> memref<64xi32, #tpu.memory_space<vmem>>
        %dma_wait3A_238 = arith.constant 0 : i32
        %dma_wait3A_239 = arith.constant 0 : i32
        %dma_wait3A_240 = tpu.memref_slice %arg13[%dma_wait3A_238, %dma_wait3A_239] : memref<10240x128xf32, #tpu.memory_space<vmem_shared>> -> memref<10240x128xf32, #tpu.memory_space<vmem_shared>>
        tpu.wait_indirect_dma semaphore(%arg20 : memref<!tpu.dma_semaphore, #tpu.memory_space<semaphore_mem>>) src(%arg11 : memref<64x128xf32, #tpu.memory_space<vmem>>) dst(%dma_wait3A_240 : memref<10240x128xf32, #tpu.memory_space<vmem_shared>>)
      } else {
      }
      %dma_start3A_159 = arith.constant 2 : i32
      %dma_start3A_160 = arith.constant 0 : i32
      %dma_start3A_161 = tpu.memref_slice %arg7[%rem3A_141, %dma_start3A_159, %dma_start3A_160] : memref<2x4x64xi32, #tpu.memory_space<vmem>> -> memref<1x1x64xi32, #tpu.memory_space<vmem>>
      %dma_start3A_162 = tpu.memref_squeeze %dma_start3A_161 : memref<1x1x64xi32, #tpu.memory_space<vmem>> -> memref<64xi32, #tpu.memory_space<vmem>>
      %dma_start3A_163 = arith.constant 0 : i32
      %dma_start3A_164 = arith.constant 0 : i32
      %dma_start3A_165 = tpu.memref_slice %arg4[%dma_start3A_163, %dma_start3A_164] : memref<40960x128xf32, #tpu.memory_space<hbm>> -> memref<40960x128xf32, #tpu.memory_space<hbm>>
      tpu.enqueue_indirect_dma source(%dma_start3A_165 : memref<40960x128xf32, #tpu.memory_space<hbm>>) target(%arg11 : memref<64x128xf32, #tpu.memory_space<vmem>>) offsets(%dma_start3A_162 : memref<64xi32, #tpu.memory_space<vmem>>) semaphore(%arg16 : memref<!tpu.dma_semaphore, #tpu.memory_space<semaphore_mem>>)
      %dma_start3A_166 = arith.constant 0 : i32
      %dma_start3A_167 = arith.constant 0 : i32
      %dma_start3A_168 = tpu.memref_slice %arg8[%rem3A_141, %dma_start3A_166, %dma_start3A_167] : memref<2x4x64xi32, #tpu.memory_space<vmem>> -> memref<1x1x64xi32, #tpu.memory_space<vmem>>
      %dma_start3A_169 = tpu.memref_squeeze %dma_start3A_168 : memref<1x1x64xi32, #tpu.memory_space<vmem>> -> memref<64xi32, #tpu.memory_space<vmem>>
      %dma_start3A_170 = arith.constant 0 : i32
      %dma_start3A_171 = arith.constant 0 : i32
      %dma_start3A_172 = tpu.memref_slice %arg13[%dma_start3A_170, %dma_start3A_171] : memref<10240x128xf32, #tpu.memory_space<vmem_shared>> -> memref<10240x128xf32, #tpu.memory_space<vmem_shared>>
      tpu.enqueue_indirect_dma source(%arg9 : memref<64x128xf32, #tpu.memory_space<vmem>>) target(%dma_start3A_172 : memref<10240x128xf32, #tpu.memory_space<vmem_shared>>) offsets(%dma_start3A_169 : memref<64xi32, #tpu.memory_space<vmem>>) semaphore(%arg18 : memref<!tpu.dma_semaphore, #tpu.memory_space<semaphore_mem>>) {add = true}
      %dma_wait3A_173 = arith.constant 1 : i32
      %dma_wait3A_174 = arith.constant 0 : i32
      %dma_wait3A_175 = tpu.memref_slice %arg7[%rem3A_141, %dma_wait3A_173, %dma_wait3A_174] : memref<2x4x64xi32, #tpu.memory_space<vmem>> -> memref<1x1x64xi32, #tpu.memory_space<vmem>>
      %dma_wait3A_176 = tpu.memref_squeeze %dma_wait3A_175 : memref<1x1x64xi32, #tpu.memory_space<vmem>> -> memref<64xi32, #tpu.memory_space<vmem>>
      %dma_wait3A_177 = arith.constant 0 : i32
      %dma_wait3A_178 = arith.constant 0 : i32
      %dma_wait3A_179 = tpu.memref_slice %arg4[%dma_wait3A_177, %dma_wait3A_178] : memref<40960x128xf32, #tpu.memory_space<hbm>> -> memref<40960x128xf32, #tpu.memory_space<hbm>>
      tpu.wait_indirect_dma semaphore(%arg15 : memref<!tpu.dma_semaphore, #tpu.memory_space<semaphore_mem>>) src(%dma_wait3A_179 : memref<40960x128xf32, #tpu.memory_space<hbm>>) dst(%arg10 : memref<64x128xf32, #tpu.memory_space<vmem>>)
      %gt3A_180 = arith.constant 0 : i32
      %gt3A_181 = arith.cmpi sgt, %scan3A_139, %gt3A_180 : i32
      %convert_element_type3A_182 = arith.extui %gt3A_181 : i1 to i32
      %cond3A_183 = arith.constant 0 : i32
      %cond3A_184 = arith.cmpi ne, %convert_element_type3A_182, %cond3A_183 : i32
      scf.if %cond3A_184 {
        %dma_wait3A_234 = arith.constant 3 : i32
        %dma_wait3A_235 = arith.constant 0 : i32
        %dma_wait3A_236 = tpu.memref_slice %arg8[%rem3A_145, %dma_wait3A_234, %dma_wait3A_235] : memref<2x4x64xi32, #tpu.memory_space<vmem>> -> memref<1x1x64xi32, #tpu.memory_space<vmem>>
        %dma_wait3A_237 = tpu.memref_squeeze %dma_wait3A_236 : memref<1x1x64xi32, #tpu.memory_space<vmem>> -> memref<64xi32, #tpu.memory_space<vmem>>
        %dma_wait3A_238 = arith.constant 0 : i32
        %dma_wait3A_239 = arith.constant 0 : i32
        %dma_wait3A_240 = tpu.memref_slice %arg13[%dma_wait3A_238, %dma_wait3A_239] : memref<10240x128xf32, #tpu.memory_space<vmem_shared>> -> memref<10240x128xf32, #tpu.memory_space<vmem_shared>>
        tpu.wait_indirect_dma semaphore(%arg21 : memref<!tpu.dma_semaphore, #tpu.memory_space<semaphore_mem>>) src(%arg12 : memref<64x128xf32, #tpu.memory_space<vmem>>) dst(%dma_wait3A_240 : memref<10240x128xf32, #tpu.memory_space<vmem_shared>>)
      } else {
      }
      %dma_start3A_185 = arith.constant 3 : i32
      %dma_start3A_186 = arith.constant 0 : i32
      %dma_start3A_187 = tpu.memref_slice %arg7[%rem3A_141, %dma_start3A_185, %dma_start3A_186] : memref<2x4x64xi32, #tpu.memory_space<vmem>> -> memref<1x1x64xi32, #tpu.memory_space<vmem>>
      %dma_start3A_188 = tpu.memref_squeeze %dma_start3A_187 : memref<1x1x64xi32, #tpu.memory_space<vmem>> -> memref<64xi32, #tpu.memory_space<vmem>>
      %dma_start3A_189 = arith.constant 0 : i32
      %dma_start3A_190 = arith.constant 0 : i32
      %dma_start3A_191 = tpu.memref_slice %arg4[%dma_start3A_189, %dma_start3A_190] : memref<40960x128xf32, #tpu.memory_space<hbm>> -> memref<40960x128xf32, #tpu.memory_space<hbm>>
      tpu.enqueue_indirect_dma source(%dma_start3A_191 : memref<40960x128xf32, #tpu.memory_space<hbm>>) target(%arg12 : memref<64x128xf32, #tpu.memory_space<vmem>>) offsets(%dma_start3A_188 : memref<64xi32, #tpu.memory_space<vmem>>) semaphore(%arg17 : memref<!tpu.dma_semaphore, #tpu.memory_space<semaphore_mem>>)
      %dma_start3A_192 = arith.constant 1 : i32
      %dma_start3A_193 = arith.constant 0 : i32
      %dma_start3A_194 = tpu.memref_slice %arg8[%rem3A_141, %dma_start3A_192, %dma_start3A_193] : memref<2x4x64xi32, #tpu.memory_space<vmem>> -> memref<1x1x64xi32, #tpu.memory_space<vmem>>
      %dma_start3A_195 = tpu.memref_squeeze %dma_start3A_194 : memref<1x1x64xi32, #tpu.memory_space<vmem>> -> memref<64xi32, #tpu.memory_space<vmem>>
      %dma_start3A_196 = arith.constant 0 : i32
      %dma_start3A_197 = arith.constant 0 : i32
      %dma_start3A_198 = tpu.memref_slice %arg13[%dma_start3A_196, %dma_start3A_197] : memref<10240x128xf32, #tpu.memory_space<vmem_shared>> -> memref<10240x128xf32, #tpu.memory_space<vmem_shared>>
      tpu.enqueue_indirect_dma source(%arg10 : memref<64x128xf32, #tpu.memory_space<vmem>>) target(%dma_start3A_198 : memref<10240x128xf32, #tpu.memory_space<vmem_shared>>) offsets(%dma_start3A_195 : memref<64xi32, #tpu.memory_space<vmem>>) semaphore(%arg19 : memref<!tpu.dma_semaphore, #tpu.memory_space<semaphore_mem>>) {add = true}
      %dma_wait3A_199 = arith.constant 2 : i32
      %dma_wait3A_200 = arith.constant 0 : i32
      %dma_wait3A_201 = tpu.memref_slice %arg7[%rem3A_141, %dma_wait3A_199, %dma_wait3A_200] : memref<2x4x64xi32, #tpu.memory_space<vmem>> -> memref<1x1x64xi32, #tpu.memory_space<vmem>>
      %dma_wait3A_202 = tpu.memref_squeeze %dma_wait3A_201 : memref<1x1x64xi32, #tpu.memory_space<vmem>> -> memref<64xi32, #tpu.memory_space<vmem>>
      %dma_wait3A_203 = arith.constant 0 : i32
      %dma_wait3A_204 = arith.constant 0 : i32
      %dma_wait3A_205 = tpu.memref_slice %arg4[%dma_wait3A_203, %dma_wait3A_204] : memref<40960x128xf32, #tpu.memory_space<hbm>> -> memref<40960x128xf32, #tpu.memory_space<hbm>>
      tpu.wait_indirect_dma semaphore(%arg16 : memref<!tpu.dma_semaphore, #tpu.memory_space<semaphore_mem>>) src(%dma_wait3A_205 : memref<40960x128xf32, #tpu.memory_space<hbm>>) dst(%arg11 : memref<64x128xf32, #tpu.memory_space<vmem>>)
      %convert_element_type3A_206 = arith.extui %lt3A_146 : i1 to i32
      %cond3A_207 = arith.constant 0 : i32
      %cond3A_208 = arith.cmpi ne, %convert_element_type3A_206, %cond3A_207 : i32
      scf.if %cond3A_208 {
        %dma_wait3A_234 = arith.constant 0 : i32
        %dma_wait3A_235 = arith.constant 0 : i32
        %dma_wait3A_236 = tpu.memref_slice %arg8[%rem3A_141, %dma_wait3A_234, %dma_wait3A_235] : memref<2x4x64xi32, #tpu.memory_space<vmem>> -> memref<1x1x64xi32, #tpu.memory_space<vmem>>
        %dma_wait3A_237 = tpu.memref_squeeze %dma_wait3A_236 : memref<1x1x64xi32, #tpu.memory_space<vmem>> -> memref<64xi32, #tpu.memory_space<vmem>>
        %dma_wait3A_238 = arith.constant 0 : i32
        %dma_wait3A_239 = arith.constant 0 : i32
        %dma_wait3A_240 = tpu.memref_slice %arg13[%dma_wait3A_238, %dma_wait3A_239] : memref<10240x128xf32, #tpu.memory_space<vmem_shared>> -> memref<10240x128xf32, #tpu.memory_space<vmem_shared>>
        tpu.wait_indirect_dma semaphore(%arg18 : memref<!tpu.dma_semaphore, #tpu.memory_space<semaphore_mem>>) src(%arg9 : memref<64x128xf32, #tpu.memory_space<vmem>>) dst(%dma_wait3A_240 : memref<10240x128xf32, #tpu.memory_space<vmem_shared>>)
        %dma_start3A_241 = arith.constant 0 : i32
        %dma_start3A_242 = arith.constant 0 : i32
        %dma_start3A_243 = tpu.memref_slice %arg7[%rem3A_145, %dma_start3A_241, %dma_start3A_242] : memref<2x4x64xi32, #tpu.memory_space<vmem>> -> memref<1x1x64xi32, #tpu.memory_space<vmem>>
        %dma_start3A_244 = tpu.memref_squeeze %dma_start3A_243 : memref<1x1x64xi32, #tpu.memory_space<vmem>> -> memref<64xi32, #tpu.memory_space<vmem>>
        %dma_start3A_245 = arith.constant 0 : i32
        %dma_start3A_246 = arith.constant 0 : i32
        %dma_start3A_247 = tpu.memref_slice %arg4[%dma_start3A_245, %dma_start3A_246] : memref<40960x128xf32, #tpu.memory_space<hbm>> -> memref<40960x128xf32, #tpu.memory_space<hbm>>
        tpu.enqueue_indirect_dma source(%dma_start3A_247 : memref<40960x128xf32, #tpu.memory_space<hbm>>) target(%arg9 : memref<64x128xf32, #tpu.memory_space<vmem>>) offsets(%dma_start3A_244 : memref<64xi32, #tpu.memory_space<vmem>>) semaphore(%arg14 : memref<!tpu.dma_semaphore, #tpu.memory_space<semaphore_mem>>)
      } else {
      }
      %dma_start3A_209 = arith.constant 2 : i32
      %dma_start3A_210 = arith.constant 0 : i32
      %dma_start3A_211 = tpu.memref_slice %arg8[%rem3A_141, %dma_start3A_209, %dma_start3A_210] : memref<2x4x64xi32, #tpu.memory_space<vmem>> -> memref<1x1x64xi32, #tpu.memory_space<vmem>>
      %dma_start3A_212 = tpu.memref_squeeze %dma_start3A_211 : memref<1x1x64xi32, #tpu.memory_space<vmem>> -> memref<64xi32, #tpu.memory_space<vmem>>
      %dma_start3A_213 = arith.constant 0 : i32
      %dma_start3A_214 = arith.constant 0 : i32
      %dma_start3A_215 = tpu.memref_slice %arg13[%dma_start3A_213, %dma_start3A_214] : memref<10240x128xf32, #tpu.memory_space<vmem_shared>> -> memref<10240x128xf32, #tpu.memory_space<vmem_shared>>
      tpu.enqueue_indirect_dma source(%arg11 : memref<64x128xf32, #tpu.memory_space<vmem>>) target(%dma_start3A_215 : memref<10240x128xf32, #tpu.memory_space<vmem_shared>>) offsets(%dma_start3A_212 : memref<64xi32, #tpu.memory_space<vmem>>) semaphore(%arg20 : memref<!tpu.dma_semaphore, #tpu.memory_space<semaphore_mem>>) {add = true}
      %dma_wait3A_216 = arith.constant 3 : i32
      %dma_wait3A_217 = arith.constant 0 : i32
      %dma_wait3A_218 = tpu.memref_slice %arg7[%rem3A_141, %dma_wait3A_216, %dma_wait3A_217] : memref<2x4x64xi32, #tpu.memory_space<vmem>> -> memref<1x1x64xi32, #tpu.memory_space<vmem>>
      %dma_wait3A_219 = tpu.memref_squeeze %dma_wait3A_218 : memref<1x1x64xi32, #tpu.memory_space<vmem>> -> memref<64xi32, #tpu.memory_space<vmem>>
      %dma_wait3A_220 = arith.constant 0 : i32
      %dma_wait3A_221 = arith.constant 0 : i32
      %dma_wait3A_222 = tpu.memref_slice %arg4[%dma_wait3A_220, %dma_wait3A_221] : memref<40960x128xf32, #tpu.memory_space<hbm>> -> memref<40960x128xf32, #tpu.memory_space<hbm>>
      tpu.wait_indirect_dma semaphore(%arg17 : memref<!tpu.dma_semaphore, #tpu.memory_space<semaphore_mem>>) src(%dma_wait3A_222 : memref<40960x128xf32, #tpu.memory_space<hbm>>) dst(%arg12 : memref<64x128xf32, #tpu.memory_space<vmem>>)
      %convert_element_type3A_223 = arith.extui %lt3A_146 : i1 to i32
      %cond3A_224 = arith.constant 0 : i32
      %cond3A_225 = arith.cmpi ne, %convert_element_type3A_223, %cond3A_224 : i32
      scf.if %cond3A_225 {
        %dma_wait3A_234 = arith.constant 1 : i32
        %dma_wait3A_235 = arith.constant 0 : i32
        %dma_wait3A_236 = tpu.memref_slice %arg8[%rem3A_141, %dma_wait3A_234, %dma_wait3A_235] : memref<2x4x64xi32, #tpu.memory_space<vmem>> -> memref<1x1x64xi32, #tpu.memory_space<vmem>>
        %dma_wait3A_237 = tpu.memref_squeeze %dma_wait3A_236 : memref<1x1x64xi32, #tpu.memory_space<vmem>> -> memref<64xi32, #tpu.memory_space<vmem>>
        %dma_wait3A_238 = arith.constant 0 : i32
        %dma_wait3A_239 = arith.constant 0 : i32
        %dma_wait3A_240 = tpu.memref_slice %arg13[%dma_wait3A_238, %dma_wait3A_239] : memref<10240x128xf32, #tpu.memory_space<vmem_shared>> -> memref<10240x128xf32, #tpu.memory_space<vmem_shared>>
        tpu.wait_indirect_dma semaphore(%arg19 : memref<!tpu.dma_semaphore, #tpu.memory_space<semaphore_mem>>) src(%arg10 : memref<64x128xf32, #tpu.memory_space<vmem>>) dst(%dma_wait3A_240 : memref<10240x128xf32, #tpu.memory_space<vmem_shared>>)
        %dma_start3A_241 = arith.constant 1 : i32
        %dma_start3A_242 = arith.constant 0 : i32
        %dma_start3A_243 = tpu.memref_slice %arg7[%rem3A_145, %dma_start3A_241, %dma_start3A_242] : memref<2x4x64xi32, #tpu.memory_space<vmem>> -> memref<1x1x64xi32, #tpu.memory_space<vmem>>
        %dma_start3A_244 = tpu.memref_squeeze %dma_start3A_243 : memref<1x1x64xi32, #tpu.memory_space<vmem>> -> memref<64xi32, #tpu.memory_space<vmem>>
        %dma_start3A_245 = arith.constant 0 : i32
        %dma_start3A_246 = arith.constant 0 : i32
        %dma_start3A_247 = tpu.memref_slice %arg4[%dma_start3A_245, %dma_start3A_246] : memref<40960x128xf32, #tpu.memory_space<hbm>> -> memref<40960x128xf32, #tpu.memory_space<hbm>>
        tpu.enqueue_indirect_dma source(%dma_start3A_247 : memref<40960x128xf32, #tpu.memory_space<hbm>>) target(%arg10 : memref<64x128xf32, #tpu.memory_space<vmem>>) offsets(%dma_start3A_244 : memref<64xi32, #tpu.memory_space<vmem>>) semaphore(%arg15 : memref<!tpu.dma_semaphore, #tpu.memory_space<semaphore_mem>>)
      } else {
      }
      %dma_start3A_226 = arith.constant 3 : i32
      %dma_start3A_227 = arith.constant 0 : i32
      %dma_start3A_228 = tpu.memref_slice %arg8[%rem3A_141, %dma_start3A_226, %dma_start3A_227] : memref<2x4x64xi32, #tpu.memory_space<vmem>> -> memref<1x1x64xi32, #tpu.memory_space<vmem>>
      %dma_start3A_229 = tpu.memref_squeeze %dma_start3A_228 : memref<1x1x64xi32, #tpu.memory_space<vmem>> -> memref<64xi32, #tpu.memory_space<vmem>>
      %dma_start3A_230 = arith.constant 0 : i32
      %dma_start3A_231 = arith.constant 0 : i32
      %dma_start3A_232 = tpu.memref_slice %arg13[%dma_start3A_230, %dma_start3A_231] : memref<10240x128xf32, #tpu.memory_space<vmem_shared>> -> memref<10240x128xf32, #tpu.memory_space<vmem_shared>>
      tpu.enqueue_indirect_dma source(%arg12 : memref<64x128xf32, #tpu.memory_space<vmem>>) target(%dma_start3A_232 : memref<10240x128xf32, #tpu.memory_space<vmem_shared>>) offsets(%dma_start3A_229 : memref<64xi32, #tpu.memory_space<vmem>>) semaphore(%arg21 : memref<!tpu.dma_semaphore, #tpu.memory_space<semaphore_mem>>) {add = true}
      %scan3A_233 = arith.constant 0 : i32
      scf.yield %scan3A_233 : i32
    }
    %scan3A_97 = arith.constant 40 : i32
    %dma_wait3A_98 = arith.constant 1 : i32
    %dma_wait3A_99 = arith.constant 0 : i32
    %dma_wait3A_100 = arith.constant 0 : i32
    %dma_wait3A_101 = tpu.memref_slice %arg8[%dma_wait3A_98, %dma_wait3A_99, %dma_wait3A_100] : memref<2x4x64xi32, #tpu.memory_space<vmem>> -> memref<1x1x64xi32, #tpu.memory_space<vmem>>
    %dma_wait3A_102 = tpu.memref_squeeze %dma_wait3A_101 : memref<1x1x64xi32, #tpu.memory_space<vmem>> -> memref<64xi32, #tpu.memory_space<vmem>>
    %dma_wait3A_103 = arith.constant 0 : i32
    %dma_wait3A_104 = arith.constant 0 : i32
    %dma_wait3A_105 = tpu.memref_slice %arg13[%dma_wait3A_103, %dma_wait3A_104] : memref<10240x128xf32, #tpu.memory_space<vmem_shared>> -> memref<10240x128xf32, #tpu.memory_space<vmem_shared>>
    tpu.wait_indirect_dma semaphore(%arg18 : memref<!tpu.dma_semaphore, #tpu.memory_space<semaphore_mem>>) src(%arg9 : memref<64x128xf32, #tpu.memory_space<vmem>>) dst(%dma_wait3A_105 : memref<10240x128xf32, #tpu.memory_space<vmem_shared>>)
    %dma_wait3A_106 = arith.constant 1 : i32
    %dma_wait3A_107 = arith.constant 1 : i32
    %dma_wait3A_108 = arith.constant 0 : i32
    %dma_wait3A_109 = tpu.memref_slice %arg8[%dma_wait3A_106, %dma_wait3A_107, %dma_wait3A_108] : memref<2x4x64xi32, #tpu.memory_space<vmem>> -> memref<1x1x64xi32, #tpu.memory_space<vmem>>
    %dma_wait3A_110 = tpu.memref_squeeze %dma_wait3A_109 : memref<1x1x64xi32, #tpu.memory_space<vmem>> -> memref<64xi32, #tpu.memory_space<vmem>>
    %dma_wait3A_111 = arith.constant 0 : i32
    %dma_wait3A_112 = arith.constant 0 : i32
    %dma_wait3A_113 = tpu.memref_slice %arg13[%dma_wait3A_111, %dma_wait3A_112] : memref<10240x128xf32, #tpu.memory_space<vmem_shared>> -> memref<10240x128xf32, #tpu.memory_space<vmem_shared>>
    tpu.wait_indirect_dma semaphore(%arg19 : memref<!tpu.dma_semaphore, #tpu.memory_space<semaphore_mem>>) src(%arg10 : memref<64x128xf32, #tpu.memory_space<vmem>>) dst(%dma_wait3A_113 : memref<10240x128xf32, #tpu.memory_space<vmem_shared>>)
    %dma_wait3A_114 = arith.constant 1 : i32
    %dma_wait3A_115 = arith.constant 2 : i32
    %dma_wait3A_116 = arith.constant 0 : i32
    %dma_wait3A_117 = tpu.memref_slice %arg8[%dma_wait3A_114, %dma_wait3A_115, %dma_wait3A_116] : memref<2x4x64xi32, #tpu.memory_space<vmem>> -> memref<1x1x64xi32, #tpu.memory_space<vmem>>
    %dma_wait3A_118 = tpu.memref_squeeze %dma_wait3A_117 : memref<1x1x64xi32, #tpu.memory_space<vmem>> -> memref<64xi32, #tpu.memory_space<vmem>>
    %dma_wait3A_119 = arith.constant 0 : i32
    %dma_wait3A_120 = arith.constant 0 : i32
    %dma_wait3A_121 = tpu.memref_slice %arg13[%dma_wait3A_119, %dma_wait3A_120] : memref<10240x128xf32, #tpu.memory_space<vmem_shared>> -> memref<10240x128xf32, #tpu.memory_space<vmem_shared>>
    tpu.wait_indirect_dma semaphore(%arg20 : memref<!tpu.dma_semaphore, #tpu.memory_space<semaphore_mem>>) src(%arg11 : memref<64x128xf32, #tpu.memory_space<vmem>>) dst(%dma_wait3A_121 : memref<10240x128xf32, #tpu.memory_space<vmem_shared>>)
    %dma_wait3A_122 = arith.constant 1 : i32
    %dma_wait3A_123 = arith.constant 3 : i32
    %dma_wait3A_124 = arith.constant 0 : i32
    %dma_wait3A_125 = tpu.memref_slice %arg8[%dma_wait3A_122, %dma_wait3A_123, %dma_wait3A_124] : memref<2x4x64xi32, #tpu.memory_space<vmem>> -> memref<1x1x64xi32, #tpu.memory_space<vmem>>
    %dma_wait3A_126 = tpu.memref_squeeze %dma_wait3A_125 : memref<1x1x64xi32, #tpu.memory_space<vmem>> -> memref<64xi32, #tpu.memory_space<vmem>>
    %dma_wait3A_127 = arith.constant 0 : i32
    %dma_wait3A_128 = arith.constant 0 : i32
    %dma_wait3A_129 = tpu.memref_slice %arg13[%dma_wait3A_127, %dma_wait3A_128] : memref<10240x128xf32, #tpu.memory_space<vmem_shared>> -> memref<10240x128xf32, #tpu.memory_space<vmem_shared>>
    tpu.wait_indirect_dma semaphore(%arg21 : memref<!tpu.dma_semaphore, #tpu.memory_space<semaphore_mem>>) src(%arg12 : memref<64x128xf32, #tpu.memory_space<vmem>>) dst(%dma_wait3A_129 : memref<10240x128xf32, #tpu.memory_space<vmem_shared>>)
    %barrier3A_130 = arith.constant 0 : index
    tpu.barrier barrier_id(%barrier3A_130)
    %mul3A_131 = arith.constant 640 : i32
    %mul3A_132 = arith.muli %arg1, %mul3A_131 : i32
    %mul3A_133 = arith.constant 10240 : i32
    %mul3A_134 = arith.muli %add3A_69, %mul3A_133 : i32
    %mul3A_135 = arith.constant 640 : i32
    %mul3A_136 = arith.muli %arg1, %mul3A_135 : i32
    %add3A_137 = arith.addi %mul3A_134, %mul3A_136 : i32
    "tpu.region"() ({
      %run_scoped3A_139 = tpu.sem_alloc : memref<!tpu.dma_semaphore, #tpu.memory_space<semaphore_mem>>
      %dma_start3A_140 = arith.constant 0 : i32
      %dma_start3A_141 = tpu.memref_slice %arg6[%add3A_137, %dma_start3A_140] : memref<40960x128xf32, #tpu.memory_space<hbm>> -> memref<640x128xf32, #tpu.memory_space<hbm>>
      %dma_start3A_142 = arith.constant 0 : i32
      %dma_start3A_143 = tpu.memref_slice %arg13[%mul3A_132, %dma_start3A_142] : memref<10240x128xf32, #tpu.memory_space<vmem_shared>> -> memref<640x128xf32, #tpu.memory_space<vmem_shared>>
      tpu.enqueue_dma source(%dma_start3A_143 : memref<640x128xf32, #tpu.memory_space<vmem_shared>>) target(%dma_start3A_141 : memref<640x128xf32, #tpu.memory_space<hbm>>) target_semaphore(%run_scoped3A_139 : memref<!tpu.dma_semaphore, #tpu.memory_space<semaphore_mem>>)
      %dma_wait3A_144 = arith.constant 0 : i32
      %dma_wait3A_145 = tpu.memref_slice %arg6[%add3A_137, %dma_wait3A_144] : memref<40960x128xf32, #tpu.memory_space<hbm>> -> memref<640x128xf32, #tpu.memory_space<hbm>>
      %dma_wait3A_146 = arith.constant 0 : i32
      %dma_wait3A_147 = tpu.memref_slice %arg13[%mul3A_132, %dma_wait3A_146] : memref<10240x128xf32, #tpu.memory_space<vmem_shared>> -> memref<640x128xf32, #tpu.memory_space<vmem_shared>>
      tpu.wait_dma2 semaphore(%run_scoped3A_139 : memref<!tpu.dma_semaphore, #tpu.memory_space<semaphore_mem>>) src(%dma_wait3A_147 : memref<640x128xf32, #tpu.memory_space<vmem_shared>>) dst(%dma_wait3A_145 : memref<640x128xf32, #tpu.memory_space<hbm>>)
      tpu.yield
    }) : () -> ()
    %barrier3A_138 = arith.constant 0 : index
    tpu.barrier barrier_id(%barrier3A_138)
    return
  }
}

#map = affine_map<(d0, d1) -> (0, 0, 0, 0)>
#map1 = affine_map<(d0, d1) -> (0, 0, 0)>
#map2 = affine_map<(d0, d1) -> (0, 0)>
module attributes {stable_mosaic.version = 14 : i64} {
  func.func @spmm(%arg0: i32, %arg1: i32, %arg2: memref<4x16x160x64xi32, #tpu.memory_space<hbm>>, %arg3: memref<16x160x64xi32, #tpu.memory_space<hbm>>, %arg4: memref<40960x128xf32, #tpu.memory_space<hbm>>, %arg5: memref<640x128xf32, #tpu.memory_space<hbm>>, %arg6: memref<40960x128xf32, #tpu.memory_space<hbm>>, %arg7: memref<2x4x64xi32, #tpu.memory_space<vmem>>, %arg8: memref<2x4x64xi32, #tpu.memory_space<vmem>>, %arg9: memref<64x128xf32, #tpu.memory_space<vmem>>, %arg10: memref<64x128xf32, #tpu.memory_space<vmem>>, %arg11: memref<64x128xf32, #tpu.memory_space<vmem>>, %arg12: memref<64x128xf32, #tpu.memory_space<vmem>>, %arg13: memref<10240x128xf32, #tpu.memory_space<vmem_shared>>, %arg14: memref<!tpu.dma_semaphore, #tpu.memory_space<semaphore_mem>>, %arg15: memref<!tpu.dma_semaphore, #tpu.memory_space<semaphore_mem>>, %arg16: memref<!tpu.dma_semaphore, #tpu.memory_space<semaphore_mem>>, %arg17: memref<!tpu.dma_semaphore, #tpu.memory_space<semaphore_mem>>, %arg18: memref<!tpu.dma_semaphore, #tpu.memory_space<semaphore_mem>>, %arg19: memref<!tpu.dma_semaphore, #tpu.memory_space<semaphore_mem>>, %arg20: memref<!tpu.dma_semaphore, #tpu.memory_space<semaphore_mem>>, %arg21: memref<!tpu.dma_semaphore, #tpu.memory_space<semaphore_mem>>) attributes {dimension_semantics = [#tpu.dimension_semantics<core_parallel>, #tpu.dimension_semantics<subcore_parallel>], iteration_bounds = array<i64: 2, 16>, scalar_prefetch = 0 : i64, scratch_operands = 15 : i64, tpu.core_type = #tpu.core_type<sc_vector_subcore>, window_params = [{transform_indices = #map}, {transform_indices = #map1}, {transform_indices = #map2}, {transform_indices = #map2}, {transform_indices = #map2}]} {
    %mul3A = arith.constant 2 : i32
    %mul3A_0 = arith.muli %arg0, %mul3A : i32
    %add3A = arith.constant 0 : i32
    %add3A_1 = arith.addi %mul3A_0, %add3A : i32
    %mul3A_2 = arith.constant 640 : i32
    %mul3A_3 = arith.muli %arg1, %mul3A_2 : i32
    "tpu.region"() ({
      %run_scoped3A_139 = tpu.sem_alloc : memref<!tpu.dma_semaphore, #tpu.memory_space<semaphore_mem>>
      %dma_start3A_140 = arith.constant 0 : i32
      %dma_start3A_141 = tpu.memref_slice %arg13[%mul3A_3, %dma_start3A_140] : memref<10240x128xf32, #tpu.memory_space<vmem_shared>> -> memref<640x128xf32, #tpu.memory_space<vmem_shared>>
      tpu.enqueue_dma source(%arg5 : memref<640x128xf32, #tpu.memory_space<hbm>>) target(%dma_start3A_141 : memref<640x128xf32, #tpu.memory_space<vmem_shared>>) target_semaphore(%run_scoped3A_139 : memref<!tpu.dma_semaphore, #tpu.memory_space<semaphore_mem>>)
      %dma_wait3A_142 = arith.constant 0 : i32
      %dma_wait3A_143 = tpu.memref_slice %arg13[%mul3A_3, %dma_wait3A_142] : memref<10240x128xf32, #tpu.memory_space<vmem_shared>> -> memref<640x128xf32, #tpu.memory_space<vmem_shared>>
      tpu.wait_dma2 semaphore(%run_scoped3A_139 : memref<!tpu.dma_semaphore, #tpu.memory_space<semaphore_mem>>) src(%arg5 : memref<640x128xf32, #tpu.memory_space<hbm>>) dst(%dma_wait3A_143 : memref<640x128xf32, #tpu.memory_space<vmem_shared>>)
      tpu.yield
    }) : () -> ()
    %barrier3A = arith.constant 0 : index
    tpu.barrier barrier_id(%barrier3A)
    %run_scoped3A = arith.constant 0 : i32
    "tpu.region"() ({
      %run_scoped3A_139 = tpu.sem_alloc : memref<!tpu.dma_semaphore, #tpu.memory_space<semaphore_mem>>
      %dma_start3A_140 = arith.constant 0 : i32
      %dma_start3A_141 = arith.constant 0 : i32
      %dma_start3A_142 = tpu.memref_slice %arg7[%run_scoped3A, %dma_start3A_140, %dma_start3A_141] : memref<2x4x64xi32, #tpu.memory_space<vmem>> -> memref<1x4x64xi32, #tpu.memory_space<vmem>>
      %dma_start3A_143 = tpu.memref_squeeze %dma_start3A_142 : memref<1x4x64xi32, #tpu.memory_space<vmem>> -> memref<4x64xi32, #tpu.memory_space<vmem>>
      %dma_start3A_144 = arith.constant 0 : i32
      %dma_start3A_145 = arith.constant 0 : i32
      %dma_start3A_146 = tpu.memref_slice %arg2[%add3A_1, %arg1, %dma_start3A_144, %dma_start3A_145] : memref<4x16x160x64xi32, #tpu.memory_space<hbm>> -> memref<1x1x4x64xi32, #tpu.memory_space<hbm>>
      %dma_start3A_147 = tpu.memref_squeeze %dma_start3A_146 : memref<1x1x4x64xi32, #tpu.memory_space<hbm>> -> memref<4x64xi32, #tpu.memory_space<hbm>>
      %dma_start3A_148 = arith.constant 0 : i32
      %dma_start3A_149 = arith.constant 0 : i32
      %dma_start3A_150 = tpu.memref_slice %arg7[%run_scoped3A, %dma_start3A_148, %dma_start3A_149] : memref<2x4x64xi32, #tpu.memory_space<vmem>> -> memref<1x4x64xi32, #tpu.memory_space<vmem>>
      %dma_start3A_151 = tpu.memref_squeeze %dma_start3A_150 : memref<1x4x64xi32, #tpu.memory_space<vmem>> -> memref<4x64xi32, #tpu.memory_space<vmem>>
      %dma_start3A_152 = arith.constant 0 : i32
      %dma_start3A_153 = arith.constant 0 : i32
      %dma_start3A_154 = tpu.memref_slice %arg2[%add3A_1, %arg1, %dma_start3A_152, %dma_start3A_153] : memref<4x16x160x64xi32, #tpu.memory_space<hbm>> -> memref<1x1x4x64xi32, #tpu.memory_space<hbm>>
      %dma_start3A_155 = tpu.memref_squeeze %dma_start3A_154 : memref<1x1x4x64xi32, #tpu.memory_space<hbm>> -> memref<4x64xi32, #tpu.memory_space<hbm>>
      tpu.enqueue_dma source(%dma_start3A_155 : memref<4x64xi32, #tpu.memory_space<hbm>>) target(%dma_start3A_151 : memref<4x64xi32, #tpu.memory_space<vmem>>) target_semaphore(%run_scoped3A_139 : memref<!tpu.dma_semaphore, #tpu.memory_space<semaphore_mem>>)
      %dma_wait3A_156 = arith.constant 0 : i32
      %dma_wait3A_157 = arith.constant 0 : i32
      %dma_wait3A_158 = tpu.memref_slice %arg7[%run_scoped3A, %dma_wait3A_156, %dma_wait3A_157] : memref<2x4x64xi32, #tpu.memory_space<vmem>> -> memref<1x4x64xi32, #tpu.memory_space<vmem>>
      %dma_wait3A_159 = tpu.memref_squeeze %dma_wait3A_158 : memref<1x4x64xi32, #tpu.memory_space<vmem>> -> memref<4x64xi32, #tpu.memory_space<vmem>>
      %dma_wait3A_160 = arith.constant 0 : i32
      %dma_wait3A_161 = arith.constant 0 : i32
      %dma_wait3A_162 = tpu.memref_slice %arg2[%add3A_1, %arg1, %dma_wait3A_160, %dma_wait3A_161] : memref<4x16x160x64xi32, #tpu.memory_space<hbm>> -> memref<1x1x4x64xi32, #tpu.memory_space<hbm>>
      %dma_wait3A_163 = tpu.memref_squeeze %dma_wait3A_162 : memref<1x1x4x64xi32, #tpu.memory_space<hbm>> -> memref<4x64xi32, #tpu.memory_space<hbm>>
      %dma_wait3A_164 = arith.constant 0 : i32
      %dma_wait3A_165 = arith.constant 0 : i32
      %dma_wait3A_166 = tpu.memref_slice %arg7[%run_scoped3A, %dma_wait3A_164, %dma_wait3A_165] : memref<2x4x64xi32, #tpu.memory_space<vmem>> -> memref<1x4x64xi32, #tpu.memory_space<vmem>>
      %dma_wait3A_167 = tpu.memref_squeeze %dma_wait3A_166 : memref<1x4x64xi32, #tpu.memory_space<vmem>> -> memref<4x64xi32, #tpu.memory_space<vmem>>
      %dma_wait3A_168 = arith.constant 0 : i32
      %dma_wait3A_169 = arith.constant 0 : i32
      %dma_wait3A_170 = tpu.memref_slice %arg2[%add3A_1, %arg1, %dma_wait3A_168, %dma_wait3A_169] : memref<4x16x160x64xi32, #tpu.memory_space<hbm>> -> memref<1x1x4x64xi32, #tpu.memory_space<hbm>>
      %dma_wait3A_171 = tpu.memref_squeeze %dma_wait3A_170 : memref<1x1x4x64xi32, #tpu.memory_space<hbm>> -> memref<4x64xi32, #tpu.memory_space<hbm>>
      tpu.wait_dma2 semaphore(%run_scoped3A_139 : memref<!tpu.dma_semaphore, #tpu.memory_space<semaphore_mem>>) src(%dma_wait3A_171 : memref<4x64xi32, #tpu.memory_space<hbm>>) dst(%dma_wait3A_167 : memref<4x64xi32, #tpu.memory_space<vmem>>)
      tpu.yield
    }) : () -> ()
    %run_scoped3A_4 = arith.constant 0 : i32
    "tpu.region"() ({
      %run_scoped3A_139 = tpu.sem_alloc : memref<!tpu.dma_semaphore, #tpu.memory_space<semaphore_mem>>
      %dma_start3A_140 = arith.constant 0 : i32
      %dma_start3A_141 = arith.constant 0 : i32
      %dma_start3A_142 = tpu.memref_slice %arg8[%run_scoped3A_4, %dma_start3A_140, %dma_start3A_141] : memref<2x4x64xi32, #tpu.memory_space<vmem>> -> memref<1x4x64xi32, #tpu.memory_space<vmem>>
      %dma_start3A_143 = tpu.memref_squeeze %dma_start3A_142 : memref<1x4x64xi32, #tpu.memory_space<vmem>> -> memref<4x64xi32, #tpu.memory_space<vmem>>
      %dma_start3A_144 = arith.constant 0 : i32
      %dma_start3A_145 = arith.constant 0 : i32
      %dma_start3A_146 = tpu.memref_slice %arg3[%arg1, %dma_start3A_144, %dma_start3A_145] : memref<16x160x64xi32, #tpu.memory_space<hbm>> -> memref<1x4x64xi32, #tpu.memory_space<hbm>>
      %dma_start3A_147 = tpu.memref_squeeze %dma_start3A_146 : memref<1x4x64xi32, #tpu.memory_space<hbm>> -> memref<4x64xi32, #tpu.memory_space<hbm>>
      %dma_start3A_148 = arith.constant 0 : i32
      %dma_start3A_149 = arith.constant 0 : i32
      %dma_start3A_150 = tpu.memref_slice %arg8[%run_scoped3A_4, %dma_start3A_148, %dma_start3A_149] : memref<2x4x64xi32, #tpu.memory_space<vmem>> -> memref<1x4x64xi32, #tpu.memory_space<vmem>>
      %dma_start3A_151 = tpu.memref_squeeze %dma_start3A_150 : memref<1x4x64xi32, #tpu.memory_space<vmem>> -> memref<4x64xi32, #tpu.memory_space<vmem>>
      %dma_start3A_152 = arith.constant 0 : i32
      %dma_start3A_153 = arith.constant 0 : i32
      %dma_start3A_154 = tpu.memref_slice %arg3[%arg1, %dma_start3A_152, %dma_start3A_153] : memref<16x160x64xi32, #tpu.memory_space<hbm>> -> memref<1x4x64xi32, #tpu.memory_space<hbm>>
      %dma_start3A_155 = tpu.memref_squeeze %dma_start3A_154 : memref<1x4x64xi32, #tpu.memory_space<hbm>> -> memref<4x64xi32, #tpu.memory_space<hbm>>
      tpu.enqueue_dma source(%dma_start3A_155 : memref<4x64xi32, #tpu.memory_space<hbm>>) target(%dma_start3A_151 : memref<4x64xi32, #tpu.memory_space<vmem>>) target_semaphore(%run_scoped3A_139 : memref<!tpu.dma_semaphore, #tpu.memory_space<semaphore_mem>>)
      %dma_wait3A_156 = arith.constant 0 : i32
      %dma_wait3A_157 = arith.constant 0 : i32
      %dma_wait3A_158 = tpu.memref_slice %arg8[%run_scoped3A_4, %dma_wait3A_156, %dma_wait3A_157] : memref<2x4x64xi32, #tpu.memory_space<vmem>> -> memref<1x4x64xi32, #tpu.memory_space<vmem>>
      %dma_wait3A_159 = tpu.memref_squeeze %dma_wait3A_158 : memref<1x4x64xi32, #tpu.memory_space<vmem>> -> memref<4x64xi32, #tpu.memory_space<vmem>>
      %dma_wait3A_160 = arith.constant 0 : i32
      %dma_wait3A_161 = arith.constant 0 : i32
      %dma_wait3A_162 = tpu.memref_slice %arg3[%arg1, %dma_wait3A_160, %dma_wait3A_161] : memref<16x160x64xi32, #tpu.memory_space<hbm>> -> memref<1x4x64xi32, #tpu.memory_space<hbm>>
      %dma_wait3A_163 = tpu.memref_squeeze %dma_wait3A_162 : memref<1x4x64xi32, #tpu.memory_space<hbm>> -> memref<4x64xi32, #tpu.memory_space<hbm>>
      %dma_wait3A_164 = arith.constant 0 : i32
      %dma_wait3A_165 = arith.constant 0 : i32
      %dma_wait3A_166 = tpu.memref_slice %arg8[%run_scoped3A_4, %dma_wait3A_164, %dma_wait3A_165] : memref<2x4x64xi32, #tpu.memory_space<vmem>> -> memref<1x4x64xi32, #tpu.memory_space<vmem>>
      %dma_wait3A_167 = tpu.memref_squeeze %dma_wait3A_166 : memref<1x4x64xi32, #tpu.memory_space<vmem>> -> memref<4x64xi32, #tpu.memory_space<vmem>>
      %dma_wait3A_168 = arith.constant 0 : i32
      %dma_wait3A_169 = arith.constant 0 : i32
      %dma_wait3A_170 = tpu.memref_slice %arg3[%arg1, %dma_wait3A_168, %dma_wait3A_169] : memref<16x160x64xi32, #tpu.memory_space<hbm>> -> memref<1x4x64xi32, #tpu.memory_space<hbm>>
      %dma_wait3A_171 = tpu.memref_squeeze %dma_wait3A_170 : memref<1x4x64xi32, #tpu.memory_space<hbm>> -> memref<4x64xi32, #tpu.memory_space<hbm>>
      tpu.wait_dma2 semaphore(%run_scoped3A_139 : memref<!tpu.dma_semaphore, #tpu.memory_space<semaphore_mem>>) src(%dma_wait3A_171 : memref<4x64xi32, #tpu.memory_space<hbm>>) dst(%dma_wait3A_167 : memref<4x64xi32, #tpu.memory_space<vmem>>)
      tpu.yield
    }) : () -> ()
    %dma_start3A = arith.constant 0 : i32
    %dma_start3A_5 = arith.constant 0 : i32
    %dma_start3A_6 = arith.constant 0 : i32
    %dma_start3A_7 = tpu.memref_slice %arg7[%dma_start3A, %dma_start3A_5, %dma_start3A_6] : memref<2x4x64xi32, #tpu.memory_space<vmem>> -> memref<1x1x64xi32, #tpu.memory_space<vmem>>
    %dma_start3A_8 = tpu.memref_squeeze %dma_start3A_7 : memref<1x1x64xi32, #tpu.memory_space<vmem>> -> memref<64xi32, #tpu.memory_space<vmem>>
    %dma_start3A_9 = arith.constant 0 : i32
    %dma_start3A_10 = arith.constant 0 : i32
    %dma_start3A_11 = tpu.memref_slice %arg4[%dma_start3A_9, %dma_start3A_10] : memref<40960x128xf32, #tpu.memory_space<hbm>> -> memref<40960x128xf32, #tpu.memory_space<hbm>>
    tpu.enqueue_indirect_dma source(%dma_start3A_11 : memref<40960x128xf32, #tpu.memory_space<hbm>>) target(%arg9 : memref<64x128xf32, #tpu.memory_space<vmem>>) offsets(%dma_start3A_8 : memref<64xi32, #tpu.memory_space<vmem>>) semaphore(%arg14 : memref<!tpu.dma_semaphore, #tpu.memory_space<semaphore_mem>>)
    %dma_start3A_12 = arith.constant 0 : i32
    %dma_start3A_13 = arith.constant 1 : i32
    %dma_start3A_14 = arith.constant 0 : i32
    %dma_start3A_15 = tpu.memref_slice %arg7[%dma_start3A_12, %dma_start3A_13, %dma_start3A_14] : memref<2x4x64xi32, #tpu.memory_space<vmem>> -> memref<1x1x64xi32, #tpu.memory_space<vmem>>
    %dma_start3A_16 = tpu.memref_squeeze %dma_start3A_15 : memref<1x1x64xi32, #tpu.memory_space<vmem>> -> memref<64xi32, #tpu.memory_space<vmem>>
    %dma_start3A_17 = arith.constant 0 : i32
    %dma_start3A_18 = arith.constant 0 : i32
    %dma_start3A_19 = tpu.memref_slice %arg4[%dma_start3A_17, %dma_start3A_18] : memref<40960x128xf32, #tpu.memory_space<hbm>> -> memref<40960x128xf32, #tpu.memory_space<hbm>>
    tpu.enqueue_indirect_dma source(%dma_start3A_19 : memref<40960x128xf32, #tpu.memory_space<hbm>>) target(%arg10 : memref<64x128xf32, #tpu.memory_space<vmem>>) offsets(%dma_start3A_16 : memref<64xi32, #tpu.memory_space<vmem>>) semaphore(%arg15 : memref<!tpu.dma_semaphore, #tpu.memory_space<semaphore_mem>>)
    %scan3A = arith.constant 0 : i32
    %scan3A_20 = arith.constant 0 : i32
    %scan3A_21 = arith.constant 40 : i32
    %scan3A_22 = arith.addi %scan3A_20, %scan3A_21 : i32
    %scan3A_23 = arith.constant 1 : i32
    %scan3A_24 = scf.for %scan3A_139 = %scan3A_20 to %scan3A_22 step %scan3A_23 iter_args(%scan3A_140 = %scan3A) -> (i32)  : i32 {
      %rem3A = arith.constant 2 : i32
      %rem3A_141 = arith.remsi %scan3A_139, %rem3A : i32
      %add3A_142 = arith.constant 1 : i32
      %add3A_143 = arith.addi %scan3A_139, %add3A_142 : i32
      %rem3A_144 = arith.constant 2 : i32
      %rem3A_145 = arith.remsi %add3A_143, %rem3A_144 : i32
      %lt3A = arith.constant 39 : i32
      %lt3A_146 = arith.cmpi slt, %scan3A_139, %lt3A : i32
      %convert_element_type3A = arith.extui %lt3A_146 : i1 to i32
      %cond3A = arith.constant 0 : i32
      %cond3A_147 = arith.cmpi ne, %convert_element_type3A, %cond3A : i32
      scf.if %cond3A_147 {
        %add3A_234 = arith.constant 1 : i32
        %add3A_235 = arith.addi %scan3A_139, %add3A_234 : i32
        %mul3A_236 = arith.constant 4 : i32
        %mul3A_237 = arith.muli %mul3A_236, %add3A_235 : i32
        "tpu.region"() ({
          %run_scoped3A_242 = tpu.sem_alloc : memref<!tpu.dma_semaphore, #tpu.memory_space<semaphore_mem>>
          %dma_start3A_243 = arith.constant 0 : i32
          %dma_start3A_244 = arith.constant 0 : i32
          %dma_start3A_245 = tpu.memref_slice %arg7[%rem3A_145, %dma_start3A_243, %dma_start3A_244] : memref<2x4x64xi32, #tpu.memory_space<vmem>> -> memref<1x4x64xi32, #tpu.memory_space<vmem>>
          %dma_start3A_246 = tpu.memref_squeeze %dma_start3A_245 : memref<1x4x64xi32, #tpu.memory_space<vmem>> -> memref<4x64xi32, #tpu.memory_space<vmem>>
          %dma_start3A_247 = arith.constant 0 : i32
          %dma_start3A_248 = tpu.memref_slice %arg2[%add3A_1, %arg1, %mul3A_237, %dma_start3A_247] : memref<4x16x160x64xi32, #tpu.memory_space<hbm>> -> memref<1x1x4x64xi32, #tpu.memory_space<hbm>>
          %dma_start3A_249 = tpu.memref_squeeze %dma_start3A_248 : memref<1x1x4x64xi32, #tpu.memory_space<hbm>> -> memref<4x64xi32, #tpu.memory_space<hbm>>
          %dma_start3A_250 = arith.constant 0 : i32
          %dma_start3A_251 = arith.constant 0 : i32
          %dma_start3A_252 = tpu.memref_slice %arg7[%rem3A_145, %dma_start3A_250, %dma_start3A_251] : memref<2x4x64xi32, #tpu.memory_space<vmem>> -> memref<1x4x64xi32, #tpu.memory_space<vmem>>
          %dma_start3A_253 = tpu.memref_squeeze %dma_start3A_252 : memref<1x4x64xi32, #tpu.memory_space<vmem>> -> memref<4x64xi32, #tpu.memory_space<vmem>>
          %dma_start3A_254 = arith.constant 0 : i32
          %dma_start3A_255 = tpu.memref_slice %arg2[%add3A_1, %arg1, %mul3A_237, %dma_start3A_254] : memref<4x16x160x64xi32, #tpu.memory_space<hbm>> -> memref<1x1x4x64xi32, #tpu.memory_space<hbm>>
          %dma_start3A_256 = tpu.memref_squeeze %dma_start3A_255 : memref<1x1x4x64xi32, #tpu.memory_space<hbm>> -> memref<4x64xi32, #tpu.memory_space<hbm>>
          tpu.enqueue_dma source(%dma_start3A_256 : memref<4x64xi32, #tpu.memory_space<hbm>>) target(%dma_start3A_253 : memref<4x64xi32, #tpu.memory_space<vmem>>) target_semaphore(%run_scoped3A_242 : memref<!tpu.dma_semaphore, #tpu.memory_space<semaphore_mem>>)
          %dma_wait3A_257 = arith.constant 0 : i32
          %dma_wait3A_258 = arith.constant 0 : i32
          %dma_wait3A_259 = tpu.memref_slice %arg7[%rem3A_145, %dma_wait3A_257, %dma_wait3A_258] : memref<2x4x64xi32, #tpu.memory_space<vmem>> -> memref<1x4x64xi32, #tpu.memory_space<vmem>>
          %dma_wait3A_260 = tpu.memref_squeeze %dma_wait3A_259 : memref<1x4x64xi32, #tpu.memory_space<vmem>> -> memref<4x64xi32, #tpu.memory_space<vmem>>
          %dma_wait3A_261 = arith.constant 0 : i32
          %dma_wait3A_262 = tpu.memref_slice %arg2[%add3A_1, %arg1, %mul3A_237, %dma_wait3A_261] : memref<4x16x160x64xi32, #tpu.memory_space<hbm>> -> memref<1x1x4x64xi32, #tpu.memory_space<hbm>>
          %dma_wait3A_263 = tpu.memref_squeeze %dma_wait3A_262 : memref<1x1x4x64xi32, #tpu.memory_space<hbm>> -> memref<4x64xi32, #tpu.memory_space<hbm>>
          %dma_wait3A_264 = arith.constant 0 : i32
          %dma_wait3A_265 = arith.constant 0 : i32
          %dma_wait3A_266 = tpu.memref_slice %arg7[%rem3A_145, %dma_wait3A_264, %dma_wait3A_265] : memref<2x4x64xi32, #tpu.memory_space<vmem>> -> memref<1x4x64xi32, #tpu.memory_space<vmem>>
          %dma_wait3A_267 = tpu.memref_squeeze %dma_wait3A_266 : memref<1x4x64xi32, #tpu.memory_space<vmem>> -> memref<4x64xi32, #tpu.memory_space<vmem>>
          %dma_wait3A_268 = arith.constant 0 : i32
          %dma_wait3A_269 = tpu.memref_slice %arg2[%add3A_1, %arg1, %mul3A_237, %dma_wait3A_268] : memref<4x16x160x64xi32, #tpu.memory_space<hbm>> -> memref<1x1x4x64xi32, #tpu.memory_space<hbm>>
          %dma_wait3A_270 = tpu.memref_squeeze %dma_wait3A_269 : memref<1x1x4x64xi32, #tpu.memory_space<hbm>> -> memref<4x64xi32, #tpu.memory_space<hbm>>
          tpu.wait_dma2 semaphore(%run_scoped3A_242 : memref<!tpu.dma_semaphore, #tpu.memory_space<semaphore_mem>>) src(%dma_wait3A_270 : memref<4x64xi32, #tpu.memory_space<hbm>>) dst(%dma_wait3A_267 : memref<4x64xi32, #tpu.memory_space<vmem>>)
          tpu.yield
        }) : () -> ()
        %add3A_238 = arith.constant 1 : i32
        %add3A_239 = arith.addi %scan3A_139, %add3A_238 : i32
        %mul3A_240 = arith.constant 4 : i32
        %mul3A_241 = arith.muli %mul3A_240, %add3A_239 : i32
        "tpu.region"() ({
          %run_scoped3A_242 = tpu.sem_alloc : memref<!tpu.dma_semaphore, #tpu.memory_space<semaphore_mem>>
          %dma_start3A_243 = arith.constant 0 : i32
          %dma_start3A_244 = arith.constant 0 : i32
          %dma_start3A_245 = tpu.memref_slice %arg8[%rem3A_145, %dma_start3A_243, %dma_start3A_244] : memref<2x4x64xi32, #tpu.memory_space<vmem>> -> memref<1x4x64xi32, #tpu.memory_space<vmem>>
          %dma_start3A_246 = tpu.memref_squeeze %dma_start3A_245 : memref<1x4x64xi32, #tpu.memory_space<vmem>> -> memref<4x64xi32, #tpu.memory_space<vmem>>
          %dma_start3A_247 = arith.constant 0 : i32
          %dma_start3A_248 = tpu.memref_slice %arg3[%arg1, %mul3A_241, %dma_start3A_247] : memref<16x160x64xi32, #tpu.memory_space<hbm>> -> memref<1x4x64xi32, #tpu.memory_space<hbm>>
          %dma_start3A_249 = tpu.memref_squeeze %dma_start3A_248 : memref<1x4x64xi32, #tpu.memory_space<hbm>> -> memref<4x64xi32, #tpu.memory_space<hbm>>
          %dma_start3A_250 = arith.constant 0 : i32
          %dma_start3A_251 = arith.constant 0 : i32
          %dma_start3A_252 = tpu.memref_slice %arg8[%rem3A_145, %dma_start3A_250, %dma_start3A_251] : memref<2x4x64xi32, #tpu.memory_space<vmem>> -> memref<1x4x64xi32, #tpu.memory_space<vmem>>
          %dma_start3A_253 = tpu.memref_squeeze %dma_start3A_252 : memref<1x4x64xi32, #tpu.memory_space<vmem>> -> memref<4x64xi32, #tpu.memory_space<vmem>>
          %dma_start3A_254 = arith.constant 0 : i32
          %dma_start3A_255 = tpu.memref_slice %arg3[%arg1, %mul3A_241, %dma_start3A_254] : memref<16x160x64xi32, #tpu.memory_space<hbm>> -> memref<1x4x64xi32, #tpu.memory_space<hbm>>
          %dma_start3A_256 = tpu.memref_squeeze %dma_start3A_255 : memref<1x4x64xi32, #tpu.memory_space<hbm>> -> memref<4x64xi32, #tpu.memory_space<hbm>>
          tpu.enqueue_dma source(%dma_start3A_256 : memref<4x64xi32, #tpu.memory_space<hbm>>) target(%dma_start3A_253 : memref<4x64xi32, #tpu.memory_space<vmem>>) target_semaphore(%run_scoped3A_242 : memref<!tpu.dma_semaphore, #tpu.memory_space<semaphore_mem>>)
          %dma_wait3A_257 = arith.constant 0 : i32
          %dma_wait3A_258 = arith.constant 0 : i32
          %dma_wait3A_259 = tpu.memref_slice %arg8[%rem3A_145, %dma_wait3A_257, %dma_wait3A_258] : memref<2x4x64xi32, #tpu.memory_space<vmem>> -> memref<1x4x64xi32, #tpu.memory_space<vmem>>
          %dma_wait3A_260 = tpu.memref_squeeze %dma_wait3A_259 : memref<1x4x64xi32, #tpu.memory_space<vmem>> -> memref<4x64xi32, #tpu.memory_space<vmem>>
          %dma_wait3A_261 = arith.constant 0 : i32
          %dma_wait3A_262 = tpu.memref_slice %arg3[%arg1, %mul3A_241, %dma_wait3A_261] : memref<16x160x64xi32, #tpu.memory_space<hbm>> -> memref<1x4x64xi32, #tpu.memory_space<hbm>>
          %dma_wait3A_263 = tpu.memref_squeeze %dma_wait3A_262 : memref<1x4x64xi32, #tpu.memory_space<hbm>> -> memref<4x64xi32, #tpu.memory_space<hbm>>
          %dma_wait3A_264 = arith.constant 0 : i32
          %dma_wait3A_265 = arith.constant 0 : i32
          %dma_wait3A_266 = tpu.memref_slice %arg8[%rem3A_145, %dma_wait3A_264, %dma_wait3A_265] : memref<2x4x64xi32, #tpu.memory_space<vmem>> -> memref<1x4x64xi32, #tpu.memory_space<vmem>>
          %dma_wait3A_267 = tpu.memref_squeeze %dma_wait3A_266 : memref<1x4x64xi32, #tpu.memory_space<vmem>> -> memref<4x64xi32, #tpu.memory_space<vmem>>
          %dma_wait3A_268 = arith.constant 0 : i32
          %dma_wait3A_269 = tpu.memref_slice %arg3[%arg1, %mul3A_241, %dma_wait3A_268] : memref<16x160x64xi32, #tpu.memory_space<hbm>> -> memref<1x4x64xi32, #tpu.memory_space<hbm>>
          %dma_wait3A_270 = tpu.memref_squeeze %dma_wait3A_269 : memref<1x4x64xi32, #tpu.memory_space<hbm>> -> memref<4x64xi32, #tpu.memory_space<hbm>>
          tpu.wait_dma2 semaphore(%run_scoped3A_242 : memref<!tpu.dma_semaphore, #tpu.memory_space<semaphore_mem>>) src(%dma_wait3A_270 : memref<4x64xi32, #tpu.memory_space<hbm>>) dst(%dma_wait3A_267 : memref<4x64xi32, #tpu.memory_space<vmem>>)
          tpu.yield
        }) : () -> ()
      } else {
      }
      %dma_wait3A_148 = arith.constant 0 : i32
      %dma_wait3A_149 = arith.constant 0 : i32
      %dma_wait3A_150 = tpu.memref_slice %arg7[%rem3A_141, %dma_wait3A_148, %dma_wait3A_149] : memref<2x4x64xi32, #tpu.memory_space<vmem>> -> memref<1x1x64xi32, #tpu.memory_space<vmem>>
      %dma_wait3A_151 = tpu.memref_squeeze %dma_wait3A_150 : memref<1x1x64xi32, #tpu.memory_space<vmem>> -> memref<64xi32, #tpu.memory_space<vmem>>
      %dma_wait3A_152 = arith.constant 0 : i32
      %dma_wait3A_153 = arith.constant 0 : i32
      %dma_wait3A_154 = tpu.memref_slice %arg4[%dma_wait3A_152, %dma_wait3A_153] : memref<40960x128xf32, #tpu.memory_space<hbm>> -> memref<40960x128xf32, #tpu.memory_space<hbm>>
      tpu.wait_indirect_dma semaphore(%arg14 : memref<!tpu.dma_semaphore, #tpu.memory_space<semaphore_mem>>) src(%dma_wait3A_154 : memref<40960x128xf32, #tpu.memory_space<hbm>>) dst(%arg9 : memref<64x128xf32, #tpu.memory_space<vmem>>)
      %gt3A = arith.constant 0 : i32
      %gt3A_155 = arith.cmpi sgt, %scan3A_139, %gt3A : i32
      %convert_element_type3A_156 = arith.extui %gt3A_155 : i1 to i32
      %cond3A_157 = arith.constant 0 : i32
      %cond3A_158 = arith.cmpi ne, %convert_element_type3A_156, %cond3A_157 : i32
      scf.if %cond3A_158 {
        %dma_wait3A_234 = arith.constant 2 : i32
        %dma_wait3A_235 = arith.constant 0 : i32
        %dma_wait3A_236 = tpu.memref_slice %arg8[%rem3A_145, %dma_wait3A_234, %dma_wait3A_235] : memref<2x4x64xi32, #tpu.memory_space<vmem>> -> memref<1x1x64xi32, #tpu.memory_space<vmem>>
        %dma_wait3A_237 = tpu.memref_squeeze %dma_wait3A_236 : memref<1x1x64xi32, #tpu.memory_space<vmem>> -> memref<64xi32, #tpu.memory_space<vmem>>
        %dma_wait3A_238 = arith.constant 0 : i32
        %dma_wait3A_239 = arith.constant 0 : i32
        %dma_wait3A_240 = tpu.memref_slice %arg13[%dma_wait3A_238, %dma_wait3A_239] : memref<10240x128xf32, #tpu.memory_space<vmem_shared>> -> memref<10240x128xf32, #tpu.memory_space<vmem_shared>>
        tpu.wait_indirect_dma semaphore(%arg20 : memref<!tpu.dma_semaphore, #tpu.memory_space<semaphore_mem>>) src(%arg11 : memref<64x128xf32, #tpu.memory_space<vmem>>) dst(%dma_wait3A_240 : memref<10240x128xf32, #tpu.memory_space<vmem_shared>>)
      } else {
      }
      %dma_start3A_159 = arith.constant 2 : i32
      %dma_start3A_160 = arith.constant 0 : i32
      %dma_start3A_161 = tpu.memref_slice %arg7[%rem3A_141, %dma_start3A_159, %dma_start3A_160] : memref<2x4x64xi32, #tpu.memory_space<vmem>> -> memref<1x1x64xi32, #tpu.memory_space<vmem>>
      %dma_start3A_162 = tpu.memref_squeeze %dma_start3A_161 : memref<1x1x64xi32, #tpu.memory_space<vmem>> -> memref<64xi32, #tpu.memory_space<vmem>>
      %dma_start3A_163 = arith.constant 0 : i32
      %dma_start3A_164 = arith.constant 0 : i32
      %dma_start3A_165 = tpu.memref_slice %arg4[%dma_start3A_163, %dma_start3A_164] : memref<40960x128xf32, #tpu.memory_space<hbm>> -> memref<40960x128xf32, #tpu.memory_space<hbm>>
      tpu.enqueue_indirect_dma source(%dma_start3A_165 : memref<40960x128xf32, #tpu.memory_space<hbm>>) target(%arg11 : memref<64x128xf32, #tpu.memory_space<vmem>>) offsets(%dma_start3A_162 : memref<64xi32, #tpu.memory_space<vmem>>) semaphore(%arg16 : memref<!tpu.dma_semaphore, #tpu.memory_space<semaphore_mem>>)
      %dma_start3A_166 = arith.constant 0 : i32
      %dma_start3A_167 = arith.constant 0 : i32
      %dma_start3A_168 = tpu.memref_slice %arg8[%rem3A_141, %dma_start3A_166, %dma_start3A_167] : memref<2x4x64xi32, #tpu.memory_space<vmem>> -> memref<1x1x64xi32, #tpu.memory_space<vmem>>
      %dma_start3A_169 = tpu.memref_squeeze %dma_start3A_168 : memref<1x1x64xi32, #tpu.memory_space<vmem>> -> memref<64xi32, #tpu.memory_space<vmem>>
      %dma_start3A_170 = arith.constant 0 : i32
      %dma_start3A_171 = arith.constant 0 : i32
      %dma_start3A_172 = tpu.memref_slice %arg13[%dma_start3A_170, %dma_start3A_171] : memref<10240x128xf32, #tpu.memory_space<vmem_shared>> -> memref<10240x128xf32, #tpu.memory_space<vmem_shared>>
      tpu.enqueue_indirect_dma source(%arg9 : memref<64x128xf32, #tpu.memory_space<vmem>>) target(%dma_start3A_172 : memref<10240x128xf32, #tpu.memory_space<vmem_shared>>) offsets(%dma_start3A_169 : memref<64xi32, #tpu.memory_space<vmem>>) semaphore(%arg18 : memref<!tpu.dma_semaphore, #tpu.memory_space<semaphore_mem>>) {add = true}
      %dma_wait3A_173 = arith.constant 1 : i32
      %dma_wait3A_174 = arith.constant 0 : i32
      %dma_wait3A_175 = tpu.memref_slice %arg7[%rem3A_141, %dma_wait3A_173, %dma_wait3A_174] : memref<2x4x64xi32, #tpu.memory_space<vmem>> -> memref<1x1x64xi32, #tpu.memory_space<vmem>>
      %dma_wait3A_176 = tpu.memref_squeeze %dma_wait3A_175 : memref<1x1x64xi32, #tpu.memory_space<vmem>> -> memref<64xi32, #tpu.memory_space<vmem>>
      %dma_wait3A_177 = arith.constant 0 : i32
      %dma_wait3A_178 = arith.constant 0 : i32
      %dma_wait3A_179 = tpu.memref_slice %arg4[%dma_wait3A_177, %dma_wait3A_178] : memref<40960x128xf32, #tpu.memory_space<hbm>> -> memref<40960x128xf32, #tpu.memory_space<hbm>>
      tpu.wait_indirect_dma semaphore(%arg15 : memref<!tpu.dma_semaphore, #tpu.memory_space<semaphore_mem>>) src(%dma_wait3A_179 : memref<40960x128xf32, #tpu.memory_space<hbm>>) dst(%arg10 : memref<64x128xf32, #tpu.memory_space<vmem>>)
      %gt3A_180 = arith.constant 0 : i32
      %gt3A_181 = arith.cmpi sgt, %scan3A_139, %gt3A_180 : i32
      %convert_element_type3A_182 = arith.extui %gt3A_181 : i1 to i32
      %cond3A_183 = arith.constant 0 : i32
      %cond3A_184 = arith.cmpi ne, %convert_element_type3A_182, %cond3A_183 : i32
      scf.if %cond3A_184 {
        %dma_wait3A_234 = arith.constant 3 : i32
        %dma_wait3A_235 = arith.constant 0 : i32
        %dma_wait3A_236 = tpu.memref_slice %arg8[%rem3A_145, %dma_wait3A_234, %dma_wait3A_235] : memref<2x4x64xi32, #tpu.memory_space<vmem>> -> memref<1x1x64xi32, #tpu.memory_space<vmem>>
        %dma_wait3A_237 = tpu.memref_squeeze %dma_wait3A_236 : memref<1x1x64xi32, #tpu.memory_space<vmem>> -> memref<64xi32, #tpu.memory_space<vmem>>
        %dma_wait3A_238 = arith.constant 0 : i32
        %dma_wait3A_239 = arith.constant 0 : i32
        %dma_wait3A_240 = tpu.memref_slice %arg13[%dma_wait3A_238, %dma_wait3A_239] : memref<10240x128xf32, #tpu.memory_space<vmem_shared>> -> memref<10240x128xf32, #tpu.memory_space<vmem_shared>>
        tpu.wait_indirect_dma semaphore(%arg21 : memref<!tpu.dma_semaphore, #tpu.memory_space<semaphore_mem>>) src(%arg12 : memref<64x128xf32, #tpu.memory_space<vmem>>) dst(%dma_wait3A_240 : memref<10240x128xf32, #tpu.memory_space<vmem_shared>>)
      } else {
      }
      %dma_start3A_185 = arith.constant 3 : i32
      %dma_start3A_186 = arith.constant 0 : i32
      %dma_start3A_187 = tpu.memref_slice %arg7[%rem3A_141, %dma_start3A_185, %dma_start3A_186] : memref<2x4x64xi32, #tpu.memory_space<vmem>> -> memref<1x1x64xi32, #tpu.memory_space<vmem>>
      %dma_start3A_188 = tpu.memref_squeeze %dma_start3A_187 : memref<1x1x64xi32, #tpu.memory_space<vmem>> -> memref<64xi32, #tpu.memory_space<vmem>>
      %dma_start3A_189 = arith.constant 0 : i32
      %dma_start3A_190 = arith.constant 0 : i32
      %dma_start3A_191 = tpu.memref_slice %arg4[%dma_start3A_189, %dma_start3A_190] : memref<40960x128xf32, #tpu.memory_space<hbm>> -> memref<40960x128xf32, #tpu.memory_space<hbm>>
      tpu.enqueue_indirect_dma source(%dma_start3A_191 : memref<40960x128xf32, #tpu.memory_space<hbm>>) target(%arg12 : memref<64x128xf32, #tpu.memory_space<vmem>>) offsets(%dma_start3A_188 : memref<64xi32, #tpu.memory_space<vmem>>) semaphore(%arg17 : memref<!tpu.dma_semaphore, #tpu.memory_space<semaphore_mem>>)
      %dma_start3A_192 = arith.constant 1 : i32
      %dma_start3A_193 = arith.constant 0 : i32
      %dma_start3A_194 = tpu.memref_slice %arg8[%rem3A_141, %dma_start3A_192, %dma_start3A_193] : memref<2x4x64xi32, #tpu.memory_space<vmem>> -> memref<1x1x64xi32, #tpu.memory_space<vmem>>
      %dma_start3A_195 = tpu.memref_squeeze %dma_start3A_194 : memref<1x1x64xi32, #tpu.memory_space<vmem>> -> memref<64xi32, #tpu.memory_space<vmem>>
      %dma_start3A_196 = arith.constant 0 : i32
      %dma_start3A_197 = arith.constant 0 : i32
      %dma_start3A_198 = tpu.memref_slice %arg13[%dma_start3A_196, %dma_start3A_197] : memref<10240x128xf32, #tpu.memory_space<vmem_shared>> -> memref<10240x128xf32, #tpu.memory_space<vmem_shared>>
      tpu.enqueue_indirect_dma source(%arg10 : memref<64x128xf32, #tpu.memory_space<vmem>>) target(%dma_start3A_198 : memref<10240x128xf32, #tpu.memory_space<vmem_shared>>) offsets(%dma_start3A_195 : memref<64xi32, #tpu.memory_space<vmem>>) semaphore(%arg19 : memref<!tpu.dma_semaphore, #tpu.memory_space<semaphore_mem>>) {add = true}
      %dma_wait3A_199 = arith.constant 2 : i32
      %dma_wait3A_200 = arith.constant 0 : i32
      %dma_wait3A_201 = tpu.memref_slice %arg7[%rem3A_141, %dma_wait3A_199, %dma_wait3A_200] : memref<2x4x64xi32, #tpu.memory_space<vmem>> -> memref<1x1x64xi32, #tpu.memory_space<vmem>>
      %dma_wait3A_202 = tpu.memref_squeeze %dma_wait3A_201 : memref<1x1x64xi32, #tpu.memory_space<vmem>> -> memref<64xi32, #tpu.memory_space<vmem>>
      %dma_wait3A_203 = arith.constant 0 : i32
      %dma_wait3A_204 = arith.constant 0 : i32
      %dma_wait3A_205 = tpu.memref_slice %arg4[%dma_wait3A_203, %dma_wait3A_204] : memref<40960x128xf32, #tpu.memory_space<hbm>> -> memref<40960x128xf32, #tpu.memory_space<hbm>>
      tpu.wait_indirect_dma semaphore(%arg16 : memref<!tpu.dma_semaphore, #tpu.memory_space<semaphore_mem>>) src(%dma_wait3A_205 : memref<40960x128xf32, #tpu.memory_space<hbm>>) dst(%arg11 : memref<64x128xf32, #tpu.memory_space<vmem>>)
      %convert_element_type3A_206 = arith.extui %lt3A_146 : i1 to i32
      %cond3A_207 = arith.constant 0 : i32
      %cond3A_208 = arith.cmpi ne, %convert_element_type3A_206, %cond3A_207 : i32
      scf.if %cond3A_208 {
        %dma_wait3A_234 = arith.constant 0 : i32
        %dma_wait3A_235 = arith.constant 0 : i32
        %dma_wait3A_236 = tpu.memref_slice %arg8[%rem3A_141, %dma_wait3A_234, %dma_wait3A_235] : memref<2x4x64xi32, #tpu.memory_space<vmem>> -> memref<1x1x64xi32, #tpu.memory_space<vmem>>
        %dma_wait3A_237 = tpu.memref_squeeze %dma_wait3A_236 : memref<1x1x64xi32, #tpu.memory_space<vmem>> -> memref<64xi32, #tpu.memory_space<vmem>>
        %dma_wait3A_238 = arith.constant 0 : i32
        %dma_wait3A_239 = arith.constant 0 : i32
        %dma_wait3A_240 = tpu.memref_slice %arg13[%dma_wait3A_238, %dma_wait3A_239] : memref<10240x128xf32, #tpu.memory_space<vmem_shared>> -> memref<10240x128xf32, #tpu.memory_space<vmem_shared>>
        tpu.wait_indirect_dma semaphore(%arg18 : memref<!tpu.dma_semaphore, #tpu.memory_space<semaphore_mem>>) src(%arg9 : memref<64x128xf32, #tpu.memory_space<vmem>>) dst(%dma_wait3A_240 : memref<10240x128xf32, #tpu.memory_space<vmem_shared>>)
        %dma_start3A_241 = arith.constant 0 : i32
        %dma_start3A_242 = arith.constant 0 : i32
        %dma_start3A_243 = tpu.memref_slice %arg7[%rem3A_145, %dma_start3A_241, %dma_start3A_242] : memref<2x4x64xi32, #tpu.memory_space<vmem>> -> memref<1x1x64xi32, #tpu.memory_space<vmem>>
        %dma_start3A_244 = tpu.memref_squeeze %dma_start3A_243 : memref<1x1x64xi32, #tpu.memory_space<vmem>> -> memref<64xi32, #tpu.memory_space<vmem>>
        %dma_start3A_245 = arith.constant 0 : i32
        %dma_start3A_246 = arith.constant 0 : i32
        %dma_start3A_247 = tpu.memref_slice %arg4[%dma_start3A_245, %dma_start3A_246] : memref<40960x128xf32, #tpu.memory_space<hbm>> -> memref<40960x128xf32, #tpu.memory_space<hbm>>
        tpu.enqueue_indirect_dma source(%dma_start3A_247 : memref<40960x128xf32, #tpu.memory_space<hbm>>) target(%arg9 : memref<64x128xf32, #tpu.memory_space<vmem>>) offsets(%dma_start3A_244 : memref<64xi32, #tpu.memory_space<vmem>>) semaphore(%arg14 : memref<!tpu.dma_semaphore, #tpu.memory_space<semaphore_mem>>)
      } else {
      }
      %dma_start3A_209 = arith.constant 2 : i32
      %dma_start3A_210 = arith.constant 0 : i32
      %dma_start3A_211 = tpu.memref_slice %arg8[%rem3A_141, %dma_start3A_209, %dma_start3A_210] : memref<2x4x64xi32, #tpu.memory_space<vmem>> -> memref<1x1x64xi32, #tpu.memory_space<vmem>>
      %dma_start3A_212 = tpu.memref_squeeze %dma_start3A_211 : memref<1x1x64xi32, #tpu.memory_space<vmem>> -> memref<64xi32, #tpu.memory_space<vmem>>
      %dma_start3A_213 = arith.constant 0 : i32
      %dma_start3A_214 = arith.constant 0 : i32
      %dma_start3A_215 = tpu.memref_slice %arg13[%dma_start3A_213, %dma_start3A_214] : memref<10240x128xf32, #tpu.memory_space<vmem_shared>> -> memref<10240x128xf32, #tpu.memory_space<vmem_shared>>
      tpu.enqueue_indirect_dma source(%arg11 : memref<64x128xf32, #tpu.memory_space<vmem>>) target(%dma_start3A_215 : memref<10240x128xf32, #tpu.memory_space<vmem_shared>>) offsets(%dma_start3A_212 : memref<64xi32, #tpu.memory_space<vmem>>) semaphore(%arg20 : memref<!tpu.dma_semaphore, #tpu.memory_space<semaphore_mem>>) {add = true}
      %dma_wait3A_216 = arith.constant 3 : i32
      %dma_wait3A_217 = arith.constant 0 : i32
      %dma_wait3A_218 = tpu.memref_slice %arg7[%rem3A_141, %dma_wait3A_216, %dma_wait3A_217] : memref<2x4x64xi32, #tpu.memory_space<vmem>> -> memref<1x1x64xi32, #tpu.memory_space<vmem>>
      %dma_wait3A_219 = tpu.memref_squeeze %dma_wait3A_218 : memref<1x1x64xi32, #tpu.memory_space<vmem>> -> memref<64xi32, #tpu.memory_space<vmem>>
      %dma_wait3A_220 = arith.constant 0 : i32
      %dma_wait3A_221 = arith.constant 0 : i32
      %dma_wait3A_222 = tpu.memref_slice %arg4[%dma_wait3A_220, %dma_wait3A_221] : memref<40960x128xf32, #tpu.memory_space<hbm>> -> memref<40960x128xf32, #tpu.memory_space<hbm>>
      tpu.wait_indirect_dma semaphore(%arg17 : memref<!tpu.dma_semaphore, #tpu.memory_space<semaphore_mem>>) src(%dma_wait3A_222 : memref<40960x128xf32, #tpu.memory_space<hbm>>) dst(%arg12 : memref<64x128xf32, #tpu.memory_space<vmem>>)
      %convert_element_type3A_223 = arith.extui %lt3A_146 : i1 to i32
      %cond3A_224 = arith.constant 0 : i32
      %cond3A_225 = arith.cmpi ne, %convert_element_type3A_223, %cond3A_224 : i32
      scf.if %cond3A_225 {
        %dma_wait3A_234 = arith.constant 1 : i32
        %dma_wait3A_235 = arith.constant 0 : i32
        %dma_wait3A_236 = tpu.memref_slice %arg8[%rem3A_141, %dma_wait3A_234, %dma_wait3A_235] : memref<2x4x64xi32, #tpu.memory_space<vmem>> -> memref<1x1x64xi32, #tpu.memory_space<vmem>>
        %dma_wait3A_237 = tpu.memref_squeeze %dma_wait3A_236 : memref<1x1x64xi32, #tpu.memory_space<vmem>> -> memref<64xi32, #tpu.memory_space<vmem>>
        %dma_wait3A_238 = arith.constant 0 : i32
        %dma_wait3A_239 = arith.constant 0 : i32
        %dma_wait3A_240 = tpu.memref_slice %arg13[%dma_wait3A_238, %dma_wait3A_239] : memref<10240x128xf32, #tpu.memory_space<vmem_shared>> -> memref<10240x128xf32, #tpu.memory_space<vmem_shared>>
        tpu.wait_indirect_dma semaphore(%arg19 : memref<!tpu.dma_semaphore, #tpu.memory_space<semaphore_mem>>) src(%arg10 : memref<64x128xf32, #tpu.memory_space<vmem>>) dst(%dma_wait3A_240 : memref<10240x128xf32, #tpu.memory_space<vmem_shared>>)
        %dma_start3A_241 = arith.constant 1 : i32
        %dma_start3A_242 = arith.constant 0 : i32
        %dma_start3A_243 = tpu.memref_slice %arg7[%rem3A_145, %dma_start3A_241, %dma_start3A_242] : memref<2x4x64xi32, #tpu.memory_space<vmem>> -> memref<1x1x64xi32, #tpu.memory_space<vmem>>
        %dma_start3A_244 = tpu.memref_squeeze %dma_start3A_243 : memref<1x1x64xi32, #tpu.memory_space<vmem>> -> memref<64xi32, #tpu.memory_space<vmem>>
        %dma_start3A_245 = arith.constant 0 : i32
        %dma_start3A_246 = arith.constant 0 : i32
        %dma_start3A_247 = tpu.memref_slice %arg4[%dma_start3A_245, %dma_start3A_246] : memref<40960x128xf32, #tpu.memory_space<hbm>> -> memref<40960x128xf32, #tpu.memory_space<hbm>>
        tpu.enqueue_indirect_dma source(%dma_start3A_247 : memref<40960x128xf32, #tpu.memory_space<hbm>>) target(%arg10 : memref<64x128xf32, #tpu.memory_space<vmem>>) offsets(%dma_start3A_244 : memref<64xi32, #tpu.memory_space<vmem>>) semaphore(%arg15 : memref<!tpu.dma_semaphore, #tpu.memory_space<semaphore_mem>>)
      } else {
      }
      %dma_start3A_226 = arith.constant 3 : i32
      %dma_start3A_227 = arith.constant 0 : i32
      %dma_start3A_228 = tpu.memref_slice %arg8[%rem3A_141, %dma_start3A_226, %dma_start3A_227] : memref<2x4x64xi32, #tpu.memory_space<vmem>> -> memref<1x1x64xi32, #tpu.memory_space<vmem>>
      %dma_start3A_229 = tpu.memref_squeeze %dma_start3A_228 : memref<1x1x64xi32, #tpu.memory_space<vmem>> -> memref<64xi32, #tpu.memory_space<vmem>>
      %dma_start3A_230 = arith.constant 0 : i32
      %dma_start3A_231 = arith.constant 0 : i32
      %dma_start3A_232 = tpu.memref_slice %arg13[%dma_start3A_230, %dma_start3A_231] : memref<10240x128xf32, #tpu.memory_space<vmem_shared>> -> memref<10240x128xf32, #tpu.memory_space<vmem_shared>>
      tpu.enqueue_indirect_dma source(%arg12 : memref<64x128xf32, #tpu.memory_space<vmem>>) target(%dma_start3A_232 : memref<10240x128xf32, #tpu.memory_space<vmem_shared>>) offsets(%dma_start3A_229 : memref<64xi32, #tpu.memory_space<vmem>>) semaphore(%arg21 : memref<!tpu.dma_semaphore, #tpu.memory_space<semaphore_mem>>) {add = true}
      %scan3A_233 = arith.constant 0 : i32
      scf.yield %scan3A_233 : i32
    }
    %scan3A_25 = arith.constant 40 : i32
    %dma_wait3A = arith.constant 1 : i32
    %dma_wait3A_26 = arith.constant 0 : i32
    %dma_wait3A_27 = arith.constant 0 : i32
    %dma_wait3A_28 = tpu.memref_slice %arg8[%dma_wait3A, %dma_wait3A_26, %dma_wait3A_27] : memref<2x4x64xi32, #tpu.memory_space<vmem>> -> memref<1x1x64xi32, #tpu.memory_space<vmem>>
    %dma_wait3A_29 = tpu.memref_squeeze %dma_wait3A_28 : memref<1x1x64xi32, #tpu.memory_space<vmem>> -> memref<64xi32, #tpu.memory_space<vmem>>
    %dma_wait3A_30 = arith.constant 0 : i32
    %dma_wait3A_31 = arith.constant 0 : i32
    %dma_wait3A_32 = tpu.memref_slice %arg13[%dma_wait3A_30, %dma_wait3A_31] : memref<10240x128xf32, #tpu.memory_space<vmem_shared>> -> memref<10240x128xf32, #tpu.memory_space<vmem_shared>>
    tpu.wait_indirect_dma semaphore(%arg18 : memref<!tpu.dma_semaphore, #tpu.memory_space<semaphore_mem>>) src(%arg9 : memref<64x128xf32, #tpu.memory_space<vmem>>) dst(%dma_wait3A_32 : memref<10240x128xf32, #tpu.memory_space<vmem_shared>>)
    %dma_wait3A_33 = arith.constant 1 : i32
    %dma_wait3A_34 = arith.constant 1 : i32
    %dma_wait3A_35 = arith.constant 0 : i32
    %dma_wait3A_36 = tpu.memref_slice %arg8[%dma_wait3A_33, %dma_wait3A_34, %dma_wait3A_35] : memref<2x4x64xi32, #tpu.memory_space<vmem>> -> memref<1x1x64xi32, #tpu.memory_space<vmem>>
    %dma_wait3A_37 = tpu.memref_squeeze %dma_wait3A_36 : memref<1x1x64xi32, #tpu.memory_space<vmem>> -> memref<64xi32, #tpu.memory_space<vmem>>
    %dma_wait3A_38 = arith.constant 0 : i32
    %dma_wait3A_39 = arith.constant 0 : i32
    %dma_wait3A_40 = tpu.memref_slice %arg13[%dma_wait3A_38, %dma_wait3A_39] : memref<10240x128xf32, #tpu.memory_space<vmem_shared>> -> memref<10240x128xf32, #tpu.memory_space<vmem_shared>>
    tpu.wait_indirect_dma semaphore(%arg19 : memref<!tpu.dma_semaphore, #tpu.memory_space<semaphore_mem>>) src(%arg10 : memref<64x128xf32, #tpu.memory_space<vmem>>) dst(%dma_wait3A_40 : memref<10240x128xf32, #tpu.memory_space<vmem_shared>>)
    %dma_wait3A_41 = arith.constant 1 : i32
    %dma_wait3A_42 = arith.constant 2 : i32
    %dma_wait3A_43 = arith.constant 0 : i32
    %dma_wait3A_44 = tpu.memref_slice %arg8[%dma_wait3A_41, %dma_wait3A_42, %dma_wait3A_43] : memref<2x4x64xi32, #tpu.memory_space<vmem>> -> memref<1x1x64xi32, #tpu.memory_space<vmem>>
    %dma_wait3A_45 = tpu.memref_squeeze %dma_wait3A_44 : memref<1x1x64xi32, #tpu.memory_space<vmem>> -> memref<64xi32, #tpu.memory_space<vmem>>
    %dma_wait3A_46 = arith.constant 0 : i32
    %dma_wait3A_47 = arith.constant 0 : i32
    %dma_wait3A_48 = tpu.memref_slice %arg13[%dma_wait3A_46, %dma_wait3A_47] : memref<10240x128xf32, #tpu.memory_space<vmem_shared>> -> memref<10240x128xf32, #tpu.memory_space<vmem_shared>>
    tpu.wait_indirect_dma semaphore(%arg20 : memref<!tpu.dma_semaphore, #tpu.memory_space<semaphore_mem>>) src(%arg11 : memref<64x128xf32, #tpu.memory_space<vmem>>) dst(%dma_wait3A_48 : memref<10240x128xf32, #tpu.memory_space<vmem_shared>>)
    %dma_wait3A_49 = arith.constant 1 : i32
    %dma_wait3A_50 = arith.constant 3 : i32
    %dma_wait3A_51 = arith.constant 0 : i32
    %dma_wait3A_52 = tpu.memref_slice %arg8[%dma_wait3A_49, %dma_wait3A_50, %dma_wait3A_51] : memref<2x4x64xi32, #tpu.memory_space<vmem>> -> memref<1x1x64xi32, #tpu.memory_space<vmem>>
    %dma_wait3A_53 = tpu.memref_squeeze %dma_wait3A_52 : memref<1x1x64xi32, #tpu.memory_space<vmem>> -> memref<64xi32, #tpu.memory_space<vmem>>
    %dma_wait3A_54 = arith.constant 0 : i32
    %dma_wait3A_55 = arith.constant 0 : i32
    %dma_wait3A_56 = tpu.memref_slice %arg13[%dma_wait3A_54, %dma_wait3A_55] : memref<10240x128xf32, #tpu.memory_space<vmem_shared>> -> memref<10240x128xf32, #tpu.memory_space<vmem_shared>>
    tpu.wait_indirect_dma semaphore(%arg21 : memref<!tpu.dma_semaphore, #tpu.memory_space<semaphore_mem>>) src(%arg12 : memref<64x128xf32, #tpu.memory_space<vmem>>) dst(%dma_wait3A_56 : memref<10240x128xf32, #tpu.memory_space<vmem_shared>>)
    %barrier3A_57 = arith.constant 0 : index
    tpu.barrier barrier_id(%barrier3A_57)
    %mul3A_58 = arith.constant 640 : i32
    %mul3A_59 = arith.muli %arg1, %mul3A_58 : i32
    %mul3A_60 = arith.constant 10240 : i32
    %mul3A_61 = arith.muli %add3A_1, %mul3A_60 : i32
    %mul3A_62 = arith.constant 640 : i32
    %mul3A_63 = arith.muli %arg1, %mul3A_62 : i32
    %add3A_64 = arith.addi %mul3A_61, %mul3A_63 : i32
    "tpu.region"() ({
      %run_scoped3A_139 = tpu.sem_alloc : memref<!tpu.dma_semaphore, #tpu.memory_space<semaphore_mem>>
      %dma_start3A_140 = arith.constant 0 : i32
      %dma_start3A_141 = tpu.memref_slice %arg6[%add3A_64, %dma_start3A_140] : memref<40960x128xf32, #tpu.memory_space<hbm>> -> memref<640x128xf32, #tpu.memory_space<hbm>>
      %dma_start3A_142 = arith.constant 0 : i32
      %dma_start3A_143 = tpu.memref_slice %arg13[%mul3A_59, %dma_start3A_142] : memref<10240x128xf32, #tpu.memory_space<vmem_shared>> -> memref<640x128xf32, #tpu.memory_space<vmem_shared>>
      tpu.enqueue_dma source(%dma_start3A_143 : memref<640x128xf32, #tpu.memory_space<vmem_shared>>) target(%dma_start3A_141 : memref<640x128xf32, #tpu.memory_space<hbm>>) target_semaphore(%run_scoped3A_139 : memref<!tpu.dma_semaphore, #tpu.memory_space<semaphore_mem>>)
      %dma_wait3A_144 = arith.constant 0 : i32
      %dma_wait3A_145 = tpu.memref_slice %arg6[%add3A_64, %dma_wait3A_144] : memref<40960x128xf32, #tpu.memory_space<hbm>> -> memref<640x128xf32, #tpu.memory_space<hbm>>
      %dma_wait3A_146 = arith.constant 0 : i32
      %dma_wait3A_147 = tpu.memref_slice %arg13[%mul3A_59, %dma_wait3A_146] : memref<10240x128xf32, #tpu.memory_space<vmem_shared>> -> memref<640x128xf32, #tpu.memory_space<vmem_shared>>
      tpu.wait_dma2 semaphore(%run_scoped3A_139 : memref<!tpu.dma_semaphore, #tpu.memory_space<semaphore_mem>>) src(%dma_wait3A_147 : memref<640x128xf32, #tpu.memory_space<vmem_shared>>) dst(%dma_wait3A_145 : memref<640x128xf32, #tpu.memory_space<hbm>>)
      tpu.yield
    }) : () -> ()
    %barrier3A_65 = arith.constant 0 : index
    tpu.barrier barrier_id(%barrier3A_65)
    %mul3A_66 = arith.constant 2 : i32
    %mul3A_67 = arith.muli %arg0, %mul3A_66 : i32
    %add3A_68 = arith.constant 1 : i32
    %add3A_69 = arith.addi %mul3A_67, %add3A_68 : i32
    %mul3A_70 = arith.constant 640 : i32
    %mul3A_71 = arith.muli %arg1, %mul3A_70 : i32
    "tpu.region"() ({
      %run_scoped3A_139 = tpu.sem_alloc : memref<!tpu.dma_semaphore, #tpu.memory_space<semaphore_mem>>
      %dma_start3A_140 = arith.constant 0 : i32
      %dma_start3A_141 = tpu.memref_slice %arg13[%mul3A_71, %dma_start3A_140] : memref<10240x128xf32, #tpu.memory_space<vmem_shared>> -> memref<640x128xf32, #tpu.memory_space<vmem_shared>>
      tpu.enqueue_dma source(%arg5 : memref<640x128xf32, #tpu.memory_space<hbm>>) target(%dma_start3A_141 : memref<640x128xf32, #tpu.memory_space<vmem_shared>>) target_semaphore(%run_scoped3A_139 : memref<!tpu.dma_semaphore, #tpu.memory_space<semaphore_mem>>)
      %dma_wait3A_142 = arith.constant 0 : i32
      %dma_wait3A_143 = tpu.memref_slice %arg13[%mul3A_71, %dma_wait3A_142] : memref<10240x128xf32, #tpu.memory_space<vmem_shared>> -> memref<640x128xf32, #tpu.memory_space<vmem_shared>>
      tpu.wait_dma2 semaphore(%run_scoped3A_139 : memref<!tpu.dma_semaphore, #tpu.memory_space<semaphore_mem>>) src(%arg5 : memref<640x128xf32, #tpu.memory_space<hbm>>) dst(%dma_wait3A_143 : memref<640x128xf32, #tpu.memory_space<vmem_shared>>)
      tpu.yield
    }) : () -> ()
    %barrier3A_72 = arith.constant 0 : index
    tpu.barrier barrier_id(%barrier3A_72)
    %run_scoped3A_73 = arith.constant 0 : i32
    "tpu.region"() ({
      %run_scoped3A_139 = tpu.sem_alloc : memref<!tpu.dma_semaphore, #tpu.memory_space<semaphore_mem>>
      %dma_start3A_140 = arith.constant 0 : i32
      %dma_start3A_141 = arith.constant 0 : i32
      %dma_start3A_142 = tpu.memref_slice %arg7[%run_scoped3A_73, %dma_start3A_140, %dma_start3A_141] : memref<2x4x64xi32, #tpu.memory_space<vmem>> -> memref<1x4x64xi32, #tpu.memory_space<vmem>>
      %dma_start3A_143 = tpu.memref_squeeze %dma_start3A_142 : memref<1x4x64xi32, #tpu.memory_space<vmem>> -> memref<4x64xi32, #tpu.memory_space<vmem>>
      %dma_start3A_144 = arith.constant 0 : i32
      %dma_start3A_145 = arith.constant 0 : i32
      %dma_start3A_146 = tpu.memref_slice %arg2[%add3A_69, %arg1, %dma_start3A_144, %dma_start3A_145] : memref<4x16x160x64xi32, #tpu.memory_space<hbm>> -> memref<1x1x4x64xi32, #tpu.memory_space<hbm>>
      %dma_start3A_147 = tpu.memref_squeeze %dma_start3A_146 : memref<1x1x4x64xi32, #tpu.memory_space<hbm>> -> memref<4x64xi32, #tpu.memory_space<hbm>>
      %dma_start3A_148 = arith.constant 0 : i32
      %dma_start3A_149 = arith.constant 0 : i32
      %dma_start3A_150 = tpu.memref_slice %arg7[%run_scoped3A_73, %dma_start3A_148, %dma_start3A_149] : memref<2x4x64xi32, #tpu.memory_space<vmem>> -> memref<1x4x64xi32, #tpu.memory_space<vmem>>
      %dma_start3A_151 = tpu.memref_squeeze %dma_start3A_150 : memref<1x4x64xi32, #tpu.memory_space<vmem>> -> memref<4x64xi32, #tpu.memory_space<vmem>>
      %dma_start3A_152 = arith.constant 0 : i32
      %dma_start3A_153 = arith.constant 0 : i32
      %dma_start3A_154 = tpu.memref_slice %arg2[%add3A_69, %arg1, %dma_start3A_152, %dma_start3A_153] : memref<4x16x160x64xi32, #tpu.memory_space<hbm>> -> memref<1x1x4x64xi32, #tpu.memory_space<hbm>>
      %dma_start3A_155 = tpu.memref_squeeze %dma_start3A_154 : memref<1x1x4x64xi32, #tpu.memory_space<hbm>> -> memref<4x64xi32, #tpu.memory_space<hbm>>
      tpu.enqueue_dma source(%dma_start3A_155 : memref<4x64xi32, #tpu.memory_space<hbm>>) target(%dma_start3A_151 : memref<4x64xi32, #tpu.memory_space<vmem>>) target_semaphore(%run_scoped3A_139 : memref<!tpu.dma_semaphore, #tpu.memory_space<semaphore_mem>>)
      %dma_wait3A_156 = arith.constant 0 : i32
      %dma_wait3A_157 = arith.constant 0 : i32
      %dma_wait3A_158 = tpu.memref_slice %arg7[%run_scoped3A_73, %dma_wait3A_156, %dma_wait3A_157] : memref<2x4x64xi32, #tpu.memory_space<vmem>> -> memref<1x4x64xi32, #tpu.memory_space<vmem>>
      %dma_wait3A_159 = tpu.memref_squeeze %dma_wait3A_158 : memref<1x4x64xi32, #tpu.memory_space<vmem>> -> memref<4x64xi32, #tpu.memory_space<vmem>>
      %dma_wait3A_160 = arith.constant 0 : i32
      %dma_wait3A_161 = arith.constant 0 : i32
      %dma_wait3A_162 = tpu.memref_slice %arg2[%add3A_69, %arg1, %dma_wait3A_160, %dma_wait3A_161] : memref<4x16x160x64xi32, #tpu.memory_space<hbm>> -> memref<1x1x4x64xi32, #tpu.memory_space<hbm>>
      %dma_wait3A_163 = tpu.memref_squeeze %dma_wait3A_162 : memref<1x1x4x64xi32, #tpu.memory_space<hbm>> -> memref<4x64xi32, #tpu.memory_space<hbm>>
      %dma_wait3A_164 = arith.constant 0 : i32
      %dma_wait3A_165 = arith.constant 0 : i32
      %dma_wait3A_166 = tpu.memref_slice %arg7[%run_scoped3A_73, %dma_wait3A_164, %dma_wait3A_165] : memref<2x4x64xi32, #tpu.memory_space<vmem>> -> memref<1x4x64xi32, #tpu.memory_space<vmem>>
      %dma_wait3A_167 = tpu.memref_squeeze %dma_wait3A_166 : memref<1x4x64xi32, #tpu.memory_space<vmem>> -> memref<4x64xi32, #tpu.memory_space<vmem>>
      %dma_wait3A_168 = arith.constant 0 : i32
      %dma_wait3A_169 = arith.constant 0 : i32
      %dma_wait3A_170 = tpu.memref_slice %arg2[%add3A_69, %arg1, %dma_wait3A_168, %dma_wait3A_169] : memref<4x16x160x64xi32, #tpu.memory_space<hbm>> -> memref<1x1x4x64xi32, #tpu.memory_space<hbm>>
      %dma_wait3A_171 = tpu.memref_squeeze %dma_wait3A_170 : memref<1x1x4x64xi32, #tpu.memory_space<hbm>> -> memref<4x64xi32, #tpu.memory_space<hbm>>
      tpu.wait_dma2 semaphore(%run_scoped3A_139 : memref<!tpu.dma_semaphore, #tpu.memory_space<semaphore_mem>>) src(%dma_wait3A_171 : memref<4x64xi32, #tpu.memory_space<hbm>>) dst(%dma_wait3A_167 : memref<4x64xi32, #tpu.memory_space<vmem>>)
      tpu.yield
    }) : () -> ()
    %run_scoped3A_74 = arith.constant 0 : i32
    "tpu.region"() ({
      %run_scoped3A_139 = tpu.sem_alloc : memref<!tpu.dma_semaphore, #tpu.memory_space<semaphore_mem>>
      %dma_start3A_140 = arith.constant 0 : i32
      %dma_start3A_141 = arith.constant 0 : i32
      %dma_start3A_142 = tpu.memref_slice %arg8[%run_scoped3A_74, %dma_start3A_140, %dma_start3A_141] : memref<2x4x64xi32, #tpu.memory_space<vmem>> -> memref<1x4x64xi32, #tpu.memory_space<vmem>>
      %dma_start3A_143 = tpu.memref_squeeze %dma_start3A_142 : memref<1x4x64xi32, #tpu.memory_space<vmem>> -> memref<4x64xi32, #tpu.memory_space<vmem>>
      %dma_start3A_144 = arith.constant 0 : i32
      %dma_start3A_145 = arith.constant 0 : i32
      %dma_start3A_146 = tpu.memref_slice %arg3[%arg1, %dma_start3A_144, %dma_start3A_145] : memref<16x160x64xi32, #tpu.memory_space<hbm>> -> memref<1x4x64xi32, #tpu.memory_space<hbm>>
      %dma_start3A_147 = tpu.memref_squeeze %dma_start3A_146 : memref<1x4x64xi32, #tpu.memory_space<hbm>> -> memref<4x64xi32, #tpu.memory_space<hbm>>
      %dma_start3A_148 = arith.constant 0 : i32
      %dma_start3A_149 = arith.constant 0 : i32
      %dma_start3A_150 = tpu.memref_slice %arg8[%run_scoped3A_74, %dma_start3A_148, %dma_start3A_149] : memref<2x4x64xi32, #tpu.memory_space<vmem>> -> memref<1x4x64xi32, #tpu.memory_space<vmem>>
      %dma_start3A_151 = tpu.memref_squeeze %dma_start3A_150 : memref<1x4x64xi32, #tpu.memory_space<vmem>> -> memref<4x64xi32, #tpu.memory_space<vmem>>
      %dma_start3A_152 = arith.constant 0 : i32
      %dma_start3A_153 = arith.constant 0 : i32
      %dma_start3A_154 = tpu.memref_slice %arg3[%arg1, %dma_start3A_152, %dma_start3A_153] : memref<16x160x64xi32, #tpu.memory_space<hbm>> -> memref<1x4x64xi32, #tpu.memory_space<hbm>>
      %dma_start3A_155 = tpu.memref_squeeze %dma_start3A_154 : memref<1x4x64xi32, #tpu.memory_space<hbm>> -> memref<4x64xi32, #tpu.memory_space<hbm>>
      tpu.enqueue_dma source(%dma_start3A_155 : memref<4x64xi32, #tpu.memory_space<hbm>>) target(%dma_start3A_151 : memref<4x64xi32, #tpu.memory_space<vmem>>) target_semaphore(%run_scoped3A_139 : memref<!tpu.dma_semaphore, #tpu.memory_space<semaphore_mem>>)
      %dma_wait3A_156 = arith.constant 0 : i32
      %dma_wait3A_157 = arith.constant 0 : i32
      %dma_wait3A_158 = tpu.memref_slice %arg8[%run_scoped3A_74, %dma_wait3A_156, %dma_wait3A_157] : memref<2x4x64xi32, #tpu.memory_space<vmem>> -> memref<1x4x64xi32, #tpu.memory_space<vmem>>
      %dma_wait3A_159 = tpu.memref_squeeze %dma_wait3A_158 : memref<1x4x64xi32, #tpu.memory_space<vmem>> -> memref<4x64xi32, #tpu.memory_space<vmem>>
      %dma_wait3A_160 = arith.constant 0 : i32
      %dma_wait3A_161 = arith.constant 0 : i32
      %dma_wait3A_162 = tpu.memref_slice %arg3[%arg1, %dma_wait3A_160, %dma_wait3A_161] : memref<16x160x64xi32, #tpu.memory_space<hbm>> -> memref<1x4x64xi32, #tpu.memory_space<hbm>>
      %dma_wait3A_163 = tpu.memref_squeeze %dma_wait3A_162 : memref<1x4x64xi32, #tpu.memory_space<hbm>> -> memref<4x64xi32, #tpu.memory_space<hbm>>
      %dma_wait3A_164 = arith.constant 0 : i32
      %dma_wait3A_165 = arith.constant 0 : i32
      %dma_wait3A_166 = tpu.memref_slice %arg8[%run_scoped3A_74, %dma_wait3A_164, %dma_wait3A_165] : memref<2x4x64xi32, #tpu.memory_space<vmem>> -> memref<1x4x64xi32, #tpu.memory_space<vmem>>
      %dma_wait3A_167 = tpu.memref_squeeze %dma_wait3A_166 : memref<1x4x64xi32, #tpu.memory_space<vmem>> -> memref<4x64xi32, #tpu.memory_space<vmem>>
      %dma_wait3A_168 = arith.constant 0 : i32
      %dma_wait3A_169 = arith.constant 0 : i32
      %dma_wait3A_170 = tpu.memref_slice %arg3[%arg1, %dma_wait3A_168, %dma_wait3A_169] : memref<16x160x64xi32, #tpu.memory_space<hbm>> -> memref<1x4x64xi32, #tpu.memory_space<hbm>>
      %dma_wait3A_171 = tpu.memref_squeeze %dma_wait3A_170 : memref<1x4x64xi32, #tpu.memory_space<hbm>> -> memref<4x64xi32, #tpu.memory_space<hbm>>
      tpu.wait_dma2 semaphore(%run_scoped3A_139 : memref<!tpu.dma_semaphore, #tpu.memory_space<semaphore_mem>>) src(%dma_wait3A_171 : memref<4x64xi32, #tpu.memory_space<hbm>>) dst(%dma_wait3A_167 : memref<4x64xi32, #tpu.memory_space<vmem>>)
      tpu.yield
    }) : () -> ()
    %dma_start3A_75 = arith.constant 0 : i32
    %dma_start3A_76 = arith.constant 0 : i32
    %dma_start3A_77 = arith.constant 0 : i32
    %dma_start3A_78 = tpu.memref_slice %arg7[%dma_start3A_75, %dma_start3A_76, %dma_start3A_77] : memref<2x4x64xi32, #tpu.memory_space<vmem>> -> memref<1x1x64xi32, #tpu.memory_space<vmem>>
    %dma_start3A_79 = tpu.memref_squeeze %dma_start3A_78 : memref<1x1x64xi32, #tpu.memory_space<vmem>> -> memref<64xi32, #tpu.memory_space<vmem>>
    %dma_start3A_80 = arith.constant 0 : i32
    %dma_start3A_81 = arith.constant 0 : i32
    %dma_start3A_82 = tpu.memref_slice %arg4[%dma_start3A_80, %dma_start3A_81] : memref<40960x128xf32, #tpu.memory_space<hbm>> -> memref<40960x128xf32, #tpu.memory_space<hbm>>
    tpu.enqueue_indirect_dma source(%dma_start3A_82 : memref<40960x128xf32, #tpu.memory_space<hbm>>) target(%arg9 : memref<64x128xf32, #tpu.memory_space<vmem>>) offsets(%dma_start3A_79 : memref<64xi32, #tpu.memory_space<vmem>>) semaphore(%arg14 : memref<!tpu.dma_semaphore, #tpu.memory_space<semaphore_mem>>)
    %dma_start3A_83 = arith.constant 0 : i32
    %dma_start3A_84 = arith.constant 1 : i32
    %dma_start3A_85 = arith.constant 0 : i32
    %dma_start3A_86 = tpu.memref_slice %arg7[%dma_start3A_83, %dma_start3A_84, %dma_start3A_85] : memref<2x4x64xi32, #tpu.memory_space<vmem>> -> memref<1x1x64xi32, #tpu.memory_space<vmem>>
    %dma_start3A_87 = tpu.memref_squeeze %dma_start3A_86 : memref<1x1x64xi32, #tpu.memory_space<vmem>> -> memref<64xi32, #tpu.memory_space<vmem>>
    %dma_start3A_88 = arith.constant 0 : i32
    %dma_start3A_89 = arith.constant 0 : i32
    %dma_start3A_90 = tpu.memref_slice %arg4[%dma_start3A_88, %dma_start3A_89] : memref<40960x128xf32, #tpu.memory_space<hbm>> -> memref<40960x128xf32, #tpu.memory_space<hbm>>
    tpu.enqueue_indirect_dma source(%dma_start3A_90 : memref<40960x128xf32, #tpu.memory_space<hbm>>) target(%arg10 : memref<64x128xf32, #tpu.memory_space<vmem>>) offsets(%dma_start3A_87 : memref<64xi32, #tpu.memory_space<vmem>>) semaphore(%arg15 : memref<!tpu.dma_semaphore, #tpu.memory_space<semaphore_mem>>)
    %scan3A_91 = arith.constant 0 : i32
    %scan3A_92 = arith.constant 0 : i32
    %scan3A_93 = arith.constant 40 : i32
    %scan3A_94 = arith.addi %scan3A_92, %scan3A_93 : i32
    %scan3A_95 = arith.constant 1 : i32
    %scan3A_96 = scf.for %scan3A_139 = %scan3A_92 to %scan3A_94 step %scan3A_95 iter_args(%scan3A_140 = %scan3A_91) -> (i32)  : i32 {
      %rem3A = arith.constant 2 : i32
      %rem3A_141 = arith.remsi %scan3A_139, %rem3A : i32
      %add3A_142 = arith.constant 1 : i32
      %add3A_143 = arith.addi %scan3A_139, %add3A_142 : i32
      %rem3A_144 = arith.constant 2 : i32
      %rem3A_145 = arith.remsi %add3A_143, %rem3A_144 : i32
      %lt3A = arith.constant 39 : i32
      %lt3A_146 = arith.cmpi slt, %scan3A_139, %lt3A : i32
      %convert_element_type3A = arith.extui %lt3A_146 : i1 to i32
      %cond3A = arith.constant 0 : i32
      %cond3A_147 = arith.cmpi ne, %convert_element_type3A, %cond3A : i32
      scf.if %cond3A_147 {
        %add3A_234 = arith.constant 1 : i32
        %add3A_235 = arith.addi %scan3A_139, %add3A_234 : i32
        %mul3A_236 = arith.constant 4 : i32
        %mul3A_237 = arith.muli %mul3A_236, %add3A_235 : i32
        "tpu.region"() ({
          %run_scoped3A_242 = tpu.sem_alloc : memref<!tpu.dma_semaphore, #tpu.memory_space<semaphore_mem>>
          %dma_start3A_243 = arith.constant 0 : i32
          %dma_start3A_244 = arith.constant 0 : i32
          %dma_start3A_245 = tpu.memref_slice %arg7[%rem3A_145, %dma_start3A_243, %dma_start3A_244] : memref<2x4x64xi32, #tpu.memory_space<vmem>> -> memref<1x4x64xi32, #tpu.memory_space<vmem>>
          %dma_start3A_246 = tpu.memref_squeeze %dma_start3A_245 : memref<1x4x64xi32, #tpu.memory_space<vmem>> -> memref<4x64xi32, #tpu.memory_space<vmem>>
          %dma_start3A_247 = arith.constant 0 : i32
          %dma_start3A_248 = tpu.memref_slice %arg2[%add3A_69, %arg1, %mul3A_237, %dma_start3A_247] : memref<4x16x160x64xi32, #tpu.memory_space<hbm>> -> memref<1x1x4x64xi32, #tpu.memory_space<hbm>>
          %dma_start3A_249 = tpu.memref_squeeze %dma_start3A_248 : memref<1x1x4x64xi32, #tpu.memory_space<hbm>> -> memref<4x64xi32, #tpu.memory_space<hbm>>
          %dma_start3A_250 = arith.constant 0 : i32
          %dma_start3A_251 = arith.constant 0 : i32
          %dma_start3A_252 = tpu.memref_slice %arg7[%rem3A_145, %dma_start3A_250, %dma_start3A_251] : memref<2x4x64xi32, #tpu.memory_space<vmem>> -> memref<1x4x64xi32, #tpu.memory_space<vmem>>
          %dma_start3A_253 = tpu.memref_squeeze %dma_start3A_252 : memref<1x4x64xi32, #tpu.memory_space<vmem>> -> memref<4x64xi32, #tpu.memory_space<vmem>>
          %dma_start3A_254 = arith.constant 0 : i32
          %dma_start3A_255 = tpu.memref_slice %arg2[%add3A_69, %arg1, %mul3A_237, %dma_start3A_254] : memref<4x16x160x64xi32, #tpu.memory_space<hbm>> -> memref<1x1x4x64xi32, #tpu.memory_space<hbm>>
          %dma_start3A_256 = tpu.memref_squeeze %dma_start3A_255 : memref<1x1x4x64xi32, #tpu.memory_space<hbm>> -> memref<4x64xi32, #tpu.memory_space<hbm>>
          tpu.enqueue_dma source(%dma_start3A_256 : memref<4x64xi32, #tpu.memory_space<hbm>>) target(%dma_start3A_253 : memref<4x64xi32, #tpu.memory_space<vmem>>) target_semaphore(%run_scoped3A_242 : memref<!tpu.dma_semaphore, #tpu.memory_space<semaphore_mem>>)
          %dma_wait3A_257 = arith.constant 0 : i32
          %dma_wait3A_258 = arith.constant 0 : i32
          %dma_wait3A_259 = tpu.memref_slice %arg7[%rem3A_145, %dma_wait3A_257, %dma_wait3A_258] : memref<2x4x64xi32, #tpu.memory_space<vmem>> -> memref<1x4x64xi32, #tpu.memory_space<vmem>>
          %dma_wait3A_260 = tpu.memref_squeeze %dma_wait3A_259 : memref<1x4x64xi32, #tpu.memory_space<vmem>> -> memref<4x64xi32, #tpu.memory_space<vmem>>
          %dma_wait3A_261 = arith.constant 0 : i32
          %dma_wait3A_262 = tpu.memref_slice %arg2[%add3A_69, %arg1, %mul3A_237, %dma_wait3A_261] : memref<4x16x160x64xi32, #tpu.memory_space<hbm>> -> memref<1x1x4x64xi32, #tpu.memory_space<hbm>>
          %dma_wait3A_263 = tpu.memref_squeeze %dma_wait3A_262 : memref<1x1x4x64xi32, #tpu.memory_space<hbm>> -> memref<4x64xi32, #tpu.memory_space<hbm>>
          %dma_wait3A_264 = arith.constant 0 : i32
          %dma_wait3A_265 = arith.constant 0 : i32
          %dma_wait3A_266 = tpu.memref_slice %arg7[%rem3A_145, %dma_wait3A_264, %dma_wait3A_265] : memref<2x4x64xi32, #tpu.memory_space<vmem>> -> memref<1x4x64xi32, #tpu.memory_space<vmem>>
          %dma_wait3A_267 = tpu.memref_squeeze %dma_wait3A_266 : memref<1x4x64xi32, #tpu.memory_space<vmem>> -> memref<4x64xi32, #tpu.memory_space<vmem>>
          %dma_wait3A_268 = arith.constant 0 : i32
          %dma_wait3A_269 = tpu.memref_slice %arg2[%add3A_69, %arg1, %mul3A_237, %dma_wait3A_268] : memref<4x16x160x64xi32, #tpu.memory_space<hbm>> -> memref<1x1x4x64xi32, #tpu.memory_space<hbm>>
          %dma_wait3A_270 = tpu.memref_squeeze %dma_wait3A_269 : memref<1x1x4x64xi32, #tpu.memory_space<hbm>> -> memref<4x64xi32, #tpu.memory_space<hbm>>
          tpu.wait_dma2 semaphore(%run_scoped3A_242 : memref<!tpu.dma_semaphore, #tpu.memory_space<semaphore_mem>>) src(%dma_wait3A_270 : memref<4x64xi32, #tpu.memory_space<hbm>>) dst(%dma_wait3A_267 : memref<4x64xi32, #tpu.memory_space<vmem>>)
          tpu.yield
        }) : () -> ()
        %add3A_238 = arith.constant 1 : i32
        %add3A_239 = arith.addi %scan3A_139, %add3A_238 : i32
        %mul3A_240 = arith.constant 4 : i32
        %mul3A_241 = arith.muli %mul3A_240, %add3A_239 : i32
        "tpu.region"() ({
          %run_scoped3A_242 = tpu.sem_alloc : memref<!tpu.dma_semaphore, #tpu.memory_space<semaphore_mem>>
          %dma_start3A_243 = arith.constant 0 : i32
          %dma_start3A_244 = arith.constant 0 : i32
          %dma_start3A_245 = tpu.memref_slice %arg8[%rem3A_145, %dma_start3A_243, %dma_start3A_244] : memref<2x4x64xi32, #tpu.memory_space<vmem>> -> memref<1x4x64xi32, #tpu.memory_space<vmem>>
          %dma_start3A_246 = tpu.memref_squeeze %dma_start3A_245 : memref<1x4x64xi32, #tpu.memory_space<vmem>> -> memref<4x64xi32, #tpu.memory_space<vmem>>
          %dma_start3A_247 = arith.constant 0 : i32
          %dma_start3A_248 = tpu.memref_slice %arg3[%arg1, %mul3A_241, %dma_start3A_247] : memref<16x160x64xi32, #tpu.memory_space<hbm>> -> memref<1x4x64xi32, #tpu.memory_space<hbm>>
          %dma_start3A_249 = tpu.memref_squeeze %dma_start3A_248 : memref<1x4x64xi32, #tpu.memory_space<hbm>> -> memref<4x64xi32, #tpu.memory_space<hbm>>
          %dma_start3A_250 = arith.constant 0 : i32
          %dma_start3A_251 = arith.constant 0 : i32
          %dma_start3A_252 = tpu.memref_slice %arg8[%rem3A_145, %dma_start3A_250, %dma_start3A_251] : memref<2x4x64xi32, #tpu.memory_space<vmem>> -> memref<1x4x64xi32, #tpu.memory_space<vmem>>
          %dma_start3A_253 = tpu.memref_squeeze %dma_start3A_252 : memref<1x4x64xi32, #tpu.memory_space<vmem>> -> memref<4x64xi32, #tpu.memory_space<vmem>>
          %dma_start3A_254 = arith.constant 0 : i32
          %dma_start3A_255 = tpu.memref_slice %arg3[%arg1, %mul3A_241, %dma_start3A_254] : memref<16x160x64xi32, #tpu.memory_space<hbm>> -> memref<1x4x64xi32, #tpu.memory_space<hbm>>
          %dma_start3A_256 = tpu.memref_squeeze %dma_start3A_255 : memref<1x4x64xi32, #tpu.memory_space<hbm>> -> memref<4x64xi32, #tpu.memory_space<hbm>>
          tpu.enqueue_dma source(%dma_start3A_256 : memref<4x64xi32, #tpu.memory_space<hbm>>) target(%dma_start3A_253 : memref<4x64xi32, #tpu.memory_space<vmem>>) target_semaphore(%run_scoped3A_242 : memref<!tpu.dma_semaphore, #tpu.memory_space<semaphore_mem>>)
          %dma_wait3A_257 = arith.constant 0 : i32
          %dma_wait3A_258 = arith.constant 0 : i32
          %dma_wait3A_259 = tpu.memref_slice %arg8[%rem3A_145, %dma_wait3A_257, %dma_wait3A_258] : memref<2x4x64xi32, #tpu.memory_space<vmem>> -> memref<1x4x64xi32, #tpu.memory_space<vmem>>
          %dma_wait3A_260 = tpu.memref_squeeze %dma_wait3A_259 : memref<1x4x64xi32, #tpu.memory_space<vmem>> -> memref<4x64xi32, #tpu.memory_space<vmem>>
          %dma_wait3A_261 = arith.constant 0 : i32
          %dma_wait3A_262 = tpu.memref_slice %arg3[%arg1, %mul3A_241, %dma_wait3A_261] : memref<16x160x64xi32, #tpu.memory_space<hbm>> -> memref<1x4x64xi32, #tpu.memory_space<hbm>>
          %dma_wait3A_263 = tpu.memref_squeeze %dma_wait3A_262 : memref<1x4x64xi32, #tpu.memory_space<hbm>> -> memref<4x64xi32, #tpu.memory_space<hbm>>
          %dma_wait3A_264 = arith.constant 0 : i32
          %dma_wait3A_265 = arith.constant 0 : i32
          %dma_wait3A_266 = tpu.memref_slice %arg8[%rem3A_145, %dma_wait3A_264, %dma_wait3A_265] : memref<2x4x64xi32, #tpu.memory_space<vmem>> -> memref<1x4x64xi32, #tpu.memory_space<vmem>>
          %dma_wait3A_267 = tpu.memref_squeeze %dma_wait3A_266 : memref<1x4x64xi32, #tpu.memory_space<vmem>> -> memref<4x64xi32, #tpu.memory_space<vmem>>
          %dma_wait3A_268 = arith.constant 0 : i32
          %dma_wait3A_269 = tpu.memref_slice %arg3[%arg1, %mul3A_241, %dma_wait3A_268] : memref<16x160x64xi32, #tpu.memory_space<hbm>> -> memref<1x4x64xi32, #tpu.memory_space<hbm>>
          %dma_wait3A_270 = tpu.memref_squeeze %dma_wait3A_269 : memref<1x4x64xi32, #tpu.memory_space<hbm>> -> memref<4x64xi32, #tpu.memory_space<hbm>>
          tpu.wait_dma2 semaphore(%run_scoped3A_242 : memref<!tpu.dma_semaphore, #tpu.memory_space<semaphore_mem>>) src(%dma_wait3A_270 : memref<4x64xi32, #tpu.memory_space<hbm>>) dst(%dma_wait3A_267 : memref<4x64xi32, #tpu.memory_space<vmem>>)
          tpu.yield
        }) : () -> ()
      } else {
      }
      %dma_wait3A_148 = arith.constant 0 : i32
      %dma_wait3A_149 = arith.constant 0 : i32
      %dma_wait3A_150 = tpu.memref_slice %arg7[%rem3A_141, %dma_wait3A_148, %dma_wait3A_149] : memref<2x4x64xi32, #tpu.memory_space<vmem>> -> memref<1x1x64xi32, #tpu.memory_space<vmem>>
      %dma_wait3A_151 = tpu.memref_squeeze %dma_wait3A_150 : memref<1x1x64xi32, #tpu.memory_space<vmem>> -> memref<64xi32, #tpu.memory_space<vmem>>
      %dma_wait3A_152 = arith.constant 0 : i32
      %dma_wait3A_153 = arith.constant 0 : i32
      %dma_wait3A_154 = tpu.memref_slice %arg4[%dma_wait3A_152, %dma_wait3A_153] : memref<40960x128xf32, #tpu.memory_space<hbm>> -> memref<40960x128xf32, #tpu.memory_space<hbm>>
      tpu.wait_indirect_dma semaphore(%arg14 : memref<!tpu.dma_semaphore, #tpu.memory_space<semaphore_mem>>) src(%dma_wait3A_154 : memref<40960x128xf32, #tpu.memory_space<hbm>>) dst(%arg9 : memref<64x128xf32, #tpu.memory_space<vmem>>)
      %gt3A = arith.constant 0 : i32
      %gt3A_155 = arith.cmpi sgt, %scan3A_139, %gt3A : i32
      %convert_element_type3A_156 = arith.extui %gt3A_155 : i1 to i32
      %cond3A_157 = arith.constant 0 : i32
      %cond3A_158 = arith.cmpi ne, %convert_element_type3A_156, %cond3A_157 : i32
      scf.if %cond3A_158 {
        %dma_wait3A_234 = arith.constant 2 : i32
        %dma_wait3A_235 = arith.constant 0 : i32
        %dma_wait3A_236 = tpu.memref_slice %arg8[%rem3A_145, %dma_wait3A_234, %dma_wait3A_235] : memref<2x4x64xi32, #tpu.memory_space<vmem>> -> memref<1x1x64xi32, #tpu.memory_space<vmem>>
        %dma_wait3A_237 = tpu.memref_squeeze %dma_wait3A_236 : memref<1x1x64xi32, #tpu.memory_space<vmem>> -> memref<64xi32, #tpu.memory_space<vmem>>
        %dma_wait3A_238 = arith.constant 0 : i32
        %dma_wait3A_239 = arith.constant 0 : i32
        %dma_wait3A_240 = tpu.memref_slice %arg13[%dma_wait3A_238, %dma_wait3A_239] : memref<10240x128xf32, #tpu.memory_space<vmem_shared>> -> memref<10240x128xf32, #tpu.memory_space<vmem_shared>>
        tpu.wait_indirect_dma semaphore(%arg20 : memref<!tpu.dma_semaphore, #tpu.memory_space<semaphore_mem>>) src(%arg11 : memref<64x128xf32, #tpu.memory_space<vmem>>) dst(%dma_wait3A_240 : memref<10240x128xf32, #tpu.memory_space<vmem_shared>>)
      } else {
      }
      %dma_start3A_159 = arith.constant 2 : i32
      %dma_start3A_160 = arith.constant 0 : i32
      %dma_start3A_161 = tpu.memref_slice %arg7[%rem3A_141, %dma_start3A_159, %dma_start3A_160] : memref<2x4x64xi32, #tpu.memory_space<vmem>> -> memref<1x1x64xi32, #tpu.memory_space<vmem>>
      %dma_start3A_162 = tpu.memref_squeeze %dma_start3A_161 : memref<1x1x64xi32, #tpu.memory_space<vmem>> -> memref<64xi32, #tpu.memory_space<vmem>>
      %dma_start3A_163 = arith.constant 0 : i32
      %dma_start3A_164 = arith.constant 0 : i32
      %dma_start3A_165 = tpu.memref_slice %arg4[%dma_start3A_163, %dma_start3A_164] : memref<40960x128xf32, #tpu.memory_space<hbm>> -> memref<40960x128xf32, #tpu.memory_space<hbm>>
      tpu.enqueue_indirect_dma source(%dma_start3A_165 : memref<40960x128xf32, #tpu.memory_space<hbm>>) target(%arg11 : memref<64x128xf32, #tpu.memory_space<vmem>>) offsets(%dma_start3A_162 : memref<64xi32, #tpu.memory_space<vmem>>) semaphore(%arg16 : memref<!tpu.dma_semaphore, #tpu.memory_space<semaphore_mem>>)
      %dma_start3A_166 = arith.constant 0 : i32
      %dma_start3A_167 = arith.constant 0 : i32
      %dma_start3A_168 = tpu.memref_slice %arg8[%rem3A_141, %dma_start3A_166, %dma_start3A_167] : memref<2x4x64xi32, #tpu.memory_space<vmem>> -> memref<1x1x64xi32, #tpu.memory_space<vmem>>
      %dma_start3A_169 = tpu.memref_squeeze %dma_start3A_168 : memref<1x1x64xi32, #tpu.memory_space<vmem>> -> memref<64xi32, #tpu.memory_space<vmem>>
      %dma_start3A_170 = arith.constant 0 : i32
      %dma_start3A_171 = arith.constant 0 : i32
      %dma_start3A_172 = tpu.memref_slice %arg13[%dma_start3A_170, %dma_start3A_171] : memref<10240x128xf32, #tpu.memory_space<vmem_shared>> -> memref<10240x128xf32, #tpu.memory_space<vmem_shared>>
      tpu.enqueue_indirect_dma source(%arg9 : memref<64x128xf32, #tpu.memory_space<vmem>>) target(%dma_start3A_172 : memref<10240x128xf32, #tpu.memory_space<vmem_shared>>) offsets(%dma_start3A_169 : memref<64xi32, #tpu.memory_space<vmem>>) semaphore(%arg18 : memref<!tpu.dma_semaphore, #tpu.memory_space<semaphore_mem>>) {add = true}
      %dma_wait3A_173 = arith.constant 1 : i32
      %dma_wait3A_174 = arith.constant 0 : i32
      %dma_wait3A_175 = tpu.memref_slice %arg7[%rem3A_141, %dma_wait3A_173, %dma_wait3A_174] : memref<2x4x64xi32, #tpu.memory_space<vmem>> -> memref<1x1x64xi32, #tpu.memory_space<vmem>>
      %dma_wait3A_176 = tpu.memref_squeeze %dma_wait3A_175 : memref<1x1x64xi32, #tpu.memory_space<vmem>> -> memref<64xi32, #tpu.memory_space<vmem>>
      %dma_wait3A_177 = arith.constant 0 : i32
      %dma_wait3A_178 = arith.constant 0 : i32
      %dma_wait3A_179 = tpu.memref_slice %arg4[%dma_wait3A_177, %dma_wait3A_178] : memref<40960x128xf32, #tpu.memory_space<hbm>> -> memref<40960x128xf32, #tpu.memory_space<hbm>>
      tpu.wait_indirect_dma semaphore(%arg15 : memref<!tpu.dma_semaphore, #tpu.memory_space<semaphore_mem>>) src(%dma_wait3A_179 : memref<40960x128xf32, #tpu.memory_space<hbm>>) dst(%arg10 : memref<64x128xf32, #tpu.memory_space<vmem>>)
      %gt3A_180 = arith.constant 0 : i32
      %gt3A_181 = arith.cmpi sgt, %scan3A_139, %gt3A_180 : i32
      %convert_element_type3A_182 = arith.extui %gt3A_181 : i1 to i32
      %cond3A_183 = arith.constant 0 : i32
      %cond3A_184 = arith.cmpi ne, %convert_element_type3A_182, %cond3A_183 : i32
      scf.if %cond3A_184 {
        %dma_wait3A_234 = arith.constant 3 : i32
        %dma_wait3A_235 = arith.constant 0 : i32
        %dma_wait3A_236 = tpu.memref_slice %arg8[%rem3A_145, %dma_wait3A_234, %dma_wait3A_235] : memref<2x4x64xi32, #tpu.memory_space<vmem>> -> memref<1x1x64xi32, #tpu.memory_space<vmem>>
        %dma_wait3A_237 = tpu.memref_squeeze %dma_wait3A_236 : memref<1x1x64xi32, #tpu.memory_space<vmem>> -> memref<64xi32, #tpu.memory_space<vmem>>
        %dma_wait3A_238 = arith.constant 0 : i32
        %dma_wait3A_239 = arith.constant 0 : i32
        %dma_wait3A_240 = tpu.memref_slice %arg13[%dma_wait3A_238, %dma_wait3A_239] : memref<10240x128xf32, #tpu.memory_space<vmem_shared>> -> memref<10240x128xf32, #tpu.memory_space<vmem_shared>>
        tpu.wait_indirect_dma semaphore(%arg21 : memref<!tpu.dma_semaphore, #tpu.memory_space<semaphore_mem>>) src(%arg12 : memref<64x128xf32, #tpu.memory_space<vmem>>) dst(%dma_wait3A_240 : memref<10240x128xf32, #tpu.memory_space<vmem_shared>>)
      } else {
      }
      %dma_start3A_185 = arith.constant 3 : i32
      %dma_start3A_186 = arith.constant 0 : i32
      %dma_start3A_187 = tpu.memref_slice %arg7[%rem3A_141, %dma_start3A_185, %dma_start3A_186] : memref<2x4x64xi32, #tpu.memory_space<vmem>> -> memref<1x1x64xi32, #tpu.memory_space<vmem>>
      %dma_start3A_188 = tpu.memref_squeeze %dma_start3A_187 : memref<1x1x64xi32, #tpu.memory_space<vmem>> -> memref<64xi32, #tpu.memory_space<vmem>>
      %dma_start3A_189 = arith.constant 0 : i32
      %dma_start3A_190 = arith.constant 0 : i32
      %dma_start3A_191 = tpu.memref_slice %arg4[%dma_start3A_189, %dma_start3A_190] : memref<40960x128xf32, #tpu.memory_space<hbm>> -> memref<40960x128xf32, #tpu.memory_space<hbm>>
      tpu.enqueue_indirect_dma source(%dma_start3A_191 : memref<40960x128xf32, #tpu.memory_space<hbm>>) target(%arg12 : memref<64x128xf32, #tpu.memory_space<vmem>>) offsets(%dma_start3A_188 : memref<64xi32, #tpu.memory_space<vmem>>) semaphore(%arg17 : memref<!tpu.dma_semaphore, #tpu.memory_space<semaphore_mem>>)
      %dma_start3A_192 = arith.constant 1 : i32
      %dma_start3A_193 = arith.constant 0 : i32
      %dma_start3A_194 = tpu.memref_slice %arg8[%rem3A_141, %dma_start3A_192, %dma_start3A_193] : memref<2x4x64xi32, #tpu.memory_space<vmem>> -> memref<1x1x64xi32, #tpu.memory_space<vmem>>
      %dma_start3A_195 = tpu.memref_squeeze %dma_start3A_194 : memref<1x1x64xi32, #tpu.memory_space<vmem>> -> memref<64xi32, #tpu.memory_space<vmem>>
      %dma_start3A_196 = arith.constant 0 : i32
      %dma_start3A_197 = arith.constant 0 : i32
      %dma_start3A_198 = tpu.memref_slice %arg13[%dma_start3A_196, %dma_start3A_197] : memref<10240x128xf32, #tpu.memory_space<vmem_shared>> -> memref<10240x128xf32, #tpu.memory_space<vmem_shared>>
      tpu.enqueue_indirect_dma source(%arg10 : memref<64x128xf32, #tpu.memory_space<vmem>>) target(%dma_start3A_198 : memref<10240x128xf32, #tpu.memory_space<vmem_shared>>) offsets(%dma_start3A_195 : memref<64xi32, #tpu.memory_space<vmem>>) semaphore(%arg19 : memref<!tpu.dma_semaphore, #tpu.memory_space<semaphore_mem>>) {add = true}
      %dma_wait3A_199 = arith.constant 2 : i32
      %dma_wait3A_200 = arith.constant 0 : i32
      %dma_wait3A_201 = tpu.memref_slice %arg7[%rem3A_141, %dma_wait3A_199, %dma_wait3A_200] : memref<2x4x64xi32, #tpu.memory_space<vmem>> -> memref<1x1x64xi32, #tpu.memory_space<vmem>>
      %dma_wait3A_202 = tpu.memref_squeeze %dma_wait3A_201 : memref<1x1x64xi32, #tpu.memory_space<vmem>> -> memref<64xi32, #tpu.memory_space<vmem>>
      %dma_wait3A_203 = arith.constant 0 : i32
      %dma_wait3A_204 = arith.constant 0 : i32
      %dma_wait3A_205 = tpu.memref_slice %arg4[%dma_wait3A_203, %dma_wait3A_204] : memref<40960x128xf32, #tpu.memory_space<hbm>> -> memref<40960x128xf32, #tpu.memory_space<hbm>>
      tpu.wait_indirect_dma semaphore(%arg16 : memref<!tpu.dma_semaphore, #tpu.memory_space<semaphore_mem>>) src(%dma_wait3A_205 : memref<40960x128xf32, #tpu.memory_space<hbm>>) dst(%arg11 : memref<64x128xf32, #tpu.memory_space<vmem>>)
      %convert_element_type3A_206 = arith.extui %lt3A_146 : i1 to i32
      %cond3A_207 = arith.constant 0 : i32
      %cond3A_208 = arith.cmpi ne, %convert_element_type3A_206, %cond3A_207 : i32
      scf.if %cond3A_208 {
        %dma_wait3A_234 = arith.constant 0 : i32
        %dma_wait3A_235 = arith.constant 0 : i32
        %dma_wait3A_236 = tpu.memref_slice %arg8[%rem3A_141, %dma_wait3A_234, %dma_wait3A_235] : memref<2x4x64xi32, #tpu.memory_space<vmem>> -> memref<1x1x64xi32, #tpu.memory_space<vmem>>
        %dma_wait3A_237 = tpu.memref_squeeze %dma_wait3A_236 : memref<1x1x64xi32, #tpu.memory_space<vmem>> -> memref<64xi32, #tpu.memory_space<vmem>>
        %dma_wait3A_238 = arith.constant 0 : i32
        %dma_wait3A_239 = arith.constant 0 : i32
        %dma_wait3A_240 = tpu.memref_slice %arg13[%dma_wait3A_238, %dma_wait3A_239] : memref<10240x128xf32, #tpu.memory_space<vmem_shared>> -> memref<10240x128xf32, #tpu.memory_space<vmem_shared>>
        tpu.wait_indirect_dma semaphore(%arg18 : memref<!tpu.dma_semaphore, #tpu.memory_space<semaphore_mem>>) src(%arg9 : memref<64x128xf32, #tpu.memory_space<vmem>>) dst(%dma_wait3A_240 : memref<10240x128xf32, #tpu.memory_space<vmem_shared>>)
        %dma_start3A_241 = arith.constant 0 : i32
        %dma_start3A_242 = arith.constant 0 : i32
        %dma_start3A_243 = tpu.memref_slice %arg7[%rem3A_145, %dma_start3A_241, %dma_start3A_242] : memref<2x4x64xi32, #tpu.memory_space<vmem>> -> memref<1x1x64xi32, #tpu.memory_space<vmem>>
        %dma_start3A_244 = tpu.memref_squeeze %dma_start3A_243 : memref<1x1x64xi32, #tpu.memory_space<vmem>> -> memref<64xi32, #tpu.memory_space<vmem>>
        %dma_start3A_245 = arith.constant 0 : i32
        %dma_start3A_246 = arith.constant 0 : i32
        %dma_start3A_247 = tpu.memref_slice %arg4[%dma_start3A_245, %dma_start3A_246] : memref<40960x128xf32, #tpu.memory_space<hbm>> -> memref<40960x128xf32, #tpu.memory_space<hbm>>
        tpu.enqueue_indirect_dma source(%dma_start3A_247 : memref<40960x128xf32, #tpu.memory_space<hbm>>) target(%arg9 : memref<64x128xf32, #tpu.memory_space<vmem>>) offsets(%dma_start3A_244 : memref<64xi32, #tpu.memory_space<vmem>>) semaphore(%arg14 : memref<!tpu.dma_semaphore, #tpu.memory_space<semaphore_mem>>)
      } else {
      }
      %dma_start3A_209 = arith.constant 2 : i32
      %dma_start3A_210 = arith.constant 0 : i32
      %dma_start3A_211 = tpu.memref_slice %arg8[%rem3A_141, %dma_start3A_209, %dma_start3A_210] : memref<2x4x64xi32, #tpu.memory_space<vmem>> -> memref<1x1x64xi32, #tpu.memory_space<vmem>>
      %dma_start3A_212 = tpu.memref_squeeze %dma_start3A_211 : memref<1x1x64xi32, #tpu.memory_space<vmem>> -> memref<64xi32, #tpu.memory_space<vmem>>
      %dma_start3A_213 = arith.constant 0 : i32
      %dma_start3A_214 = arith.constant 0 : i32
      %dma_start3A_215 = tpu.memref_slice %arg13[%dma_start3A_213, %dma_start3A_214] : memref<10240x128xf32, #tpu.memory_space<vmem_shared>> -> memref<10240x128xf32, #tpu.memory_space<vmem_shared>>
      tpu.enqueue_indirect_dma source(%arg11 : memref<64x128xf32, #tpu.memory_space<vmem>>) target(%dma_start3A_215 : memref<10240x128xf32, #tpu.memory_space<vmem_shared>>) offsets(%dma_start3A_212 : memref<64xi32, #tpu.memory_space<vmem>>) semaphore(%arg20 : memref<!tpu.dma_semaphore, #tpu.memory_space<semaphore_mem>>) {add = true}
      %dma_wait3A_216 = arith.constant 3 : i32
      %dma_wait3A_217 = arith.constant 0 : i32
      %dma_wait3A_218 = tpu.memref_slice %arg7[%rem3A_141, %dma_wait3A_216, %dma_wait3A_217] : memref<2x4x64xi32, #tpu.memory_space<vmem>> -> memref<1x1x64xi32, #tpu.memory_space<vmem>>
      %dma_wait3A_219 = tpu.memref_squeeze %dma_wait3A_218 : memref<1x1x64xi32, #tpu.memory_space<vmem>> -> memref<64xi32, #tpu.memory_space<vmem>>
      %dma_wait3A_220 = arith.constant 0 : i32
      %dma_wait3A_221 = arith.constant 0 : i32
      %dma_wait3A_222 = tpu.memref_slice %arg4[%dma_wait3A_220, %dma_wait3A_221] : memref<40960x128xf32, #tpu.memory_space<hbm>> -> memref<40960x128xf32, #tpu.memory_space<hbm>>
      tpu.wait_indirect_dma semaphore(%arg17 : memref<!tpu.dma_semaphore, #tpu.memory_space<semaphore_mem>>) src(%dma_wait3A_222 : memref<40960x128xf32, #tpu.memory_space<hbm>>) dst(%arg12 : memref<64x128xf32, #tpu.memory_space<vmem>>)
      %convert_element_type3A_223 = arith.extui %lt3A_146 : i1 to i32
      %cond3A_224 = arith.constant 0 : i32
      %cond3A_225 = arith.cmpi ne, %convert_element_type3A_223, %cond3A_224 : i32
      scf.if %cond3A_225 {
        %dma_wait3A_234 = arith.constant 1 : i32
        %dma_wait3A_235 = arith.constant 0 : i32
        %dma_wait3A_236 = tpu.memref_slice %arg8[%rem3A_141, %dma_wait3A_234, %dma_wait3A_235] : memref<2x4x64xi32, #tpu.memory_space<vmem>> -> memref<1x1x64xi32, #tpu.memory_space<vmem>>
        %dma_wait3A_237 = tpu.memref_squeeze %dma_wait3A_236 : memref<1x1x64xi32, #tpu.memory_space<vmem>> -> memref<64xi32, #tpu.memory_space<vmem>>
        %dma_wait3A_238 = arith.constant 0 : i32
        %dma_wait3A_239 = arith.constant 0 : i32
        %dma_wait3A_240 = tpu.memref_slice %arg13[%dma_wait3A_238, %dma_wait3A_239] : memref<10240x128xf32, #tpu.memory_space<vmem_shared>> -> memref<10240x128xf32, #tpu.memory_space<vmem_shared>>
        tpu.wait_indirect_dma semaphore(%arg19 : memref<!tpu.dma_semaphore, #tpu.memory_space<semaphore_mem>>) src(%arg10 : memref<64x128xf32, #tpu.memory_space<vmem>>) dst(%dma_wait3A_240 : memref<10240x128xf32, #tpu.memory_space<vmem_shared>>)
        %dma_start3A_241 = arith.constant 1 : i32
        %dma_start3A_242 = arith.constant 0 : i32
        %dma_start3A_243 = tpu.memref_slice %arg7[%rem3A_145, %dma_start3A_241, %dma_start3A_242] : memref<2x4x64xi32, #tpu.memory_space<vmem>> -> memref<1x1x64xi32, #tpu.memory_space<vmem>>
        %dma_start3A_244 = tpu.memref_squeeze %dma_start3A_243 : memref<1x1x64xi32, #tpu.memory_space<vmem>> -> memref<64xi32, #tpu.memory_space<vmem>>
        %dma_start3A_245 = arith.constant 0 : i32
        %dma_start3A_246 = arith.constant 0 : i32
        %dma_start3A_247 = tpu.memref_slice %arg4[%dma_start3A_245, %dma_start3A_246] : memref<40960x128xf32, #tpu.memory_space<hbm>> -> memref<40960x128xf32, #tpu.memory_space<hbm>>
        tpu.enqueue_indirect_dma source(%dma_start3A_247 : memref<40960x128xf32, #tpu.memory_space<hbm>>) target(%arg10 : memref<64x128xf32, #tpu.memory_space<vmem>>) offsets(%dma_start3A_244 : memref<64xi32, #tpu.memory_space<vmem>>) semaphore(%arg15 : memref<!tpu.dma_semaphore, #tpu.memory_space<semaphore_mem>>)
      } else {
      }
      %dma_start3A_226 = arith.constant 3 : i32
      %dma_start3A_227 = arith.constant 0 : i32
      %dma_start3A_228 = tpu.memref_slice %arg8[%rem3A_141, %dma_start3A_226, %dma_start3A_227] : memref<2x4x64xi32, #tpu.memory_space<vmem>> -> memref<1x1x64xi32, #tpu.memory_space<vmem>>
      %dma_start3A_229 = tpu.memref_squeeze %dma_start3A_228 : memref<1x1x64xi32, #tpu.memory_space<vmem>> -> memref<64xi32, #tpu.memory_space<vmem>>
      %dma_start3A_230 = arith.constant 0 : i32
      %dma_start3A_231 = arith.constant 0 : i32
      %dma_start3A_232 = tpu.memref_slice %arg13[%dma_start3A_230, %dma_start3A_231] : memref<10240x128xf32, #tpu.memory_space<vmem_shared>> -> memref<10240x128xf32, #tpu.memory_space<vmem_shared>>
      tpu.enqueue_indirect_dma source(%arg12 : memref<64x128xf32, #tpu.memory_space<vmem>>) target(%dma_start3A_232 : memref<10240x128xf32, #tpu.memory_space<vmem_shared>>) offsets(%dma_start3A_229 : memref<64xi32, #tpu.memory_space<vmem>>) semaphore(%arg21 : memref<!tpu.dma_semaphore, #tpu.memory_space<semaphore_mem>>) {add = true}
      %scan3A_233 = arith.constant 0 : i32
      scf.yield %scan3A_233 : i32
    }
    %scan3A_97 = arith.constant 40 : i32
    %dma_wait3A_98 = arith.constant 1 : i32
    %dma_wait3A_99 = arith.constant 0 : i32
    %dma_wait3A_100 = arith.constant 0 : i32
    %dma_wait3A_101 = tpu.memref_slice %arg8[%dma_wait3A_98, %dma_wait3A_99, %dma_wait3A_100] : memref<2x4x64xi32, #tpu.memory_space<vmem>> -> memref<1x1x64xi32, #tpu.memory_space<vmem>>
    %dma_wait3A_102 = tpu.memref_squeeze %dma_wait3A_101 : memref<1x1x64xi32, #tpu.memory_space<vmem>> -> memref<64xi32, #tpu.memory_space<vmem>>
    %dma_wait3A_103 = arith.constant 0 : i32
    %dma_wait3A_104 = arith.constant 0 : i32
    %dma_wait3A_105 = tpu.memref_slice %arg13[%dma_wait3A_103, %dma_wait3A_104] : memref<10240x128xf32, #tpu.memory_space<vmem_shared>> -> memref<10240x128xf32, #tpu.memory_space<vmem_shared>>
    tpu.wait_indirect_dma semaphore(%arg18 : memref<!tpu.dma_semaphore, #tpu.memory_space<semaphore_mem>>) src(%arg9 : memref<64x128xf32, #tpu.memory_space<vmem>>) dst(%dma_wait3A_105 : memref<10240x128xf32, #tpu.memory_space<vmem_shared>>)
    %dma_wait3A_106 = arith.constant 1 : i32
    %dma_wait3A_107 = arith.constant 1 : i32
    %dma_wait3A_108 = arith.constant 0 : i32
    %dma_wait3A_109 = tpu.memref_slice %arg8[%dma_wait3A_106, %dma_wait3A_107, %dma_wait3A_108] : memref<2x4x64xi32, #tpu.memory_space<vmem>> -> memref<1x1x64xi32, #tpu.memory_space<vmem>>
    %dma_wait3A_110 = tpu.memref_squeeze %dma_wait3A_109 : memref<1x1x64xi32, #tpu.memory_space<vmem>> -> memref<64xi32, #tpu.memory_space<vmem>>
    %dma_wait3A_111 = arith.constant 0 : i32
    %dma_wait3A_112 = arith.constant 0 : i32
    %dma_wait3A_113 = tpu.memref_slice %arg13[%dma_wait3A_111, %dma_wait3A_112] : memref<10240x128xf32, #tpu.memory_space<vmem_shared>> -> memref<10240x128xf32, #tpu.memory_space<vmem_shared>>
    tpu.wait_indirect_dma semaphore(%arg19 : memref<!tpu.dma_semaphore, #tpu.memory_space<semaphore_mem>>) src(%arg10 : memref<64x128xf32, #tpu.memory_space<vmem>>) dst(%dma_wait3A_113 : memref<10240x128xf32, #tpu.memory_space<vmem_shared>>)
    %dma_wait3A_114 = arith.constant 1 : i32
    %dma_wait3A_115 = arith.constant 2 : i32
    %dma_wait3A_116 = arith.constant 0 : i32
    %dma_wait3A_117 = tpu.memref_slice %arg8[%dma_wait3A_114, %dma_wait3A_115, %dma_wait3A_116] : memref<2x4x64xi32, #tpu.memory_space<vmem>> -> memref<1x1x64xi32, #tpu.memory_space<vmem>>
    %dma_wait3A_118 = tpu.memref_squeeze %dma_wait3A_117 : memref<1x1x64xi32, #tpu.memory_space<vmem>> -> memref<64xi32, #tpu.memory_space<vmem>>
    %dma_wait3A_119 = arith.constant 0 : i32
    %dma_wait3A_120 = arith.constant 0 : i32
    %dma_wait3A_121 = tpu.memref_slice %arg13[%dma_wait3A_119, %dma_wait3A_120] : memref<10240x128xf32, #tpu.memory_space<vmem_shared>> -> memref<10240x128xf32, #tpu.memory_space<vmem_shared>>
    tpu.wait_indirect_dma semaphore(%arg20 : memref<!tpu.dma_semaphore, #tpu.memory_space<semaphore_mem>>) src(%arg11 : memref<64x128xf32, #tpu.memory_space<vmem>>) dst(%dma_wait3A_121 : memref<10240x128xf32, #tpu.memory_space<vmem_shared>>)
    %dma_wait3A_122 = arith.constant 1 : i32
    %dma_wait3A_123 = arith.constant 3 : i32
    %dma_wait3A_124 = arith.constant 0 : i32
    %dma_wait3A_125 = tpu.memref_slice %arg8[%dma_wait3A_122, %dma_wait3A_123, %dma_wait3A_124] : memref<2x4x64xi32, #tpu.memory_space<vmem>> -> memref<1x1x64xi32, #tpu.memory_space<vmem>>
    %dma_wait3A_126 = tpu.memref_squeeze %dma_wait3A_125 : memref<1x1x64xi32, #tpu.memory_space<vmem>> -> memref<64xi32, #tpu.memory_space<vmem>>
    %dma_wait3A_127 = arith.constant 0 : i32
    %dma_wait3A_128 = arith.constant 0 : i32
    %dma_wait3A_129 = tpu.memref_slice %arg13[%dma_wait3A_127, %dma_wait3A_128] : memref<10240x128xf32, #tpu.memory_space<vmem_shared>> -> memref<10240x128xf32, #tpu.memory_space<vmem_shared>>
    tpu.wait_indirect_dma semaphore(%arg21 : memref<!tpu.dma_semaphore, #tpu.memory_space<semaphore_mem>>) src(%arg12 : memref<64x128xf32, #tpu.memory_space<vmem>>) dst(%dma_wait3A_129 : memref<10240x128xf32, #tpu.memory_space<vmem_shared>>)
    %barrier3A_130 = arith.constant 0 : index
    tpu.barrier barrier_id(%barrier3A_130)
    %mul3A_131 = arith.constant 640 : i32
    %mul3A_132 = arith.muli %arg1, %mul3A_131 : i32
    %mul3A_133 = arith.constant 10240 : i32
    %mul3A_134 = arith.muli %add3A_69, %mul3A_133 : i32
    %mul3A_135 = arith.constant 640 : i32
    %mul3A_136 = arith.muli %arg1, %mul3A_135 : i32
    %add3A_137 = arith.addi %mul3A_134, %mul3A_136 : i32
    "tpu.region"() ({
      %run_scoped3A_139 = tpu.sem_alloc : memref<!tpu.dma_semaphore, #tpu.memory_space<semaphore_mem>>
      %dma_start3A_140 = arith.constant 0 : i32
      %dma_start3A_141 = tpu.memref_slice %arg6[%add3A_137, %dma_start3A_140] : memref<40960x128xf32, #tpu.memory_space<hbm>> -> memref<640x128xf32, #tpu.memory_space<hbm>>
      %dma_start3A_142 = arith.constant 0 : i32
      %dma_start3A_143 = tpu.memref_slice %arg13[%mul3A_132, %dma_start3A_142] : memref<10240x128xf32, #tpu.memory_space<vmem_shared>> -> memref<640x128xf32, #tpu.memory_space<vmem_shared>>
      tpu.enqueue_dma source(%dma_start3A_143 : memref<640x128xf32, #tpu.memory_space<vmem_shared>>) target(%dma_start3A_141 : memref<640x128xf32, #tpu.memory_space<hbm>>) target_semaphore(%run_scoped3A_139 : memref<!tpu.dma_semaphore, #tpu.memory_space<semaphore_mem>>)
      %dma_wait3A_144 = arith.constant 0 : i32
      %dma_wait3A_145 = tpu.memref_slice %arg6[%add3A_137, %dma_wait3A_144] : memref<40960x128xf32, #tpu.memory_space<hbm>> -> memref<640x128xf32, #tpu.memory_space<hbm>>
      %dma_wait3A_146 = arith.constant 0 : i32
      %dma_wait3A_147 = tpu.memref_slice %arg13[%mul3A_132, %dma_wait3A_146] : memref<10240x128xf32, #tpu.memory_space<vmem_shared>> -> memref<640x128xf32, #tpu.memory_space<vmem_shared>>
      tpu.wait_dma2 semaphore(%run_scoped3A_139 : memref<!tpu.dma_semaphore, #tpu.memory_space<semaphore_mem>>) src(%dma_wait3A_147 : memref<640x128xf32, #tpu.memory_space<vmem_shared>>) dst(%dma_wait3A_145 : memref<640x128xf32, #tpu.memory_space<hbm>>)
      tpu.yield
    }) : () -> ()
    %barrier3A_138 = arith.constant 0 : index
    tpu.barrier barrier_id(%barrier3A_138)
    return
  }
}

#map = affine_map<(d0, d1) -> (0, 0, 0, 0)>
#map1 = affine_map<(d0, d1) -> (0, 0, 0)>
#map2 = affine_map<(d0, d1) -> (0, 0)>
module attributes {stable_mosaic.version = 14 : i64} {
  func.func @spmm(%arg0: i32, %arg1: i32, %arg2: memref<4x16x160x64xi32, #tpu.memory_space<hbm>>, %arg3: memref<16x160x64xi32, #tpu.memory_space<hbm>>, %arg4: memref<40960x128xf32, #tpu.memory_space<hbm>>, %arg5: memref<640x128xf32, #tpu.memory_space<hbm>>, %arg6: memref<40960x128xf32, #tpu.memory_space<hbm>>, %arg7: memref<2x4x64xi32, #tpu.memory_space<vmem>>, %arg8: memref<2x4x64xi32, #tpu.memory_space<vmem>>, %arg9: memref<64x128xf32, #tpu.memory_space<vmem>>, %arg10: memref<64x128xf32, #tpu.memory_space<vmem>>, %arg11: memref<64x128xf32, #tpu.memory_space<vmem>>, %arg12: memref<64x128xf32, #tpu.memory_space<vmem>>, %arg13: memref<10240x128xf32, #tpu.memory_space<vmem_shared>>, %arg14: memref<!tpu.dma_semaphore, #tpu.memory_space<semaphore_mem>>, %arg15: memref<!tpu.dma_semaphore, #tpu.memory_space<semaphore_mem>>, %arg16: memref<!tpu.dma_semaphore, #tpu.memory_space<semaphore_mem>>, %arg17: memref<!tpu.dma_semaphore, #tpu.memory_space<semaphore_mem>>, %arg18: memref<!tpu.dma_semaphore, #tpu.memory_space<semaphore_mem>>, %arg19: memref<!tpu.dma_semaphore, #tpu.memory_space<semaphore_mem>>, %arg20: memref<!tpu.dma_semaphore, #tpu.memory_space<semaphore_mem>>, %arg21: memref<!tpu.dma_semaphore, #tpu.memory_space<semaphore_mem>>) attributes {dimension_semantics = [#tpu.dimension_semantics<core_parallel>, #tpu.dimension_semantics<subcore_parallel>], iteration_bounds = array<i64: 2, 16>, scalar_prefetch = 0 : i64, scratch_operands = 15 : i64, tpu.core_type = #tpu.core_type<sc_vector_subcore>, window_params = [{transform_indices = #map}, {transform_indices = #map1}, {transform_indices = #map2}, {transform_indices = #map2}, {transform_indices = #map2}]} {
    %mul3A = arith.constant 2 : i32
    %mul3A_0 = arith.muli %arg0, %mul3A : i32
    %add3A = arith.constant 0 : i32
    %add3A_1 = arith.addi %mul3A_0, %add3A : i32
    %mul3A_2 = arith.constant 640 : i32
    %mul3A_3 = arith.muli %arg1, %mul3A_2 : i32
    "tpu.region"() ({
      %run_scoped3A_139 = tpu.sem_alloc : memref<!tpu.dma_semaphore, #tpu.memory_space<semaphore_mem>>
      %dma_start3A_140 = arith.constant 0 : i32
      %dma_start3A_141 = tpu.memref_slice %arg13[%mul3A_3, %dma_start3A_140] : memref<10240x128xf32, #tpu.memory_space<vmem_shared>> -> memref<640x128xf32, #tpu.memory_space<vmem_shared>>
      tpu.enqueue_dma source(%arg5 : memref<640x128xf32, #tpu.memory_space<hbm>>) target(%dma_start3A_141 : memref<640x128xf32, #tpu.memory_space<vmem_shared>>) target_semaphore(%run_scoped3A_139 : memref<!tpu.dma_semaphore, #tpu.memory_space<semaphore_mem>>)
      %dma_wait3A_142 = arith.constant 0 : i32
      %dma_wait3A_143 = tpu.memref_slice %arg13[%mul3A_3, %dma_wait3A_142] : memref<10240x128xf32, #tpu.memory_space<vmem_shared>> -> memref<640x128xf32, #tpu.memory_space<vmem_shared>>
      tpu.wait_dma2 semaphore(%run_scoped3A_139 : memref<!tpu.dma_semaphore, #tpu.memory_space<semaphore_mem>>) src(%arg5 : memref<640x128xf32, #tpu.memory_space<hbm>>) dst(%dma_wait3A_143 : memref<640x128xf32, #tpu.memory_space<vmem_shared>>)
      tpu.yield
    }) : () -> ()
    %barrier3A = arith.constant 0 : index
    tpu.barrier barrier_id(%barrier3A)
    %run_scoped3A = arith.constant 0 : i32
    "tpu.region"() ({
      %run_scoped3A_139 = tpu.sem_alloc : memref<!tpu.dma_semaphore, #tpu.memory_space<semaphore_mem>>
      %dma_start3A_140 = arith.constant 0 : i32
      %dma_start3A_141 = arith.constant 0 : i32
      %dma_start3A_142 = tpu.memref_slice %arg7[%run_scoped3A, %dma_start3A_140, %dma_start3A_141] : memref<2x4x64xi32, #tpu.memory_space<vmem>> -> memref<1x4x64xi32, #tpu.memory_space<vmem>>
      %dma_start3A_143 = tpu.memref_squeeze %dma_start3A_142 : memref<1x4x64xi32, #tpu.memory_space<vmem>> -> memref<4x64xi32, #tpu.memory_space<vmem>>
      %dma_start3A_144 = arith.constant 0 : i32
      %dma_start3A_145 = arith.constant 0 : i32
      %dma_start3A_146 = tpu.memref_slice %arg2[%add3A_1, %arg1, %dma_start3A_144, %dma_start3A_145] : memref<4x16x160x64xi32, #tpu.memory_space<hbm>> -> memref<1x1x4x64xi32, #tpu.memory_space<hbm>>
      %dma_start3A_147 = tpu.memref_squeeze %dma_start3A_146 : memref<1x1x4x64xi32, #tpu.memory_space<hbm>> -> memref<4x64xi32, #tpu.memory_space<hbm>>
      %dma_start3A_148 = arith.constant 0 : i32
      %dma_start3A_149 = arith.constant 0 : i32
      %dma_start3A_150 = tpu.memref_slice %arg7[%run_scoped3A, %dma_start3A_148, %dma_start3A_149] : memref<2x4x64xi32, #tpu.memory_space<vmem>> -> memref<1x4x64xi32, #tpu.memory_space<vmem>>
      %dma_start3A_151 = tpu.memref_squeeze %dma_start3A_150 : memref<1x4x64xi32, #tpu.memory_space<vmem>> -> memref<4x64xi32, #tpu.memory_space<vmem>>
      %dma_start3A_152 = arith.constant 0 : i32
      %dma_start3A_153 = arith.constant 0 : i32
      %dma_start3A_154 = tpu.memref_slice %arg2[%add3A_1, %arg1, %dma_start3A_152, %dma_start3A_153] : memref<4x16x160x64xi32, #tpu.memory_space<hbm>> -> memref<1x1x4x64xi32, #tpu.memory_space<hbm>>
      %dma_start3A_155 = tpu.memref_squeeze %dma_start3A_154 : memref<1x1x4x64xi32, #tpu.memory_space<hbm>> -> memref<4x64xi32, #tpu.memory_space<hbm>>
      tpu.enqueue_dma source(%dma_start3A_155 : memref<4x64xi32, #tpu.memory_space<hbm>>) target(%dma_start3A_151 : memref<4x64xi32, #tpu.memory_space<vmem>>) target_semaphore(%run_scoped3A_139 : memref<!tpu.dma_semaphore, #tpu.memory_space<semaphore_mem>>)
      %dma_wait3A_156 = arith.constant 0 : i32
      %dma_wait3A_157 = arith.constant 0 : i32
      %dma_wait3A_158 = tpu.memref_slice %arg7[%run_scoped3A, %dma_wait3A_156, %dma_wait3A_157] : memref<2x4x64xi32, #tpu.memory_space<vmem>> -> memref<1x4x64xi32, #tpu.memory_space<vmem>>
      %dma_wait3A_159 = tpu.memref_squeeze %dma_wait3A_158 : memref<1x4x64xi32, #tpu.memory_space<vmem>> -> memref<4x64xi32, #tpu.memory_space<vmem>>
      %dma_wait3A_160 = arith.constant 0 : i32
      %dma_wait3A_161 = arith.constant 0 : i32
      %dma_wait3A_162 = tpu.memref_slice %arg2[%add3A_1, %arg1, %dma_wait3A_160, %dma_wait3A_161] : memref<4x16x160x64xi32, #tpu.memory_space<hbm>> -> memref<1x1x4x64xi32, #tpu.memory_space<hbm>>
      %dma_wait3A_163 = tpu.memref_squeeze %dma_wait3A_162 : memref<1x1x4x64xi32, #tpu.memory_space<hbm>> -> memref<4x64xi32, #tpu.memory_space<hbm>>
      %dma_wait3A_164 = arith.constant 0 : i32
      %dma_wait3A_165 = arith.constant 0 : i32
      %dma_wait3A_166 = tpu.memref_slice %arg7[%run_scoped3A, %dma_wait3A_164, %dma_wait3A_165] : memref<2x4x64xi32, #tpu.memory_space<vmem>> -> memref<1x4x64xi32, #tpu.memory_space<vmem>>
      %dma_wait3A_167 = tpu.memref_squeeze %dma_wait3A_166 : memref<1x4x64xi32, #tpu.memory_space<vmem>> -> memref<4x64xi32, #tpu.memory_space<vmem>>
      %dma_wait3A_168 = arith.constant 0 : i32
      %dma_wait3A_169 = arith.constant 0 : i32
      %dma_wait3A_170 = tpu.memref_slice %arg2[%add3A_1, %arg1, %dma_wait3A_168, %dma_wait3A_169] : memref<4x16x160x64xi32, #tpu.memory_space<hbm>> -> memref<1x1x4x64xi32, #tpu.memory_space<hbm>>
      %dma_wait3A_171 = tpu.memref_squeeze %dma_wait3A_170 : memref<1x1x4x64xi32, #tpu.memory_space<hbm>> -> memref<4x64xi32, #tpu.memory_space<hbm>>
      tpu.wait_dma2 semaphore(%run_scoped3A_139 : memref<!tpu.dma_semaphore, #tpu.memory_space<semaphore_mem>>) src(%dma_wait3A_171 : memref<4x64xi32, #tpu.memory_space<hbm>>) dst(%dma_wait3A_167 : memref<4x64xi32, #tpu.memory_space<vmem>>)
      tpu.yield
    }) : () -> ()
    %run_scoped3A_4 = arith.constant 0 : i32
    "tpu.region"() ({
      %run_scoped3A_139 = tpu.sem_alloc : memref<!tpu.dma_semaphore, #tpu.memory_space<semaphore_mem>>
      %dma_start3A_140 = arith.constant 0 : i32
      %dma_start3A_141 = arith.constant 0 : i32
      %dma_start3A_142 = tpu.memref_slice %arg8[%run_scoped3A_4, %dma_start3A_140, %dma_start3A_141] : memref<2x4x64xi32, #tpu.memory_space<vmem>> -> memref<1x4x64xi32, #tpu.memory_space<vmem>>
      %dma_start3A_143 = tpu.memref_squeeze %dma_start3A_142 : memref<1x4x64xi32, #tpu.memory_space<vmem>> -> memref<4x64xi32, #tpu.memory_space<vmem>>
      %dma_start3A_144 = arith.constant 0 : i32
      %dma_start3A_145 = arith.constant 0 : i32
      %dma_start3A_146 = tpu.memref_slice %arg3[%arg1, %dma_start3A_144, %dma_start3A_145] : memref<16x160x64xi32, #tpu.memory_space<hbm>> -> memref<1x4x64xi32, #tpu.memory_space<hbm>>
      %dma_start3A_147 = tpu.memref_squeeze %dma_start3A_146 : memref<1x4x64xi32, #tpu.memory_space<hbm>> -> memref<4x64xi32, #tpu.memory_space<hbm>>
      %dma_start3A_148 = arith.constant 0 : i32
      %dma_start3A_149 = arith.constant 0 : i32
      %dma_start3A_150 = tpu.memref_slice %arg8[%run_scoped3A_4, %dma_start3A_148, %dma_start3A_149] : memref<2x4x64xi32, #tpu.memory_space<vmem>> -> memref<1x4x64xi32, #tpu.memory_space<vmem>>
      %dma_start3A_151 = tpu.memref_squeeze %dma_start3A_150 : memref<1x4x64xi32, #tpu.memory_space<vmem>> -> memref<4x64xi32, #tpu.memory_space<vmem>>
      %dma_start3A_152 = arith.constant 0 : i32
      %dma_start3A_153 = arith.constant 0 : i32
      %dma_start3A_154 = tpu.memref_slice %arg3[%arg1, %dma_start3A_152, %dma_start3A_153] : memref<16x160x64xi32, #tpu.memory_space<hbm>> -> memref<1x4x64xi32, #tpu.memory_space<hbm>>
      %dma_start3A_155 = tpu.memref_squeeze %dma_start3A_154 : memref<1x4x64xi32, #tpu.memory_space<hbm>> -> memref<4x64xi32, #tpu.memory_space<hbm>>
      tpu.enqueue_dma source(%dma_start3A_155 : memref<4x64xi32, #tpu.memory_space<hbm>>) target(%dma_start3A_151 : memref<4x64xi32, #tpu.memory_space<vmem>>) target_semaphore(%run_scoped3A_139 : memref<!tpu.dma_semaphore, #tpu.memory_space<semaphore_mem>>)
      %dma_wait3A_156 = arith.constant 0 : i32
      %dma_wait3A_157 = arith.constant 0 : i32
      %dma_wait3A_158 = tpu.memref_slice %arg8[%run_scoped3A_4, %dma_wait3A_156, %dma_wait3A_157] : memref<2x4x64xi32, #tpu.memory_space<vmem>> -> memref<1x4x64xi32, #tpu.memory_space<vmem>>
      %dma_wait3A_159 = tpu.memref_squeeze %dma_wait3A_158 : memref<1x4x64xi32, #tpu.memory_space<vmem>> -> memref<4x64xi32, #tpu.memory_space<vmem>>
      %dma_wait3A_160 = arith.constant 0 : i32
      %dma_wait3A_161 = arith.constant 0 : i32
      %dma_wait3A_162 = tpu.memref_slice %arg3[%arg1, %dma_wait3A_160, %dma_wait3A_161] : memref<16x160x64xi32, #tpu.memory_space<hbm>> -> memref<1x4x64xi32, #tpu.memory_space<hbm>>
      %dma_wait3A_163 = tpu.memref_squeeze %dma_wait3A_162 : memref<1x4x64xi32, #tpu.memory_space<hbm>> -> memref<4x64xi32, #tpu.memory_space<hbm>>
      %dma_wait3A_164 = arith.constant 0 : i32
      %dma_wait3A_165 = arith.constant 0 : i32
      %dma_wait3A_166 = tpu.memref_slice %arg8[%run_scoped3A_4, %dma_wait3A_164, %dma_wait3A_165] : memref<2x4x64xi32, #tpu.memory_space<vmem>> -> memref<1x4x64xi32, #tpu.memory_space<vmem>>
      %dma_wait3A_167 = tpu.memref_squeeze %dma_wait3A_166 : memref<1x4x64xi32, #tpu.memory_space<vmem>> -> memref<4x64xi32, #tpu.memory_space<vmem>>
      %dma_wait3A_168 = arith.constant 0 : i32
      %dma_wait3A_169 = arith.constant 0 : i32
      %dma_wait3A_170 = tpu.memref_slice %arg3[%arg1, %dma_wait3A_168, %dma_wait3A_169] : memref<16x160x64xi32, #tpu.memory_space<hbm>> -> memref<1x4x64xi32, #tpu.memory_space<hbm>>
      %dma_wait3A_171 = tpu.memref_squeeze %dma_wait3A_170 : memref<1x4x64xi32, #tpu.memory_space<hbm>> -> memref<4x64xi32, #tpu.memory_space<hbm>>
      tpu.wait_dma2 semaphore(%run_scoped3A_139 : memref<!tpu.dma_semaphore, #tpu.memory_space<semaphore_mem>>) src(%dma_wait3A_171 : memref<4x64xi32, #tpu.memory_space<hbm>>) dst(%dma_wait3A_167 : memref<4x64xi32, #tpu.memory_space<vmem>>)
      tpu.yield
    }) : () -> ()
    %dma_start3A = arith.constant 0 : i32
    %dma_start3A_5 = arith.constant 0 : i32
    %dma_start3A_6 = arith.constant 0 : i32
    %dma_start3A_7 = tpu.memref_slice %arg7[%dma_start3A, %dma_start3A_5, %dma_start3A_6] : memref<2x4x64xi32, #tpu.memory_space<vmem>> -> memref<1x1x64xi32, #tpu.memory_space<vmem>>
    %dma_start3A_8 = tpu.memref_squeeze %dma_start3A_7 : memref<1x1x64xi32, #tpu.memory_space<vmem>> -> memref<64xi32, #tpu.memory_space<vmem>>
    %dma_start3A_9 = arith.constant 0 : i32
    %dma_start3A_10 = arith.constant 0 : i32
    %dma_start3A_11 = tpu.memref_slice %arg4[%dma_start3A_9, %dma_start3A_10] : memref<40960x128xf32, #tpu.memory_space<hbm>> -> memref<40960x128xf32, #tpu.memory_space<hbm>>
    tpu.enqueue_indirect_dma source(%dma_start3A_11 : memref<40960x128xf32, #tpu.memory_space<hbm>>) target(%arg9 : memref<64x128xf32, #tpu.memory_space<vmem>>) offsets(%dma_start3A_8 : memref<64xi32, #tpu.memory_space<vmem>>) semaphore(%arg14 : memref<!tpu.dma_semaphore, #tpu.memory_space<semaphore_mem>>)
    %dma_start3A_12 = arith.constant 0 : i32
    %dma_start3A_13 = arith.constant 1 : i32
    %dma_start3A_14 = arith.constant 0 : i32
    %dma_start3A_15 = tpu.memref_slice %arg7[%dma_start3A_12, %dma_start3A_13, %dma_start3A_14] : memref<2x4x64xi32, #tpu.memory_space<vmem>> -> memref<1x1x64xi32, #tpu.memory_space<vmem>>
    %dma_start3A_16 = tpu.memref_squeeze %dma_start3A_15 : memref<1x1x64xi32, #tpu.memory_space<vmem>> -> memref<64xi32, #tpu.memory_space<vmem>>
    %dma_start3A_17 = arith.constant 0 : i32
    %dma_start3A_18 = arith.constant 0 : i32
    %dma_start3A_19 = tpu.memref_slice %arg4[%dma_start3A_17, %dma_start3A_18] : memref<40960x128xf32, #tpu.memory_space<hbm>> -> memref<40960x128xf32, #tpu.memory_space<hbm>>
    tpu.enqueue_indirect_dma source(%dma_start3A_19 : memref<40960x128xf32, #tpu.memory_space<hbm>>) target(%arg10 : memref<64x128xf32, #tpu.memory_space<vmem>>) offsets(%dma_start3A_16 : memref<64xi32, #tpu.memory_space<vmem>>) semaphore(%arg15 : memref<!tpu.dma_semaphore, #tpu.memory_space<semaphore_mem>>)
    %scan3A = arith.constant 0 : i32
    %scan3A_20 = arith.constant 0 : i32
    %scan3A_21 = arith.constant 40 : i32
    %scan3A_22 = arith.addi %scan3A_20, %scan3A_21 : i32
    %scan3A_23 = arith.constant 1 : i32
    %scan3A_24 = scf.for %scan3A_139 = %scan3A_20 to %scan3A_22 step %scan3A_23 iter_args(%scan3A_140 = %scan3A) -> (i32)  : i32 {
      %rem3A = arith.constant 2 : i32
      %rem3A_141 = arith.remsi %scan3A_139, %rem3A : i32
      %add3A_142 = arith.constant 1 : i32
      %add3A_143 = arith.addi %scan3A_139, %add3A_142 : i32
      %rem3A_144 = arith.constant 2 : i32
      %rem3A_145 = arith.remsi %add3A_143, %rem3A_144 : i32
      %lt3A = arith.constant 39 : i32
      %lt3A_146 = arith.cmpi slt, %scan3A_139, %lt3A : i32
      %convert_element_type3A = arith.extui %lt3A_146 : i1 to i32
      %cond3A = arith.constant 0 : i32
      %cond3A_147 = arith.cmpi ne, %convert_element_type3A, %cond3A : i32
      scf.if %cond3A_147 {
        %add3A_234 = arith.constant 1 : i32
        %add3A_235 = arith.addi %scan3A_139, %add3A_234 : i32
        %mul3A_236 = arith.constant 4 : i32
        %mul3A_237 = arith.muli %mul3A_236, %add3A_235 : i32
        "tpu.region"() ({
          %run_scoped3A_242 = tpu.sem_alloc : memref<!tpu.dma_semaphore, #tpu.memory_space<semaphore_mem>>
          %dma_start3A_243 = arith.constant 0 : i32
          %dma_start3A_244 = arith.constant 0 : i32
          %dma_start3A_245 = tpu.memref_slice %arg7[%rem3A_145, %dma_start3A_243, %dma_start3A_244] : memref<2x4x64xi32, #tpu.memory_space<vmem>> -> memref<1x4x64xi32, #tpu.memory_space<vmem>>
          %dma_start3A_246 = tpu.memref_squeeze %dma_start3A_245 : memref<1x4x64xi32, #tpu.memory_space<vmem>> -> memref<4x64xi32, #tpu.memory_space<vmem>>
          %dma_start3A_247 = arith.constant 0 : i32
          %dma_start3A_248 = tpu.memref_slice %arg2[%add3A_1, %arg1, %mul3A_237, %dma_start3A_247] : memref<4x16x160x64xi32, #tpu.memory_space<hbm>> -> memref<1x1x4x64xi32, #tpu.memory_space<hbm>>
          %dma_start3A_249 = tpu.memref_squeeze %dma_start3A_248 : memref<1x1x4x64xi32, #tpu.memory_space<hbm>> -> memref<4x64xi32, #tpu.memory_space<hbm>>
          %dma_start3A_250 = arith.constant 0 : i32
          %dma_start3A_251 = arith.constant 0 : i32
          %dma_start3A_252 = tpu.memref_slice %arg7[%rem3A_145, %dma_start3A_250, %dma_start3A_251] : memref<2x4x64xi32, #tpu.memory_space<vmem>> -> memref<1x4x64xi32, #tpu.memory_space<vmem>>
          %dma_start3A_253 = tpu.memref_squeeze %dma_start3A_252 : memref<1x4x64xi32, #tpu.memory_space<vmem>> -> memref<4x64xi32, #tpu.memory_space<vmem>>
          %dma_start3A_254 = arith.constant 0 : i32
          %dma_start3A_255 = tpu.memref_slice %arg2[%add3A_1, %arg1, %mul3A_237, %dma_start3A_254] : memref<4x16x160x64xi32, #tpu.memory_space<hbm>> -> memref<1x1x4x64xi32, #tpu.memory_space<hbm>>
          %dma_start3A_256 = tpu.memref_squeeze %dma_start3A_255 : memref<1x1x4x64xi32, #tpu.memory_space<hbm>> -> memref<4x64xi32, #tpu.memory_space<hbm>>
          tpu.enqueue_dma source(%dma_start3A_256 : memref<4x64xi32, #tpu.memory_space<hbm>>) target(%dma_start3A_253 : memref<4x64xi32, #tpu.memory_space<vmem>>) target_semaphore(%run_scoped3A_242 : memref<!tpu.dma_semaphore, #tpu.memory_space<semaphore_mem>>)
          %dma_wait3A_257 = arith.constant 0 : i32
          %dma_wait3A_258 = arith.constant 0 : i32
          %dma_wait3A_259 = tpu.memref_slice %arg7[%rem3A_145, %dma_wait3A_257, %dma_wait3A_258] : memref<2x4x64xi32, #tpu.memory_space<vmem>> -> memref<1x4x64xi32, #tpu.memory_space<vmem>>
          %dma_wait3A_260 = tpu.memref_squeeze %dma_wait3A_259 : memref<1x4x64xi32, #tpu.memory_space<vmem>> -> memref<4x64xi32, #tpu.memory_space<vmem>>
          %dma_wait3A_261 = arith.constant 0 : i32
          %dma_wait3A_262 = tpu.memref_slice %arg2[%add3A_1, %arg1, %mul3A_237, %dma_wait3A_261] : memref<4x16x160x64xi32, #tpu.memory_space<hbm>> -> memref<1x1x4x64xi32, #tpu.memory_space<hbm>>
          %dma_wait3A_263 = tpu.memref_squeeze %dma_wait3A_262 : memref<1x1x4x64xi32, #tpu.memory_space<hbm>> -> memref<4x64xi32, #tpu.memory_space<hbm>>
          %dma_wait3A_264 = arith.constant 0 : i32
          %dma_wait3A_265 = arith.constant 0 : i32
          %dma_wait3A_266 = tpu.memref_slice %arg7[%rem3A_145, %dma_wait3A_264, %dma_wait3A_265] : memref<2x4x64xi32, #tpu.memory_space<vmem>> -> memref<1x4x64xi32, #tpu.memory_space<vmem>>
          %dma_wait3A_267 = tpu.memref_squeeze %dma_wait3A_266 : memref<1x4x64xi32, #tpu.memory_space<vmem>> -> memref<4x64xi32, #tpu.memory_space<vmem>>
          %dma_wait3A_268 = arith.constant 0 : i32
          %dma_wait3A_269 = tpu.memref_slice %arg2[%add3A_1, %arg1, %mul3A_237, %dma_wait3A_268] : memref<4x16x160x64xi32, #tpu.memory_space<hbm>> -> memref<1x1x4x64xi32, #tpu.memory_space<hbm>>
          %dma_wait3A_270 = tpu.memref_squeeze %dma_wait3A_269 : memref<1x1x4x64xi32, #tpu.memory_space<hbm>> -> memref<4x64xi32, #tpu.memory_space<hbm>>
          tpu.wait_dma2 semaphore(%run_scoped3A_242 : memref<!tpu.dma_semaphore, #tpu.memory_space<semaphore_mem>>) src(%dma_wait3A_270 : memref<4x64xi32, #tpu.memory_space<hbm>>) dst(%dma_wait3A_267 : memref<4x64xi32, #tpu.memory_space<vmem>>)
          tpu.yield
        }) : () -> ()
        %add3A_238 = arith.constant 1 : i32
        %add3A_239 = arith.addi %scan3A_139, %add3A_238 : i32
        %mul3A_240 = arith.constant 4 : i32
        %mul3A_241 = arith.muli %mul3A_240, %add3A_239 : i32
        "tpu.region"() ({
          %run_scoped3A_242 = tpu.sem_alloc : memref<!tpu.dma_semaphore, #tpu.memory_space<semaphore_mem>>
          %dma_start3A_243 = arith.constant 0 : i32
          %dma_start3A_244 = arith.constant 0 : i32
          %dma_start3A_245 = tpu.memref_slice %arg8[%rem3A_145, %dma_start3A_243, %dma_start3A_244] : memref<2x4x64xi32, #tpu.memory_space<vmem>> -> memref<1x4x64xi32, #tpu.memory_space<vmem>>
          %dma_start3A_246 = tpu.memref_squeeze %dma_start3A_245 : memref<1x4x64xi32, #tpu.memory_space<vmem>> -> memref<4x64xi32, #tpu.memory_space<vmem>>
          %dma_start3A_247 = arith.constant 0 : i32
          %dma_start3A_248 = tpu.memref_slice %arg3[%arg1, %mul3A_241, %dma_start3A_247] : memref<16x160x64xi32, #tpu.memory_space<hbm>> -> memref<1x4x64xi32, #tpu.memory_space<hbm>>
          %dma_start3A_249 = tpu.memref_squeeze %dma_start3A_248 : memref<1x4x64xi32, #tpu.memory_space<hbm>> -> memref<4x64xi32, #tpu.memory_space<hbm>>
          %dma_start3A_250 = arith.constant 0 : i32
          %dma_start3A_251 = arith.constant 0 : i32
          %dma_start3A_252 = tpu.memref_slice %arg8[%rem3A_145, %dma_start3A_250, %dma_start3A_251] : memref<2x4x64xi32, #tpu.memory_space<vmem>> -> memref<1x4x64xi32, #tpu.memory_space<vmem>>
          %dma_start3A_253 = tpu.memref_squeeze %dma_start3A_252 : memref<1x4x64xi32, #tpu.memory_space<vmem>> -> memref<4x64xi32, #tpu.memory_space<vmem>>
          %dma_start3A_254 = arith.constant 0 : i32
          %dma_start3A_255 = tpu.memref_slice %arg3[%arg1, %mul3A_241, %dma_start3A_254] : memref<16x160x64xi32, #tpu.memory_space<hbm>> -> memref<1x4x64xi32, #tpu.memory_space<hbm>>
          %dma_start3A_256 = tpu.memref_squeeze %dma_start3A_255 : memref<1x4x64xi32, #tpu.memory_space<hbm>> -> memref<4x64xi32, #tpu.memory_space<hbm>>
          tpu.enqueue_dma source(%dma_start3A_256 : memref<4x64xi32, #tpu.memory_space<hbm>>) target(%dma_start3A_253 : memref<4x64xi32, #tpu.memory_space<vmem>>) target_semaphore(%run_scoped3A_242 : memref<!tpu.dma_semaphore, #tpu.memory_space<semaphore_mem>>)
          %dma_wait3A_257 = arith.constant 0 : i32
          %dma_wait3A_258 = arith.constant 0 : i32
          %dma_wait3A_259 = tpu.memref_slice %arg8[%rem3A_145, %dma_wait3A_257, %dma_wait3A_258] : memref<2x4x64xi32, #tpu.memory_space<vmem>> -> memref<1x4x64xi32, #tpu.memory_space<vmem>>
          %dma_wait3A_260 = tpu.memref_squeeze %dma_wait3A_259 : memref<1x4x64xi32, #tpu.memory_space<vmem>> -> memref<4x64xi32, #tpu.memory_space<vmem>>
          %dma_wait3A_261 = arith.constant 0 : i32
          %dma_wait3A_262 = tpu.memref_slice %arg3[%arg1, %mul3A_241, %dma_wait3A_261] : memref<16x160x64xi32, #tpu.memory_space<hbm>> -> memref<1x4x64xi32, #tpu.memory_space<hbm>>
          %dma_wait3A_263 = tpu.memref_squeeze %dma_wait3A_262 : memref<1x4x64xi32, #tpu.memory_space<hbm>> -> memref<4x64xi32, #tpu.memory_space<hbm>>
          %dma_wait3A_264 = arith.constant 0 : i32
          %dma_wait3A_265 = arith.constant 0 : i32
          %dma_wait3A_266 = tpu.memref_slice %arg8[%rem3A_145, %dma_wait3A_264, %dma_wait3A_265] : memref<2x4x64xi32, #tpu.memory_space<vmem>> -> memref<1x4x64xi32, #tpu.memory_space<vmem>>
          %dma_wait3A_267 = tpu.memref_squeeze %dma_wait3A_266 : memref<1x4x64xi32, #tpu.memory_space<vmem>> -> memref<4x64xi32, #tpu.memory_space<vmem>>
          %dma_wait3A_268 = arith.constant 0 : i32
          %dma_wait3A_269 = tpu.memref_slice %arg3[%arg1, %mul3A_241, %dma_wait3A_268] : memref<16x160x64xi32, #tpu.memory_space<hbm>> -> memref<1x4x64xi32, #tpu.memory_space<hbm>>
          %dma_wait3A_270 = tpu.memref_squeeze %dma_wait3A_269 : memref<1x4x64xi32, #tpu.memory_space<hbm>> -> memref<4x64xi32, #tpu.memory_space<hbm>>
          tpu.wait_dma2 semaphore(%run_scoped3A_242 : memref<!tpu.dma_semaphore, #tpu.memory_space<semaphore_mem>>) src(%dma_wait3A_270 : memref<4x64xi32, #tpu.memory_space<hbm>>) dst(%dma_wait3A_267 : memref<4x64xi32, #tpu.memory_space<vmem>>)
          tpu.yield
        }) : () -> ()
      } else {
      }
      %dma_wait3A_148 = arith.constant 0 : i32
      %dma_wait3A_149 = arith.constant 0 : i32
      %dma_wait3A_150 = tpu.memref_slice %arg7[%rem3A_141, %dma_wait3A_148, %dma_wait3A_149] : memref<2x4x64xi32, #tpu.memory_space<vmem>> -> memref<1x1x64xi32, #tpu.memory_space<vmem>>
      %dma_wait3A_151 = tpu.memref_squeeze %dma_wait3A_150 : memref<1x1x64xi32, #tpu.memory_space<vmem>> -> memref<64xi32, #tpu.memory_space<vmem>>
      %dma_wait3A_152 = arith.constant 0 : i32
      %dma_wait3A_153 = arith.constant 0 : i32
      %dma_wait3A_154 = tpu.memref_slice %arg4[%dma_wait3A_152, %dma_wait3A_153] : memref<40960x128xf32, #tpu.memory_space<hbm>> -> memref<40960x128xf32, #tpu.memory_space<hbm>>
      tpu.wait_indirect_dma semaphore(%arg14 : memref<!tpu.dma_semaphore, #tpu.memory_space<semaphore_mem>>) src(%dma_wait3A_154 : memref<40960x128xf32, #tpu.memory_space<hbm>>) dst(%arg9 : memref<64x128xf32, #tpu.memory_space<vmem>>)
      %gt3A = arith.constant 0 : i32
      %gt3A_155 = arith.cmpi sgt, %scan3A_139, %gt3A : i32
      %convert_element_type3A_156 = arith.extui %gt3A_155 : i1 to i32
      %cond3A_157 = arith.constant 0 : i32
      %cond3A_158 = arith.cmpi ne, %convert_element_type3A_156, %cond3A_157 : i32
      scf.if %cond3A_158 {
        %dma_wait3A_234 = arith.constant 2 : i32
        %dma_wait3A_235 = arith.constant 0 : i32
        %dma_wait3A_236 = tpu.memref_slice %arg8[%rem3A_145, %dma_wait3A_234, %dma_wait3A_235] : memref<2x4x64xi32, #tpu.memory_space<vmem>> -> memref<1x1x64xi32, #tpu.memory_space<vmem>>
        %dma_wait3A_237 = tpu.memref_squeeze %dma_wait3A_236 : memref<1x1x64xi32, #tpu.memory_space<vmem>> -> memref<64xi32, #tpu.memory_space<vmem>>
        %dma_wait3A_238 = arith.constant 0 : i32
        %dma_wait3A_239 = arith.constant 0 : i32
        %dma_wait3A_240 = tpu.memref_slice %arg13[%dma_wait3A_238, %dma_wait3A_239] : memref<10240x128xf32, #tpu.memory_space<vmem_shared>> -> memref<10240x128xf32, #tpu.memory_space<vmem_shared>>
        tpu.wait_indirect_dma semaphore(%arg20 : memref<!tpu.dma_semaphore, #tpu.memory_space<semaphore_mem>>) src(%arg11 : memref<64x128xf32, #tpu.memory_space<vmem>>) dst(%dma_wait3A_240 : memref<10240x128xf32, #tpu.memory_space<vmem_shared>>)
      } else {
      }
      %dma_start3A_159 = arith.constant 2 : i32
      %dma_start3A_160 = arith.constant 0 : i32
      %dma_start3A_161 = tpu.memref_slice %arg7[%rem3A_141, %dma_start3A_159, %dma_start3A_160] : memref<2x4x64xi32, #tpu.memory_space<vmem>> -> memref<1x1x64xi32, #tpu.memory_space<vmem>>
      %dma_start3A_162 = tpu.memref_squeeze %dma_start3A_161 : memref<1x1x64xi32, #tpu.memory_space<vmem>> -> memref<64xi32, #tpu.memory_space<vmem>>
      %dma_start3A_163 = arith.constant 0 : i32
      %dma_start3A_164 = arith.constant 0 : i32
      %dma_start3A_165 = tpu.memref_slice %arg4[%dma_start3A_163, %dma_start3A_164] : memref<40960x128xf32, #tpu.memory_space<hbm>> -> memref<40960x128xf32, #tpu.memory_space<hbm>>
      tpu.enqueue_indirect_dma source(%dma_start3A_165 : memref<40960x128xf32, #tpu.memory_space<hbm>>) target(%arg11 : memref<64x128xf32, #tpu.memory_space<vmem>>) offsets(%dma_start3A_162 : memref<64xi32, #tpu.memory_space<vmem>>) semaphore(%arg16 : memref<!tpu.dma_semaphore, #tpu.memory_space<semaphore_mem>>)
      %dma_start3A_166 = arith.constant 0 : i32
      %dma_start3A_167 = arith.constant 0 : i32
      %dma_start3A_168 = tpu.memref_slice %arg8[%rem3A_141, %dma_start3A_166, %dma_start3A_167] : memref<2x4x64xi32, #tpu.memory_space<vmem>> -> memref<1x1x64xi32, #tpu.memory_space<vmem>>
      %dma_start3A_169 = tpu.memref_squeeze %dma_start3A_168 : memref<1x1x64xi32, #tpu.memory_space<vmem>> -> memref<64xi32, #tpu.memory_space<vmem>>
      %dma_start3A_170 = arith.constant 0 : i32
      %dma_start3A_171 = arith.constant 0 : i32
      %dma_start3A_172 = tpu.memref_slice %arg13[%dma_start3A_170, %dma_start3A_171] : memref<10240x128xf32, #tpu.memory_space<vmem_shared>> -> memref<10240x128xf32, #tpu.memory_space<vmem_shared>>
      tpu.enqueue_indirect_dma source(%arg9 : memref<64x128xf32, #tpu.memory_space<vmem>>) target(%dma_start3A_172 : memref<10240x128xf32, #tpu.memory_space<vmem_shared>>) offsets(%dma_start3A_169 : memref<64xi32, #tpu.memory_space<vmem>>) semaphore(%arg18 : memref<!tpu.dma_semaphore, #tpu.memory_space<semaphore_mem>>) {add = true}
      %dma_wait3A_173 = arith.constant 1 : i32
      %dma_wait3A_174 = arith.constant 0 : i32
      %dma_wait3A_175 = tpu.memref_slice %arg7[%rem3A_141, %dma_wait3A_173, %dma_wait3A_174] : memref<2x4x64xi32, #tpu.memory_space<vmem>> -> memref<1x1x64xi32, #tpu.memory_space<vmem>>
      %dma_wait3A_176 = tpu.memref_squeeze %dma_wait3A_175 : memref<1x1x64xi32, #tpu.memory_space<vmem>> -> memref<64xi32, #tpu.memory_space<vmem>>
      %dma_wait3A_177 = arith.constant 0 : i32
      %dma_wait3A_178 = arith.constant 0 : i32
      %dma_wait3A_179 = tpu.memref_slice %arg4[%dma_wait3A_177, %dma_wait3A_178] : memref<40960x128xf32, #tpu.memory_space<hbm>> -> memref<40960x128xf32, #tpu.memory_space<hbm>>
      tpu.wait_indirect_dma semaphore(%arg15 : memref<!tpu.dma_semaphore, #tpu.memory_space<semaphore_mem>>) src(%dma_wait3A_179 : memref<40960x128xf32, #tpu.memory_space<hbm>>) dst(%arg10 : memref<64x128xf32, #tpu.memory_space<vmem>>)
      %gt3A_180 = arith.constant 0 : i32
      %gt3A_181 = arith.cmpi sgt, %scan3A_139, %gt3A_180 : i32
      %convert_element_type3A_182 = arith.extui %gt3A_181 : i1 to i32
      %cond3A_183 = arith.constant 0 : i32
      %cond3A_184 = arith.cmpi ne, %convert_element_type3A_182, %cond3A_183 : i32
      scf.if %cond3A_184 {
        %dma_wait3A_234 = arith.constant 3 : i32
        %dma_wait3A_235 = arith.constant 0 : i32
        %dma_wait3A_236 = tpu.memref_slice %arg8[%rem3A_145, %dma_wait3A_234, %dma_wait3A_235] : memref<2x4x64xi32, #tpu.memory_space<vmem>> -> memref<1x1x64xi32, #tpu.memory_space<vmem>>
        %dma_wait3A_237 = tpu.memref_squeeze %dma_wait3A_236 : memref<1x1x64xi32, #tpu.memory_space<vmem>> -> memref<64xi32, #tpu.memory_space<vmem>>
        %dma_wait3A_238 = arith.constant 0 : i32
        %dma_wait3A_239 = arith.constant 0 : i32
        %dma_wait3A_240 = tpu.memref_slice %arg13[%dma_wait3A_238, %dma_wait3A_239] : memref<10240x128xf32, #tpu.memory_space<vmem_shared>> -> memref<10240x128xf32, #tpu.memory_space<vmem_shared>>
        tpu.wait_indirect_dma semaphore(%arg21 : memref<!tpu.dma_semaphore, #tpu.memory_space<semaphore_mem>>) src(%arg12 : memref<64x128xf32, #tpu.memory_space<vmem>>) dst(%dma_wait3A_240 : memref<10240x128xf32, #tpu.memory_space<vmem_shared>>)
      } else {
      }
      %dma_start3A_185 = arith.constant 3 : i32
      %dma_start3A_186 = arith.constant 0 : i32
      %dma_start3A_187 = tpu.memref_slice %arg7[%rem3A_141, %dma_start3A_185, %dma_start3A_186] : memref<2x4x64xi32, #tpu.memory_space<vmem>> -> memref<1x1x64xi32, #tpu.memory_space<vmem>>
      %dma_start3A_188 = tpu.memref_squeeze %dma_start3A_187 : memref<1x1x64xi32, #tpu.memory_space<vmem>> -> memref<64xi32, #tpu.memory_space<vmem>>
      %dma_start3A_189 = arith.constant 0 : i32
      %dma_start3A_190 = arith.constant 0 : i32
      %dma_start3A_191 = tpu.memref_slice %arg4[%dma_start3A_189, %dma_start3A_190] : memref<40960x128xf32, #tpu.memory_space<hbm>> -> memref<40960x128xf32, #tpu.memory_space<hbm>>
      tpu.enqueue_indirect_dma source(%dma_start3A_191 : memref<40960x128xf32, #tpu.memory_space<hbm>>) target(%arg12 : memref<64x128xf32, #tpu.memory_space<vmem>>) offsets(%dma_start3A_188 : memref<64xi32, #tpu.memory_space<vmem>>) semaphore(%arg17 : memref<!tpu.dma_semaphore, #tpu.memory_space<semaphore_mem>>)
      %dma_start3A_192 = arith.constant 1 : i32
      %dma_start3A_193 = arith.constant 0 : i32
      %dma_start3A_194 = tpu.memref_slice %arg8[%rem3A_141, %dma_start3A_192, %dma_start3A_193] : memref<2x4x64xi32, #tpu.memory_space<vmem>> -> memref<1x1x64xi32, #tpu.memory_space<vmem>>
      %dma_start3A_195 = tpu.memref_squeeze %dma_start3A_194 : memref<1x1x64xi32, #tpu.memory_space<vmem>> -> memref<64xi32, #tpu.memory_space<vmem>>
      %dma_start3A_196 = arith.constant 0 : i32
      %dma_start3A_197 = arith.constant 0 : i32
      %dma_start3A_198 = tpu.memref_slice %arg13[%dma_start3A_196, %dma_start3A_197] : memref<10240x128xf32, #tpu.memory_space<vmem_shared>> -> memref<10240x128xf32, #tpu.memory_space<vmem_shared>>
      tpu.enqueue_indirect_dma source(%arg10 : memref<64x128xf32, #tpu.memory_space<vmem>>) target(%dma_start3A_198 : memref<10240x128xf32, #tpu.memory_space<vmem_shared>>) offsets(%dma_start3A_195 : memref<64xi32, #tpu.memory_space<vmem>>) semaphore(%arg19 : memref<!tpu.dma_semaphore, #tpu.memory_space<semaphore_mem>>) {add = true}
      %dma_wait3A_199 = arith.constant 2 : i32
      %dma_wait3A_200 = arith.constant 0 : i32
      %dma_wait3A_201 = tpu.memref_slice %arg7[%rem3A_141, %dma_wait3A_199, %dma_wait3A_200] : memref<2x4x64xi32, #tpu.memory_space<vmem>> -> memref<1x1x64xi32, #tpu.memory_space<vmem>>
      %dma_wait3A_202 = tpu.memref_squeeze %dma_wait3A_201 : memref<1x1x64xi32, #tpu.memory_space<vmem>> -> memref<64xi32, #tpu.memory_space<vmem>>
      %dma_wait3A_203 = arith.constant 0 : i32
      %dma_wait3A_204 = arith.constant 0 : i32
      %dma_wait3A_205 = tpu.memref_slice %arg4[%dma_wait3A_203, %dma_wait3A_204] : memref<40960x128xf32, #tpu.memory_space<hbm>> -> memref<40960x128xf32, #tpu.memory_space<hbm>>
      tpu.wait_indirect_dma semaphore(%arg16 : memref<!tpu.dma_semaphore, #tpu.memory_space<semaphore_mem>>) src(%dma_wait3A_205 : memref<40960x128xf32, #tpu.memory_space<hbm>>) dst(%arg11 : memref<64x128xf32, #tpu.memory_space<vmem>>)
      %convert_element_type3A_206 = arith.extui %lt3A_146 : i1 to i32
      %cond3A_207 = arith.constant 0 : i32
      %cond3A_208 = arith.cmpi ne, %convert_element_type3A_206, %cond3A_207 : i32
      scf.if %cond3A_208 {
        %dma_wait3A_234 = arith.constant 0 : i32
        %dma_wait3A_235 = arith.constant 0 : i32
        %dma_wait3A_236 = tpu.memref_slice %arg8[%rem3A_141, %dma_wait3A_234, %dma_wait3A_235] : memref<2x4x64xi32, #tpu.memory_space<vmem>> -> memref<1x1x64xi32, #tpu.memory_space<vmem>>
        %dma_wait3A_237 = tpu.memref_squeeze %dma_wait3A_236 : memref<1x1x64xi32, #tpu.memory_space<vmem>> -> memref<64xi32, #tpu.memory_space<vmem>>
        %dma_wait3A_238 = arith.constant 0 : i32
        %dma_wait3A_239 = arith.constant 0 : i32
        %dma_wait3A_240 = tpu.memref_slice %arg13[%dma_wait3A_238, %dma_wait3A_239] : memref<10240x128xf32, #tpu.memory_space<vmem_shared>> -> memref<10240x128xf32, #tpu.memory_space<vmem_shared>>
        tpu.wait_indirect_dma semaphore(%arg18 : memref<!tpu.dma_semaphore, #tpu.memory_space<semaphore_mem>>) src(%arg9 : memref<64x128xf32, #tpu.memory_space<vmem>>) dst(%dma_wait3A_240 : memref<10240x128xf32, #tpu.memory_space<vmem_shared>>)
        %dma_start3A_241 = arith.constant 0 : i32
        %dma_start3A_242 = arith.constant 0 : i32
        %dma_start3A_243 = tpu.memref_slice %arg7[%rem3A_145, %dma_start3A_241, %dma_start3A_242] : memref<2x4x64xi32, #tpu.memory_space<vmem>> -> memref<1x1x64xi32, #tpu.memory_space<vmem>>
        %dma_start3A_244 = tpu.memref_squeeze %dma_start3A_243 : memref<1x1x64xi32, #tpu.memory_space<vmem>> -> memref<64xi32, #tpu.memory_space<vmem>>
        %dma_start3A_245 = arith.constant 0 : i32
        %dma_start3A_246 = arith.constant 0 : i32
        %dma_start3A_247 = tpu.memref_slice %arg4[%dma_start3A_245, %dma_start3A_246] : memref<40960x128xf32, #tpu.memory_space<hbm>> -> memref<40960x128xf32, #tpu.memory_space<hbm>>
        tpu.enqueue_indirect_dma source(%dma_start3A_247 : memref<40960x128xf32, #tpu.memory_space<hbm>>) target(%arg9 : memref<64x128xf32, #tpu.memory_space<vmem>>) offsets(%dma_start3A_244 : memref<64xi32, #tpu.memory_space<vmem>>) semaphore(%arg14 : memref<!tpu.dma_semaphore, #tpu.memory_space<semaphore_mem>>)
      } else {
      }
      %dma_start3A_209 = arith.constant 2 : i32
      %dma_start3A_210 = arith.constant 0 : i32
      %dma_start3A_211 = tpu.memref_slice %arg8[%rem3A_141, %dma_start3A_209, %dma_start3A_210] : memref<2x4x64xi32, #tpu.memory_space<vmem>> -> memref<1x1x64xi32, #tpu.memory_space<vmem>>
      %dma_start3A_212 = tpu.memref_squeeze %dma_start3A_211 : memref<1x1x64xi32, #tpu.memory_space<vmem>> -> memref<64xi32, #tpu.memory_space<vmem>>
      %dma_start3A_213 = arith.constant 0 : i32
      %dma_start3A_214 = arith.constant 0 : i32
      %dma_start3A_215 = tpu.memref_slice %arg13[%dma_start3A_213, %dma_start3A_214] : memref<10240x128xf32, #tpu.memory_space<vmem_shared>> -> memref<10240x128xf32, #tpu.memory_space<vmem_shared>>
      tpu.enqueue_indirect_dma source(%arg11 : memref<64x128xf32, #tpu.memory_space<vmem>>) target(%dma_start3A_215 : memref<10240x128xf32, #tpu.memory_space<vmem_shared>>) offsets(%dma_start3A_212 : memref<64xi32, #tpu.memory_space<vmem>>) semaphore(%arg20 : memref<!tpu.dma_semaphore, #tpu.memory_space<semaphore_mem>>) {add = true}
      %dma_wait3A_216 = arith.constant 3 : i32
      %dma_wait3A_217 = arith.constant 0 : i32
      %dma_wait3A_218 = tpu.memref_slice %arg7[%rem3A_141, %dma_wait3A_216, %dma_wait3A_217] : memref<2x4x64xi32, #tpu.memory_space<vmem>> -> memref<1x1x64xi32, #tpu.memory_space<vmem>>
      %dma_wait3A_219 = tpu.memref_squeeze %dma_wait3A_218 : memref<1x1x64xi32, #tpu.memory_space<vmem>> -> memref<64xi32, #tpu.memory_space<vmem>>
      %dma_wait3A_220 = arith.constant 0 : i32
      %dma_wait3A_221 = arith.constant 0 : i32
      %dma_wait3A_222 = tpu.memref_slice %arg4[%dma_wait3A_220, %dma_wait3A_221] : memref<40960x128xf32, #tpu.memory_space<hbm>> -> memref<40960x128xf32, #tpu.memory_space<hbm>>
      tpu.wait_indirect_dma semaphore(%arg17 : memref<!tpu.dma_semaphore, #tpu.memory_space<semaphore_mem>>) src(%dma_wait3A_222 : memref<40960x128xf32, #tpu.memory_space<hbm>>) dst(%arg12 : memref<64x128xf32, #tpu.memory_space<vmem>>)
      %convert_element_type3A_223 = arith.extui %lt3A_146 : i1 to i32
      %cond3A_224 = arith.constant 0 : i32
      %cond3A_225 = arith.cmpi ne, %convert_element_type3A_223, %cond3A_224 : i32
      scf.if %cond3A_225 {
        %dma_wait3A_234 = arith.constant 1 : i32
        %dma_wait3A_235 = arith.constant 0 : i32
        %dma_wait3A_236 = tpu.memref_slice %arg8[%rem3A_141, %dma_wait3A_234, %dma_wait3A_235] : memref<2x4x64xi32, #tpu.memory_space<vmem>> -> memref<1x1x64xi32, #tpu.memory_space<vmem>>
        %dma_wait3A_237 = tpu.memref_squeeze %dma_wait3A_236 : memref<1x1x64xi32, #tpu.memory_space<vmem>> -> memref<64xi32, #tpu.memory_space<vmem>>
        %dma_wait3A_238 = arith.constant 0 : i32
        %dma_wait3A_239 = arith.constant 0 : i32
        %dma_wait3A_240 = tpu.memref_slice %arg13[%dma_wait3A_238, %dma_wait3A_239] : memref<10240x128xf32, #tpu.memory_space<vmem_shared>> -> memref<10240x128xf32, #tpu.memory_space<vmem_shared>>
        tpu.wait_indirect_dma semaphore(%arg19 : memref<!tpu.dma_semaphore, #tpu.memory_space<semaphore_mem>>) src(%arg10 : memref<64x128xf32, #tpu.memory_space<vmem>>) dst(%dma_wait3A_240 : memref<10240x128xf32, #tpu.memory_space<vmem_shared>>)
        %dma_start3A_241 = arith.constant 1 : i32
        %dma_start3A_242 = arith.constant 0 : i32
        %dma_start3A_243 = tpu.memref_slice %arg7[%rem3A_145, %dma_start3A_241, %dma_start3A_242] : memref<2x4x64xi32, #tpu.memory_space<vmem>> -> memref<1x1x64xi32, #tpu.memory_space<vmem>>
        %dma_start3A_244 = tpu.memref_squeeze %dma_start3A_243 : memref<1x1x64xi32, #tpu.memory_space<vmem>> -> memref<64xi32, #tpu.memory_space<vmem>>
        %dma_start3A_245 = arith.constant 0 : i32
        %dma_start3A_246 = arith.constant 0 : i32
        %dma_start3A_247 = tpu.memref_slice %arg4[%dma_start3A_245, %dma_start3A_246] : memref<40960x128xf32, #tpu.memory_space<hbm>> -> memref<40960x128xf32, #tpu.memory_space<hbm>>
        tpu.enqueue_indirect_dma source(%dma_start3A_247 : memref<40960x128xf32, #tpu.memory_space<hbm>>) target(%arg10 : memref<64x128xf32, #tpu.memory_space<vmem>>) offsets(%dma_start3A_244 : memref<64xi32, #tpu.memory_space<vmem>>) semaphore(%arg15 : memref<!tpu.dma_semaphore, #tpu.memory_space<semaphore_mem>>)
      } else {
      }
      %dma_start3A_226 = arith.constant 3 : i32
      %dma_start3A_227 = arith.constant 0 : i32
      %dma_start3A_228 = tpu.memref_slice %arg8[%rem3A_141, %dma_start3A_226, %dma_start3A_227] : memref<2x4x64xi32, #tpu.memory_space<vmem>> -> memref<1x1x64xi32, #tpu.memory_space<vmem>>
      %dma_start3A_229 = tpu.memref_squeeze %dma_start3A_228 : memref<1x1x64xi32, #tpu.memory_space<vmem>> -> memref<64xi32, #tpu.memory_space<vmem>>
      %dma_start3A_230 = arith.constant 0 : i32
      %dma_start3A_231 = arith.constant 0 : i32
      %dma_start3A_232 = tpu.memref_slice %arg13[%dma_start3A_230, %dma_start3A_231] : memref<10240x128xf32, #tpu.memory_space<vmem_shared>> -> memref<10240x128xf32, #tpu.memory_space<vmem_shared>>
      tpu.enqueue_indirect_dma source(%arg12 : memref<64x128xf32, #tpu.memory_space<vmem>>) target(%dma_start3A_232 : memref<10240x128xf32, #tpu.memory_space<vmem_shared>>) offsets(%dma_start3A_229 : memref<64xi32, #tpu.memory_space<vmem>>) semaphore(%arg21 : memref<!tpu.dma_semaphore, #tpu.memory_space<semaphore_mem>>) {add = true}
      %scan3A_233 = arith.constant 0 : i32
      scf.yield %scan3A_233 : i32
    }
    %scan3A_25 = arith.constant 40 : i32
    %dma_wait3A = arith.constant 1 : i32
    %dma_wait3A_26 = arith.constant 0 : i32
    %dma_wait3A_27 = arith.constant 0 : i32
    %dma_wait3A_28 = tpu.memref_slice %arg8[%dma_wait3A, %dma_wait3A_26, %dma_wait3A_27] : memref<2x4x64xi32, #tpu.memory_space<vmem>> -> memref<1x1x64xi32, #tpu.memory_space<vmem>>
    %dma_wait3A_29 = tpu.memref_squeeze %dma_wait3A_28 : memref<1x1x64xi32, #tpu.memory_space<vmem>> -> memref<64xi32, #tpu.memory_space<vmem>>
    %dma_wait3A_30 = arith.constant 0 : i32
    %dma_wait3A_31 = arith.constant 0 : i32
    %dma_wait3A_32 = tpu.memref_slice %arg13[%dma_wait3A_30, %dma_wait3A_31] : memref<10240x128xf32, #tpu.memory_space<vmem_shared>> -> memref<10240x128xf32, #tpu.memory_space<vmem_shared>>
    tpu.wait_indirect_dma semaphore(%arg18 : memref<!tpu.dma_semaphore, #tpu.memory_space<semaphore_mem>>) src(%arg9 : memref<64x128xf32, #tpu.memory_space<vmem>>) dst(%dma_wait3A_32 : memref<10240x128xf32, #tpu.memory_space<vmem_shared>>)
    %dma_wait3A_33 = arith.constant 1 : i32
    %dma_wait3A_34 = arith.constant 1 : i32
    %dma_wait3A_35 = arith.constant 0 : i32
    %dma_wait3A_36 = tpu.memref_slice %arg8[%dma_wait3A_33, %dma_wait3A_34, %dma_wait3A_35] : memref<2x4x64xi32, #tpu.memory_space<vmem>> -> memref<1x1x64xi32, #tpu.memory_space<vmem>>
    %dma_wait3A_37 = tpu.memref_squeeze %dma_wait3A_36 : memref<1x1x64xi32, #tpu.memory_space<vmem>> -> memref<64xi32, #tpu.memory_space<vmem>>
    %dma_wait3A_38 = arith.constant 0 : i32
    %dma_wait3A_39 = arith.constant 0 : i32
    %dma_wait3A_40 = tpu.memref_slice %arg13[%dma_wait3A_38, %dma_wait3A_39] : memref<10240x128xf32, #tpu.memory_space<vmem_shared>> -> memref<10240x128xf32, #tpu.memory_space<vmem_shared>>
    tpu.wait_indirect_dma semaphore(%arg19 : memref<!tpu.dma_semaphore, #tpu.memory_space<semaphore_mem>>) src(%arg10 : memref<64x128xf32, #tpu.memory_space<vmem>>) dst(%dma_wait3A_40 : memref<10240x128xf32, #tpu.memory_space<vmem_shared>>)
    %dma_wait3A_41 = arith.constant 1 : i32
    %dma_wait3A_42 = arith.constant 2 : i32
    %dma_wait3A_43 = arith.constant 0 : i32
    %dma_wait3A_44 = tpu.memref_slice %arg8[%dma_wait3A_41, %dma_wait3A_42, %dma_wait3A_43] : memref<2x4x64xi32, #tpu.memory_space<vmem>> -> memref<1x1x64xi32, #tpu.memory_space<vmem>>
    %dma_wait3A_45 = tpu.memref_squeeze %dma_wait3A_44 : memref<1x1x64xi32, #tpu.memory_space<vmem>> -> memref<64xi32, #tpu.memory_space<vmem>>
    %dma_wait3A_46 = arith.constant 0 : i32
    %dma_wait3A_47 = arith.constant 0 : i32
    %dma_wait3A_48 = tpu.memref_slice %arg13[%dma_wait3A_46, %dma_wait3A_47] : memref<10240x128xf32, #tpu.memory_space<vmem_shared>> -> memref<10240x128xf32, #tpu.memory_space<vmem_shared>>
    tpu.wait_indirect_dma semaphore(%arg20 : memref<!tpu.dma_semaphore, #tpu.memory_space<semaphore_mem>>) src(%arg11 : memref<64x128xf32, #tpu.memory_space<vmem>>) dst(%dma_wait3A_48 : memref<10240x128xf32, #tpu.memory_space<vmem_shared>>)
    %dma_wait3A_49 = arith.constant 1 : i32
    %dma_wait3A_50 = arith.constant 3 : i32
    %dma_wait3A_51 = arith.constant 0 : i32
    %dma_wait3A_52 = tpu.memref_slice %arg8[%dma_wait3A_49, %dma_wait3A_50, %dma_wait3A_51] : memref<2x4x64xi32, #tpu.memory_space<vmem>> -> memref<1x1x64xi32, #tpu.memory_space<vmem>>
    %dma_wait3A_53 = tpu.memref_squeeze %dma_wait3A_52 : memref<1x1x64xi32, #tpu.memory_space<vmem>> -> memref<64xi32, #tpu.memory_space<vmem>>
    %dma_wait3A_54 = arith.constant 0 : i32
    %dma_wait3A_55 = arith.constant 0 : i32
    %dma_wait3A_56 = tpu.memref_slice %arg13[%dma_wait3A_54, %dma_wait3A_55] : memref<10240x128xf32, #tpu.memory_space<vmem_shared>> -> memref<10240x128xf32, #tpu.memory_space<vmem_shared>>
    tpu.wait_indirect_dma semaphore(%arg21 : memref<!tpu.dma_semaphore, #tpu.memory_space<semaphore_mem>>) src(%arg12 : memref<64x128xf32, #tpu.memory_space<vmem>>) dst(%dma_wait3A_56 : memref<10240x128xf32, #tpu.memory_space<vmem_shared>>)
    %barrier3A_57 = arith.constant 0 : index
    tpu.barrier barrier_id(%barrier3A_57)
    %mul3A_58 = arith.constant 640 : i32
    %mul3A_59 = arith.muli %arg1, %mul3A_58 : i32
    %mul3A_60 = arith.constant 10240 : i32
    %mul3A_61 = arith.muli %add3A_1, %mul3A_60 : i32
    %mul3A_62 = arith.constant 640 : i32
    %mul3A_63 = arith.muli %arg1, %mul3A_62 : i32
    %add3A_64 = arith.addi %mul3A_61, %mul3A_63 : i32
    "tpu.region"() ({
      %run_scoped3A_139 = tpu.sem_alloc : memref<!tpu.dma_semaphore, #tpu.memory_space<semaphore_mem>>
      %dma_start3A_140 = arith.constant 0 : i32
      %dma_start3A_141 = tpu.memref_slice %arg6[%add3A_64, %dma_start3A_140] : memref<40960x128xf32, #tpu.memory_space<hbm>> -> memref<640x128xf32, #tpu.memory_space<hbm>>
      %dma_start3A_142 = arith.constant 0 : i32
      %dma_start3A_143 = tpu.memref_slice %arg13[%mul3A_59, %dma_start3A_142] : memref<10240x128xf32, #tpu.memory_space<vmem_shared>> -> memref<640x128xf32, #tpu.memory_space<vmem_shared>>
      tpu.enqueue_dma source(%dma_start3A_143 : memref<640x128xf32, #tpu.memory_space<vmem_shared>>) target(%dma_start3A_141 : memref<640x128xf32, #tpu.memory_space<hbm>>) target_semaphore(%run_scoped3A_139 : memref<!tpu.dma_semaphore, #tpu.memory_space<semaphore_mem>>)
      %dma_wait3A_144 = arith.constant 0 : i32
      %dma_wait3A_145 = tpu.memref_slice %arg6[%add3A_64, %dma_wait3A_144] : memref<40960x128xf32, #tpu.memory_space<hbm>> -> memref<640x128xf32, #tpu.memory_space<hbm>>
      %dma_wait3A_146 = arith.constant 0 : i32
      %dma_wait3A_147 = tpu.memref_slice %arg13[%mul3A_59, %dma_wait3A_146] : memref<10240x128xf32, #tpu.memory_space<vmem_shared>> -> memref<640x128xf32, #tpu.memory_space<vmem_shared>>
      tpu.wait_dma2 semaphore(%run_scoped3A_139 : memref<!tpu.dma_semaphore, #tpu.memory_space<semaphore_mem>>) src(%dma_wait3A_147 : memref<640x128xf32, #tpu.memory_space<vmem_shared>>) dst(%dma_wait3A_145 : memref<640x128xf32, #tpu.memory_space<hbm>>)
      tpu.yield
    }) : () -> ()
    %barrier3A_65 = arith.constant 0 : index
    tpu.barrier barrier_id(%barrier3A_65)
    %mul3A_66 = arith.constant 2 : i32
    %mul3A_67 = arith.muli %arg0, %mul3A_66 : i32
    %add3A_68 = arith.constant 1 : i32
    %add3A_69 = arith.addi %mul3A_67, %add3A_68 : i32
    %mul3A_70 = arith.constant 640 : i32
    %mul3A_71 = arith.muli %arg1, %mul3A_70 : i32
    "tpu.region"() ({
      %run_scoped3A_139 = tpu.sem_alloc : memref<!tpu.dma_semaphore, #tpu.memory_space<semaphore_mem>>
      %dma_start3A_140 = arith.constant 0 : i32
      %dma_start3A_141 = tpu.memref_slice %arg13[%mul3A_71, %dma_start3A_140] : memref<10240x128xf32, #tpu.memory_space<vmem_shared>> -> memref<640x128xf32, #tpu.memory_space<vmem_shared>>
      tpu.enqueue_dma source(%arg5 : memref<640x128xf32, #tpu.memory_space<hbm>>) target(%dma_start3A_141 : memref<640x128xf32, #tpu.memory_space<vmem_shared>>) target_semaphore(%run_scoped3A_139 : memref<!tpu.dma_semaphore, #tpu.memory_space<semaphore_mem>>)
      %dma_wait3A_142 = arith.constant 0 : i32
      %dma_wait3A_143 = tpu.memref_slice %arg13[%mul3A_71, %dma_wait3A_142] : memref<10240x128xf32, #tpu.memory_space<vmem_shared>> -> memref<640x128xf32, #tpu.memory_space<vmem_shared>>
      tpu.wait_dma2 semaphore(%run_scoped3A_139 : memref<!tpu.dma_semaphore, #tpu.memory_space<semaphore_mem>>) src(%arg5 : memref<640x128xf32, #tpu.memory_space<hbm>>) dst(%dma_wait3A_143 : memref<640x128xf32, #tpu.memory_space<vmem_shared>>)
      tpu.yield
    }) : () -> ()
    %barrier3A_72 = arith.constant 0 : index
    tpu.barrier barrier_id(%barrier3A_72)
    %run_scoped3A_73 = arith.constant 0 : i32
    "tpu.region"() ({
      %run_scoped3A_139 = tpu.sem_alloc : memref<!tpu.dma_semaphore, #tpu.memory_space<semaphore_mem>>
      %dma_start3A_140 = arith.constant 0 : i32
      %dma_start3A_141 = arith.constant 0 : i32
      %dma_start3A_142 = tpu.memref_slice %arg7[%run_scoped3A_73, %dma_start3A_140, %dma_start3A_141] : memref<2x4x64xi32, #tpu.memory_space<vmem>> -> memref<1x4x64xi32, #tpu.memory_space<vmem>>
      %dma_start3A_143 = tpu.memref_squeeze %dma_start3A_142 : memref<1x4x64xi32, #tpu.memory_space<vmem>> -> memref<4x64xi32, #tpu.memory_space<vmem>>
      %dma_start3A_144 = arith.constant 0 : i32
      %dma_start3A_145 = arith.constant 0 : i32
      %dma_start3A_146 = tpu.memref_slice %arg2[%add3A_69, %arg1, %dma_start3A_144, %dma_start3A_145] : memref<4x16x160x64xi32, #tpu.memory_space<hbm>> -> memref<1x1x4x64xi32, #tpu.memory_space<hbm>>
      %dma_start3A_147 = tpu.memref_squeeze %dma_start3A_146 : memref<1x1x4x64xi32, #tpu.memory_space<hbm>> -> memref<4x64xi32, #tpu.memory_space<hbm>>
      %dma_start3A_148 = arith.constant 0 : i32
      %dma_start3A_149 = arith.constant 0 : i32
      %dma_start3A_150 = tpu.memref_slice %arg7[%run_scoped3A_73, %dma_start3A_148, %dma_start3A_149] : memref<2x4x64xi32, #tpu.memory_space<vmem>> -> memref<1x4x64xi32, #tpu.memory_space<vmem>>
      %dma_start3A_151 = tpu.memref_squeeze %dma_start3A_150 : memref<1x4x64xi32, #tpu.memory_space<vmem>> -> memref<4x64xi32, #tpu.memory_space<vmem>>
      %dma_start3A_152 = arith.constant 0 : i32
      %dma_start3A_153 = arith.constant 0 : i32
      %dma_start3A_154 = tpu.memref_slice %arg2[%add3A_69, %arg1, %dma_start3A_152, %dma_start3A_153] : memref<4x16x160x64xi32, #tpu.memory_space<hbm>> -> memref<1x1x4x64xi32, #tpu.memory_space<hbm>>
      %dma_start3A_155 = tpu.memref_squeeze %dma_start3A_154 : memref<1x1x4x64xi32, #tpu.memory_space<hbm>> -> memref<4x64xi32, #tpu.memory_space<hbm>>
      tpu.enqueue_dma source(%dma_start3A_155 : memref<4x64xi32, #tpu.memory_space<hbm>>) target(%dma_start3A_151 : memref<4x64xi32, #tpu.memory_space<vmem>>) target_semaphore(%run_scoped3A_139 : memref<!tpu.dma_semaphore, #tpu.memory_space<semaphore_mem>>)
      %dma_wait3A_156 = arith.constant 0 : i32
      %dma_wait3A_157 = arith.constant 0 : i32
      %dma_wait3A_158 = tpu.memref_slice %arg7[%run_scoped3A_73, %dma_wait3A_156, %dma_wait3A_157] : memref<2x4x64xi32, #tpu.memory_space<vmem>> -> memref<1x4x64xi32, #tpu.memory_space<vmem>>
      %dma_wait3A_159 = tpu.memref_squeeze %dma_wait3A_158 : memref<1x4x64xi32, #tpu.memory_space<vmem>> -> memref<4x64xi32, #tpu.memory_space<vmem>>
      %dma_wait3A_160 = arith.constant 0 : i32
      %dma_wait3A_161 = arith.constant 0 : i32
      %dma_wait3A_162 = tpu.memref_slice %arg2[%add3A_69, %arg1, %dma_wait3A_160, %dma_wait3A_161] : memref<4x16x160x64xi32, #tpu.memory_space<hbm>> -> memref<1x1x4x64xi32, #tpu.memory_space<hbm>>
      %dma_wait3A_163 = tpu.memref_squeeze %dma_wait3A_162 : memref<1x1x4x64xi32, #tpu.memory_space<hbm>> -> memref<4x64xi32, #tpu.memory_space<hbm>>
      %dma_wait3A_164 = arith.constant 0 : i32
      %dma_wait3A_165 = arith.constant 0 : i32
      %dma_wait3A_166 = tpu.memref_slice %arg7[%run_scoped3A_73, %dma_wait3A_164, %dma_wait3A_165] : memref<2x4x64xi32, #tpu.memory_space<vmem>> -> memref<1x4x64xi32, #tpu.memory_space<vmem>>
      %dma_wait3A_167 = tpu.memref_squeeze %dma_wait3A_166 : memref<1x4x64xi32, #tpu.memory_space<vmem>> -> memref<4x64xi32, #tpu.memory_space<vmem>>
      %dma_wait3A_168 = arith.constant 0 : i32
      %dma_wait3A_169 = arith.constant 0 : i32
      %dma_wait3A_170 = tpu.memref_slice %arg2[%add3A_69, %arg1, %dma_wait3A_168, %dma_wait3A_169] : memref<4x16x160x64xi32, #tpu.memory_space<hbm>> -> memref<1x1x4x64xi32, #tpu.memory_space<hbm>>
      %dma_wait3A_171 = tpu.memref_squeeze %dma_wait3A_170 : memref<1x1x4x64xi32, #tpu.memory_space<hbm>> -> memref<4x64xi32, #tpu.memory_space<hbm>>
      tpu.wait_dma2 semaphore(%run_scoped3A_139 : memref<!tpu.dma_semaphore, #tpu.memory_space<semaphore_mem>>) src(%dma_wait3A_171 : memref<4x64xi32, #tpu.memory_space<hbm>>) dst(%dma_wait3A_167 : memref<4x64xi32, #tpu.memory_space<vmem>>)
      tpu.yield
    }) : () -> ()
    %run_scoped3A_74 = arith.constant 0 : i32
    "tpu.region"() ({
      %run_scoped3A_139 = tpu.sem_alloc : memref<!tpu.dma_semaphore, #tpu.memory_space<semaphore_mem>>
      %dma_start3A_140 = arith.constant 0 : i32
      %dma_start3A_141 = arith.constant 0 : i32
      %dma_start3A_142 = tpu.memref_slice %arg8[%run_scoped3A_74, %dma_start3A_140, %dma_start3A_141] : memref<2x4x64xi32, #tpu.memory_space<vmem>> -> memref<1x4x64xi32, #tpu.memory_space<vmem>>
      %dma_start3A_143 = tpu.memref_squeeze %dma_start3A_142 : memref<1x4x64xi32, #tpu.memory_space<vmem>> -> memref<4x64xi32, #tpu.memory_space<vmem>>
      %dma_start3A_144 = arith.constant 0 : i32
      %dma_start3A_145 = arith.constant 0 : i32
      %dma_start3A_146 = tpu.memref_slice %arg3[%arg1, %dma_start3A_144, %dma_start3A_145] : memref<16x160x64xi32, #tpu.memory_space<hbm>> -> memref<1x4x64xi32, #tpu.memory_space<hbm>>
      %dma_start3A_147 = tpu.memref_squeeze %dma_start3A_146 : memref<1x4x64xi32, #tpu.memory_space<hbm>> -> memref<4x64xi32, #tpu.memory_space<hbm>>
      %dma_start3A_148 = arith.constant 0 : i32
      %dma_start3A_149 = arith.constant 0 : i32
      %dma_start3A_150 = tpu.memref_slice %arg8[%run_scoped3A_74, %dma_start3A_148, %dma_start3A_149] : memref<2x4x64xi32, #tpu.memory_space<vmem>> -> memref<1x4x64xi32, #tpu.memory_space<vmem>>
      %dma_start3A_151 = tpu.memref_squeeze %dma_start3A_150 : memref<1x4x64xi32, #tpu.memory_space<vmem>> -> memref<4x64xi32, #tpu.memory_space<vmem>>
      %dma_start3A_152 = arith.constant 0 : i32
      %dma_start3A_153 = arith.constant 0 : i32
      %dma_start3A_154 = tpu.memref_slice %arg3[%arg1, %dma_start3A_152, %dma_start3A_153] : memref<16x160x64xi32, #tpu.memory_space<hbm>> -> memref<1x4x64xi32, #tpu.memory_space<hbm>>
      %dma_start3A_155 = tpu.memref_squeeze %dma_start3A_154 : memref<1x4x64xi32, #tpu.memory_space<hbm>> -> memref<4x64xi32, #tpu.memory_space<hbm>>
      tpu.enqueue_dma source(%dma_start3A_155 : memref<4x64xi32, #tpu.memory_space<hbm>>) target(%dma_start3A_151 : memref<4x64xi32, #tpu.memory_space<vmem>>) target_semaphore(%run_scoped3A_139 : memref<!tpu.dma_semaphore, #tpu.memory_space<semaphore_mem>>)
      %dma_wait3A_156 = arith.constant 0 : i32
      %dma_wait3A_157 = arith.constant 0 : i32
      %dma_wait3A_158 = tpu.memref_slice %arg8[%run_scoped3A_74, %dma_wait3A_156, %dma_wait3A_157] : memref<2x4x64xi32, #tpu.memory_space<vmem>> -> memref<1x4x64xi32, #tpu.memory_space<vmem>>
      %dma_wait3A_159 = tpu.memref_squeeze %dma_wait3A_158 : memref<1x4x64xi32, #tpu.memory_space<vmem>> -> memref<4x64xi32, #tpu.memory_space<vmem>>
      %dma_wait3A_160 = arith.constant 0 : i32
      %dma_wait3A_161 = arith.constant 0 : i32
      %dma_wait3A_162 = tpu.memref_slice %arg3[%arg1, %dma_wait3A_160, %dma_wait3A_161] : memref<16x160x64xi32, #tpu.memory_space<hbm>> -> memref<1x4x64xi32, #tpu.memory_space<hbm>>
      %dma_wait3A_163 = tpu.memref_squeeze %dma_wait3A_162 : memref<1x4x64xi32, #tpu.memory_space<hbm>> -> memref<4x64xi32, #tpu.memory_space<hbm>>
      %dma_wait3A_164 = arith.constant 0 : i32
      %dma_wait3A_165 = arith.constant 0 : i32
      %dma_wait3A_166 = tpu.memref_slice %arg8[%run_scoped3A_74, %dma_wait3A_164, %dma_wait3A_165] : memref<2x4x64xi32, #tpu.memory_space<vmem>> -> memref<1x4x64xi32, #tpu.memory_space<vmem>>
      %dma_wait3A_167 = tpu.memref_squeeze %dma_wait3A_166 : memref<1x4x64xi32, #tpu.memory_space<vmem>> -> memref<4x64xi32, #tpu.memory_space<vmem>>
      %dma_wait3A_168 = arith.constant 0 : i32
      %dma_wait3A_169 = arith.constant 0 : i32
      %dma_wait3A_170 = tpu.memref_slice %arg3[%arg1, %dma_wait3A_168, %dma_wait3A_169] : memref<16x160x64xi32, #tpu.memory_space<hbm>> -> memref<1x4x64xi32, #tpu.memory_space<hbm>>
      %dma_wait3A_171 = tpu.memref_squeeze %dma_wait3A_170 : memref<1x4x64xi32, #tpu.memory_space<hbm>> -> memref<4x64xi32, #tpu.memory_space<hbm>>
      tpu.wait_dma2 semaphore(%run_scoped3A_139 : memref<!tpu.dma_semaphore, #tpu.memory_space<semaphore_mem>>) src(%dma_wait3A_171 : memref<4x64xi32, #tpu.memory_space<hbm>>) dst(%dma_wait3A_167 : memref<4x64xi32, #tpu.memory_space<vmem>>)
      tpu.yield
    }) : () -> ()
    %dma_start3A_75 = arith.constant 0 : i32
    %dma_start3A_76 = arith.constant 0 : i32
    %dma_start3A_77 = arith.constant 0 : i32
    %dma_start3A_78 = tpu.memref_slice %arg7[%dma_start3A_75, %dma_start3A_76, %dma_start3A_77] : memref<2x4x64xi32, #tpu.memory_space<vmem>> -> memref<1x1x64xi32, #tpu.memory_space<vmem>>
    %dma_start3A_79 = tpu.memref_squeeze %dma_start3A_78 : memref<1x1x64xi32, #tpu.memory_space<vmem>> -> memref<64xi32, #tpu.memory_space<vmem>>
    %dma_start3A_80 = arith.constant 0 : i32
    %dma_start3A_81 = arith.constant 0 : i32
    %dma_start3A_82 = tpu.memref_slice %arg4[%dma_start3A_80, %dma_start3A_81] : memref<40960x128xf32, #tpu.memory_space<hbm>> -> memref<40960x128xf32, #tpu.memory_space<hbm>>
    tpu.enqueue_indirect_dma source(%dma_start3A_82 : memref<40960x128xf32, #tpu.memory_space<hbm>>) target(%arg9 : memref<64x128xf32, #tpu.memory_space<vmem>>) offsets(%dma_start3A_79 : memref<64xi32, #tpu.memory_space<vmem>>) semaphore(%arg14 : memref<!tpu.dma_semaphore, #tpu.memory_space<semaphore_mem>>)
    %dma_start3A_83 = arith.constant 0 : i32
    %dma_start3A_84 = arith.constant 1 : i32
    %dma_start3A_85 = arith.constant 0 : i32
    %dma_start3A_86 = tpu.memref_slice %arg7[%dma_start3A_83, %dma_start3A_84, %dma_start3A_85] : memref<2x4x64xi32, #tpu.memory_space<vmem>> -> memref<1x1x64xi32, #tpu.memory_space<vmem>>
    %dma_start3A_87 = tpu.memref_squeeze %dma_start3A_86 : memref<1x1x64xi32, #tpu.memory_space<vmem>> -> memref<64xi32, #tpu.memory_space<vmem>>
    %dma_start3A_88 = arith.constant 0 : i32
    %dma_start3A_89 = arith.constant 0 : i32
    %dma_start3A_90 = tpu.memref_slice %arg4[%dma_start3A_88, %dma_start3A_89] : memref<40960x128xf32, #tpu.memory_space<hbm>> -> memref<40960x128xf32, #tpu.memory_space<hbm>>
    tpu.enqueue_indirect_dma source(%dma_start3A_90 : memref<40960x128xf32, #tpu.memory_space<hbm>>) target(%arg10 : memref<64x128xf32, #tpu.memory_space<vmem>>) offsets(%dma_start3A_87 : memref<64xi32, #tpu.memory_space<vmem>>) semaphore(%arg15 : memref<!tpu.dma_semaphore, #tpu.memory_space<semaphore_mem>>)
    %scan3A_91 = arith.constant 0 : i32
    %scan3A_92 = arith.constant 0 : i32
    %scan3A_93 = arith.constant 40 : i32
    %scan3A_94 = arith.addi %scan3A_92, %scan3A_93 : i32
    %scan3A_95 = arith.constant 1 : i32
    %scan3A_96 = scf.for %scan3A_139 = %scan3A_92 to %scan3A_94 step %scan3A_95 iter_args(%scan3A_140 = %scan3A_91) -> (i32)  : i32 {
      %rem3A = arith.constant 2 : i32
      %rem3A_141 = arith.remsi %scan3A_139, %rem3A : i32
      %add3A_142 = arith.constant 1 : i32
      %add3A_143 = arith.addi %scan3A_139, %add3A_142 : i32
      %rem3A_144 = arith.constant 2 : i32
      %rem3A_145 = arith.remsi %add3A_143, %rem3A_144 : i32
      %lt3A = arith.constant 39 : i32
      %lt3A_146 = arith.cmpi slt, %scan3A_139, %lt3A : i32
      %convert_element_type3A = arith.extui %lt3A_146 : i1 to i32
      %cond3A = arith.constant 0 : i32
      %cond3A_147 = arith.cmpi ne, %convert_element_type3A, %cond3A : i32
      scf.if %cond3A_147 {
        %add3A_234 = arith.constant 1 : i32
        %add3A_235 = arith.addi %scan3A_139, %add3A_234 : i32
        %mul3A_236 = arith.constant 4 : i32
        %mul3A_237 = arith.muli %mul3A_236, %add3A_235 : i32
        "tpu.region"() ({
          %run_scoped3A_242 = tpu.sem_alloc : memref<!tpu.dma_semaphore, #tpu.memory_space<semaphore_mem>>
          %dma_start3A_243 = arith.constant 0 : i32
          %dma_start3A_244 = arith.constant 0 : i32
          %dma_start3A_245 = tpu.memref_slice %arg7[%rem3A_145, %dma_start3A_243, %dma_start3A_244] : memref<2x4x64xi32, #tpu.memory_space<vmem>> -> memref<1x4x64xi32, #tpu.memory_space<vmem>>
          %dma_start3A_246 = tpu.memref_squeeze %dma_start3A_245 : memref<1x4x64xi32, #tpu.memory_space<vmem>> -> memref<4x64xi32, #tpu.memory_space<vmem>>
          %dma_start3A_247 = arith.constant 0 : i32
          %dma_start3A_248 = tpu.memref_slice %arg2[%add3A_69, %arg1, %mul3A_237, %dma_start3A_247] : memref<4x16x160x64xi32, #tpu.memory_space<hbm>> -> memref<1x1x4x64xi32, #tpu.memory_space<hbm>>
          %dma_start3A_249 = tpu.memref_squeeze %dma_start3A_248 : memref<1x1x4x64xi32, #tpu.memory_space<hbm>> -> memref<4x64xi32, #tpu.memory_space<hbm>>
          %dma_start3A_250 = arith.constant 0 : i32
          %dma_start3A_251 = arith.constant 0 : i32
          %dma_start3A_252 = tpu.memref_slice %arg7[%rem3A_145, %dma_start3A_250, %dma_start3A_251] : memref<2x4x64xi32, #tpu.memory_space<vmem>> -> memref<1x4x64xi32, #tpu.memory_space<vmem>>
          %dma_start3A_253 = tpu.memref_squeeze %dma_start3A_252 : memref<1x4x64xi32, #tpu.memory_space<vmem>> -> memref<4x64xi32, #tpu.memory_space<vmem>>
          %dma_start3A_254 = arith.constant 0 : i32
          %dma_start3A_255 = tpu.memref_slice %arg2[%add3A_69, %arg1, %mul3A_237, %dma_start3A_254] : memref<4x16x160x64xi32, #tpu.memory_space<hbm>> -> memref<1x1x4x64xi32, #tpu.memory_space<hbm>>
          %dma_start3A_256 = tpu.memref_squeeze %dma_start3A_255 : memref<1x1x4x64xi32, #tpu.memory_space<hbm>> -> memref<4x64xi32, #tpu.memory_space<hbm>>
          tpu.enqueue_dma source(%dma_start3A_256 : memref<4x64xi32, #tpu.memory_space<hbm>>) target(%dma_start3A_253 : memref<4x64xi32, #tpu.memory_space<vmem>>) target_semaphore(%run_scoped3A_242 : memref<!tpu.dma_semaphore, #tpu.memory_space<semaphore_mem>>)
          %dma_wait3A_257 = arith.constant 0 : i32
          %dma_wait3A_258 = arith.constant 0 : i32
          %dma_wait3A_259 = tpu.memref_slice %arg7[%rem3A_145, %dma_wait3A_257, %dma_wait3A_258] : memref<2x4x64xi32, #tpu.memory_space<vmem>> -> memref<1x4x64xi32, #tpu.memory_space<vmem>>
          %dma_wait3A_260 = tpu.memref_squeeze %dma_wait3A_259 : memref<1x4x64xi32, #tpu.memory_space<vmem>> -> memref<4x64xi32, #tpu.memory_space<vmem>>
          %dma_wait3A_261 = arith.constant 0 : i32
          %dma_wait3A_262 = tpu.memref_slice %arg2[%add3A_69, %arg1, %mul3A_237, %dma_wait3A_261] : memref<4x16x160x64xi32, #tpu.memory_space<hbm>> -> memref<1x1x4x64xi32, #tpu.memory_space<hbm>>
          %dma_wait3A_263 = tpu.memref_squeeze %dma_wait3A_262 : memref<1x1x4x64xi32, #tpu.memory_space<hbm>> -> memref<4x64xi32, #tpu.memory_space<hbm>>
          %dma_wait3A_264 = arith.constant 0 : i32
          %dma_wait3A_265 = arith.constant 0 : i32
          %dma_wait3A_266 = tpu.memref_slice %arg7[%rem3A_145, %dma_wait3A_264, %dma_wait3A_265] : memref<2x4x64xi32, #tpu.memory_space<vmem>> -> memref<1x4x64xi32, #tpu.memory_space<vmem>>
          %dma_wait3A_267 = tpu.memref_squeeze %dma_wait3A_266 : memref<1x4x64xi32, #tpu.memory_space<vmem>> -> memref<4x64xi32, #tpu.memory_space<vmem>>
          %dma_wait3A_268 = arith.constant 0 : i32
          %dma_wait3A_269 = tpu.memref_slice %arg2[%add3A_69, %arg1, %mul3A_237, %dma_wait3A_268] : memref<4x16x160x64xi32, #tpu.memory_space<hbm>> -> memref<1x1x4x64xi32, #tpu.memory_space<hbm>>
          %dma_wait3A_270 = tpu.memref_squeeze %dma_wait3A_269 : memref<1x1x4x64xi32, #tpu.memory_space<hbm>> -> memref<4x64xi32, #tpu.memory_space<hbm>>
          tpu.wait_dma2 semaphore(%run_scoped3A_242 : memref<!tpu.dma_semaphore, #tpu.memory_space<semaphore_mem>>) src(%dma_wait3A_270 : memref<4x64xi32, #tpu.memory_space<hbm>>) dst(%dma_wait3A_267 : memref<4x64xi32, #tpu.memory_space<vmem>>)
          tpu.yield
        }) : () -> ()
        %add3A_238 = arith.constant 1 : i32
        %add3A_239 = arith.addi %scan3A_139, %add3A_238 : i32
        %mul3A_240 = arith.constant 4 : i32
        %mul3A_241 = arith.muli %mul3A_240, %add3A_239 : i32
        "tpu.region"() ({
          %run_scoped3A_242 = tpu.sem_alloc : memref<!tpu.dma_semaphore, #tpu.memory_space<semaphore_mem>>
          %dma_start3A_243 = arith.constant 0 : i32
          %dma_start3A_244 = arith.constant 0 : i32
          %dma_start3A_245 = tpu.memref_slice %arg8[%rem3A_145, %dma_start3A_243, %dma_start3A_244] : memref<2x4x64xi32, #tpu.memory_space<vmem>> -> memref<1x4x64xi32, #tpu.memory_space<vmem>>
          %dma_start3A_246 = tpu.memref_squeeze %dma_start3A_245 : memref<1x4x64xi32, #tpu.memory_space<vmem>> -> memref<4x64xi32, #tpu.memory_space<vmem>>
          %dma_start3A_247 = arith.constant 0 : i32
          %dma_start3A_248 = tpu.memref_slice %arg3[%arg1, %mul3A_241, %dma_start3A_247] : memref<16x160x64xi32, #tpu.memory_space<hbm>> -> memref<1x4x64xi32, #tpu.memory_space<hbm>>
          %dma_start3A_249 = tpu.memref_squeeze %dma_start3A_248 : memref<1x4x64xi32, #tpu.memory_space<hbm>> -> memref<4x64xi32, #tpu.memory_space<hbm>>
          %dma_start3A_250 = arith.constant 0 : i32
          %dma_start3A_251 = arith.constant 0 : i32
          %dma_start3A_252 = tpu.memref_slice %arg8[%rem3A_145, %dma_start3A_250, %dma_start3A_251] : memref<2x4x64xi32, #tpu.memory_space<vmem>> -> memref<1x4x64xi32, #tpu.memory_space<vmem>>
          %dma_start3A_253 = tpu.memref_squeeze %dma_start3A_252 : memref<1x4x64xi32, #tpu.memory_space<vmem>> -> memref<4x64xi32, #tpu.memory_space<vmem>>
          %dma_start3A_254 = arith.constant 0 : i32
          %dma_start3A_255 = tpu.memref_slice %arg3[%arg1, %mul3A_241, %dma_start3A_254] : memref<16x160x64xi32, #tpu.memory_space<hbm>> -> memref<1x4x64xi32, #tpu.memory_space<hbm>>
          %dma_start3A_256 = tpu.memref_squeeze %dma_start3A_255 : memref<1x4x64xi32, #tpu.memory_space<hbm>> -> memref<4x64xi32, #tpu.memory_space<hbm>>
          tpu.enqueue_dma source(%dma_start3A_256 : memref<4x64xi32, #tpu.memory_space<hbm>>) target(%dma_start3A_253 : memref<4x64xi32, #tpu.memory_space<vmem>>) target_semaphore(%run_scoped3A_242 : memref<!tpu.dma_semaphore, #tpu.memory_space<semaphore_mem>>)
          %dma_wait3A_257 = arith.constant 0 : i32
          %dma_wait3A_258 = arith.constant 0 : i32
          %dma_wait3A_259 = tpu.memref_slice %arg8[%rem3A_145, %dma_wait3A_257, %dma_wait3A_258] : memref<2x4x64xi32, #tpu.memory_space<vmem>> -> memref<1x4x64xi32, #tpu.memory_space<vmem>>
          %dma_wait3A_260 = tpu.memref_squeeze %dma_wait3A_259 : memref<1x4x64xi32, #tpu.memory_space<vmem>> -> memref<4x64xi32, #tpu.memory_space<vmem>>
          %dma_wait3A_261 = arith.constant 0 : i32
          %dma_wait3A_262 = tpu.memref_slice %arg3[%arg1, %mul3A_241, %dma_wait3A_261] : memref<16x160x64xi32, #tpu.memory_space<hbm>> -> memref<1x4x64xi32, #tpu.memory_space<hbm>>
          %dma_wait3A_263 = tpu.memref_squeeze %dma_wait3A_262 : memref<1x4x64xi32, #tpu.memory_space<hbm>> -> memref<4x64xi32, #tpu.memory_space<hbm>>
          %dma_wait3A_264 = arith.constant 0 : i32
          %dma_wait3A_265 = arith.constant 0 : i32
          %dma_wait3A_266 = tpu.memref_slice %arg8[%rem3A_145, %dma_wait3A_264, %dma_wait3A_265] : memref<2x4x64xi32, #tpu.memory_space<vmem>> -> memref<1x4x64xi32, #tpu.memory_space<vmem>>
          %dma_wait3A_267 = tpu.memref_squeeze %dma_wait3A_266 : memref<1x4x64xi32, #tpu.memory_space<vmem>> -> memref<4x64xi32, #tpu.memory_space<vmem>>
          %dma_wait3A_268 = arith.constant 0 : i32
          %dma_wait3A_269 = tpu.memref_slice %arg3[%arg1, %mul3A_241, %dma_wait3A_268] : memref<16x160x64xi32, #tpu.memory_space<hbm>> -> memref<1x4x64xi32, #tpu.memory_space<hbm>>
          %dma_wait3A_270 = tpu.memref_squeeze %dma_wait3A_269 : memref<1x4x64xi32, #tpu.memory_space<hbm>> -> memref<4x64xi32, #tpu.memory_space<hbm>>
          tpu.wait_dma2 semaphore(%run_scoped3A_242 : memref<!tpu.dma_semaphore, #tpu.memory_space<semaphore_mem>>) src(%dma_wait3A_270 : memref<4x64xi32, #tpu.memory_space<hbm>>) dst(%dma_wait3A_267 : memref<4x64xi32, #tpu.memory_space<vmem>>)
          tpu.yield
        }) : () -> ()
      } else {
      }
      %dma_wait3A_148 = arith.constant 0 : i32
      %dma_wait3A_149 = arith.constant 0 : i32
      %dma_wait3A_150 = tpu.memref_slice %arg7[%rem3A_141, %dma_wait3A_148, %dma_wait3A_149] : memref<2x4x64xi32, #tpu.memory_space<vmem>> -> memref<1x1x64xi32, #tpu.memory_space<vmem>>
      %dma_wait3A_151 = tpu.memref_squeeze %dma_wait3A_150 : memref<1x1x64xi32, #tpu.memory_space<vmem>> -> memref<64xi32, #tpu.memory_space<vmem>>
      %dma_wait3A_152 = arith.constant 0 : i32
      %dma_wait3A_153 = arith.constant 0 : i32
      %dma_wait3A_154 = tpu.memref_slice %arg4[%dma_wait3A_152, %dma_wait3A_153] : memref<40960x128xf32, #tpu.memory_space<hbm>> -> memref<40960x128xf32, #tpu.memory_space<hbm>>
      tpu.wait_indirect_dma semaphore(%arg14 : memref<!tpu.dma_semaphore, #tpu.memory_space<semaphore_mem>>) src(%dma_wait3A_154 : memref<40960x128xf32, #tpu.memory_space<hbm>>) dst(%arg9 : memref<64x128xf32, #tpu.memory_space<vmem>>)
      %gt3A = arith.constant 0 : i32
      %gt3A_155 = arith.cmpi sgt, %scan3A_139, %gt3A : i32
      %convert_element_type3A_156 = arith.extui %gt3A_155 : i1 to i32
      %cond3A_157 = arith.constant 0 : i32
      %cond3A_158 = arith.cmpi ne, %convert_element_type3A_156, %cond3A_157 : i32
      scf.if %cond3A_158 {
        %dma_wait3A_234 = arith.constant 2 : i32
        %dma_wait3A_235 = arith.constant 0 : i32
        %dma_wait3A_236 = tpu.memref_slice %arg8[%rem3A_145, %dma_wait3A_234, %dma_wait3A_235] : memref<2x4x64xi32, #tpu.memory_space<vmem>> -> memref<1x1x64xi32, #tpu.memory_space<vmem>>
        %dma_wait3A_237 = tpu.memref_squeeze %dma_wait3A_236 : memref<1x1x64xi32, #tpu.memory_space<vmem>> -> memref<64xi32, #tpu.memory_space<vmem>>
        %dma_wait3A_238 = arith.constant 0 : i32
        %dma_wait3A_239 = arith.constant 0 : i32
        %dma_wait3A_240 = tpu.memref_slice %arg13[%dma_wait3A_238, %dma_wait3A_239] : memref<10240x128xf32, #tpu.memory_space<vmem_shared>> -> memref<10240x128xf32, #tpu.memory_space<vmem_shared>>
        tpu.wait_indirect_dma semaphore(%arg20 : memref<!tpu.dma_semaphore, #tpu.memory_space<semaphore_mem>>) src(%arg11 : memref<64x128xf32, #tpu.memory_space<vmem>>) dst(%dma_wait3A_240 : memref<10240x128xf32, #tpu.memory_space<vmem_shared>>)
      } else {
      }
      %dma_start3A_159 = arith.constant 2 : i32
      %dma_start3A_160 = arith.constant 0 : i32
      %dma_start3A_161 = tpu.memref_slice %arg7[%rem3A_141, %dma_start3A_159, %dma_start3A_160] : memref<2x4x64xi32, #tpu.memory_space<vmem>> -> memref<1x1x64xi32, #tpu.memory_space<vmem>>
      %dma_start3A_162 = tpu.memref_squeeze %dma_start3A_161 : memref<1x1x64xi32, #tpu.memory_space<vmem>> -> memref<64xi32, #tpu.memory_space<vmem>>
      %dma_start3A_163 = arith.constant 0 : i32
      %dma_start3A_164 = arith.constant 0 : i32
      %dma_start3A_165 = tpu.memref_slice %arg4[%dma_start3A_163, %dma_start3A_164] : memref<40960x128xf32, #tpu.memory_space<hbm>> -> memref<40960x128xf32, #tpu.memory_space<hbm>>
      tpu.enqueue_indirect_dma source(%dma_start3A_165 : memref<40960x128xf32, #tpu.memory_space<hbm>>) target(%arg11 : memref<64x128xf32, #tpu.memory_space<vmem>>) offsets(%dma_start3A_162 : memref<64xi32, #tpu.memory_space<vmem>>) semaphore(%arg16 : memref<!tpu.dma_semaphore, #tpu.memory_space<semaphore_mem>>)
      %dma_start3A_166 = arith.constant 0 : i32
      %dma_start3A_167 = arith.constant 0 : i32
      %dma_start3A_168 = tpu.memref_slice %arg8[%rem3A_141, %dma_start3A_166, %dma_start3A_167] : memref<2x4x64xi32, #tpu.memory_space<vmem>> -> memref<1x1x64xi32, #tpu.memory_space<vmem>>
      %dma_start3A_169 = tpu.memref_squeeze %dma_start3A_168 : memref<1x1x64xi32, #tpu.memory_space<vmem>> -> memref<64xi32, #tpu.memory_space<vmem>>
      %dma_start3A_170 = arith.constant 0 : i32
      %dma_start3A_171 = arith.constant 0 : i32
      %dma_start3A_172 = tpu.memref_slice %arg13[%dma_start3A_170, %dma_start3A_171] : memref<10240x128xf32, #tpu.memory_space<vmem_shared>> -> memref<10240x128xf32, #tpu.memory_space<vmem_shared>>
      tpu.enqueue_indirect_dma source(%arg9 : memref<64x128xf32, #tpu.memory_space<vmem>>) target(%dma_start3A_172 : memref<10240x128xf32, #tpu.memory_space<vmem_shared>>) offsets(%dma_start3A_169 : memref<64xi32, #tpu.memory_space<vmem>>) semaphore(%arg18 : memref<!tpu.dma_semaphore, #tpu.memory_space<semaphore_mem>>) {add = true}
      %dma_wait3A_173 = arith.constant 1 : i32
      %dma_wait3A_174 = arith.constant 0 : i32
      %dma_wait3A_175 = tpu.memref_slice %arg7[%rem3A_141, %dma_wait3A_173, %dma_wait3A_174] : memref<2x4x64xi32, #tpu.memory_space<vmem>> -> memref<1x1x64xi32, #tpu.memory_space<vmem>>
      %dma_wait3A_176 = tpu.memref_squeeze %dma_wait3A_175 : memref<1x1x64xi32, #tpu.memory_space<vmem>> -> memref<64xi32, #tpu.memory_space<vmem>>
      %dma_wait3A_177 = arith.constant 0 : i32
      %dma_wait3A_178 = arith.constant 0 : i32
      %dma_wait3A_179 = tpu.memref_slice %arg4[%dma_wait3A_177, %dma_wait3A_178] : memref<40960x128xf32, #tpu.memory_space<hbm>> -> memref<40960x128xf32, #tpu.memory_space<hbm>>
      tpu.wait_indirect_dma semaphore(%arg15 : memref<!tpu.dma_semaphore, #tpu.memory_space<semaphore_mem>>) src(%dma_wait3A_179 : memref<40960x128xf32, #tpu.memory_space<hbm>>) dst(%arg10 : memref<64x128xf32, #tpu.memory_space<vmem>>)
      %gt3A_180 = arith.constant 0 : i32
      %gt3A_181 = arith.cmpi sgt, %scan3A_139, %gt3A_180 : i32
      %convert_element_type3A_182 = arith.extui %gt3A_181 : i1 to i32
      %cond3A_183 = arith.constant 0 : i32
      %cond3A_184 = arith.cmpi ne, %convert_element_type3A_182, %cond3A_183 : i32
      scf.if %cond3A_184 {
        %dma_wait3A_234 = arith.constant 3 : i32
        %dma_wait3A_235 = arith.constant 0 : i32
        %dma_wait3A_236 = tpu.memref_slice %arg8[%rem3A_145, %dma_wait3A_234, %dma_wait3A_235] : memref<2x4x64xi32, #tpu.memory_space<vmem>> -> memref<1x1x64xi32, #tpu.memory_space<vmem>>
        %dma_wait3A_237 = tpu.memref_squeeze %dma_wait3A_236 : memref<1x1x64xi32, #tpu.memory_space<vmem>> -> memref<64xi32, #tpu.memory_space<vmem>>
        %dma_wait3A_238 = arith.constant 0 : i32
        %dma_wait3A_239 = arith.constant 0 : i32
        %dma_wait3A_240 = tpu.memref_slice %arg13[%dma_wait3A_238, %dma_wait3A_239] : memref<10240x128xf32, #tpu.memory_space<vmem_shared>> -> memref<10240x128xf32, #tpu.memory_space<vmem_shared>>
        tpu.wait_indirect_dma semaphore(%arg21 : memref<!tpu.dma_semaphore, #tpu.memory_space<semaphore_mem>>) src(%arg12 : memref<64x128xf32, #tpu.memory_space<vmem>>) dst(%dma_wait3A_240 : memref<10240x128xf32, #tpu.memory_space<vmem_shared>>)
      } else {
      }
      %dma_start3A_185 = arith.constant 3 : i32
      %dma_start3A_186 = arith.constant 0 : i32
      %dma_start3A_187 = tpu.memref_slice %arg7[%rem3A_141, %dma_start3A_185, %dma_start3A_186] : memref<2x4x64xi32, #tpu.memory_space<vmem>> -> memref<1x1x64xi32, #tpu.memory_space<vmem>>
      %dma_start3A_188 = tpu.memref_squeeze %dma_start3A_187 : memref<1x1x64xi32, #tpu.memory_space<vmem>> -> memref<64xi32, #tpu.memory_space<vmem>>
      %dma_start3A_189 = arith.constant 0 : i32
      %dma_start3A_190 = arith.constant 0 : i32
      %dma_start3A_191 = tpu.memref_slice %arg4[%dma_start3A_189, %dma_start3A_190] : memref<40960x128xf32, #tpu.memory_space<hbm>> -> memref<40960x128xf32, #tpu.memory_space<hbm>>
      tpu.enqueue_indirect_dma source(%dma_start3A_191 : memref<40960x128xf32, #tpu.memory_space<hbm>>) target(%arg12 : memref<64x128xf32, #tpu.memory_space<vmem>>) offsets(%dma_start3A_188 : memref<64xi32, #tpu.memory_space<vmem>>) semaphore(%arg17 : memref<!tpu.dma_semaphore, #tpu.memory_space<semaphore_mem>>)
      %dma_start3A_192 = arith.constant 1 : i32
      %dma_start3A_193 = arith.constant 0 : i32
      %dma_start3A_194 = tpu.memref_slice %arg8[%rem3A_141, %dma_start3A_192, %dma_start3A_193] : memref<2x4x64xi32, #tpu.memory_space<vmem>> -> memref<1x1x64xi32, #tpu.memory_space<vmem>>
      %dma_start3A_195 = tpu.memref_squeeze %dma_start3A_194 : memref<1x1x64xi32, #tpu.memory_space<vmem>> -> memref<64xi32, #tpu.memory_space<vmem>>
      %dma_start3A_196 = arith.constant 0 : i32
      %dma_start3A_197 = arith.constant 0 : i32
      %dma_start3A_198 = tpu.memref_slice %arg13[%dma_start3A_196, %dma_start3A_197] : memref<10240x128xf32, #tpu.memory_space<vmem_shared>> -> memref<10240x128xf32, #tpu.memory_space<vmem_shared>>
      tpu.enqueue_indirect_dma source(%arg10 : memref<64x128xf32, #tpu.memory_space<vmem>>) target(%dma_start3A_198 : memref<10240x128xf32, #tpu.memory_space<vmem_shared>>) offsets(%dma_start3A_195 : memref<64xi32, #tpu.memory_space<vmem>>) semaphore(%arg19 : memref<!tpu.dma_semaphore, #tpu.memory_space<semaphore_mem>>) {add = true}
      %dma_wait3A_199 = arith.constant 2 : i32
      %dma_wait3A_200 = arith.constant 0 : i32
      %dma_wait3A_201 = tpu.memref_slice %arg7[%rem3A_141, %dma_wait3A_199, %dma_wait3A_200] : memref<2x4x64xi32, #tpu.memory_space<vmem>> -> memref<1x1x64xi32, #tpu.memory_space<vmem>>
      %dma_wait3A_202 = tpu.memref_squeeze %dma_wait3A_201 : memref<1x1x64xi32, #tpu.memory_space<vmem>> -> memref<64xi32, #tpu.memory_space<vmem>>
      %dma_wait3A_203 = arith.constant 0 : i32
      %dma_wait3A_204 = arith.constant 0 : i32
      %dma_wait3A_205 = tpu.memref_slice %arg4[%dma_wait3A_203, %dma_wait3A_204] : memref<40960x128xf32, #tpu.memory_space<hbm>> -> memref<40960x128xf32, #tpu.memory_space<hbm>>
      tpu.wait_indirect_dma semaphore(%arg16 : memref<!tpu.dma_semaphore, #tpu.memory_space<semaphore_mem>>) src(%dma_wait3A_205 : memref<40960x128xf32, #tpu.memory_space<hbm>>) dst(%arg11 : memref<64x128xf32, #tpu.memory_space<vmem>>)
      %convert_element_type3A_206 = arith.extui %lt3A_146 : i1 to i32
      %cond3A_207 = arith.constant 0 : i32
      %cond3A_208 = arith.cmpi ne, %convert_element_type3A_206, %cond3A_207 : i32
      scf.if %cond3A_208 {
        %dma_wait3A_234 = arith.constant 0 : i32
        %dma_wait3A_235 = arith.constant 0 : i32
        %dma_wait3A_236 = tpu.memref_slice %arg8[%rem3A_141, %dma_wait3A_234, %dma_wait3A_235] : memref<2x4x64xi32, #tpu.memory_space<vmem>> -> memref<1x1x64xi32, #tpu.memory_space<vmem>>
        %dma_wait3A_237 = tpu.memref_squeeze %dma_wait3A_236 : memref<1x1x64xi32, #tpu.memory_space<vmem>> -> memref<64xi32, #tpu.memory_space<vmem>>
        %dma_wait3A_238 = arith.constant 0 : i32
        %dma_wait3A_239 = arith.constant 0 : i32
        %dma_wait3A_240 = tpu.memref_slice %arg13[%dma_wait3A_238, %dma_wait3A_239] : memref<10240x128xf32, #tpu.memory_space<vmem_shared>> -> memref<10240x128xf32, #tpu.memory_space<vmem_shared>>
        tpu.wait_indirect_dma semaphore(%arg18 : memref<!tpu.dma_semaphore, #tpu.memory_space<semaphore_mem>>) src(%arg9 : memref<64x128xf32, #tpu.memory_space<vmem>>) dst(%dma_wait3A_240 : memref<10240x128xf32, #tpu.memory_space<vmem_shared>>)
        %dma_start3A_241 = arith.constant 0 : i32
        %dma_start3A_242 = arith.constant 0 : i32
        %dma_start3A_243 = tpu.memref_slice %arg7[%rem3A_145, %dma_start3A_241, %dma_start3A_242] : memref<2x4x64xi32, #tpu.memory_space<vmem>> -> memref<1x1x64xi32, #tpu.memory_space<vmem>>
        %dma_start3A_244 = tpu.memref_squeeze %dma_start3A_243 : memref<1x1x64xi32, #tpu.memory_space<vmem>> -> memref<64xi32, #tpu.memory_space<vmem>>
        %dma_start3A_245 = arith.constant 0 : i32
        %dma_start3A_246 = arith.constant 0 : i32
        %dma_start3A_247 = tpu.memref_slice %arg4[%dma_start3A_245, %dma_start3A_246] : memref<40960x128xf32, #tpu.memory_space<hbm>> -> memref<40960x128xf32, #tpu.memory_space<hbm>>
        tpu.enqueue_indirect_dma source(%dma_start3A_247 : memref<40960x128xf32, #tpu.memory_space<hbm>>) target(%arg9 : memref<64x128xf32, #tpu.memory_space<vmem>>) offsets(%dma_start3A_244 : memref<64xi32, #tpu.memory_space<vmem>>) semaphore(%arg14 : memref<!tpu.dma_semaphore, #tpu.memory_space<semaphore_mem>>)
      } else {
      }
      %dma_start3A_209 = arith.constant 2 : i32
      %dma_start3A_210 = arith.constant 0 : i32
      %dma_start3A_211 = tpu.memref_slice %arg8[%rem3A_141, %dma_start3A_209, %dma_start3A_210] : memref<2x4x64xi32, #tpu.memory_space<vmem>> -> memref<1x1x64xi32, #tpu.memory_space<vmem>>
      %dma_start3A_212 = tpu.memref_squeeze %dma_start3A_211 : memref<1x1x64xi32, #tpu.memory_space<vmem>> -> memref<64xi32, #tpu.memory_space<vmem>>
      %dma_start3A_213 = arith.constant 0 : i32
      %dma_start3A_214 = arith.constant 0 : i32
      %dma_start3A_215 = tpu.memref_slice %arg13[%dma_start3A_213, %dma_start3A_214] : memref<10240x128xf32, #tpu.memory_space<vmem_shared>> -> memref<10240x128xf32, #tpu.memory_space<vmem_shared>>
      tpu.enqueue_indirect_dma source(%arg11 : memref<64x128xf32, #tpu.memory_space<vmem>>) target(%dma_start3A_215 : memref<10240x128xf32, #tpu.memory_space<vmem_shared>>) offsets(%dma_start3A_212 : memref<64xi32, #tpu.memory_space<vmem>>) semaphore(%arg20 : memref<!tpu.dma_semaphore, #tpu.memory_space<semaphore_mem>>) {add = true}
      %dma_wait3A_216 = arith.constant 3 : i32
      %dma_wait3A_217 = arith.constant 0 : i32
      %dma_wait3A_218 = tpu.memref_slice %arg7[%rem3A_141, %dma_wait3A_216, %dma_wait3A_217] : memref<2x4x64xi32, #tpu.memory_space<vmem>> -> memref<1x1x64xi32, #tpu.memory_space<vmem>>
      %dma_wait3A_219 = tpu.memref_squeeze %dma_wait3A_218 : memref<1x1x64xi32, #tpu.memory_space<vmem>> -> memref<64xi32, #tpu.memory_space<vmem>>
      %dma_wait3A_220 = arith.constant 0 : i32
      %dma_wait3A_221 = arith.constant 0 : i32
      %dma_wait3A_222 = tpu.memref_slice %arg4[%dma_wait3A_220, %dma_wait3A_221] : memref<40960x128xf32, #tpu.memory_space<hbm>> -> memref<40960x128xf32, #tpu.memory_space<hbm>>
      tpu.wait_indirect_dma semaphore(%arg17 : memref<!tpu.dma_semaphore, #tpu.memory_space<semaphore_mem>>) src(%dma_wait3A_222 : memref<40960x128xf32, #tpu.memory_space<hbm>>) dst(%arg12 : memref<64x128xf32, #tpu.memory_space<vmem>>)
      %convert_element_type3A_223 = arith.extui %lt3A_146 : i1 to i32
      %cond3A_224 = arith.constant 0 : i32
      %cond3A_225 = arith.cmpi ne, %convert_element_type3A_223, %cond3A_224 : i32
      scf.if %cond3A_225 {
        %dma_wait3A_234 = arith.constant 1 : i32
        %dma_wait3A_235 = arith.constant 0 : i32
        %dma_wait3A_236 = tpu.memref_slice %arg8[%rem3A_141, %dma_wait3A_234, %dma_wait3A_235] : memref<2x4x64xi32, #tpu.memory_space<vmem>> -> memref<1x1x64xi32, #tpu.memory_space<vmem>>
        %dma_wait3A_237 = tpu.memref_squeeze %dma_wait3A_236 : memref<1x1x64xi32, #tpu.memory_space<vmem>> -> memref<64xi32, #tpu.memory_space<vmem>>
        %dma_wait3A_238 = arith.constant 0 : i32
        %dma_wait3A_239 = arith.constant 0 : i32
        %dma_wait3A_240 = tpu.memref_slice %arg13[%dma_wait3A_238, %dma_wait3A_239] : memref<10240x128xf32, #tpu.memory_space<vmem_shared>> -> memref<10240x128xf32, #tpu.memory_space<vmem_shared>>
        tpu.wait_indirect_dma semaphore(%arg19 : memref<!tpu.dma_semaphore, #tpu.memory_space<semaphore_mem>>) src(%arg10 : memref<64x128xf32, #tpu.memory_space<vmem>>) dst(%dma_wait3A_240 : memref<10240x128xf32, #tpu.memory_space<vmem_shared>>)
        %dma_start3A_241 = arith.constant 1 : i32
        %dma_start3A_242 = arith.constant 0 : i32
        %dma_start3A_243 = tpu.memref_slice %arg7[%rem3A_145, %dma_start3A_241, %dma_start3A_242] : memref<2x4x64xi32, #tpu.memory_space<vmem>> -> memref<1x1x64xi32, #tpu.memory_space<vmem>>
        %dma_start3A_244 = tpu.memref_squeeze %dma_start3A_243 : memref<1x1x64xi32, #tpu.memory_space<vmem>> -> memref<64xi32, #tpu.memory_space<vmem>>
        %dma_start3A_245 = arith.constant 0 : i32
        %dma_start3A_246 = arith.constant 0 : i32
        %dma_start3A_247 = tpu.memref_slice %arg4[%dma_start3A_245, %dma_start3A_246] : memref<40960x128xf32, #tpu.memory_space<hbm>> -> memref<40960x128xf32, #tpu.memory_space<hbm>>
        tpu.enqueue_indirect_dma source(%dma_start3A_247 : memref<40960x128xf32, #tpu.memory_space<hbm>>) target(%arg10 : memref<64x128xf32, #tpu.memory_space<vmem>>) offsets(%dma_start3A_244 : memref<64xi32, #tpu.memory_space<vmem>>) semaphore(%arg15 : memref<!tpu.dma_semaphore, #tpu.memory_space<semaphore_mem>>)
      } else {
      }
      %dma_start3A_226 = arith.constant 3 : i32
      %dma_start3A_227 = arith.constant 0 : i32
      %dma_start3A_228 = tpu.memref_slice %arg8[%rem3A_141, %dma_start3A_226, %dma_start3A_227] : memref<2x4x64xi32, #tpu.memory_space<vmem>> -> memref<1x1x64xi32, #tpu.memory_space<vmem>>
      %dma_start3A_229 = tpu.memref_squeeze %dma_start3A_228 : memref<1x1x64xi32, #tpu.memory_space<vmem>> -> memref<64xi32, #tpu.memory_space<vmem>>
      %dma_start3A_230 = arith.constant 0 : i32
      %dma_start3A_231 = arith.constant 0 : i32
      %dma_start3A_232 = tpu.memref_slice %arg13[%dma_start3A_230, %dma_start3A_231] : memref<10240x128xf32, #tpu.memory_space<vmem_shared>> -> memref<10240x128xf32, #tpu.memory_space<vmem_shared>>
      tpu.enqueue_indirect_dma source(%arg12 : memref<64x128xf32, #tpu.memory_space<vmem>>) target(%dma_start3A_232 : memref<10240x128xf32, #tpu.memory_space<vmem_shared>>) offsets(%dma_start3A_229 : memref<64xi32, #tpu.memory_space<vmem>>) semaphore(%arg21 : memref<!tpu.dma_semaphore, #tpu.memory_space<semaphore_mem>>) {add = true}
      %scan3A_233 = arith.constant 0 : i32
      scf.yield %scan3A_233 : i32
    }
    %scan3A_97 = arith.constant 40 : i32
    %dma_wait3A_98 = arith.constant 1 : i32
    %dma_wait3A_99 = arith.constant 0 : i32
    %dma_wait3A_100 = arith.constant 0 : i32
    %dma_wait3A_101 = tpu.memref_slice %arg8[%dma_wait3A_98, %dma_wait3A_99, %dma_wait3A_100] : memref<2x4x64xi32, #tpu.memory_space<vmem>> -> memref<1x1x64xi32, #tpu.memory_space<vmem>>
    %dma_wait3A_102 = tpu.memref_squeeze %dma_wait3A_101 : memref<1x1x64xi32, #tpu.memory_space<vmem>> -> memref<64xi32, #tpu.memory_space<vmem>>
    %dma_wait3A_103 = arith.constant 0 : i32
    %dma_wait3A_104 = arith.constant 0 : i32
    %dma_wait3A_105 = tpu.memref_slice %arg13[%dma_wait3A_103, %dma_wait3A_104] : memref<10240x128xf32, #tpu.memory_space<vmem_shared>> -> memref<10240x128xf32, #tpu.memory_space<vmem_shared>>
    tpu.wait_indirect_dma semaphore(%arg18 : memref<!tpu.dma_semaphore, #tpu.memory_space<semaphore_mem>>) src(%arg9 : memref<64x128xf32, #tpu.memory_space<vmem>>) dst(%dma_wait3A_105 : memref<10240x128xf32, #tpu.memory_space<vmem_shared>>)
    %dma_wait3A_106 = arith.constant 1 : i32
    %dma_wait3A_107 = arith.constant 1 : i32
    %dma_wait3A_108 = arith.constant 0 : i32
    %dma_wait3A_109 = tpu.memref_slice %arg8[%dma_wait3A_106, %dma_wait3A_107, %dma_wait3A_108] : memref<2x4x64xi32, #tpu.memory_space<vmem>> -> memref<1x1x64xi32, #tpu.memory_space<vmem>>
    %dma_wait3A_110 = tpu.memref_squeeze %dma_wait3A_109 : memref<1x1x64xi32, #tpu.memory_space<vmem>> -> memref<64xi32, #tpu.memory_space<vmem>>
    %dma_wait3A_111 = arith.constant 0 : i32
    %dma_wait3A_112 = arith.constant 0 : i32
    %dma_wait3A_113 = tpu.memref_slice %arg13[%dma_wait3A_111, %dma_wait3A_112] : memref<10240x128xf32, #tpu.memory_space<vmem_shared>> -> memref<10240x128xf32, #tpu.memory_space<vmem_shared>>
    tpu.wait_indirect_dma semaphore(%arg19 : memref<!tpu.dma_semaphore, #tpu.memory_space<semaphore_mem>>) src(%arg10 : memref<64x128xf32, #tpu.memory_space<vmem>>) dst(%dma_wait3A_113 : memref<10240x128xf32, #tpu.memory_space<vmem_shared>>)
    %dma_wait3A_114 = arith.constant 1 : i32
    %dma_wait3A_115 = arith.constant 2 : i32
    %dma_wait3A_116 = arith.constant 0 : i32
    %dma_wait3A_117 = tpu.memref_slice %arg8[%dma_wait3A_114, %dma_wait3A_115, %dma_wait3A_116] : memref<2x4x64xi32, #tpu.memory_space<vmem>> -> memref<1x1x64xi32, #tpu.memory_space<vmem>>
    %dma_wait3A_118 = tpu.memref_squeeze %dma_wait3A_117 : memref<1x1x64xi32, #tpu.memory_space<vmem>> -> memref<64xi32, #tpu.memory_space<vmem>>
    %dma_wait3A_119 = arith.constant 0 : i32
    %dma_wait3A_120 = arith.constant 0 : i32
    %dma_wait3A_121 = tpu.memref_slice %arg13[%dma_wait3A_119, %dma_wait3A_120] : memref<10240x128xf32, #tpu.memory_space<vmem_shared>> -> memref<10240x128xf32, #tpu.memory_space<vmem_shared>>
    tpu.wait_indirect_dma semaphore(%arg20 : memref<!tpu.dma_semaphore, #tpu.memory_space<semaphore_mem>>) src(%arg11 : memref<64x128xf32, #tpu.memory_space<vmem>>) dst(%dma_wait3A_121 : memref<10240x128xf32, #tpu.memory_space<vmem_shared>>)
    %dma_wait3A_122 = arith.constant 1 : i32
    %dma_wait3A_123 = arith.constant 3 : i32
    %dma_wait3A_124 = arith.constant 0 : i32
    %dma_wait3A_125 = tpu.memref_slice %arg8[%dma_wait3A_122, %dma_wait3A_123, %dma_wait3A_124] : memref<2x4x64xi32, #tpu.memory_space<vmem>> -> memref<1x1x64xi32, #tpu.memory_space<vmem>>
    %dma_wait3A_126 = tpu.memref_squeeze %dma_wait3A_125 : memref<1x1x64xi32, #tpu.memory_space<vmem>> -> memref<64xi32, #tpu.memory_space<vmem>>
    %dma_wait3A_127 = arith.constant 0 : i32
    %dma_wait3A_128 = arith.constant 0 : i32
    %dma_wait3A_129 = tpu.memref_slice %arg13[%dma_wait3A_127, %dma_wait3A_128] : memref<10240x128xf32, #tpu.memory_space<vmem_shared>> -> memref<10240x128xf32, #tpu.memory_space<vmem_shared>>
    tpu.wait_indirect_dma semaphore(%arg21 : memref<!tpu.dma_semaphore, #tpu.memory_space<semaphore_mem>>) src(%arg12 : memref<64x128xf32, #tpu.memory_space<vmem>>) dst(%dma_wait3A_129 : memref<10240x128xf32, #tpu.memory_space<vmem_shared>>)
    %barrier3A_130 = arith.constant 0 : index
    tpu.barrier barrier_id(%barrier3A_130)
    %mul3A_131 = arith.constant 640 : i32
    %mul3A_132 = arith.muli %arg1, %mul3A_131 : i32
    %mul3A_133 = arith.constant 10240 : i32
    %mul3A_134 = arith.muli %add3A_69, %mul3A_133 : i32
    %mul3A_135 = arith.constant 640 : i32
    %mul3A_136 = arith.muli %arg1, %mul3A_135 : i32
    %add3A_137 = arith.addi %mul3A_134, %mul3A_136 : i32
    "tpu.region"() ({
      %run_scoped3A_139 = tpu.sem_alloc : memref<!tpu.dma_semaphore, #tpu.memory_space<semaphore_mem>>
      %dma_start3A_140 = arith.constant 0 : i32
      %dma_start3A_141 = tpu.memref_slice %arg6[%add3A_137, %dma_start3A_140] : memref<40960x128xf32, #tpu.memory_space<hbm>> -> memref<640x128xf32, #tpu.memory_space<hbm>>
      %dma_start3A_142 = arith.constant 0 : i32
      %dma_start3A_143 = tpu.memref_slice %arg13[%mul3A_132, %dma_start3A_142] : memref<10240x128xf32, #tpu.memory_space<vmem_shared>> -> memref<640x128xf32, #tpu.memory_space<vmem_shared>>
      tpu.enqueue_dma source(%dma_start3A_143 : memref<640x128xf32, #tpu.memory_space<vmem_shared>>) target(%dma_start3A_141 : memref<640x128xf32, #tpu.memory_space<hbm>>) target_semaphore(%run_scoped3A_139 : memref<!tpu.dma_semaphore, #tpu.memory_space<semaphore_mem>>)
      %dma_wait3A_144 = arith.constant 0 : i32
      %dma_wait3A_145 = tpu.memref_slice %arg6[%add3A_137, %dma_wait3A_144] : memref<40960x128xf32, #tpu.memory_space<hbm>> -> memref<640x128xf32, #tpu.memory_space<hbm>>
      %dma_wait3A_146 = arith.constant 0 : i32
      %dma_wait3A_147 = tpu.memref_slice %arg13[%mul3A_132, %dma_wait3A_146] : memref<10240x128xf32, #tpu.memory_space<vmem_shared>> -> memref<640x128xf32, #tpu.memory_space<vmem_shared>>
      tpu.wait_dma2 semaphore(%run_scoped3A_139 : memref<!tpu.dma_semaphore, #tpu.memory_space<semaphore_mem>>) src(%dma_wait3A_147 : memref<640x128xf32, #tpu.memory_space<vmem_shared>>) dst(%dma_wait3A_145 : memref<640x128xf32, #tpu.memory_space<hbm>>)
      tpu.yield
    }) : () -> ()
    %barrier3A_138 = arith.constant 0 : index
    tpu.barrier barrier_id(%barrier3A_138)
    return
  }
}

module attributes {stable_mosaic.version = 14 : i64} {
  func.func @_prep_body(%arg0: i32, %arg1: memref<32x512xf32, #tpu.memory_space<vmem>>, %arg2: memref<512x1xf32, #tpu.memory_space<vmem>>) attributes {dimension_semantics = [#tpu.dimension_semantics<arbitrary>], iteration_bounds = array<i64: 20>, scalar_prefetch = 0 : i64, scratch_operands = 0 : i64, tpu.core_type = #tpu.core_type<tc>, window_params = [{transform_indices = @transform_0, window_bounds = array<i64: 32, 512>}, {transform_indices = @transform_1, window_bounds = array<i64: 512, 1>}]} {
    %broadcast_in_dim3A = arith.constant 1.000000e+00 : f32
    %broadcast_in_dim3A_0 = vector.broadcast %broadcast_in_dim3A : f32 to vector<32x1xf32>
    %get3A = arith.constant 0 : index
    %get3A_1 = arith.constant 0 : index
    %get3A_2 = vector.load %arg1[%get3A, %get3A_1] : memref<32x512xf32, #tpu.memory_space<vmem>>, vector<32x512xf32>
    %dot_general3A = arith.constant dense<0.000000e+00> : vector<512x1xf32>
    %dot_general3A_3 = tpu.matmul %get3A_2, %broadcast_in_dim3A_0, %dot_general3A {dimension_numbers = #tpu.dot_dimension_numbers<[0], [0], [1], [1], [0, 1, 1, 1], [], []>, transpose_lhs_hint = false} : vector<32x512xf32>, vector<32x1xf32>, vector<512x1xf32> -> vector<512x1xf32>
    %add3A = arith.constant 1.000000e+00 : f32
    %add3A_4 = vector.broadcast %add3A : f32 to vector<512x1xf32>
    %add3A_5 = arith.addf %dot_general3A_3, %add3A_4 : vector<512x1xf32>
    %rsqrt3A = math.rsqrt %add3A_5 : vector<512x1xf32>
    %swap3A = arith.constant 0 : index
    %swap3A_6 = arith.constant 0 : index
    %swap3A_7 = vector.load %arg2[%swap3A, %swap3A_6] : memref<512x1xf32, #tpu.memory_space<vmem>>, vector<512x1xf32>
    tpu.vector_store %arg2[%swap3A, %swap3A_6], %rsqrt3A {strides = array<i32>} : memref<512x1xf32, #tpu.memory_space<vmem>>, vector<512x1xf32>,
    return
  }
  func.func @transform_0(%arg0: i32) -> (i32, i32) {
    %c0_i32 = arith.constant 0 : i32
    %c0_i32_0 = arith.constant 0 : i32
    return %c0_i32, %arg0 : i32, i32
  }
  func.func @transform_1(%arg0: i32) -> (i32, i32) {
    %c0_i32 = arith.constant 0 : i32
    %c0_i32_0 = arith.constant 0 : i32
    return %arg0, %c0_i32 : i32, i32
  }
}

module attributes {stable_mosaic.version = 14 : i64} {
  func.func @_mid_body(%arg0: i32, %arg1: memref<4x512x128xf32, #tpu.memory_space<vmem>>, %arg2: memref<4x512x128xf32, #tpu.memory_space<vmem>>, %arg3: memref<512x1xf32, #tpu.memory_space<vmem>>, %arg4: memref<512x512xf32, #tpu.memory_space<vmem>>, %arg5: memref<1x512xf32, #tpu.memory_space<vmem>>, %arg6: memref<4x512x128xf32, #tpu.memory_space<vmem>>) attributes {dimension_semantics = [#tpu.dimension_semantics<arbitrary>], iteration_bounds = array<i64: 20>, scalar_prefetch = 0 : i64, scratch_operands = 0 : i64, tpu.core_type = #tpu.core_type<tc>, window_params = [{transform_indices = @transform_0, window_bounds = array<i64: 4, 512, 128>}, {transform_indices = @transform_1, window_bounds = array<i64: 4, 512, 128>}, {transform_indices = @transform_2, window_bounds = array<i64: 512, 1>}, {pipeline_mode = #tpu.pipeline_mode<synchronous>, transform_indices = @transform_3, window_bounds = array<i64: 512, 512>}, {pipeline_mode = #tpu.pipeline_mode<synchronous>, transform_indices = @transform_4, window_bounds = array<i64: 1, 512>}, {transform_indices = @transform_5, window_bounds = array<i64: 4, 512, 128>}]} {
    %get3A = arith.constant 0 : index
    %get3A_0 = arith.constant 0 : index
    %get3A_1 = vector.load %arg3[%get3A, %get3A_0] : memref<512x1xf32, #tpu.memory_space<vmem>>, vector<512x1xf32>
    %get3A_2 = arith.constant 0 : index
    %get3A_3 = arith.constant 0 : index
    %get3A_4 = arith.constant 0 : index
    %get3A_5 = vector.load %arg1[%get3A_2, %get3A_3, %get3A_4] : memref<4x512x128xf32, #tpu.memory_space<vmem>>, vector<1x512x128xf32>
    %get3A_6 = vector.shape_cast %get3A_5 : vector<1x512x128xf32> to vector<512x128xf32>
    %get3A_7 = arith.constant 0 : index
    %get3A_8 = arith.constant 0 : index
    %get3A_9 = arith.constant 0 : index
    %get3A_10 = vector.load %arg2[%get3A_7, %get3A_8, %get3A_9] : memref<4x512x128xf32, #tpu.memory_space<vmem>>, vector<1x512x128xf32>
    %get3A_11 = vector.shape_cast %get3A_10 : vector<1x512x128xf32> to vector<512x128xf32>
    %add3A = arith.addf %get3A_6, %get3A_11 : vector<512x128xf32>
    %mul3A = vector.broadcast %get3A_1 : vector<512x1xf32> to vector<512x128xf32>
    %mul3A_12 = arith.mulf %mul3A, %add3A : vector<512x128xf32>
    %get3A_13 = arith.constant 1 : index
    %get3A_14 = arith.constant 0 : index
    %get3A_15 = arith.constant 0 : index
    %get3A_16 = vector.load %arg1[%get3A_13, %get3A_14, %get3A_15] : memref<4x512x128xf32, #tpu.memory_space<vmem>>, vector<1x512x128xf32>
    %get3A_17 = vector.shape_cast %get3A_16 : vector<1x512x128xf32> to vector<512x128xf32>
    %get3A_18 = arith.constant 1 : index
    %get3A_19 = arith.constant 0 : index
    %get3A_20 = arith.constant 0 : index
    %get3A_21 = vector.load %arg2[%get3A_18, %get3A_19, %get3A_20] : memref<4x512x128xf32, #tpu.memory_space<vmem>>, vector<1x512x128xf32>
    %get3A_22 = vector.shape_cast %get3A_21 : vector<1x512x128xf32> to vector<512x128xf32>
    %add3A_23 = arith.addf %get3A_17, %get3A_22 : vector<512x128xf32>
    %mul3A_24 = vector.broadcast %get3A_1 : vector<512x1xf32> to vector<512x128xf32>
    %mul3A_25 = arith.mulf %mul3A_24, %add3A_23 : vector<512x128xf32>
    %get3A_26 = arith.constant 2 : index
    %get3A_27 = arith.constant 0 : index
    %get3A_28 = arith.constant 0 : index
    %get3A_29 = vector.load %arg1[%get3A_26, %get3A_27, %get3A_28] : memref<4x512x128xf32, #tpu.memory_space<vmem>>, vector<1x512x128xf32>
    %get3A_30 = vector.shape_cast %get3A_29 : vector<1x512x128xf32> to vector<512x128xf32>
    %get3A_31 = arith.constant 2 : index
    %get3A_32 = arith.constant 0 : index
    %get3A_33 = arith.constant 0 : index
    %get3A_34 = vector.load %arg2[%get3A_31, %get3A_32, %get3A_33] : memref<4x512x128xf32, #tpu.memory_space<vmem>>, vector<1x512x128xf32>
    %get3A_35 = vector.shape_cast %get3A_34 : vector<1x512x128xf32> to vector<512x128xf32>
    %add3A_36 = arith.addf %get3A_30, %get3A_35 : vector<512x128xf32>
    %mul3A_37 = vector.broadcast %get3A_1 : vector<512x1xf32> to vector<512x128xf32>
    %mul3A_38 = arith.mulf %mul3A_37, %add3A_36 : vector<512x128xf32>
    %get3A_39 = arith.constant 3 : index
    %get3A_40 = arith.constant 0 : index
    %get3A_41 = arith.constant 0 : index
    %get3A_42 = vector.load %arg1[%get3A_39, %get3A_40, %get3A_41] : memref<4x512x128xf32, #tpu.memory_space<vmem>>, vector<1x512x128xf32>
    %get3A_43 = vector.shape_cast %get3A_42 : vector<1x512x128xf32> to vector<512x128xf32>
    %get3A_44 = arith.constant 3 : index
    %get3A_45 = arith.constant 0 : index
    %get3A_46 = arith.constant 0 : index
    %get3A_47 = vector.load %arg2[%get3A_44, %get3A_45, %get3A_46] : memref<4x512x128xf32, #tpu.memory_space<vmem>>, vector<1x512x128xf32>
    %get3A_48 = vector.shape_cast %get3A_47 : vector<1x512x128xf32> to vector<512x128xf32>
    %add3A_49 = arith.addf %get3A_43, %get3A_48 : vector<512x128xf32>
    %mul3A_50 = vector.broadcast %get3A_1 : vector<512x1xf32> to vector<512x128xf32>
    %mul3A_51 = arith.mulf %mul3A_50, %add3A_49 : vector<512x128xf32>
    %concatenate3A = tpu.concatenate %mul3A_12, %mul3A_25, %mul3A_38, %mul3A_51 in 1 : vector<512x128xf32>, vector<512x128xf32>, vector<512x128xf32>, vector<512x128xf32> -> vector<512x512xf32>
    %get3A_52 = arith.constant 0 : index
    %get3A_53 = arith.constant 0 : index
    %get3A_54 = vector.load %arg5[%get3A_52, %get3A_53] : memref<1x512xf32, #tpu.memory_space<vmem>>, vector<1x512xf32>
    %add3A_55 = vector.broadcast %get3A_54 : vector<1x512xf32> to vector<512x512xf32>
    %add3A_56 = arith.addf %concatenate3A, %add3A_55 : vector<512x512xf32>
    %max3A = arith.constant 0.000000e+00 : f32
    %max3A_57 = vector.broadcast %max3A : f32 to vector<512x512xf32>
    %max3A_58 = arith.maximumf %add3A_56, %max3A_57 : vector<512x512xf32>
    %get3A_59 = arith.constant 0 : index
    %get3A_60 = arith.constant 0 : index
    %get3A_61 = vector.load %arg4[%get3A_59, %get3A_60] : memref<512x512xf32, #tpu.memory_space<vmem>>, vector<512x512xf32>
    %dot_general3A = arith.constant dense<0.000000e+00> : vector<512x512xf32>
    %dot_general3A_62 = tpu.matmul %max3A_58, %get3A_61, %dot_general3A {dimension_numbers = #tpu.dot_dimension_numbers<[1], [0], [0], [1], [0, 0, 1, 1], [], []>, transpose_lhs_hint = false} : vector<512x512xf32>, vector<512x512xf32>, vector<512x512xf32> -> vector<512x512xf32>
    %slice3A = vector.extract_strided_slice %dot_general3A_62 {offsets = [0, 0], sizes = [512, 128], strides = [1, 1]} : vector<512x512xf32> to vector<512x128xf32>
    %mul3A_63 = vector.broadcast %get3A_1 : vector<512x1xf32> to vector<512x128xf32>
    %mul3A_64 = arith.mulf %mul3A_63, %slice3A : vector<512x128xf32>
    %swap3A = arith.constant 0 : index
    %swap3A_65 = arith.constant 0 : index
    %swap3A_66 = arith.constant 0 : index
    %swap3A_67 = vector.load %arg6[%swap3A, %swap3A_65, %swap3A_66] : memref<4x512x128xf32, #tpu.memory_space<vmem>>, vector<1x512x128xf32>
    %swap3A_68 = vector.shape_cast %swap3A_67 : vector<1x512x128xf32> to vector<512x128xf32>
    %swap3A_69 = vector.shape_cast %mul3A_64 : vector<512x128xf32> to vector<1x512x128xf32>
    tpu.vector_store %arg6[%swap3A, %swap3A_65, %swap3A_66], %swap3A_69 {strides = array<i32>} : memref<4x512x128xf32, #tpu.memory_space<vmem>>, vector<1x512x128xf32>,
    %slice3A_70 = vector.extract_strided_slice %dot_general3A_62 {offsets = [0, 128], sizes = [512, 128], strides = [1, 1]} : vector<512x512xf32> to vector<512x128xf32>
    %mul3A_71 = vector.broadcast %get3A_1 : vector<512x1xf32> to vector<512x128xf32>
    %mul3A_72 = arith.mulf %mul3A_71, %slice3A_70 : vector<512x128xf32>
    %swap3A_73 = arith.constant 1 : index
    %swap3A_74 = arith.constant 0 : index
    %swap3A_75 = arith.constant 0 : index
    %swap3A_76 = vector.load %arg6[%swap3A_73, %swap3A_74, %swap3A_75] : memref<4x512x128xf32, #tpu.memory_space<vmem>>, vector<1x512x128xf32>
    %swap3A_77 = vector.shape_cast %swap3A_76 : vector<1x512x128xf32> to vector<512x128xf32>
    %swap3A_78 = vector.shape_cast %mul3A_72 : vector<512x128xf32> to vector<1x512x128xf32>
    tpu.vector_store %arg6[%swap3A_73, %swap3A_74, %swap3A_75], %swap3A_78 {strides = array<i32>} : memref<4x512x128xf32, #tpu.memory_space<vmem>>, vector<1x512x128xf32>,
    %slice3A_79 = vector.extract_strided_slice %dot_general3A_62 {offsets = [0, 256], sizes = [512, 128], strides = [1, 1]} : vector<512x512xf32> to vector<512x128xf32>
    %mul3A_80 = vector.broadcast %get3A_1 : vector<512x1xf32> to vector<512x128xf32>
    %mul3A_81 = arith.mulf %mul3A_80, %slice3A_79 : vector<512x128xf32>
    %swap3A_82 = arith.constant 2 : index
    %swap3A_83 = arith.constant 0 : index
    %swap3A_84 = arith.constant 0 : index
    %swap3A_85 = vector.load %arg6[%swap3A_82, %swap3A_83, %swap3A_84] : memref<4x512x128xf32, #tpu.memory_space<vmem>>, vector<1x512x128xf32>
    %swap3A_86 = vector.shape_cast %swap3A_85 : vector<1x512x128xf32> to vector<512x128xf32>
    %swap3A_87 = vector.shape_cast %mul3A_81 : vector<512x128xf32> to vector<1x512x128xf32>
    tpu.vector_store %arg6[%swap3A_82, %swap3A_83, %swap3A_84], %swap3A_87 {strides = array<i32>} : memref<4x512x128xf32, #tpu.memory_space<vmem>>, vector<1x512x128xf32>,
    %slice3A_88 = vector.extract_strided_slice %dot_general3A_62 {offsets = [0, 384], sizes = [512, 128], strides = [1, 1]} : vector<512x512xf32> to vector<512x128xf32>
    %mul3A_89 = vector.broadcast %get3A_1 : vector<512x1xf32> to vector<512x128xf32>
    %mul3A_90 = arith.mulf %mul3A_89, %slice3A_88 : vector<512x128xf32>
    %swap3A_91 = arith.constant 3 : index
    %swap3A_92 = arith.constant 0 : index
    %swap3A_93 = arith.constant 0 : index
    %swap3A_94 = vector.load %arg6[%swap3A_91, %swap3A_92, %swap3A_93] : memref<4x512x128xf32, #tpu.memory_space<vmem>>, vector<1x512x128xf32>
    %swap3A_95 = vector.shape_cast %swap3A_94 : vector<1x512x128xf32> to vector<512x128xf32>
    %swap3A_96 = vector.shape_cast %mul3A_90 : vector<512x128xf32> to vector<1x512x128xf32>
    tpu.vector_store %arg6[%swap3A_91, %swap3A_92, %swap3A_93], %swap3A_96 {strides = array<i32>} : memref<4x512x128xf32, #tpu.memory_space<vmem>>, vector<1x512x128xf32>,
    return
  }
  func.func @transform_0(%arg0: i32) -> (i32, i32, i32) {
    %c0_i32 = arith.constant 0 : i32
    %c0_i32_0 = arith.constant 0 : i32
    %c0_i32_1 = arith.constant 0 : i32
    return %c0_i32, %arg0, %c0_i32_0 : i32, i32, i32
  }
  func.func @transform_1(%arg0: i32) -> (i32, i32, i32) {
    %c0_i32 = arith.constant 0 : i32
    %c0_i32_0 = arith.constant 0 : i32
    %c0_i32_1 = arith.constant 0 : i32
    return %c0_i32, %arg0, %c0_i32_0 : i32, i32, i32
  }
  func.func @transform_2(%arg0: i32) -> (i32, i32) {
    %c0_i32 = arith.constant 0 : i32
    %c0_i32_0 = arith.constant 0 : i32
    return %arg0, %c0_i32 : i32, i32
  }
  func.func @transform_3(%arg0: i32) -> (i32, i32) {
    %c0_i32 = arith.constant 0 : i32
    %c0_i32_0 = arith.constant 0 : i32
    %c0_i32_1 = arith.constant 0 : i32
    return %c0_i32, %c0_i32_0 : i32, i32
  }
  func.func @transform_4(%arg0: i32) -> (i32, i32) {
    %c0_i32 = arith.constant 0 : i32
    %c0_i32_0 = arith.constant 0 : i32
    %c0_i32_1 = arith.constant 0 : i32
    return %c0_i32, %c0_i32_0 : i32, i32
  }
  func.func @transform_5(%arg0: i32) -> (i32, i32, i32) {
    %c0_i32 = arith.constant 0 : i32
    %c0_i32_0 = arith.constant 0 : i32
    %c0_i32_1 = arith.constant 0 : i32
    return %c0_i32, %arg0, %c0_i32_0 : i32, i32, i32
  }
}

module attributes {stable_mosaic.version = 14 : i64} {
  func.func @_mm1_body(%arg0: i32, %arg1: memref<512x256xf32, #tpu.memory_space<vmem>>, %arg2: memref<256x512xf32, #tpu.memory_space<vmem>>, %arg3: memref<512x1xf32, #tpu.memory_space<vmem>>, %arg4: memref<4x512x128xf32, #tpu.memory_space<vmem>>) attributes {dimension_semantics = [#tpu.dimension_semantics<arbitrary>], iteration_bounds = array<i64: 20>, scalar_prefetch = 0 : i64, scratch_operands = 0 : i64, tpu.core_type = #tpu.core_type<tc>, window_params = [{transform_indices = @transform_0, window_bounds = array<i64: 512, 256>}, {pipeline_mode = #tpu.pipeline_mode<synchronous>, transform_indices = @transform_1, window_bounds = array<i64: 256, 512>}, {transform_indices = @transform_2, window_bounds = array<i64: 512, 1>}, {transform_indices = @transform_3, window_bounds = array<i64: 4, 512, 128>}]} {
    %get3A = arith.constant 0 : index
    %get3A_0 = arith.constant 0 : index
    %get3A_1 = vector.load %arg1[%get3A, %get3A_0] : memref<512x256xf32, #tpu.memory_space<vmem>>, vector<512x256xf32>
    %get3A_2 = arith.constant 0 : index
    %get3A_3 = arith.constant 0 : index
    %get3A_4 = vector.load %arg2[%get3A_2, %get3A_3] : memref<256x512xf32, #tpu.memory_space<vmem>>, vector<256x512xf32>
    %dot_general3A = arith.constant dense<0.000000e+00> : vector<512x512xf32>
    %dot_general3A_5 = tpu.matmul %get3A_1, %get3A_4, %dot_general3A {dimension_numbers = #tpu.dot_dimension_numbers<[1], [0], [0], [1], [0, 0, 1, 1], [], []>, transpose_lhs_hint = false} : vector<512x256xf32>, vector<256x512xf32>, vector<512x512xf32> -> vector<512x512xf32>
    %get3A_6 = arith.constant 0 : index
    %get3A_7 = arith.constant 0 : index
    %get3A_8 = vector.load %arg3[%get3A_6, %get3A_7] : memref<512x1xf32, #tpu.memory_space<vmem>>, vector<512x1xf32>
    %slice3A = vector.extract_strided_slice %dot_general3A_5 {offsets = [0, 0], sizes = [512, 128], strides = [1, 1]} : vector<512x512xf32> to vector<512x128xf32>
    %mul3A = vector.broadcast %get3A_8 : vector<512x1xf32> to vector<512x128xf32>
    %mul3A_9 = arith.mulf %mul3A, %slice3A : vector<512x128xf32>
    %swap3A = arith.constant 0 : index
    %swap3A_10 = arith.constant 0 : index
    %swap3A_11 = arith.constant 0 : index
    %swap3A_12 = vector.load %arg4[%swap3A, %swap3A_10, %swap3A_11] : memref<4x512x128xf32, #tpu.memory_space<vmem>>, vector<1x512x128xf32>
    %swap3A_13 = vector.shape_cast %swap3A_12 : vector<1x512x128xf32> to vector<512x128xf32>
    %swap3A_14 = vector.shape_cast %mul3A_9 : vector<512x128xf32> to vector<1x512x128xf32>
    tpu.vector_store %arg4[%swap3A, %swap3A_10, %swap3A_11], %swap3A_14 {strides = array<i32>} : memref<4x512x128xf32, #tpu.memory_space<vmem>>, vector<1x512x128xf32>,
    %slice3A_15 = vector.extract_strided_slice %dot_general3A_5 {offsets = [0, 128], sizes = [512, 128], strides = [1, 1]} : vector<512x512xf32> to vector<512x128xf32>
    %mul3A_16 = vector.broadcast %get3A_8 : vector<512x1xf32> to vector<512x128xf32>
    %mul3A_17 = arith.mulf %mul3A_16, %slice3A_15 : vector<512x128xf32>
    %swap3A_18 = arith.constant 1 : index
    %swap3A_19 = arith.constant 0 : index
    %swap3A_20 = arith.constant 0 : index
    %swap3A_21 = vector.load %arg4[%swap3A_18, %swap3A_19, %swap3A_20] : memref<4x512x128xf32, #tpu.memory_space<vmem>>, vector<1x512x128xf32>
    %swap3A_22 = vector.shape_cast %swap3A_21 : vector<1x512x128xf32> to vector<512x128xf32>
    %swap3A_23 = vector.shape_cast %mul3A_17 : vector<512x128xf32> to vector<1x512x128xf32>
    tpu.vector_store %arg4[%swap3A_18, %swap3A_19, %swap3A_20], %swap3A_23 {strides = array<i32>} : memref<4x512x128xf32, #tpu.memory_space<vmem>>, vector<1x512x128xf32>,
    %slice3A_24 = vector.extract_strided_slice %dot_general3A_5 {offsets = [0, 256], sizes = [512, 128], strides = [1, 1]} : vector<512x512xf32> to vector<512x128xf32>
    %mul3A_25 = vector.broadcast %get3A_8 : vector<512x1xf32> to vector<512x128xf32>
    %mul3A_26 = arith.mulf %mul3A_25, %slice3A_24 : vector<512x128xf32>
    %swap3A_27 = arith.constant 2 : index
    %swap3A_28 = arith.constant 0 : index
    %swap3A_29 = arith.constant 0 : index
    %swap3A_30 = vector.load %arg4[%swap3A_27, %swap3A_28, %swap3A_29] : memref<4x512x128xf32, #tpu.memory_space<vmem>>, vector<1x512x128xf32>
    %swap3A_31 = vector.shape_cast %swap3A_30 : vector<1x512x128xf32> to vector<512x128xf32>
    %swap3A_32 = vector.shape_cast %mul3A_26 : vector<512x128xf32> to vector<1x512x128xf32>
    tpu.vector_store %arg4[%swap3A_27, %swap3A_28, %swap3A_29], %swap3A_32 {strides = array<i32>} : memref<4x512x128xf32, #tpu.memory_space<vmem>>, vector<1x512x128xf32>,
    %slice3A_33 = vector.extract_strided_slice %dot_general3A_5 {offsets = [0, 384], sizes = [512, 128], strides = [1, 1]} : vector<512x512xf32> to vector<512x128xf32>
    %mul3A_34 = vector.broadcast %get3A_8 : vector<512x1xf32> to vector<512x128xf32>
    %mul3A_35 = arith.mulf %mul3A_34, %slice3A_33 : vector<512x128xf32>
    %swap3A_36 = arith.constant 3 : index
    %swap3A_37 = arith.constant 0 : index
    %swap3A_38 = arith.constant 0 : index
    %swap3A_39 = vector.load %arg4[%swap3A_36, %swap3A_37, %swap3A_38] : memref<4x512x128xf32, #tpu.memory_space<vmem>>, vector<1x512x128xf32>
    %swap3A_40 = vector.shape_cast %swap3A_39 : vector<1x512x128xf32> to vector<512x128xf32>
    %swap3A_41 = vector.shape_cast %mul3A_35 : vector<512x128xf32> to vector<1x512x128xf32>
    tpu.vector_store %arg4[%swap3A_36, %swap3A_37, %swap3A_38], %swap3A_41 {strides = array<i32>} : memref<4x512x128xf32, #tpu.memory_space<vmem>>, vector<1x512x128xf32>,
    return
  }
  func.func @transform_0(%arg0: i32) -> (i32, i32) {
    %c0_i32 = arith.constant 0 : i32
    %c0_i32_0 = arith.constant 0 : i32
    return %arg0, %c0_i32 : i32, i32
  }
  func.func @transform_1(%arg0: i32) -> (i32, i32) {
    %c0_i32 = arith.constant 0 : i32
    %c0_i32_0 = arith.constant 0 : i32
    %c0_i32_1 = arith.constant 0 : i32
    return %c0_i32, %c0_i32_0 : i32, i32
  }
  func.func @transform_2(%arg0: i32) -> (i32, i32) {
    %c0_i32 = arith.constant 0 : i32
    %c0_i32_0 = arith.constant 0 : i32
    return %arg0, %c0_i32 : i32, i32
  }
  func.func @transform_3(%arg0: i32) -> (i32, i32, i32) {
    %c0_i32 = arith.constant 0 : i32
    %c0_i32_0 = arith.constant 0 : i32
    %c0_i32_1 = arith.constant 0 : i32
    return %c0_i32, %arg0, %c0_i32_0 : i32, i32, i32
  }
}

module attributes {stable_mosaic.version = 14 : i64} {
  func.func @_pool_body(%arg0: i32, %arg1: memref<4x512x128xf32, #tpu.memory_space<vmem>>, %arg2: memref<4x512x128xf32, #tpu.memory_space<vmem>>, %arg3: memref<512x1xf32, #tpu.memory_space<vmem>>, %arg4: memref<1x512xi32, #tpu.memory_space<vmem>>, %arg5: memref<1x512xf32, #tpu.memory_space<vmem>>, %arg6: memref<64x512xf32, #tpu.memory_space<vmem>>, %arg7: memref<64x1xf32, #tpu.memory_space<vmem>>) attributes {dimension_semantics = [#tpu.dimension_semantics<arbitrary>], iteration_bounds = array<i64: 20>, scalar_prefetch = 0 : i64, scratch_operands = 0 : i64, tpu.core_type = #tpu.core_type<tc>, window_params = [{transform_indices = @transform_0, window_bounds = array<i64: 4, 512, 128>}, {transform_indices = @transform_1, window_bounds = array<i64: 4, 512, 128>}, {transform_indices = @transform_2, window_bounds = array<i64: 512, 1>}, {transform_indices = @transform_3, window_bounds = array<i64: 1, 512>}, {pipeline_mode = #tpu.pipeline_mode<synchronous>, transform_indices = @transform_4, window_bounds = array<i64: 1, 512>}, {pipeline_mode = #tpu.pipeline_mode<synchronous>, transform_indices = @transform_5, window_bounds = array<i64: 64, 512>}, {pipeline_mode = #tpu.pipeline_mode<synchronous>, transform_indices = @transform_6, window_bounds = array<i64: 64, 1>}]} {
    %get3A = arith.constant 0 : index
    %get3A_0 = arith.constant 0 : index
    %get3A_1 = vector.load %arg3[%get3A, %get3A_0] : memref<512x1xf32, #tpu.memory_space<vmem>>, vector<512x1xf32>
    %get3A_2 = arith.constant 0 : index
    %get3A_3 = arith.constant 0 : index
    %get3A_4 = arith.constant 0 : index
    %get3A_5 = vector.load %arg1[%get3A_2, %get3A_3, %get3A_4] : memref<4x512x128xf32, #tpu.memory_space<vmem>>, vector<1x512x128xf32>
    %get3A_6 = vector.shape_cast %get3A_5 : vector<1x512x128xf32> to vector<512x128xf32>
    %get3A_7 = arith.constant 0 : index
    %get3A_8 = arith.constant 0 : index
    %get3A_9 = arith.constant 0 : index
    %get3A_10 = vector.load %arg2[%get3A_7, %get3A_8, %get3A_9] : memref<4x512x128xf32, #tpu.memory_space<vmem>>, vector<1x512x128xf32>
    %get3A_11 = vector.shape_cast %get3A_10 : vector<1x512x128xf32> to vector<512x128xf32>
    %add3A = arith.addf %get3A_6, %get3A_11 : vector<512x128xf32>
    %mul3A = vector.broadcast %get3A_1 : vector<512x1xf32> to vector<512x128xf32>
    %mul3A_12 = arith.mulf %mul3A, %add3A : vector<512x128xf32>
    %get3A_13 = arith.constant 1 : index
    %get3A_14 = arith.constant 0 : index
    %get3A_15 = arith.constant 0 : index
    %get3A_16 = vector.load %arg1[%get3A_13, %get3A_14, %get3A_15] : memref<4x512x128xf32, #tpu.memory_space<vmem>>, vector<1x512x128xf32>
    %get3A_17 = vector.shape_cast %get3A_16 : vector<1x512x128xf32> to vector<512x128xf32>
    %get3A_18 = arith.constant 1 : index
    %get3A_19 = arith.constant 0 : index
    %get3A_20 = arith.constant 0 : index
    %get3A_21 = vector.load %arg2[%get3A_18, %get3A_19, %get3A_20] : memref<4x512x128xf32, #tpu.memory_space<vmem>>, vector<1x512x128xf32>
    %get3A_22 = vector.shape_cast %get3A_21 : vector<1x512x128xf32> to vector<512x128xf32>
    %add3A_23 = arith.addf %get3A_17, %get3A_22 : vector<512x128xf32>
    %mul3A_24 = vector.broadcast %get3A_1 : vector<512x1xf32> to vector<512x128xf32>
    %mul3A_25 = arith.mulf %mul3A_24, %add3A_23 : vector<512x128xf32>
    %get3A_26 = arith.constant 2 : index
    %get3A_27 = arith.constant 0 : index
    %get3A_28 = arith.constant 0 : index
    %get3A_29 = vector.load %arg1[%get3A_26, %get3A_27, %get3A_28] : memref<4x512x128xf32, #tpu.memory_space<vmem>>, vector<1x512x128xf32>
    %get3A_30 = vector.shape_cast %get3A_29 : vector<1x512x128xf32> to vector<512x128xf32>
    %get3A_31 = arith.constant 2 : index
    %get3A_32 = arith.constant 0 : index
    %get3A_33 = arith.constant 0 : index
    %get3A_34 = vector.load %arg2[%get3A_31, %get3A_32, %get3A_33] : memref<4x512x128xf32, #tpu.memory_space<vmem>>, vector<1x512x128xf32>
    %get3A_35 = vector.shape_cast %get3A_34 : vector<1x512x128xf32> to vector<512x128xf32>
    %add3A_36 = arith.addf %get3A_30, %get3A_35 : vector<512x128xf32>
    %mul3A_37 = vector.broadcast %get3A_1 : vector<512x1xf32> to vector<512x128xf32>
    %mul3A_38 = arith.mulf %mul3A_37, %add3A_36 : vector<512x128xf32>
    %get3A_39 = arith.constant 3 : index
    %get3A_40 = arith.constant 0 : index
    %get3A_41 = arith.constant 0 : index
    %get3A_42 = vector.load %arg1[%get3A_39, %get3A_40, %get3A_41] : memref<4x512x128xf32, #tpu.memory_space<vmem>>, vector<1x512x128xf32>
    %get3A_43 = vector.shape_cast %get3A_42 : vector<1x512x128xf32> to vector<512x128xf32>
    %get3A_44 = arith.constant 3 : index
    %get3A_45 = arith.constant 0 : index
    %get3A_46 = arith.constant 0 : index
    %get3A_47 = vector.load %arg2[%get3A_44, %get3A_45, %get3A_46] : memref<4x512x128xf32, #tpu.memory_space<vmem>>, vector<1x512x128xf32>
    %get3A_48 = vector.shape_cast %get3A_47 : vector<1x512x128xf32> to vector<512x128xf32>
    %add3A_49 = arith.addf %get3A_43, %get3A_48 : vector<512x128xf32>
    %mul3A_50 = vector.broadcast %get3A_1 : vector<512x1xf32> to vector<512x128xf32>
    %mul3A_51 = arith.mulf %mul3A_50, %add3A_49 : vector<512x128xf32>
    %concatenate3A = tpu.concatenate %mul3A_12, %mul3A_25, %mul3A_38, %mul3A_51 in 1 : vector<512x128xf32>, vector<512x128xf32>, vector<512x128xf32>, vector<512x128xf32> -> vector<512x512xf32>
    %get3A_52 = arith.constant 0 : index
    %get3A_53 = arith.constant 0 : index
    %get3A_54 = vector.load %arg5[%get3A_52, %get3A_53] : memref<1x512xf32, #tpu.memory_space<vmem>>, vector<1x512xf32>
    %add3A_55 = vector.broadcast %get3A_54 : vector<1x512xf32> to vector<512x512xf32>
    %add3A_56 = arith.addf %concatenate3A, %add3A_55 : vector<512x512xf32>
    %iota3A = tpu.iota {dimensions = array<i32: 0>} : vector<64x512xi32>
    %get3A_57 = arith.constant 0 : index
    %get3A_58 = arith.constant 0 : index
    %get3A_59 = vector.load %arg4[%get3A_57, %get3A_58] : memref<1x512xi32, #tpu.memory_space<vmem>>, vector<1x512xi32>
    %eq3A = vector.broadcast %get3A_59 : vector<1x512xi32> to vector<64x512xi32>
    %eq3A_60 = arith.cmpi eq, %eq3A, %iota3A : vector<64x512xi32>
    %convert_element_type3A = arith.extui %eq3A_60 : vector<64x512xi1> to vector<64x512xi32>
    %convert_element_type3A_61 = arith.sitofp %convert_element_type3A : vector<64x512xi32> to vector<64x512xf32>
    %dot_general3A = arith.constant dense<0.000000e+00> : vector<64x512xf32>
    %dot_general3A_62 = tpu.matmul %convert_element_type3A_61, %add3A_56, %dot_general3A {dimension_numbers = #tpu.dot_dimension_numbers<[1], [0], [0], [1], [0, 0, 1, 1], [], []>, precision = #tpu.contract_precision<fp32>, transpose_lhs_hint = false} : vector<64x512xf32>, vector<512x512xf32>, vector<64x512xf32> -> vector<64x512xf32>
    %reduce_sum3A = arith.constant dense<0.000000e+00> : vector<64xf32>
    %reduce_sum3A_63 = vector.multi_reduction <add>, %convert_element_type3A_61, %reduce_sum3A [1] : vector<64x512xf32> to vector<64xf32>
    %broadcast_in_dim3A = vector.shape_cast %reduce_sum3A_63 : vector<64xf32> to vector<64x1xf32>
    %eq3A_64 = arith.constant 0 : i32
    %eq3A_65 = arith.cmpi eq, %arg0, %eq3A_64 : i32
    %convert_element_type3A_66 = arith.extui %eq3A_65 : i1 to i32
    %cond3A = arith.constant 0 : i32
    %cond3A_67 = arith.cmpi ne, %convert_element_type3A_66, %cond3A : i32
    scf.if %cond3A_67 {
      %broadcast_in_dim3A_81 = arith.constant 0.000000e+00 : f32
      %broadcast_in_dim3A_82 = vector.broadcast %broadcast_in_dim3A_81 : f32 to vector<64x512xf32>
      %swap3A_83 = arith.constant 0 : index
      %swap3A_84 = arith.constant 0 : index
      %swap3A_85 = vector.load %arg6[%swap3A_83, %swap3A_84] : memref<64x512xf32, #tpu.memory_space<vmem>>, vector<64x512xf32>
      tpu.vector_store %arg6[%swap3A_83, %swap3A_84], %broadcast_in_dim3A_82 {strides = array<i32>} : memref<64x512xf32, #tpu.memory_space<vmem>>, vector<64x512xf32>,
      %broadcast_in_dim3A_86 = arith.constant 0.000000e+00 : f32
      %broadcast_in_dim3A_87 = vector.broadcast %broadcast_in_dim3A_86 : f32 to vector<64x1xf32>
      %swap3A_88 = arith.constant 0 : index
      %swap3A_89 = arith.constant 0 : index
      %swap3A_90 = vector.load %arg7[%swap3A_88, %swap3A_89] : memref<64x1xf32, #tpu.memory_space<vmem>>, vector<64x1xf32>
      tpu.vector_store %arg7[%swap3A_88, %swap3A_89], %broadcast_in_dim3A_87 {strides = array<i32>} : memref<64x1xf32, #tpu.memory_space<vmem>>, vector<64x1xf32>,
    } else {
    }
    %get3A_68 = arith.constant 0 : index
    %get3A_69 = arith.constant 0 : index
    %get3A_70 = vector.load %arg6[%get3A_68, %get3A_69] : memref<64x512xf32, #tpu.memory_space<vmem>>, vector<64x512xf32>
    %add3A_71 = arith.addf %get3A_70, %dot_general3A_62 : vector<64x512xf32>
    %swap3A = arith.constant 0 : index
    %swap3A_72 = arith.constant 0 : index
    %swap3A_73 = vector.load %arg6[%swap3A, %swap3A_72] : memref<64x512xf32, #tpu.memory_space<vmem>>, vector<64x512xf32>
    tpu.vector_store %arg6[%swap3A, %swap3A_72], %add3A_71 {strides = array<i32>} : memref<64x512xf32, #tpu.memory_space<vmem>>, vector<64x512xf32>,
    %get3A_74 = arith.constant 0 : index
    %get3A_75 = arith.constant 0 : index
    %get3A_76 = vector.load %arg7[%get3A_74, %get3A_75] : memref<64x1xf32, #tpu.memory_space<vmem>>, vector<64x1xf32>
    %add3A_77 = arith.addf %get3A_76, %broadcast_in_dim3A : vector<64x1xf32>
    %swap3A_78 = arith.constant 0 : index
    %swap3A_79 = arith.constant 0 : index
    %swap3A_80 = vector.load %arg7[%swap3A_78, %swap3A_79] : memref<64x1xf32, #tpu.memory_space<vmem>>, vector<64x1xf32>
    tpu.vector_store %arg7[%swap3A_78, %swap3A_79], %add3A_77 {strides = array<i32>} : memref<64x1xf32, #tpu.memory_space<vmem>>, vector<64x1xf32>,
    return
  }
  func.func @transform_0(%arg0: i32) -> (i32, i32, i32) {
    %c0_i32 = arith.constant 0 : i32
    %c0_i32_0 = arith.constant 0 : i32
    %c0_i32_1 = arith.constant 0 : i32
    return %c0_i32, %arg0, %c0_i32_0 : i32, i32, i32
  }
  func.func @transform_1(%arg0: i32) -> (i32, i32, i32) {
    %c0_i32 = arith.constant 0 : i32
    %c0_i32_0 = arith.constant 0 : i32
    %c0_i32_1 = arith.constant 0 : i32
    return %c0_i32, %arg0, %c0_i32_0 : i32, i32, i32
  }
  func.func @transform_2(%arg0: i32) -> (i32, i32) {
    %c0_i32 = arith.constant 0 : i32
    %c0_i32_0 = arith.constant 0 : i32
    return %arg0, %c0_i32 : i32, i32
  }
  func.func @transform_3(%arg0: i32) -> (i32, i32) {
    %c0_i32 = arith.constant 0 : i32
    %c0_i32_0 = arith.constant 0 : i32
    return %c0_i32, %arg0 : i32, i32
  }
  func.func @transform_4(%arg0: i32) -> (i32, i32) {
    %c0_i32 = arith.constant 0 : i32
    %c0_i32_0 = arith.constant 0 : i32
    %c0_i32_1 = arith.constant 0 : i32
    return %c0_i32, %c0_i32_0 : i32, i32
  }
  func.func @transform_5(%arg0: i32) -> (i32, i32) {
    %c0_i32 = arith.constant 0 : i32
    %c0_i32_0 = arith.constant 0 : i32
    %c0_i32_1 = arith.constant 0 : i32
    return %c0_i32, %c0_i32_0 : i32, i32
  }
  func.func @transform_6(%arg0: i32) -> (i32, i32) {
    %c0_i32 = arith.constant 0 : i32
    %c0_i32_0 = arith.constant 0 : i32
    %c0_i32_1 = arith.constant 0 : i32
    return %c0_i32, %c0_i32_0 : i32, i32
  }
}

module attributes {stable_mosaic.version = 14 : i64} {
  func.func @_head_body(%arg0: memref<64x512xf32, #tpu.memory_space<vmem>>, %arg1: memref<64x1xf32, #tpu.memory_space<vmem>>, %arg2: memref<512x1xf32, #tpu.memory_space<vmem>>, %arg3: memref<1x1xf32, #tpu.memory_space<vmem>>, %arg4: memref<64x1xf32, #tpu.memory_space<vmem>>) attributes {dimension_semantics = [], scalar_prefetch = 0 : i64, scratch_operands = 0 : i64, tpu.core_type = #tpu.core_type<tc>} {
    %get3A = arith.constant 0 : index
    %get3A_0 = arith.constant 0 : index
    %get3A_1 = vector.load %arg0[%get3A, %get3A_0] : memref<64x512xf32, #tpu.memory_space<vmem>>, vector<64x512xf32>
    %get3A_2 = arith.constant 0 : index
    %get3A_3 = arith.constant 0 : index
    %get3A_4 = vector.load %arg1[%get3A_2, %get3A_3] : memref<64x1xf32, #tpu.memory_space<vmem>>, vector<64x1xf32>
    %max3A = arith.constant 1.000000e+00 : f32
    %max3A_5 = vector.broadcast %max3A : f32 to vector<64x1xf32>
    %max3A_6 = arith.maximumf %get3A_4, %max3A_5 : vector<64x1xf32>
    %div3A = vector.broadcast %max3A_6 : vector<64x1xf32> to vector<64x512xf32>
    %div3A_7 = arith.divf %get3A_1, %div3A : vector<64x512xf32>
    %get3A_8 = arith.constant 0 : index
    %get3A_9 = arith.constant 0 : index
    %get3A_10 = vector.load %arg2[%get3A_8, %get3A_9] : memref<512x1xf32, #tpu.memory_space<vmem>>, vector<512x1xf32>
    %dot_general3A = arith.constant dense<0.000000e+00> : vector<64x1xf32>
    %dot_general3A_11 = tpu.matmul %div3A_7, %get3A_10, %dot_general3A {dimension_numbers = #tpu.dot_dimension_numbers<[1], [0], [0], [1], [0, 0, 1, 1], [], []>, transpose_lhs_hint = false} : vector<64x512xf32>, vector<512x1xf32>, vector<64x1xf32> -> vector<64x1xf32>
    %get3A_12 = arith.constant 0 : index
    %get3A_13 = arith.constant 0 : index
    %get3A_14 = vector.load %arg3[%get3A_12, %get3A_13] : memref<1x1xf32, #tpu.memory_space<vmem>>, vector<1x1xf32>
    %add3A = vector.broadcast %get3A_14 : vector<1x1xf32> to vector<64x1xf32>
    %add3A_15 = arith.addf %dot_general3A_11, %add3A : vector<64x1xf32>
    %swap3A = arith.constant 0 : index
    %swap3A_16 = arith.constant 0 : index
    %swap3A_17 = vector.load %arg4[%swap3A, %swap3A_16] : memref<64x1xf32, #tpu.memory_space<vmem>>, vector<64x1xf32>
    tpu.vector_store %arg4[%swap3A, %swap3A_16], %add3A_15 {strides = array<i32>} : memref<64x1xf32, #tpu.memory_space<vmem>>, vector<64x1xf32>,
    return
  }
}

</mosaic_0001>

<sc_bundles>
// kernel: kernel.12.cloned.1.call-start
scs
__scs_entry_jumppad:
0x0: {  	(pc) =	sbr.rel $0x88, $3  }
0x1: {  	(tag) =	ssettag $0x0;
	lr =	simm.s32 $0x1  }
0x2: {  	[smem:$0x3F96] =	sst lr;
	_ =	strace $0xD0000000  }
0x3: {  	_ = 	snop  }
0x4: {  	_ = 	snop  }
0x5: {  	_ = 	snop  }
0x6: {  	_ = 	snop  }
0x7: {  	_ = 	snop  }
__scs_overlays_trampoline_lowered:
0x8: {  	[smem:$0x3FA5] =	sst s0  }
0x9: {  	[smem:$0x3FA6] =	sst s1  }
0xa: {  	[smem:$0x3FA7] =	sst s2  }
0xb: {  	[smem:$0x3FA8] =	sst s3  }
0xc: {  	[smem:$0x3FA9] =	sst s4  }
0xd: {  	[smem:$0x3FAA] =	sst s5  }
0xe: {  	[smem:$0x3FAB] =	sst s6  }
0xf: {  	[smem:$0x3FAC] =	sst s7  }
0x10: {  	[smem:$0x3FAD] =	sst s8  }
0x11: {  	[smem:$0x3FAE] =	sst s9;
	s0 =	simm.s32 @!p0 $0x0  }
0x12: {  	s1 =	sld [smem:$0x3F94];
	s0 =	simm.s32 @p0 $0x1  }
0x13: {  	[smem:$0x3FAF] =	sst s0;
	s0 =	simm.s32 @!p1 $0x0  }
0x14: {  	s2 =	sld [smem:$0x3F93];
	s0 =	simm.s32 @p1 $0x1  }
0x15: {  	[smem:$0x3FB0] =	sst s0;
	s0 =	simm.s32 @!p2 $0x0  }
0x16: {  	s3 =	sld [smem:$0x3FDB];
	s0 =	simm.s32 @p2 $0x1  }
0x17: {  	s4 =	simm.s32 $0x1BF5;
	[smem:$0x3FB2] =	sst s0  }
0x18: {  	s0 =	sld [smem:$0x3F95];
	_ =	swait.ge [sflag:s4], $0x0  }
0x19: {  	s7 =	sld [smem:$0x3F96]  }
0x1a: {  	s8 =	sadd.s32 $0xFFFFE003, lr  }
0x1b: {  	s9 =	sadd.s32 $0xFFFFFEF7, lr;
	s5 =	simm.s32 $0xFFFFFFFF;
	p2 =	slt.u32 s8, $0xFFFFF086  }
0x1c: {  	p1 =	slt.u32 s9, $0xF7A;
	s5 =	simm.s32 @!p2 $0x0  }
0x1d: {  	s5 =	simm.s32 @p1 $0x1;
	p0 =	seq.s32 s7, s2  }
0x1e: {  	s7 =	smul.u32 @!p0 $0xF7A, s2;
	p2 =	seq.s32 @!p0 s5, $0x0  }
0x1f: {  	s9 =	smul.u32 $0xF7A, s1;
	s8 =	simm.s32 @!p0 $0x1BF5;
	p2 =	por !p2, p0  }
0x20: {  	[sflag:s8] =	ssyncset.s32 @!p0 $0xFFFFF086;
	s6 =	sadd.s32 @!p0 s3, s7;
	s7 =	simm.s32 @!p0 $0x108  }
0x21: {  	s3 =	sadd.s32 s3, s9;
	s6 =	sadd.s32 @!p0 $0x88, s6;
	s7 =	simm.s32 @p2 $0x1082  }
0x22: {  	[simem:s7], [sflag:s8] =	dma.local @!p0 [hbm:s6], $0xF7A  }
0x23: {  	s9 =	sor.u32 $0xD0000000, s2;
	s6 =	simm.s32 $0x108;
	_ =	swait.ge @!p0 [sflag:s8], $0x0  }
0x24: {  	s3 =	sadd.s32 $0x88, s3;
	s6 =	simm.s32 @!p1 $0x1082;
	[sflag:s4] =	ssyncset.s32 $0xFFFFF086  }
0x25: {  	[simem:s6], [sflag:s4] =	dma.local [hbm:s3], $0xF7A  }
0x26: {  	[smem:$0x3F96] =	sst s1;
	(tag) =	ssettag s2;
	_ =	strace s9  }
0x27: {  	s1 =	sld [smem:$0x3FA6]  }
0x28: {  	s2 =	sld [smem:$0x3FA7]  }
0x29: {  	s4 =	sld [smem:$0x3FA9]  }
0x2a: {  	p0 =	seq.s32 s5, $0x0;
	s5 =	sld [smem:$0x3FAA]  }
0x2b: {  	s6 =	sld [smem:$0x3FAB]  }
0x2c: {  	s7 =	sld [smem:$0x3FAC]  }
0x2d: {  	s3 =	simm.s32 $0x108;
	s8 =	sld [smem:$0x3FAD]  }
0x2e: {  	s3 =	simm.s32 @!p0 $0x1082;
	s9 =	sld [smem:$0x3FAE]  }
0x2f: {  	lr =	sadd.s32 s0, s3;
	s0 =	sld [smem:$0x3FA5]  }
0x30: {  	s3 =	sld [smem:$0x3FA8]  }
0x31: {  	[smem:$0x3FB1] =	sst s10  }
0x32: {  	s10 =	sld [smem:$0x3FAF];
	_ =	sdelay $0x3  }
0x33: {  	p0 =	seq.s32 s10, $0x1;
	s10 =	sld [smem:$0x3FB1];
	_ =	sdelay $0x3  }
0x34: {  	[smem:$0x3FB1] =	sst s10  }
0x35: {  	s10 =	sld [smem:$0x3FB0];
	_ =	sdelay $0x3  }
0x36: {  	p1 =	seq.s32 s10, $0x1;
	s10 =	sld [smem:$0x3FB1];
	_ =	sdelay $0x3  }
0x37: {  	[smem:$0x3FB1] =	sst s10  }
0x38: {  	s10 =	sld [smem:$0x3FB2]  }
0x39: {  	_ = 	snop;
	(pc) =	sbr.ind lr, $3  }
0x3a: {  	_ = 	snop  }
0x3b: {  	_ = 	snop  }
0x3c: {  	p2 =	seq.s32 s10, $0x1;
	s10 =	sld [smem:$0x3FB1]  }
0x3d: {  	_ =	shalt  }
0x3e: {  	_ =	shalt  }
0x3f: {  	_ =	shalt  }
0x40: {  	_ =	shalt  }
0x41: {  	_ =	shalt  }
0x42: {  	_ =	shalt  }
0x43: {  	_ =	shalt  }
0x44: {  	_ =	shalt  }
0x45: {  	_ =	shalt  }
0x46: {  	_ =	shalt  }
0x47: {  	_ =	shalt  }
0x48: {  	_ =	shalt  }
0x49: {  	_ =	shalt  }
0x4a: {  	_ =	shalt  }
0x4b: {  	_ =	shalt  }
0x4c: {  	_ =	shalt  }
0x4d: {  	_ =	shalt  }
0x4e: {  	_ =	shalt  }
0x4f: {  	_ =	shalt  }
0x50: {  	_ =	shalt  }
0x51: {  	_ =	shalt  }
0x52: {  	_ =	shalt  }
0x53: {  	_ =	shalt  }
0x54: {  	_ =	shalt  }
0x55: {  	_ =	shalt  }
0x56: {  	_ =	shalt  }
0x57: {  	_ =	shalt  }
0x58: {  	_ =	shalt  }
0x59: {  	_ =	shalt  }
0x5a: {  	_ =	shalt  }
0x5b: {  	_ =	shalt  }
0x5c: {  	_ =	shalt  }
0x5d: {  	_ =	shalt  }
0x5e: {  	_ =	shalt  }
0x5f: {  	_ =	shalt  }
0x60: {  	_ =	shalt  }
0x61: {  	_ =	shalt  }
0x62: {  	_ =	shalt  }
0x63: {  	_ =	shalt  }
0x64: {  	_ =	shalt  }
0x65: {  	_ =	shalt  }
0x66: {  	_ =	shalt  }
0x67: {  	_ =	shalt  }
0x68: {  	_ =	shalt  }
0x69: {  	_ =	shalt  }
0x6a: {  	_ =	shalt  }
0x6b: {  	_ =	shalt  }
0x6c: {  	_ =	shalt  }
0x6d: {  	_ =	shalt  }
0x6e: {  	_ =	shalt  }
0x6f: {  	_ =	shalt  }
0x70: {  	_ =	shalt  }
0x71: {  	_ =	shalt  }
0x72: {  	_ =	shalt  }
0x73: {  	_ =	shalt  }
0x74: {  	_ =	shalt  }
0x75: {  	_ =	shalt  }
0x76: {  	_ =	shalt  }
0x77: {  	_ =	shalt  }
0x78: {  	_ =	shalt  }
0x79: {  	_ =	shalt  }
0x7a: {  	_ =	shalt  }
0x7b: {  	_ =	shalt  }
0x7c: {  	_ =	shalt  }
0x7d: {  	_ =	shalt  }
0x7e: {  	_ =	shalt  }
0x7f: {  	_ =	shalt  }
0x80: {  	_ =	shalt  }
0x81: {  	_ =	shalt  }
0x82: {  	_ =	shalt  }
0x83: {  	_ =	shalt  }
0x84: {  	_ =	shalt  }
0x85: {  	_ =	shalt  }
0x86: {  	_ =	shalt  }
0x87: {  	_ =	shalt  }
.Lfunc_end0:
.L_simem_size_0:
called_computation_lowered:
.L_overlay_start_0:
0x88: {  	s2 =	sld [smem:$0x3FD9]  }
0x89: {  	s3 =	sld [smem:$0x3FFE];
	_ =	sdelay $0x1  }
0x8a: {  	s1 =	srdreg.scid  }
0x8b: {  	s0 =	sand.u32 $0x1, s1  }
0x8c: {  	s16 =	sshll.u32 s0, $0xA;
	s2 =	sadd.s32 s3, s2  }
0x8d: {  	s2 =	sadd.s32 s2, s16  }
0x8e: {  	[smem:$0x3FBD] =	sst s2  }
0x8f: {  	_ = 	snop  }
0x90: {  	(tm) =	ssettm $0x1  }
0x91: {  	s17 =	sld [smem:$0x3FFB];
	_ =	sdelay $0x3  }
0x92: {  	_ =	strace s17  }
0x93: {  	s2 =	sld [smem:$0x3FFC];
	_ =	sdelay $0x3  }
0x94: {  	_ =	strace s2  }
0x95: {  	s2 =	sld [smem:$0x3FFD];
	_ =	sdelay $0x3  }
0x96: {  	_ =	strace s2  }
0x97: {  	_ =	strace $0x8FFFFFFF  }
0x98: {  	s18 =	sld [smem:$0x3FDB];
	_ =	sdelay $0x1  }
0x99: {  	s19 =	simm.s32 $_scs_section_size  }
0x9a: {  	s4 =	simm.s32 $_size__tile_overlayer_lowered;
	s5 =	simm.s32 $_tile_overlayer_lowered  }
0x9b: {  	s22 =	simm.s32 $0x1BFF;
	s21 =	sshll.u32 s5, $0x1;
	s2 =	sadd.s32 s19, s18  }
0x9c: {  	s6 =	simm.s32 $0x0;
	s20 =	sshll.u32 s4, $0x1;
	s4 =	sadd.s32 s21, s2  }
0x9d: {  	[timem:s6], [sflag:s22] =	dma.local [hbm:s4], s20  }
0x9e: {  	_ =	swait.ge [sflag:s22], s20  }
0x9f: {  	s3 =	ssub.s32 $0x0, s20;
	[sflag:s22] =	ssyncset.done $0x0  }
0xa0: {  	[sflag:s22] =	ssyncadd.s32 s3;
	_ =	sdelay $0x1  }
0xa1: {  	s23 =	simm.s32 $0x1B8B  }
0xa2: {  	_ =	swait.ge [sflag:s23], $0x1  }
0xa3: {  	[sflag:s23] =	ssyncset.done $0x0  }
0xa4: {  	s25 =	simm.s32 $0x1B8E;
	s24 =	sld [smem:$0x3FFE];
	[sflag:s23] =	ssyncadd.s32 $0xFFFFFFFF  }
0xa5: {  	s26 =	simm.s32 $execute0_lowered;
	[smem:$0x3FD2] =	sst s25  }
0xa6: {  	s4 =	sshll.u32 s26, $0x1;
	_ =	strace $0x80000046;
	[dreg:$0x1] =	wrdreg $0xFFFFFFFF  }
0xa7: {  	s28 =	simm.s32 $_size_execute0_lowered;
	s2 =	sadd.s32 s2, s4;
	[dreg:$0x0] =	wrdreg $0x0  }
0xa8: {  	s4 =	sshll.u32 s28, $0x1;
	[dreg:$0x2] =	wrdreg s2  }
0xa9: {  	[dreg:$0x3] =	wrdreg s4  }
0xaa: {  	[dreg:$0x4] =	wrdreg $0xC0  }
0xab: {  	_ =	task [dreg:s6], $0x5FFFF  }
0xac: {  	[dreg:$0x1] =	wrdreg $0xFFFFFFFF  }
0xad: {  	[dreg:$0x0] =	wrdreg $0x60  }
0xae: {  	[dreg:$0x2] =	wrdreg s24  }
0xaf: {  	[dreg:$0x3] =	wrdreg $0x9  }
0xb0: {  	_ =	task.clear_ibuf [dreg:s6], $0x4FFFF;
	_ =	strace $0x90000046  }
0xb1: {  	s29 =	simm.s32 $0x9;
	_ =	strace $0x80000048  }
0xb2: {  	_ =	swait.ge [sflag:s29], $0x1  }
0xb3: {  	[sflag:s29] =	ssyncadd.s32 $0xFFFFFFFF  }
0xb4: {  	_ =	strace $0x90000048  }
0xb5: {  	_ =	sfence  }
0xb6: {  	s30 =	sld [smem:$0x0];
	_ =	sdelay $0x2  }
0xb7: {  	s31 =	sshll.u32 s1, $0xD;
	s1 =	sshrl.u32 s1, $0x2  }
0xb8: {  	s3 =	sand.u32 $0x4000, s31;
	s1 =	sadd.s32 s1, s30  }
0xb9: {  	s0 =	sor.u32 s3, s0;
	s1 =	sshll.u32 s1, $0x11  }
0xba: {  	s0 =	sor.u32 s1, s0  }
0xbb: {  	s0 =	sadd.s32 $0x8F2B, s0  }
0xbc: {  	[sflag:s0] =	ssyncadd.remote.s32 $0x1  }
0xbd: {  	_ =	sfence.sel $0xFFFF  }
0xbe: {  	[dreg:$0x0] =	wrdreg $0xFFFFFFFF;
	(pc) =	sbr.abs _section_cstart, $3  }
0xbf: {  	[dreg:$0x1] =	wrdreg $0xFFFFFFFF  }
0xc0: {  	_ =	task.clear_ibuf [dreg:s6], $0x2FFFF;
	_ =	strace $0x9FFFFFFF  }
0xc1: {  	(tm) =	ssettm $0x7FFFFFFF  }
tec
execute0_lowered:
.L_overlay_start_1:
0x0: {  	(tag) =	ssettag $0x1  }
0x1: {  	s1 =	srdreg.scid;
	s0 =	stileid.u32  }
0x2: {  	s3 =	rddreg [dreg:$0x0];
	s8 =	simm.s32 $0x80;
	s9 =	simm.s32 $0x400  }
0x3: {  	s4 =	sand.u32 $0x1, s1;
	s2 =	sshll.u32 s0, $0x1;
	s1 =	rddreg [dreg:$0x1]  }
0x4: {  	s6 =	sshrl.u32 s0, $0x2;
	s5 =	sor.u32 s4, s2;
	s2 =	simm.s32 $0x0  }
0x5: {  	s6 =	smul.u32 $0x14000, s6;
	s4 =	ssub.s32 $0x2, s4;
	s7 =	sshll.u32 s5, $0x7  }
0x6: {  	[smem:$0x7FF] =	sst s2;
	s5 =	smul.u32 $0x1400, s5;
	s7 =	sand.u32 $0x380, s7  }
0x7: {  	s31 =	sshrl.u32 s4, $0x1;
	_ =	strace $0x80000047;
	s6 =	sor.u32 s6, s7  }
0x8: {  	s5 =	sadd.s32 s5, s3;
	s7 =	ssub.s32 s4, s31;
	s6 =	sshrl.u32 s6, $0x3  }
0x9: {  	s6 =	sadd.s32 s6, s3;
	s3 =	sadd.s32 $0x2800, s5;
	s5 =	smax.u32 s7, $0x1  }
0xa: {  	v0 =	vimm.f32 $0.0e+00;
	v1 =	vimm.f32 $1.000000000e+00;
	s7 =	simm.s32 $0xA000;
	s4 =	sadd.s32 $0x2A800, s6;
	s6 =	simm.s32 $0x1  }
.LBB2_1:
0xb: {  	s10 =	simm.s32 $0x40;
	s11 =	simm.s32 $0x0  }
.LBB2_2:
0xc: {  	p0 =	sne.s32 s10, $0x9FC0;
	[tilespmem:s11+$0xA000] =	vst v0;
	s11 =	smov.u32 s10;
	s10 =	sadd.s32 $0x40, s10  }
.Ltmp0:
0xd: {  	(pc) =	sbr.rel @p0 .LBB2_2-.Ltmp0, $2  }
0xe: {  	_ =	sdelay $0x2  }
0xf: {  	s11 =	sshra.s32 s11, $0x2  }
0x10: {  	[tilespmem:s11+$0xA000] =	vst v0;
	s10 =	simm.s32 $0x0  }
0x11: {  	[tilespmem:s10], [sflag:$0x1] =	stream.linear.gather [hbm4b:s3+s10], $0xA000, $0x38;
	[tilespmem:$0xC800] =	vst v63  }
0x12: {  	_ =	swait.ge [sflag:s6], $0xA000  }
0x13: {  	[sflag:s6] =	ssyncset.done $0x0  }
0x14: {  	s11 =	simm.s32 $0x0;
	s10 =	simm.s32 $0x200;
	[sflag:s6] =	ssyncadd.s32 $0xFFFF6000  }
.LBB2_4:
0x15: {  	p0 =	sne.s32 s10, $0x27E00;
	v2 =	vld [tilespmem:s11+$0x0];
	_ =	sdelay $0x3  }
.Ltmp1:
0x16: {  	(pc) =	sbr.rel @p0 .LBB2_4-.Ltmp1, $2  }
0x17: {  	_ =	sdelay $0x2  }
0x18: {  	s11 =	sshra.s32 s10, $0x2;
	s10 =	sadd.s32 $0x200, s10;
	[tilespmem:v2+s7+$0x0] =	vst.idx.add.f32.msk $0xffff, v1  }
0x19: {  	v2 =	vld [tilespmem:s11+$0x0];
	_ =	sdelay $0x5  }
0x1a: {  	s2 =	sadd.s32 $0x1, s2  }
0x1b: {  	p0 =	sne.s32 s2, s5  }
.Ltmp2:
0x1c: {  	[tilespmem:v2+s7+$0x0] =	vst.idx.add.f32.msk $0xffff, v1;
	(pc) =	sbr.rel @p0 .LBB2_1-.Ltmp2, $4  }
0x1d: {  	[hbm4b:s4+s8] =	stream.strided.scatter [tilespmem:s7], [sflag:$0x1], $0x2800, s9, s8, $0x38;
	[tilespmem:$0xC800] =	vst v63  }
0x1e: {  	_ =	swait.ge [sflag:s6], $0x2800  }
0x1f: {  	[sflag:s6] =	ssyncset.done $0x0  }
0x20: {  	[sflag:s6] =	ssyncadd.s32 $0xFFFFD800  }
0x21: {  	_ =	sfence.sel $0x180000  }
0x22: {  	[bflag:$0x0] =	sbarrier.arrive $0xFFFF  }
0x23: {  	p0 =	sne.s32 s0, $0x0;
	_ =	strace $0x90000047  }
0x24: {  	s0 =	sadd.s32 @!p0 $0x100000, s1;
	[bflag:$0x2] =	sbarrier.arrive $0xFFFF  }
0x25: {  	[sflag:s0] =	ssyncadd.tile.s32 @!p0 $0x1;
	_ =	shalt  }
.Lfunc_end2:
_tile_overlayer_lowered:
.L_overlay_start_2:
0x26: {  	(tag) =	ssettag $0x2  }
0x27: {  	s0 =	rddreg [dreg:$0x0];
	s2 =	stileid.u32  }
0x28: {  	s1 =	rddreg [dreg:$0x1];
	p0 =	sne.s32 s2, $0x0  }
0x29: {  	s3 =	rddreg [dreg:$0x2];
	[bflag:$0x3] =	sbarrier.arrive $0xFFFF;
	s2 =	simm.s32 @!p0 $0x1C01  }
0x2a: {  	[timem:s3], [sflag:s2] =	dma.local @!p0 [hbm:s0], s1  }
0x2b: {  	s0 =	simm.s32 @!p0 $0x1  }
0x2c: {  	_ =	swait.ge @!p0 [sflag:s0], s1  }
0x2d: {  	s1 =	ssub.s32 @!p0 $0x0, s1;
	[sflag:s0] =	ssyncset.done @!p0 $0x0  }
0x2e: {  	[sflag:s0] =	ssyncadd.s32 @!p0 s1  }
0x2f: {  	[bflag:$0x3] =	sbarrier.arrive $0xFFFF  }
0x30: {  	_ =	shalt  }

// kernel: kernel.15.cloned.1.call-start
scs
__scs_entry_jumppad:
0x0: {  	(pc) =	sbr.rel $0x88, $3  }
0x1: {  	(tag) =	ssettag $0x0;
	lr =	simm.s32 $0x1  }
0x2: {  	[smem:$0x3F96] =	sst lr;
	_ =	strace $0xD0000000  }
0x3: {  	_ = 	snop  }
0x4: {  	_ = 	snop  }
0x5: {  	_ = 	snop  }
0x6: {  	_ = 	snop  }
0x7: {  	_ = 	snop  }
__scs_overlays_trampoline_lowered:
0x8: {  	[smem:$0x3FA5] =	sst s0  }
0x9: {  	[smem:$0x3FA6] =	sst s1  }
0xa: {  	[smem:$0x3FA7] =	sst s2  }
0xb: {  	[smem:$0x3FA8] =	sst s3  }
0xc: {  	[smem:$0x3FA9] =	sst s4  }
0xd: {  	[smem:$0x3FAA] =	sst s5  }
0xe: {  	[smem:$0x3FAB] =	sst s6  }
0xf: {  	[smem:$0x3FAC] =	sst s7  }
0x10: {  	[smem:$0x3FAD] =	sst s8  }
0x11: {  	[smem:$0x3FAE] =	sst s9;
	s0 =	simm.s32 @!p0 $0x0  }
0x12: {  	s1 =	sld [smem:$0x3F94];
	s0 =	simm.s32 @p0 $0x1  }
0x13: {  	[smem:$0x3FAF] =	sst s0;
	s0 =	simm.s32 @!p1 $0x0  }
0x14: {  	s2 =	sld [smem:$0x3F93];
	s0 =	simm.s32 @p1 $0x1  }
0x15: {  	[smem:$0x3FB0] =	sst s0;
	s0 =	simm.s32 @!p2 $0x0  }
0x16: {  	s3 =	sld [smem:$0x3FDB];
	s0 =	simm.s32 @p2 $0x1  }
0x17: {  	s4 =	simm.s32 $0x1BF5;
	[smem:$0x3FB2] =	sst s0  }
0x18: {  	s0 =	sld [smem:$0x3F95];
	_ =	swait.ge [sflag:s4], $0x0  }
0x19: {  	s7 =	sld [smem:$0x3F96]  }
0x1a: {  	s8 =	sadd.s32 $0xFFFFE003, lr  }
0x1b: {  	s9 =	sadd.s32 $0xFFFFFEF7, lr;
	s5 =	simm.s32 $0xFFFFFFFF;
	p2 =	slt.u32 s8, $0xFFFFF086  }
0x1c: {  	p1 =	slt.u32 s9, $0xF7A;
	s5 =	simm.s32 @!p2 $0x0  }
0x1d: {  	s5 =	simm.s32 @p1 $0x1;
	p0 =	seq.s32 s7, s2  }
0x1e: {  	s7 =	smul.u32 @!p0 $0xF7A, s2;
	p2 =	seq.s32 @!p0 s5, $0x0  }
0x1f: {  	s9 =	smul.u32 $0xF7A, s1;
	s8 =	simm.s32 @!p0 $0x1BF5;
	p2 =	por !p2, p0  }
0x20: {  	[sflag:s8] =	ssyncset.s32 @!p0 $0xFFFFF086;
	s6 =	sadd.s32 @!p0 s3, s7;
	s7 =	simm.s32 @!p0 $0x108  }
0x21: {  	s3 =	sadd.s32 s3, s9;
	s6 =	sadd.s32 @!p0 $0x88, s6;
	s7 =	simm.s32 @p2 $0x1082  }
0x22: {  	[simem:s7], [sflag:s8] =	dma.local @!p0 [hbm:s6], $0xF7A  }
0x23: {  	s9 =	sor.u32 $0xD0000000, s2;
	s6 =	simm.s32 $0x108;
	_ =	swait.ge @!p0 [sflag:s8], $0x0  }
0x24: {  	s3 =	sadd.s32 $0x88, s3;
	s6 =	simm.s32 @!p1 $0x1082;
	[sflag:s4] =	ssyncset.s32 $0xFFFFF086  }
0x25: {  	[simem:s6], [sflag:s4] =	dma.local [hbm:s3], $0xF7A  }
0x26: {  	[smem:$0x3F96] =	sst s1;
	(tag) =	ssettag s2;
	_ =	strace s9  }
0x27: {  	s1 =	sld [smem:$0x3FA6]  }
0x28: {  	s2 =	sld [smem:$0x3FA7]  }
0x29: {  	s4 =	sld [smem:$0x3FA9]  }
0x2a: {  	p0 =	seq.s32 s5, $0x0;
	s5 =	sld [smem:$0x3FAA]  }
0x2b: {  	s6 =	sld [smem:$0x3FAB]  }
0x2c: {  	s7 =	sld [smem:$0x3FAC]  }
0x2d: {  	s3 =	simm.s32 $0x108;
	s8 =	sld [smem:$0x3FAD]  }
0x2e: {  	s3 =	simm.s32 @!p0 $0x1082;
	s9 =	sld [smem:$0x3FAE]  }
0x2f: {  	lr =	sadd.s32 s0, s3;
	s0 =	sld [smem:$0x3FA5]  }
0x30: {  	s3 =	sld [smem:$0x3FA8]  }
0x31: {  	[smem:$0x3FB1] =	sst s10  }
0x32: {  	s10 =	sld [smem:$0x3FAF];
	_ =	sdelay $0x3  }
0x33: {  	p0 =	seq.s32 s10, $0x1;
	s10 =	sld [smem:$0x3FB1];
	_ =	sdelay $0x3  }
0x34: {  	[smem:$0x3FB1] =	sst s10  }
0x35: {  	s10 =	sld [smem:$0x3FB0];
	_ =	sdelay $0x3  }
0x36: {  	p1 =	seq.s32 s10, $0x1;
	s10 =	sld [smem:$0x3FB1];
	_ =	sdelay $0x3  }
0x37: {  	[smem:$0x3FB1] =	sst s10  }
0x38: {  	s10 =	sld [smem:$0x3FB2]  }
0x39: {  	_ = 	snop;
	(pc) =	sbr.ind lr, $3  }
0x3a: {  	_ = 	snop  }
0x3b: {  	_ = 	snop  }
0x3c: {  	p2 =	seq.s32 s10, $0x1;
	s10 =	sld [smem:$0x3FB1]  }
0x3d: {  	_ =	shalt  }
0x3e: {  	_ =	shalt  }
0x3f: {  	_ =	shalt  }
0x40: {  	_ =	shalt  }
0x41: {  	_ =	shalt  }
0x42: {  	_ =	shalt  }
0x43: {  	_ =	shalt  }
0x44: {  	_ =	shalt  }
0x45: {  	_ =	shalt  }
0x46: {  	_ =	shalt  }
0x47: {  	_ =	shalt  }
0x48: {  	_ =	shalt  }
0x49: {  	_ =	shalt  }
0x4a: {  	_ =	shalt  }
0x4b: {  	_ =	shalt  }
0x4c: {  	_ =	shalt  }
0x4d: {  	_ =	shalt  }
0x4e: {  	_ =	shalt  }
0x4f: {  	_ =	shalt  }
0x50: {  	_ =	shalt  }
0x51: {  	_ =	shalt  }
0x52: {  	_ =	shalt  }
0x53: {  	_ =	shalt  }
0x54: {  	_ =	shalt  }
0x55: {  	_ =	shalt  }
0x56: {  	_ =	shalt  }
0x57: {  	_ =	shalt  }
0x58: {  	_ =	shalt  }
0x59: {  	_ =	shalt  }
0x5a: {  	_ =	shalt  }
0x5b: {  	_ =	shalt  }
0x5c: {  	_ =	shalt  }
0x5d: {  	_ =	shalt  }
0x5e: {  	_ =	shalt  }
0x5f: {  	_ =	shalt  }
0x60: {  	_ =	shalt  }
0x61: {  	_ =	shalt  }
0x62: {  	_ =	shalt  }
0x63: {  	_ =	shalt  }
0x64: {  	_ =	shalt  }
0x65: {  	_ =	shalt  }
0x66: {  	_ =	shalt  }
0x67: {  	_ =	shalt  }
0x68: {  	_ =	shalt  }
0x69: {  	_ =	shalt  }
0x6a: {  	_ =	shalt  }
0x6b: {  	_ =	shalt  }
0x6c: {  	_ =	shalt  }
0x6d: {  	_ =	shalt  }
0x6e: {  	_ =	shalt  }
0x6f: {  	_ =	shalt  }
0x70: {  	_ =	shalt  }
0x71: {  	_ =	shalt  }
0x72: {  	_ =	shalt  }
0x73: {  	_ =	shalt  }
0x74: {  	_ =	shalt  }
0x75: {  	_ =	shalt  }
0x76: {  	_ =	shalt  }
0x77: {  	_ =	shalt  }
0x78: {  	_ =	shalt  }
0x79: {  	_ =	shalt  }
0x7a: {  	_ =	shalt  }
0x7b: {  	_ =	shalt  }
0x7c: {  	_ =	shalt  }
0x7d: {  	_ =	shalt  }
0x7e: {  	_ =	shalt  }
0x7f: {  	_ =	shalt  }
0x80: {  	_ =	shalt  }
0x81: {  	_ =	shalt  }
0x82: {  	_ =	shalt  }
0x83: {  	_ =	shalt  }
0x84: {  	_ =	shalt  }
0x85: {  	_ =	shalt  }
0x86: {  	_ =	shalt  }
0x87: {  	_ =	shalt  }
.Lfunc_end0:
.L_simem_size_0:
called_computation.1_lowered:
.L_overlay_start_0:
0x88: {  	s2 =	sld [smem:$0x3FD9]  }
0x89: {  	s3 =	sld [smem:$0x3FFE];
	_ =	sdelay $0x1  }
0x8a: {  	s1 =	srdreg.scid  }
0x8b: {  	s0 =	sand.u32 $0x1, s1  }
0x8c: {  	s16 =	sshll.u32 s0, $0xA;
	s2 =	sadd.s32 s3, s2  }
0x8d: {  	s2 =	sadd.s32 s2, s16  }
0x8e: {  	[smem:$0x3FBD] =	sst s2  }
0x8f: {  	_ = 	snop  }
0x90: {  	(tm) =	ssettm $0x1  }
0x91: {  	s17 =	sld [smem:$0x3FFB];
	_ =	sdelay $0x3  }
0x92: {  	_ =	strace s17  }
0x93: {  	s2 =	sld [smem:$0x3FFC];
	_ =	sdelay $0x3  }
0x94: {  	_ =	strace s2  }
0x95: {  	s2 =	sld [smem:$0x3FFD];
	_ =	sdelay $0x3  }
0x96: {  	_ =	strace s2  }
0x97: {  	_ =	strace $0x8FFFFFFF  }
0x98: {  	s18 =	sld [smem:$0x3FDB];
	_ =	sdelay $0x1  }
0x99: {  	s19 =	simm.s32 $_scs_section_size  }
0x9a: {  	s4 =	simm.s32 $_size__tile_overlayer_lowered;
	s5 =	simm.s32 $_tile_overlayer_lowered  }
0x9b: {  	s22 =	simm.s32 $0x1BFF;
	s21 =	sshll.u32 s5, $0x1;
	s2 =	sadd.s32 s19, s18  }
0x9c: {  	s6 =	simm.s32 $0x0;
	s20 =	sshll.u32 s4, $0x1;
	s4 =	sadd.s32 s21, s2  }
0x9d: {  	[timem:s6], [sflag:s22] =	dma.local [hbm:s4], s20  }
0x9e: {  	_ =	swait.ge [sflag:s22], s20  }
0x9f: {  	s3 =	ssub.s32 $0x0, s20;
	[sflag:s22] =	ssyncset.done $0x0  }
0xa0: {  	[sflag:s22] =	ssyncadd.s32 s3;
	_ =	sdelay $0x1  }
0xa1: {  	s23 =	simm.s32 $0x1B8B  }
0xa2: {  	_ =	swait.ge [sflag:s23], $0x1  }
0xa3: {  	[sflag:s23] =	ssyncset.done $0x0  }
0xa4: {  	s25 =	simm.s32 $0x1B8E;
	s24 =	sld [smem:$0x3FFE];
	[sflag:s23] =	ssyncadd.s32 $0xFFFFFFFF  }
0xa5: {  	s26 =	simm.s32 $execute0_lowered;
	[smem:$0x3FD2] =	sst s25  }
0xa6: {  	s4 =	sshll.u32 s26, $0x1;
	_ =	strace $0x80000049;
	[dreg:$0x1] =	wrdreg $0xFFFFFFFF  }
0xa7: {  	s28 =	simm.s32 $_size_execute0_lowered;
	s2 =	sadd.s32 s2, s4;
	[dreg:$0x0] =	wrdreg $0x0  }
0xa8: {  	s4 =	sshll.u32 s28, $0x1;
	[dreg:$0x2] =	wrdreg s2  }
0xa9: {  	[dreg:$0x3] =	wrdreg s4  }
0xaa: {  	[dreg:$0x4] =	wrdreg $0xC0  }
0xab: {  	_ =	task [dreg:s6], $0x5FFFF  }
0xac: {  	[dreg:$0x1] =	wrdreg $0xFFFFFFFF  }
0xad: {  	[dreg:$0x0] =	wrdreg $0x60  }
0xae: {  	[dreg:$0x2] =	wrdreg s24  }
0xaf: {  	[dreg:$0x3] =	wrdreg $0x88000  }
0xb0: {  	[dreg:$0x4] =	wrdreg $0x9  }
0xb1: {  	_ =	task.clear_ibuf [dreg:s6], $0x5FFFF;
	_ =	strace $0x90000049  }
0xb2: {  	s29 =	simm.s32 $0x9;
	_ =	strace $0x8000004B  }
0xb3: {  	_ =	swait.ge [sflag:s29], $0x1  }
0xb4: {  	[sflag:s29] =	ssyncadd.s32 $0xFFFFFFFF  }
0xb5: {  	_ =	strace $0x9000004B  }
0xb6: {  	_ =	sfence  }
0xb7: {  	s30 =	sld [smem:$0x0];
	_ =	sdelay $0x2  }
0xb8: {  	s31 =	sshll.u32 s1, $0xD;
	s1 =	sshrl.u32 s1, $0x2  }
0xb9: {  	s3 =	sand.u32 $0x4000, s31;
	s1 =	sadd.s32 s1, s30  }
0xba: {  	s0 =	sor.u32 s3, s0;
	s1 =	sshll.u32 s1, $0x11  }
0xbb: {  	s0 =	sor.u32 s1, s0  }
0xbc: {  	s0 =	sadd.s32 $0x8F2B, s0  }
0xbd: {  	[sflag:s0] =	ssyncadd.remote.s32 $0x1  }
0xbe: {  	_ =	sfence.sel $0xFFFF  }
0xbf: {  	[dreg:$0x0] =	wrdreg $0xFFFFFFFF;
	(pc) =	sbr.abs _section_cstart, $3  }
0xc0: {  	[dreg:$0x1] =	wrdreg $0xFFFFFFFF  }
0xc1: {  	_ =	task.clear_ibuf [dreg:s6], $0x2FFFF;
	_ =	strace $0x9FFFFFFF  }
0xc2: {  	(tm) =	ssettm $0x7FFFFFFF  }
0xc3: {  	_ =	shalt  }
tec
execute0_lowered:
.L_overlay_start_1:
0x0: {  	(tag) =	ssettag $0x1  }
0x1: {  	s0 =	rddreg [dreg:$0x0]  }
0x2: {  	s1 =	rddreg [dreg:$0x1];
	s2 =	simm.s32 $0x0  }
0x3: {  	s17 =	srdreg.scid;
	s7 =	stileid.u32;
	s28 =	simm.s32 $0x2  }
0x4: {  	s29 =	simm.s32 $0x6800;
	s30 =	simm.s32 $0x3;
	s31 =	simm.s32 $0x4  }
0x5: {  	[smem:$0x7FF] =	sst s2;
	s4 =	sadd.s32 $0x3E800, s0;
	s5 =	sadd.s32 $0x34800, s0  }
0x6: {  	s6 =	sadd.s32 $0x66800, s0;
	s3 =	sadd.s32 $0x2800, s0;
	s18 =	smul.u32 $0x50000, s7  }
0x7: {  	s2 =	sand.u32 $0x1, s17;
	s0 =	sadd.s32 $0x106800, s0;
	s11 =	smul.u32 $0x280, s7  }
0x8: {  	s19 =	sshll.u32 s7, $0x6;
	_ =	strace $0x8000004A;
	s10 =	smul.u32 $0xA0000, s2  }
0x9: {  	s8 =	ssub.s32 $0x2, s2;
	s13 =	smul.u32 $0x5000, s2;
	s2 =	sshllo.u32 s2, $0x1  }
0xa: {  	[dreg:$0x3] =	wrdreg s3;
	s9 =	sshrl.u32 s8, $0x1;
	s15 =	smul.u32 $0x50000, s2  }
0xb: {  	s3 =	sshrl.u32 s18, $0x2;
	s2 =	smul.u32 $0x2800, s2;
	s14 =	ssub.s32 s8, s9  }
0xc: {  	s3 =	sadd.s32 s3, s1;
	s8 =	smul.u32 $0x5000, s7;
	s13 =	sadd.s32 s11, s13  }
0xd: {  	s9 =	sor.u32 $0x1C09, s19;
	s19 =	simm.s32 $0x9;
	s22 =	sshll.u32 s13, $0x4  }
0xe: {  	s2 =	sadd.s32 s11, s2;
	s26 =	smax.u32 s14, $0x1;
	s18 =	sshrl.u32 s3, $0x3  }
0xf: {  	s3 =	simm.s32 $0x6;
	s14 =	simm.s32 $0x8;
	s10 =	sadd.s32 s8, s10  }
0x10: {  	s16 =	sshrl.u32 s8, $0x3;
	s13 =	sadd.s32 s8, s15;
	s23 =	sadd.s32 s0, s22  }
0x11: {  	s2 =	sshll.u32 s2, $0x4;
	[dreg:$0x9] =	wrdreg s26;
	s22 =	simm.s32 $0x800  }
0x12: {  	s26 =	simm.s32 $0x4800;
	s15 =	simm.s32 $0x0;
	s12 =	sshrl.u32 s10, $0x3  }
.Ltmp0:
0x13: {  	s21 =	sadd.s32 s5, s16;
	[dreg:$0x6] =	wrdreg s23;
	(pc) =	sbr.rel .LBB2_1-.Ltmp0, $4  }
0x14: {  	s24 =	sshrl.u32 s13, $0x3;
	s0 =	sadd.s32 s0, s2;
	[dreg:$0x5] =	wrdreg s21  }
0x15: {  	s20 =	sadd.s32 s4, s12;
	s25 =	sadd.s32 s4, s24;
	[dreg:$0x8] =	wrdreg s0  }
0x16: {  	s21 =	simm.s32 $0x40;
	s24 =	simm.s32 $0x2800;
	[dreg:$0x4] =	wrdreg s20  }
0x17: {  	s0 =	simm.s32 $0x5;
	[dreg:$0x7] =	wrdreg s25;
	s25 =	simm.s32 $0x1  }
.LBB2_7:
0x18: {  	s2 =	sor.u32 $0x400, s2  }
0x19: {  	[spmem:s1] =	stream.indirect.scatter.add.f32 [tilespmem:s26], [sflag:$0x7], $0x80, s2, s21, $0xb8;
	[tilespmem:$0x1C800] =	vst v63  }
0x1a: {  	_ =	swait.ge [sflag:s31], $0x2000  }
0x1b: {  	[sflag:s31] =	ssyncset.done $0x0  }
0x1c: {  	s23 =	sor.u32 $0x400, s23;
	[sflag:s31] =	ssyncadd.s32 $0xFFFFE000  }
0x1d: {  	[spmem:s1] =	stream.indirect.scatter.add.f32 [tilespmem:s29], [sflag:$0x8], $0x80, s23, s21, $0xb8;
	[tilespmem:$0x1C800] =	vst v63  }
.LBB2_9:
0x1e: {  	_ =	swait.ge [sflag:s0], $0x2000  }
0x1f: {  	[sflag:s0] =	ssyncset.done $0x0  }
0x20: {  	[sflag:s0] =	ssyncadd.s32 $0xFFFFE000  }
0x21: {  	_ =	swait.ge [sflag:s3], $0x2000  }
0x22: {  	[sflag:s3] =	ssyncset.done $0x0  }
0x23: {  	s2 =	simm.s32 $0x7;
	[sflag:s3] =	ssyncadd.s32 $0xFFFFE000  }
0x24: {  	_ =	swait.ge [sflag:s2], $0x2000  }
0x25: {  	[sflag:s2] =	ssyncset.done $0x0  }
0x26: {  	[sflag:s2] =	ssyncadd.s32 $0xFFFFE000  }
0x27: {  	_ =	swait.ge [sflag:s14], $0x2000  }
0x28: {  	[sflag:s14] =	ssyncset.done $0x0  }
0x29: {  	[sflag:s14] =	ssyncadd.s32 $0xFFFFE000  }
0x2a: {  	[bflag:$0x0] =	sbarrier.arrive $0xFFFF  }
0x2b: {  	s20 =	rddreg [dreg:$0x8]  }
0x2c: {  	[hbm:s20], [sflag:s9] =	dma.local [spmem:s18], $0x2800  }
0x2d: {  	_ =	swait.ge [sflag:s19], $0x2800  }
0x2e: {  	s15 =	sadd.s32 $0x1, s15;
	s23 =	rddreg [dreg:$0x9]  }
0x2f: {  	p0 =	sne.s32 s15, s23  }
.Ltmp1:
0x30: {  	_ = 	snop;
	(pc) =	sbr.rel @!p0 .LBB2_10-.Ltmp1, $3  }
0x31: {  	[sflag:s19] =	ssyncset.done $0x0  }
0x32: {  	[sflag:s19] =	ssyncadd.s32 $0xFFFFD800  }
0x33: {  	[bflag:$0x0] =	sbarrier.arrive $0xFFFF;
	_ =	sdelay $0x1  }
.LBB2_1:
0x34: {  	s2 =	rddreg [dreg:$0x3]  }
0x35: {  	[spmem:s18], [sflag:s9] =	dma.local [hbm:s2], $0x2800  }
0x36: {  	_ =	swait.ge [sflag:s19], $0x2800  }
0x37: {  	[sflag:s19] =	ssyncset.done $0x0  }
0x38: {  	[sflag:s19] =	ssyncadd.s32 $0xFFFFD800  }
0x39: {  	[bflag:$0x0] =	sbarrier.arrive $0xFFFF  }
0x3a: {  	s17 =	simm.s32 $0x0;
	s7 =	rddreg [dreg:$0x4]  }
0x3b: {  	[tilespmem:s17], [sflag:$0x9] =	stream.linear.gather [hbm4b:s7+s17], $0x200, $0x38;
	[tilespmem:$0x1C800] =	vst v63  }
0x3c: {  	_ =	swait.ge [sflag:s19], $0x200  }
0x3d: {  	[sflag:s19] =	ssyncset.done $0x0  }
0x3e: {  	s11 =	simm.s32 $0x400;
	s20 =	rddreg [dreg:$0x5];
	[sflag:s19] =	ssyncadd.s32 $0xFFFFFE00  }
0x3f: {  	[tilespmem:s11], [sflag:$0x9] =	stream.linear.gather [hbm4b:s20+s17], $0x200, $0x38;
	[tilespmem:$0x1C800] =	vst v63  }
0x40: {  	_ =	swait.ge [sflag:s19], $0x200  }
0x41: {  	[sflag:s19] =	ssyncset.done $0x0  }
0x42: {  	[sflag:s19] =	ssyncadd.s32 $0xFFFFFE00  }
0x43: {  	[tilespmem:s22], [sflag:$0x1] =	stream.indirect.gather [hbm4b:s6+s21], $0x80, s17, s21, $0xb8;
	[tilespmem:$0x1C800] =	vst v63  }
0x44: {  	s23 =	simm.s32 $0x80;
	s16 =	simm.s32 $0x0;
	s20 =	simm.s32 $0x1  }
0x45: {  	[tilespmem:s24], [sflag:$0x2] =	stream.indirect.gather [hbm4b:s6+s21], $0x80, s23, s21, $0xb8;
	[tilespmem:$0x1C800] =	vst v63  }
.LBB2_2:
0x46: {  	p0 =	seq.s32 s16, $0x4E00  }
0x47: {  	s2 =	sadd.s32 @!p0 $0x200, s16  }
0x48: {  	s23 =	sand.u32 @!p0 $0xFC00, s2  }
0x49: {  	s2 =	sand.u32 @!p0 $0x200, s2;
	s17 =	sadd.s32 @!p0 s10, s23  }
0x4a: {  	s7 =	sor.u32 @!p0 s2, s17  }
0x4b: {  	s17 =	sand.u32 $0x1, s20;
	s7 =	sshrl.u32 @!p0 s7, $0x3  }
0x4c: {  	s11 =	simm.s32 @!p0 $0x0;
	s12 =	sshll.u32 @!p0 s17, $0x9;
	s7 =	sadd.s32 @!p0 s4, s7  }
0x4d: {  	[tilespmem:s12], [sflag:$0x9] =	stream.linear.gather @!p0 [hbm4b:s7+s11], $0x200, $0x38;
	[tilespmem:$0x1C800] =	vst v63  }
0x4e: {  	s23 =	sadd.s32 @!p0 s8, s23;
	s7 =	simm.s32 @!p0 $0x9  }
0x4f: {  	s2 =	sor.u32 @!p0 s2, s23;
	_ =	swait.ge @!p0 [sflag:s7], $0x200  }
0x50: {  	s2 =	sshrl.u32 @!p0 s2, $0x3;
	[sflag:s7] =	ssyncset.done @!p0 $0x0  }
0x51: {  	s2 =	sadd.s32 @!p0 s5, s2;
	s12 =	sor.u32 @!p0 $0x400, s12;
	[sflag:s7] =	ssyncadd.s32 @!p0 $0xFFFFFE00  }
0x52: {  	[tilespmem:s12], [sflag:$0x9] =	stream.linear.gather @!p0 [hbm4b:s2+s11], $0x200, $0x38;
	[tilespmem:$0x1C800] =	vst v63  }
0x53: {  	_ =	swait.ge @!p0 [sflag:s7], $0x200  }
0x54: {  	[sflag:s7] =	ssyncset.done @!p0 $0x0  }
0x55: {  	[sflag:s7] =	ssyncadd.s32 @!p0 $0xFFFFFE00  }
0x56: {  	_ =	swait.ge [sflag:s25], $0x2000  }
0x57: {  	p0 =	seq.s32 s16, $0x0;
	[sflag:s25] =	ssyncset.done $0x0  }
0x58: {  	s2 =	simm.s32 @!p0 $0x7;
	[sflag:s25] =	ssyncadd.s32 $0xFFFFE000  }
0x59: {  	_ =	swait.ge @!p0 [sflag:s2], $0x2000  }
0x5a: {  	s12 =	sand.u32 $0x200, s16;
	[sflag:s2] =	ssyncset.done @!p0 $0x0  }
0x5b: {  	[sflag:s2] =	ssyncadd.s32 @!p0 $0xFFFFE000;
	s2 =	sor.u32 $0x100, s12  }
0x5c: {  	[tilespmem:s26], [sflag:$0x3] =	stream.indirect.gather [hbm4b:s6+s21], $0x80, s2, s21, $0xb8;
	[tilespmem:$0x1C800] =	vst v63  }
0x5d: {  	s23 =	sor.u32 $0x400, s12  }
0x5e: {  	[spmem:s1] =	stream.indirect.scatter.add.f32 [tilespmem:s22], [sflag:$0x5], $0x80, s23, s21, $0xb8;
	[tilespmem:$0x1C800] =	vst v63  }
0x5f: {  	_ =	swait.ge [sflag:s28], $0x2000  }
0x60: {  	[sflag:s28] =	ssyncset.done $0x0  }
0x61: {  	s11 =	simm.s32 @!p0 $0x8;
	[sflag:s28] =	ssyncadd.s32 $0xFFFFE000  }
0x62: {  	_ =	swait.ge @!p0 [sflag:s11], $0x2000  }
0x63: {  	[sflag:s11] =	ssyncset.done @!p0 $0x0  }
0x64: {  	s23 =	sor.u32 $0x180, s12;
	[sflag:s11] =	ssyncadd.s32 @!p0 $0xFFFFE000;
	p0 =	sne.s32 s16, $0x4E00  }
0x65: {  	[tilespmem:s29], [sflag:$0x4] =	stream.indirect.gather [hbm4b:s6+s21], $0x80, s23, s21, $0xb8;
	[tilespmem:$0x1C800] =	vst v63  }
.Ltmp2:
0x66: {  	s7 =	sadd.s32 $0x480, s12;
	(pc) =	sbr.rel @!p0 .LBB2_3-.Ltmp2, $4  }
0x67: {  	[spmem:s1] =	stream.indirect.scatter.add.f32 [tilespmem:s24], [sflag:$0x6], $0x80, s7, s21, $0xb8;
	[tilespmem:$0x1C800] =	vst v63  }
0x68: {  	_ =	swait.ge [sflag:s30], $0x2000  }
0x69: {  	[sflag:s30] =	ssyncset.done $0x0  }
0x6a: {  	[sflag:s30] =	ssyncadd.s32 $0xFFFFE000  }
0x6b: {  	_ =	swait.ge [sflag:s0], $0x2000  }
0x6c: {  	[sflag:s0] =	ssyncset.done $0x0  }
0x6d: {  	s7 =	sshll.u32 s17, $0x9;
	[sflag:s0] =	ssyncadd.s32 $0xFFFFE000  }
0x6e: {  	[tilespmem:s22], [sflag:$0x1] =	stream.indirect.gather [hbm4b:s6+s21], $0x80, s7, s21, $0xb8;
	[tilespmem:$0x1C800] =	vst v63  }
0x6f: {  	s2 =	sor.u32 $0x400, s2  }
0x70: {  	[spmem:s1] =	stream.indirect.scatter.add.f32 [tilespmem:s26], [sflag:$0x7], $0x80, s2, s21, $0xb8;
	[tilespmem:$0x1C800] =	vst v63  }
0x71: {  	_ =	swait.ge [sflag:s31], $0x2000  }
0x72: {  	[sflag:s31] =	ssyncset.done $0x0  }
0x73: {  	s16 =	sadd.s32 $0x200, s16;
	[sflag:s31] =	ssyncadd.s32 $0xFFFFE000  }
0x74: {  	p0 =	sne.s32 s16, $0x5000;
	_ =	swait.ge [sflag:s3], $0x2000  }
.Ltmp3:
0x75: {  	[sflag:s3] =	ssyncset.done $0x0;
	(pc) =	sbr.rel @p0 .LBB2_2-.Ltmp3, $4  }
.Ltmp4:
0x76: {  	s17 =	sor.u32 $0x80, s7;
	[sflag:s3] =	ssyncadd.s32 $0xFFFFE000;
	(pc) =	sbr.rel @!p0 .LBB2_5-.Ltmp4, $4  }
0x77: {  	[tilespmem:s24], [sflag:$0x2] =	stream.indirect.gather [hbm4b:s6+s21], $0x80, s17, s21, $0xb8;
	[tilespmem:$0x1C800] =	vst v63  }
0x78: {  	s23 =	sor.u32 $0x400, s23;
	s20 =	sadd.s32 $0x1, s20  }
0x79: {  	[spmem:s1] =	stream.indirect.scatter.add.f32 [tilespmem:s29], [sflag:$0x8], $0x80, s23, s21, $0xb8;
	[tilespmem:$0x1C800] =	vst v63  }
0x7a: {  	_ = 	snop  }
.LBB2_3:
0x7b: {  	s2 =	sor.u32 $0x400, s2  }
0x7c: {  	[spmem:s1] =	stream.indirect.scatter.add.f32 [tilespmem:s26], [sflag:$0x7], $0x80, s2, s21, $0xb8;
	[tilespmem:$0x1C800] =	vst v63  }
0x7d: {  	_ =	swait.ge [sflag:s31], $0x2000  }
0x7e: {  	[sflag:s31] =	ssyncset.done $0x0  }
0x7f: {  	s23 =	sor.u32 $0x400, s23;
	[sflag:s31] =	ssyncadd.s32 $0xFFFFE000  }
0x80: {  	[spmem:s1] =	stream.indirect.scatter.add.f32 [tilespmem:s29], [sflag:$0x8], $0x80, s23, s21, $0xb8;
	[tilespmem:$0x1C800] =	vst v63  }
.LBB2_5:
0x81: {  	_ =	swait.ge [sflag:s0], $0x2000  }
0x82: {  	[sflag:s0] =	ssyncset.done $0x0  }
0x83: {  	[sflag:s0] =	ssyncadd.s32 $0xFFFFE000  }
0x84: {  	_ =	swait.ge [sflag:s3], $0x2000  }
0x85: {  	[sflag:s3] =	ssyncset.done $0x0  }
0x86: {  	s2 =	simm.s32 $0x7;
	[sflag:s3] =	ssyncadd.s32 $0xFFFFE000  }
0x87: {  	_ =	swait.ge [sflag:s2], $0x2000  }
0x88: {  	[sflag:s2] =	ssyncset.done $0x0  }
0x89: {  	[sflag:s2] =	ssyncadd.s32 $0xFFFFE000  }
0x8a: {  	_ =	swait.ge [sflag:s14], $0x2000  }
0x8b: {  	[sflag:s14] =	ssyncset.done $0x0  }
0x8c: {  	[sflag:s14] =	ssyncadd.s32 $0xFFFFE000  }
0x8d: {  	[bflag:$0x0] =	sbarrier.arrive $0xFFFF  }
0x8e: {  	s11 =	rddreg [dreg:$0x6]  }
0x8f: {  	[hbm:s11], [sflag:s9] =	dma.local [spmem:s18], $0x2800  }
0x90: {  	_ =	swait.ge [sflag:s19], $0x2800  }
0x91: {  	[sflag:s19] =	ssyncset.done $0x0  }
0x92: {  	[sflag:s19] =	ssyncadd.s32 $0xFFFFD800  }
0x93: {  	[bflag:$0x0] =	sbarrier.arrive $0xFFFF  }
0x94: {  	s12 =	rddreg [dreg:$0x3]  }
0x95: {  	[spmem:s18], [sflag:s9] =	dma.local [hbm:s12], $0x2800  }
0x96: {  	_ =	swait.ge [sflag:s19], $0x2800  }
0x97: {  	[sflag:s19] =	ssyncset.done $0x0  }
0x98: {  	[sflag:s19] =	ssyncadd.s32 $0xFFFFD800  }
0x99: {  	[bflag:$0x0] =	sbarrier.arrive $0xFFFF  }
0x9a: {  	s20 =	simm.s32 $0x0;
	s16 =	rddreg [dreg:$0x7]  }
0x9b: {  	[tilespmem:s20], [sflag:$0x9] =	stream.linear.gather [hbm4b:s16+s20], $0x200, $0x38;
	[tilespmem:$0x1C800] =	vst v63  }
0x9c: {  	_ =	swait.ge [sflag:s19], $0x200  }
0x9d: {  	[sflag:s19] =	ssyncset.done $0x0  }
0x9e: {  	s7 =	simm.s32 $0x400;
	s17 =	rddreg [dreg:$0x5];
	[sflag:s19] =	ssyncadd.s32 $0xFFFFFE00  }
0x9f: {  	[tilespmem:s7], [sflag:$0x9] =	stream.linear.gather [hbm4b:s17+s20], $0x200, $0x38;
	[tilespmem:$0x1C800] =	vst v63  }
0xa0: {  	_ =	swait.ge [sflag:s19], $0x200  }
0xa1: {  	[sflag:s19] =	ssyncset.done $0x0  }
0xa2: {  	[sflag:s19] =	ssyncadd.s32 $0xFFFFFE00  }
0xa3: {  	[tilespmem:s22], [sflag:$0x1] =	stream.indirect.gather [hbm4b:s6+s21], $0x80, s20, s21, $0xb8;
	[tilespmem:$0x1C800] =	vst v63  }
0xa4: {  	s23 =	simm.s32 $0x80;
	s16 =	simm.s32 $0x1  }
0xa5: {  	[tilespmem:s24], [sflag:$0x2] =	stream.indirect.gather [hbm4b:s6+s21], $0x80, s23, s21, $0xb8;
	[tilespmem:$0x1C800] =	vst v63  }
.LBB2_6:
0xa6: {  	p0 =	seq.s32 s20, $0x4E00  }
0xa7: {  	s2 =	sadd.s32 @!p0 $0x200, s20  }
0xa8: {  	s7 =	sand.u32 @!p0 $0xFC00, s2  }
0xa9: {  	s2 =	sand.u32 @!p0 $0x200, s2;
	s11 =	sadd.s32 @!p0 s13, s7  }
0xaa: {  	s11 =	sor.u32 @!p0 s2, s11  }
0xab: {  	s17 =	sand.u32 $0x1, s16;
	s11 =	sshrl.u32 @!p0 s11, $0x3  }
0xac: {  	s12 =	sshll.u32 @!p0 s17, $0x9;
	s23 =	simm.s32 @!p0 $0x0;
	s11 =	sadd.s32 @!p0 s4, s11  }
0xad: {  	[tilespmem:s12], [sflag:$0x9] =	stream.linear.gather @!p0 [hbm4b:s11+s23], $0x200, $0x38;
	[tilespmem:$0x1C800] =	vst v63  }
0xae: {  	s7 =	sadd.s32 @!p0 s8, s7;
	s11 =	simm.s32 @!p0 $0x9  }
0xaf: {  	s2 =	sor.u32 @!p0 s2, s7;
	_ =	swait.ge @!p0 [sflag:s11], $0x200  }
0xb0: {  	s2 =	sshrl.u32 @!p0 s2, $0x3;
	[sflag:s11] =	ssyncset.done @!p0 $0x0  }
0xb1: {  	s7 =	sor.u32 @!p0 $0x400, s12;
	s2 =	sadd.s32 @!p0 s5, s2;
	[sflag:s11] =	ssyncadd.s32 @!p0 $0xFFFFFE00  }
0xb2: {  	[tilespmem:s7], [sflag:$0x9] =	stream.linear.gather @!p0 [hbm4b:s2+s23], $0x200, $0x38;
	[tilespmem:$0x1C800] =	vst v63  }
0xb3: {  	_ =	swait.ge @!p0 [sflag:s11], $0x200  }
0xb4: {  	[sflag:s11] =	ssyncset.done @!p0 $0x0  }
0xb5: {  	[sflag:s11] =	ssyncadd.s32 @!p0 $0xFFFFFE00  }
0xb6: {  	_ =	swait.ge [sflag:s25], $0x2000  }
0xb7: {  	p0 =	seq.s32 s20, $0x0;
	[sflag:s25] =	ssyncset.done $0x0  }
0xb8: {  	s2 =	simm.s32 @!p0 $0x7;
	[sflag:s25] =	ssyncadd.s32 $0xFFFFE000  }
0xb9: {  	_ =	swait.ge @!p0 [sflag:s2], $0x2000  }
0xba: {  	s12 =	sand.u32 $0x200, s20;
	[sflag:s2] =	ssyncset.done @!p0 $0x0  }
0xbb: {  	[sflag:s2] =	ssyncadd.s32 @!p0 $0xFFFFE000;
	s2 =	sor.u32 $0x100, s12  }
0xbc: {  	[tilespmem:s26], [sflag:$0x3] =	stream.indirect.gather [hbm4b:s6+s21], $0x80, s2, s21, $0xb8;
	[tilespmem:$0x1C800] =	vst v63  }
0xbd: {  	s23 =	sor.u32 $0x400, s12  }
0xbe: {  	[spmem:s1] =	stream.indirect.scatter.add.f32 [tilespmem:s22], [sflag:$0x5], $0x80, s23, s21, $0xb8;
	[tilespmem:$0x1C800] =	vst v63  }
0xbf: {  	_ =	swait.ge [sflag:s28], $0x2000  }
0xc0: {  	[sflag:s28] =	ssyncset.done $0x0  }
0xc1: {  	s11 =	simm.s32 @!p0 $0x8;
	[sflag:s28] =	ssyncadd.s32 $0xFFFFE000  }
0xc2: {  	_ =	swait.ge @!p0 [sflag:s11], $0x2000  }
0xc3: {  	[sflag:s11] =	ssyncset.done @!p0 $0x0  }
0xc4: {  	s23 =	sor.u32 $0x180, s12;
	[sflag:s11] =	ssyncadd.s32 @!p0 $0xFFFFE000;
	p0 =	sne.s32 s20, $0x4E00  }
0xc5: {  	[tilespmem:s29], [sflag:$0x4] =	stream.indirect.gather [hbm4b:s6+s21], $0x80, s23, s21, $0xb8;
	[tilespmem:$0x1C800] =	vst v63  }
.Ltmp5:
0xc6: {  	s7 =	sadd.s32 $0x480, s12;
	(pc) =	sbr.rel @!p0 .LBB2_7-.Ltmp5, $4  }
0xc7: {  	[spmem:s1] =	stream.indirect.scatter.add.f32 [tilespmem:s24], [sflag:$0x6], $0x80, s7, s21, $0xb8;
	[tilespmem:$0x1C800] =	vst v63  }
0xc8: {  	_ =	swait.ge [sflag:s30], $0x2000  }
0xc9: {  	[sflag:s30] =	ssyncset.done $0x0  }
0xca: {  	[sflag:s30] =	ssyncadd.s32 $0xFFFFE000  }
0xcb: {  	_ =	swait.ge [sflag:s0], $0x2000  }
0xcc: {  	[sflag:s0] =	ssyncset.done $0x0  }
0xcd: {  	s7 =	sshll.u32 s17, $0x9;
	[sflag:s0] =	ssyncadd.s32 $0xFFFFE000  }
0xce: {  	[tilespmem:s22], [sflag:$0x1] =	stream.indirect.gather [hbm4b:s6+s21], $0x80, s7, s21, $0xb8;
	[tilespmem:$0x1C800] =	vst v63  }
0xcf: {  	s2 =	sor.u32 $0x400, s2  }
0xd0: {  	[spmem:s1] =	stream.indirect.scatter.add.f32 [tilespmem:s26], [sflag:$0x7], $0x80, s2, s21, $0xb8;
	[tilespmem:$0x1C800] =	vst v63  }
0xd1: {  	_ =	swait.ge [sflag:s31], $0x2000  }
0xd2: {  	[sflag:s31] =	ssyncset.done $0x0  }
0xd3: {  	s20 =	sadd.s32 $0x200, s20;
	[sflag:s31] =	ssyncadd.s32 $0xFFFFE000  }
0xd4: {  	p0 =	sne.s32 s20, $0x5000;
	_ =	swait.ge [sflag:s3], $0x2000  }
.Ltmp6:
0xd5: {  	[sflag:s3] =	ssyncset.done $0x0;
	(pc) =	sbr.rel @p0 .LBB2_6-.Ltmp6, $4  }
.Ltmp7:
0xd6: {  	s17 =	sor.u32 $0x80, s7;
	[sflag:s3] =	ssyncadd.s32 $0xFFFFE000;
	(pc) =	sbr.rel @!p0 .LBB2_9-.Ltmp7, $4  }
0xd7: {  	[tilespmem:s24], [sflag:$0x2] =	stream.indirect.gather [hbm4b:s6+s21], $0x80, s17, s21, $0xb8;
	[tilespmem:$0x1C800] =	vst v63  }
0xd8: {  	s23 =	sor.u32 $0x400, s23;
	s16 =	sadd.s32 $0x1, s16  }
0xd9: {  	[spmem:s1] =	stream.indirect.scatter.add.f32 [tilespmem:s29], [sflag:$0x8], $0x80, s23, s21, $0xb8;
	[tilespmem:$0x1C800] =	vst v63  }
0xda: {  	_ = 	snop  }
.LBB2_10:
0xdb: {  	_ =	sfence.sel $0x180000  }
0xdc: {  	[bflag:$0x0] =	sbarrier.arrive $0xFFFF  }
0xdd: {  	_ =	strace $0x9000004A  }
0xde: {  	s0 =	stileid.u32;
	[bflag:$0x2] =	sbarrier.arrive $0xFFFF  }
0xdf: {  	p0 =	sne.s32 s0, $0x0;
	s0 =	rddreg [dreg:$0x2]  }
0xe0: {  	s0 =	sadd.s32 @!p0 $0x100000, s0  }
0xe1: {  	[sflag:s0] =	ssyncadd.tile.s32 @!p0 $0x1;
	_ =	shalt  }
.Lfunc_end2:
_tile_overlayer_lowered:
.L_overlay_start_2:
0xe2: {  	(tag) =	ssettag $0x2  }
0xe3: {  	s0 =	rddreg [dreg:$0x0];
	s2 =	stileid.u32  }
0xe4: {  	s1 =	rddreg [dreg:$0x1];
	p0 =	sne.s32 s2, $0x0  }
0xe5: {  	s3 =	rddreg [dreg:$0x2];
	[bflag:$0x3] =	sbarrier.arrive $0xFFFF;
	s2 =	simm.s32 @!p0 $0x1C09  }
0xe6: {  	[timem:s3], [sflag:s2] =	dma.local @!p0 [hbm:s0], s1  }
0xe7: {  	s0 =	simm.s32 @!p0 $0x9  }
0xe8: {  	_ =	swait.ge @!p0 [sflag:s0], s1  }
0xe9: {  	s1 =	ssub.s32 @!p0 $0x0, s1;
	[sflag:s0] =	ssyncset.done @!p0 $0x0  }
0xea: {  	[sflag:s0] =	ssyncadd.s32 @!p0 s1  }
0xeb: {  	[bflag:$0x3] =	sbarrier.arrive $0xFFFF  }
0xec: {  	_ =	shalt  }

// kernel: kernel.18.cloned.1.call-start
scs
__scs_entry_jumppad:
0x0: {  	(pc) =	sbr.rel $0x88, $3  }
0x1: {  	(tag) =	ssettag $0x0;
	lr =	simm.s32 $0x1  }
0x2: {  	[smem:$0x3F96] =	sst lr;
	_ =	strace $0xD0000000  }
0x3: {  	_ = 	snop  }
0x4: {  	_ = 	snop  }
0x5: {  	_ = 	snop  }
0x6: {  	_ = 	snop  }
0x7: {  	_ = 	snop  }
__scs_overlays_trampoline_lowered:
0x8: {  	[smem:$0x3FA5] =	sst s0  }
0x9: {  	[smem:$0x3FA6] =	sst s1  }
0xa: {  	[smem:$0x3FA7] =	sst s2  }
0xb: {  	[smem:$0x3FA8] =	sst s3  }
0xc: {  	[smem:$0x3FA9] =	sst s4  }
0xd: {  	[smem:$0x3FAA] =	sst s5  }
0xe: {  	[smem:$0x3FAB] =	sst s6  }
0xf: {  	[smem:$0x3FAC] =	sst s7  }
0x10: {  	[smem:$0x3FAD] =	sst s8  }
0x11: {  	[smem:$0x3FAE] =	sst s9;
	s0 =	simm.s32 @!p0 $0x0  }
0x12: {  	s1 =	sld [smem:$0x3F94];
	s0 =	simm.s32 @p0 $0x1  }
0x13: {  	[smem:$0x3FAF] =	sst s0;
	s0 =	simm.s32 @!p1 $0x0  }
0x14: {  	s2 =	sld [smem:$0x3F93];
	s0 =	simm.s32 @p1 $0x1  }
0x15: {  	[smem:$0x3FB0] =	sst s0;
	s0 =	simm.s32 @!p2 $0x0  }
0x16: {  	s3 =	sld [smem:$0x3FDB];
	s0 =	simm.s32 @p2 $0x1  }
0x17: {  	s4 =	simm.s32 $0x1BF5;
	[smem:$0x3FB2] =	sst s0  }
0x18: {  	s0 =	sld [smem:$0x3F95];
	_ =	swait.ge [sflag:s4], $0x0  }
0x19: {  	s7 =	sld [smem:$0x3F96]  }
0x1a: {  	s8 =	sadd.s32 $0xFFFFE003, lr  }
0x1b: {  	s9 =	sadd.s32 $0xFFFFFEF7, lr;
	s5 =	simm.s32 $0xFFFFFFFF;
	p2 =	slt.u32 s8, $0xFFFFF086  }
0x1c: {  	p1 =	slt.u32 s9, $0xF7A;
	s5 =	simm.s32 @!p2 $0x0  }
0x1d: {  	s5 =	simm.s32 @p1 $0x1;
	p0 =	seq.s32 s7, s2  }
0x1e: {  	s7 =	smul.u32 @!p0 $0xF7A, s2;
	p2 =	seq.s32 @!p0 s5, $0x0  }
0x1f: {  	s9 =	smul.u32 $0xF7A, s1;
	s8 =	simm.s32 @!p0 $0x1BF5;
	p2 =	por !p2, p0  }
0x20: {  	[sflag:s8] =	ssyncset.s32 @!p0 $0xFFFFF086;
	s6 =	sadd.s32 @!p0 s3, s7;
	s7 =	simm.s32 @!p0 $0x108  }
0x21: {  	s3 =	sadd.s32 s3, s9;
	s6 =	sadd.s32 @!p0 $0x88, s6;
	s7 =	simm.s32 @p2 $0x1082  }
0x22: {  	[simem:s7], [sflag:s8] =	dma.local @!p0 [hbm:s6], $0xF7A  }
0x23: {  	s9 =	sor.u32 $0xD0000000, s2;
	s6 =	simm.s32 $0x108;
	_ =	swait.ge @!p0 [sflag:s8], $0x0  }
0x24: {  	s3 =	sadd.s32 $0x88, s3;
	s6 =	simm.s32 @!p1 $0x1082;
	[sflag:s4] =	ssyncset.s32 $0xFFFFF086  }
0x25: {  	[simem:s6], [sflag:s4] =	dma.local [hbm:s3], $0xF7A  }
0x26: {  	[smem:$0x3F96] =	sst s1;
	(tag) =	ssettag s2;
	_ =	strace s9  }
0x27: {  	s1 =	sld [smem:$0x3FA6]  }
0x28: {  	s2 =	sld [smem:$0x3FA7]  }
0x29: {  	s4 =	sld [smem:$0x3FA9]  }
0x2a: {  	p0 =	seq.s32 s5, $0x0;
	s5 =	sld [smem:$0x3FAA]  }
0x2b: {  	s6 =	sld [smem:$0x3FAB]  }
0x2c: {  	s7 =	sld [smem:$0x3FAC]  }
0x2d: {  	s3 =	simm.s32 $0x108;
	s8 =	sld [smem:$0x3FAD]  }
0x2e: {  	s3 =	simm.s32 @!p0 $0x1082;
	s9 =	sld [smem:$0x3FAE]  }
0x2f: {  	lr =	sadd.s32 s0, s3;
	s0 =	sld [smem:$0x3FA5]  }
0x30: {  	s3 =	sld [smem:$0x3FA8]  }
0x31: {  	[smem:$0x3FB1] =	sst s10  }
0x32: {  	s10 =	sld [smem:$0x3FAF];
	_ =	sdelay $0x3  }
0x33: {  	p0 =	seq.s32 s10, $0x1;
	s10 =	sld [smem:$0x3FB1];
	_ =	sdelay $0x3  }
0x34: {  	[smem:$0x3FB1] =	sst s10  }
0x35: {  	s10 =	sld [smem:$0x3FB0];
	_ =	sdelay $0x3  }
0x36: {  	p1 =	seq.s32 s10, $0x1;
	s10 =	sld [smem:$0x3FB1];
	_ =	sdelay $0x3  }
0x37: {  	[smem:$0x3FB1] =	sst s10  }
0x38: {  	s10 =	sld [smem:$0x3FB2]  }
0x39: {  	_ = 	snop;
	(pc) =	sbr.ind lr, $3  }
0x3a: {  	_ = 	snop  }
0x3b: {  	_ = 	snop  }
0x3c: {  	p2 =	seq.s32 s10, $0x1;
	s10 =	sld [smem:$0x3FB1]  }
0x3d: {  	_ =	shalt  }
0x3e: {  	_ =	shalt  }
0x3f: {  	_ =	shalt  }
0x40: {  	_ =	shalt  }
0x41: {  	_ =	shalt  }
0x42: {  	_ =	shalt  }
0x43: {  	_ =	shalt  }
0x44: {  	_ =	shalt  }
0x45: {  	_ =	shalt  }
0x46: {  	_ =	shalt  }
0x47: {  	_ =	shalt  }
0x48: {  	_ =	shalt  }
0x49: {  	_ =	shalt  }
0x4a: {  	_ =	shalt  }
0x4b: {  	_ =	shalt  }
0x4c: {  	_ =	shalt  }
0x4d: {  	_ =	shalt  }
0x4e: {  	_ =	shalt  }
0x4f: {  	_ =	shalt  }
0x50: {  	_ =	shalt  }
0x51: {  	_ =	shalt  }
0x52: {  	_ =	shalt  }
0x53: {  	_ =	shalt  }
0x54: {  	_ =	shalt  }
0x55: {  	_ =	shalt  }
0x56: {  	_ =	shalt  }
0x57: {  	_ =	shalt  }
0x58: {  	_ =	shalt  }
0x59: {  	_ =	shalt  }
0x5a: {  	_ =	shalt  }
0x5b: {  	_ =	shalt  }
0x5c: {  	_ =	shalt  }
0x5d: {  	_ =	shalt  }
0x5e: {  	_ =	shalt  }
0x5f: {  	_ =	shalt  }
0x60: {  	_ =	shalt  }
0x61: {  	_ =	shalt  }
0x62: {  	_ =	shalt  }
0x63: {  	_ =	shalt  }
0x64: {  	_ =	shalt  }
0x65: {  	_ =	shalt  }
0x66: {  	_ =	shalt  }
0x67: {  	_ =	shalt  }
0x68: {  	_ =	shalt  }
0x69: {  	_ =	shalt  }
0x6a: {  	_ =	shalt  }
0x6b: {  	_ =	shalt  }
0x6c: {  	_ =	shalt  }
0x6d: {  	_ =	shalt  }
0x6e: {  	_ =	shalt  }
0x6f: {  	_ =	shalt  }
0x70: {  	_ =	shalt  }
0x71: {  	_ =	shalt  }
0x72: {  	_ =	shalt  }
0x73: {  	_ =	shalt  }
0x74: {  	_ =	shalt  }
0x75: {  	_ =	shalt  }
0x76: {  	_ =	shalt  }
0x77: {  	_ =	shalt  }
0x78: {  	_ =	shalt  }
0x79: {  	_ =	shalt  }
0x7a: {  	_ =	shalt  }
0x7b: {  	_ =	shalt  }
0x7c: {  	_ =	shalt  }
0x7d: {  	_ =	shalt  }
0x7e: {  	_ =	shalt  }
0x7f: {  	_ =	shalt  }
0x80: {  	_ =	shalt  }
0x81: {  	_ =	shalt  }
0x82: {  	_ =	shalt  }
0x83: {  	_ =	shalt  }
0x84: {  	_ =	shalt  }
0x85: {  	_ =	shalt  }
0x86: {  	_ =	shalt  }
0x87: {  	_ =	shalt  }
.Lfunc_end0:
.L_simem_size_0:
called_computation.2_lowered:
.L_overlay_start_0:
0x88: {  	s2 =	sld [smem:$0x3FD9]  }
0x89: {  	s3 =	sld [smem:$0x3FFE];
	_ =	sdelay $0x1  }
0x8a: {  	s1 =	srdreg.scid  }
0x8b: {  	s0 =	sand.u32 $0x1, s1  }
0x8c: {  	s16 =	sshll.u32 s0, $0xA;
	s2 =	sadd.s32 s3, s2  }
0x8d: {  	s2 =	sadd.s32 s2, s16  }
0x8e: {  	[smem:$0x3FBD] =	sst s2  }
0x8f: {  	_ = 	snop  }
0x90: {  	(tm) =	ssettm $0x1  }
0x91: {  	s17 =	sld [smem:$0x3FFB];
	_ =	sdelay $0x3  }
0x92: {  	_ =	strace s17  }
0x93: {  	s2 =	sld [smem:$0x3FFC];
	_ =	sdelay $0x3  }
0x94: {  	_ =	strace s2  }
0x95: {  	s2 =	sld [smem:$0x3FFD];
	_ =	sdelay $0x3  }
0x96: {  	_ =	strace s2  }
0x97: {  	_ =	strace $0x8FFFFFFF  }
0x98: {  	s18 =	sld [smem:$0x3FDB];
	_ =	sdelay $0x1  }
0x99: {  	s19 =	simm.s32 $_scs_section_size  }
0x9a: {  	s4 =	simm.s32 $_size__tile_overlayer_lowered;
	s5 =	simm.s32 $_tile_overlayer_lowered  }
0x9b: {  	s22 =	simm.s32 $0x1BFF;
	s21 =	sshll.u32 s5, $0x1;
	s2 =	sadd.s32 s19, s18  }
0x9c: {  	s6 =	simm.s32 $0x0;
	s20 =	sshll.u32 s4, $0x1;
	s4 =	sadd.s32 s21, s2  }
0x9d: {  	[timem:s6], [sflag:s22] =	dma.local [hbm:s4], s20  }
0x9e: {  	_ =	swait.ge [sflag:s22], s20  }
0x9f: {  	s3 =	ssub.s32 $0x0, s20;
	[sflag:s22] =	ssyncset.done $0x0  }
0xa0: {  	[sflag:s22] =	ssyncadd.s32 s3;
	_ =	sdelay $0x1  }
0xa1: {  	s23 =	simm.s32 $0x1B8B  }
0xa2: {  	_ =	swait.ge [sflag:s23], $0x1  }
0xa3: {  	[sflag:s23] =	ssyncset.done $0x0  }
0xa4: {  	s25 =	simm.s32 $0x1B8E;
	s24 =	sld [smem:$0x3FFE];
	[sflag:s23] =	ssyncadd.s32 $0xFFFFFFFF  }
0xa5: {  	s26 =	simm.s32 $execute0_lowered;
	[smem:$0x3FD2] =	sst s25  }
0xa6: {  	s4 =	sshll.u32 s26, $0x1;
	_ =	strace $0x8000004C;
	[dreg:$0x1] =	wrdreg $0xFFFFFFFF  }
0xa7: {  	s28 =	simm.s32 $_size_execute0_lowered;
	s2 =	sadd.s32 s2, s4;
	[dreg:$0x0] =	wrdreg $0x0  }
0xa8: {  	s4 =	sshll.u32 s28, $0x1;
	[dreg:$0x2] =	wrdreg s2  }
0xa9: {  	[dreg:$0x3] =	wrdreg s4  }
0xaa: {  	[dreg:$0x4] =	wrdreg $0xC0  }
0xab: {  	_ =	task [dreg:s6], $0x5FFFF  }
0xac: {  	[dreg:$0x1] =	wrdreg $0xFFFFFFFF  }
0xad: {  	[dreg:$0x0] =	wrdreg $0x60  }
0xae: {  	[dreg:$0x2] =	wrdreg s24  }
0xaf: {  	[dreg:$0x3] =	wrdreg $0x88000  }
0xb0: {  	[dreg:$0x4] =	wrdreg $0x9  }
0xb1: {  	_ =	task.clear_ibuf [dreg:s6], $0x5FFFF;
	_ =	strace $0x9000004C  }
0xb2: {  	s29 =	simm.s32 $0x9;
	_ =	strace $0x8000004E  }
0xb3: {  	_ =	swait.ge [sflag:s29], $0x1  }
0xb4: {  	[sflag:s29] =	ssyncadd.s32 $0xFFFFFFFF  }
0xb5: {  	_ =	strace $0x9000004E  }
0xb6: {  	_ =	sfence  }
0xb7: {  	s30 =	sld [smem:$0x0];
	_ =	sdelay $0x2  }
0xb8: {  	s31 =	sshll.u32 s1, $0xD;
	s1 =	sshrl.u32 s1, $0x2  }
0xb9: {  	s3 =	sand.u32 $0x4000, s31;
	s1 =	sadd.s32 s1, s30  }
0xba: {  	s0 =	sor.u32 s3, s0;
	s1 =	sshll.u32 s1, $0x11  }
0xbb: {  	s0 =	sor.u32 s1, s0  }
0xbc: {  	s0 =	sadd.s32 $0x8F2B, s0  }
0xbd: {  	[sflag:s0] =	ssyncadd.remote.s32 $0x1  }
0xbe: {  	_ =	sfence.sel $0xFFFF  }
0xbf: {  	[dreg:$0x0] =	wrdreg $0xFFFFFFFF;
	(pc) =	sbr.abs _section_cstart, $3  }
0xc0: {  	[dreg:$0x1] =	wrdreg $0xFFFFFFFF  }
0xc1: {  	_ =	task.clear_ibuf [dreg:s6], $0x2FFFF;
	_ =	strace $0x9FFFFFFF  }
0xc2: {  	(tm) =	ssettm $0x7FFFFFFF  }
0xc3: {  	_ =	shalt  }
tec
execute0_lowered:
.L_overlay_start_1:
0x0: {  	(tag) =	ssettag $0x1  }
0x1: {  	s0 =	rddreg [dreg:$0x0]  }
0x2: {  	s1 =	rddreg [dreg:$0x1];
	s2 =	simm.s32 $0x0  }
0x3: {  	s17 =	srdreg.scid;
	s7 =	stileid.u32;
	s28 =	simm.s32 $0x2  }
0x4: {  	s29 =	simm.s32 $0x6800;
	s30 =	simm.s32 $0x3;
	s31 =	simm.s32 $0x4  }
0x5: {  	[smem:$0x7FF] =	sst s2;
	s4 =	sadd.s32 $0x3E800, s0;
	s5 =	sadd.s32 $0x34800, s0  }
0x6: {  	s6 =	sadd.s32 $0x1A6800, s0;
	s3 =	sadd.s32 $0x2800, s0;
	s18 =	smul.u32 $0x50000, s7  }
0x7: {  	s2 =	sand.u32 $0x1, s17;
	s0 =	sadd.s32 $0x66800, s0;
	s11 =	smul.u32 $0x280, s7  }
0x8: {  	s19 =	sshll.u32 s7, $0x6;
	_ =	strace $0x8000004D;
	s10 =	smul.u32 $0xA0000, s2  }
0x9: {  	s8 =	ssub.s32 $0x2, s2;
	s13 =	smul.u32 $0x5000, s2;
	s2 =	sshllo.u32 s2, $0x1  }
0xa: {  	[dreg:$0x3] =	wrdreg s3;
	s9 =	sshrl.u32 s8, $0x1;
	s15 =	smul.u32 $0x50000, s2  }
0xb: {  	s3 =	sshrl.u32 s18, $0x2;
	s2 =	smul.u32 $0x2800, s2;
	s14 =	ssub.s32 s8, s9  }
0xc: {  	s3 =	sadd.s32 s3, s1;
	s8 =	smul.u32 $0x5000, s7;
	s13 =	sadd.s32 s11, s13  }
0xd: {  	s9 =	sor.u32 $0x1C09, s19;
	s19 =	simm.s32 $0x9;
	s22 =	sshll.u32 s13, $0x4  }
0xe: {  	s2 =	sadd.s32 s11, s2;
	s26 =	smax.u32 s14, $0x1;
	s18 =	sshrl.u32 s3, $0x3  }
0xf: {  	s3 =	simm.s32 $0x6;
	s14 =	simm.s32 $0x8;
	s10 =	sadd.s32 s8, s10  }
0x10: {  	s16 =	sshrl.u32 s8, $0x3;
	s13 =	sadd.s32 s8, s15;
	s23 =	sadd.s32 s0, s22  }
0x11: {  	s2 =	sshll.u32 s2, $0x4;
	[dreg:$0x9] =	wrdreg s26;
	s22 =	simm.s32 $0x800  }
0x12: {  	s26 =	simm.s32 $0x4800;
	s15 =	simm.s32 $0x0;
	s12 =	sshrl.u32 s10, $0x3  }
.Ltmp0:
0x13: {  	s21 =	sadd.s32 s5, s16;
	[dreg:$0x6] =	wrdreg s23;
	(pc) =	sbr.rel .LBB2_1-.Ltmp0, $4  }
0x14: {  	s24 =	sshrl.u32 s13, $0x3;
	s0 =	sadd.s32 s0, s2;
	[dreg:$0x5] =	wrdreg s21  }
0x15: {  	s20 =	sadd.s32 s4, s12;
	s25 =	sadd.s32 s4, s24;
	[dreg:$0x8] =	wrdreg s0  }
0x16: {  	s21 =	simm.s32 $0x40;
	s24 =	simm.s32 $0x2800;
	[dreg:$0x4] =	wrdreg s20  }
0x17: {  	s0 =	simm.s32 $0x5;
	[dreg:$0x7] =	wrdreg s25;
	s25 =	simm.s32 $0x1  }
.LBB2_7:
0x18: {  	s2 =	sor.u32 $0x400, s2  }
0x19: {  	[spmem:s1] =	stream.indirect.scatter.add.f32 [tilespmem:s26], [sflag:$0x7], $0x80, s2, s21, $0xb8;
	[tilespmem:$0x1C800] =	vst v63  }
0x1a: {  	_ =	swait.ge [sflag:s31], $0x2000  }
0x1b: {  	[sflag:s31] =	ssyncset.done $0x0  }
0x1c: {  	s23 =	sor.u32 $0x400, s23;
	[sflag:s31] =	ssyncadd.s32 $0xFFFFE000  }
0x1d: {  	[spmem:s1] =	stream.indirect.scatter.add.f32 [tilespmem:s29], [sflag:$0x8], $0x80, s23, s21, $0xb8;
	[tilespmem:$0x1C800] =	vst v63  }
.LBB2_9:
0x1e: {  	_ =	swait.ge [sflag:s0], $0x2000  }
0x1f: {  	[sflag:s0] =	ssyncset.done $0x0  }
0x20: {  	[sflag:s0] =	ssyncadd.s32 $0xFFFFE000  }
0x21: {  	_ =	swait.ge [sflag:s3], $0x2000  }
0x22: {  	[sflag:s3] =	ssyncset.done $0x0  }
0x23: {  	s2 =	simm.s32 $0x7;
	[sflag:s3] =	ssyncadd.s32 $0xFFFFE000  }
0x24: {  	_ =	swait.ge [sflag:s2], $0x2000  }
0x25: {  	[sflag:s2] =	ssyncset.done $0x0  }
0x26: {  	[sflag:s2] =	ssyncadd.s32 $0xFFFFE000  }
0x27: {  	_ =	swait.ge [sflag:s14], $0x2000  }
0x28: {  	[sflag:s14] =	ssyncset.done $0x0  }
0x29: {  	[sflag:s14] =	ssyncadd.s32 $0xFFFFE000  }
0x2a: {  	[bflag:$0x0] =	sbarrier.arrive $0xFFFF  }
0x2b: {  	s20 =	rddreg [dreg:$0x8]  }
0x2c: {  	[hbm:s20], [sflag:s9] =	dma.local [spmem:s18], $0x2800  }
0x2d: {  	_ =	swait.ge [sflag:s19], $0x2800  }
0x2e: {  	s15 =	sadd.s32 $0x1, s15;
	s23 =	rddreg [dreg:$0x9]  }
0x2f: {  	p0 =	sne.s32 s15, s23  }
.Ltmp1:
0x30: {  	_ = 	snop;
	(pc) =	sbr.rel @!p0 .LBB2_10-.Ltmp1, $3  }
0x31: {  	[sflag:s19] =	ssyncset.done $0x0  }
0x32: {  	[sflag:s19] =	ssyncadd.s32 $0xFFFFD800  }
0x33: {  	[bflag:$0x0] =	sbarrier.arrive $0xFFFF;
	_ =	sdelay $0x1  }
.LBB2_1:
0x34: {  	s2 =	rddreg [dreg:$0x3]  }
0x35: {  	[spmem:s18], [sflag:s9] =	dma.local [hbm:s2], $0x2800  }
0x36: {  	_ =	swait.ge [sflag:s19], $0x2800  }
0x37: {  	[sflag:s19] =	ssyncset.done $0x0  }
0x38: {  	[sflag:s19] =	ssyncadd.s32 $0xFFFFD800  }
0x39: {  	[bflag:$0x0] =	sbarrier.arrive $0xFFFF  }
0x3a: {  	s17 =	simm.s32 $0x0;
	s7 =	rddreg [dreg:$0x4]  }
0x3b: {  	[tilespmem:s17], [sflag:$0x9] =	stream.linear.gather [hbm4b:s7+s17], $0x200, $0x38;
	[tilespmem:$0x1C800] =	vst v63  }
0x3c: {  	_ =	swait.ge [sflag:s19], $0x200  }
0x3d: {  	[sflag:s19] =	ssyncset.done $0x0  }
0x3e: {  	s11 =	simm.s32 $0x400;
	s20 =	rddreg [dreg:$0x5];
	[sflag:s19] =	ssyncadd.s32 $0xFFFFFE00  }
0x3f: {  	[tilespmem:s11], [sflag:$0x9] =	stream.linear.gather [hbm4b:s20+s17], $0x200, $0x38;
	[tilespmem:$0x1C800] =	vst v63  }
0x40: {  	_ =	swait.ge [sflag:s19], $0x200  }
0x41: {  	[sflag:s19] =	ssyncset.done $0x0  }
0x42: {  	[sflag:s19] =	ssyncadd.s32 $0xFFFFFE00  }
0x43: {  	[tilespmem:s22], [sflag:$0x1] =	stream.indirect.gather [hbm4b:s6+s21], $0x80, s17, s21, $0xb8;
	[tilespmem:$0x1C800] =	vst v63  }
0x44: {  	s23 =	simm.s32 $0x80;
	s16 =	simm.s32 $0x0;
	s20 =	simm.s32 $0x1  }
0x45: {  	[tilespmem:s24], [sflag:$0x2] =	stream.indirect.gather [hbm4b:s6+s21], $0x80, s23, s21, $0xb8;
	[tilespmem:$0x1C800] =	vst v63  }
.LBB2_2:
0x46: {  	p0 =	seq.s32 s16, $0x4E00  }
0x47: {  	s2 =	sadd.s32 @!p0 $0x200, s16  }
0x48: {  	s23 =	sand.u32 @!p0 $0xFC00, s2  }
0x49: {  	s2 =	sand.u32 @!p0 $0x200, s2;
	s17 =	sadd.s32 @!p0 s10, s23  }
0x4a: {  	s7 =	sor.u32 @!p0 s2, s17  }
0x4b: {  	s17 =	sand.u32 $0x1, s20;
	s7 =	sshrl.u32 @!p0 s7, $0x3  }
0x4c: {  	s11 =	simm.s32 @!p0 $0x0;
	s12 =	sshll.u32 @!p0 s17, $0x9;
	s7 =	sadd.s32 @!p0 s4, s7  }
0x4d: {  	[tilespmem:s12], [sflag:$0x9] =	stream.linear.gather @!p0 [hbm4b:s7+s11], $0x200, $0x38;
	[tilespmem:$0x1C800] =	vst v63  }
0x4e: {  	s23 =	sadd.s32 @!p0 s8, s23;
	s7 =	simm.s32 @!p0 $0x9  }
0x4f: {  	s2 =	sor.u32 @!p0 s2, s23;
	_ =	swait.ge @!p0 [sflag:s7], $0x200  }
0x50: {  	s2 =	sshrl.u32 @!p0 s2, $0x3;
	[sflag:s7] =	ssyncset.done @!p0 $0x0  }
0x51: {  	s2 =	sadd.s32 @!p0 s5, s2;
	s12 =	sor.u32 @!p0 $0x400, s12;
	[sflag:s7] =	ssyncadd.s32 @!p0 $0xFFFFFE00  }
0x52: {  	[tilespmem:s12], [sflag:$0x9] =	stream.linear.gather @!p0 [hbm4b:s2+s11], $0x200, $0x38;
	[tilespmem:$0x1C800] =	vst v63  }
0x53: {  	_ =	swait.ge @!p0 [sflag:s7], $0x200  }
0x54: {  	[sflag:s7] =	ssyncset.done @!p0 $0x0  }
0x55: {  	[sflag:s7] =	ssyncadd.s32 @!p0 $0xFFFFFE00  }
0x56: {  	_ =	swait.ge [sflag:s25], $0x2000  }
0x57: {  	p0 =	seq.s32 s16, $0x0;
	[sflag:s25] =	ssyncset.done $0x0  }
0x58: {  	s2 =	simm.s32 @!p0 $0x7;
	[sflag:s25] =	ssyncadd.s32 $0xFFFFE000  }
0x59: {  	_ =	swait.ge @!p0 [sflag:s2], $0x2000  }
0x5a: {  	s12 =	sand.u32 $0x200, s16;
	[sflag:s2] =	ssyncset.done @!p0 $0x0  }
0x5b: {  	[sflag:s2] =	ssyncadd.s32 @!p0 $0xFFFFE000;
	s2 =	sor.u32 $0x100, s12  }
0x5c: {  	[tilespmem:s26], [sflag:$0x3] =	stream.indirect.gather [hbm4b:s6+s21], $0x80, s2, s21, $0xb8;
	[tilespmem:$0x1C800] =	vst v63  }
0x5d: {  	s23 =	sor.u32 $0x400, s12  }
0x5e: {  	[spmem:s1] =	stream.indirect.scatter.add.f32 [tilespmem:s22], [sflag:$0x5], $0x80, s23, s21, $0xb8;
	[tilespmem:$0x1C800] =	vst v63  }
0x5f: {  	_ =	swait.ge [sflag:s28], $0x2000  }
0x60: {  	[sflag:s28] =	ssyncset.done $0x0  }
0x61: {  	s11 =	simm.s32 @!p0 $0x8;
	[sflag:s28] =	ssyncadd.s32 $0xFFFFE000  }
0x62: {  	_ =	swait.ge @!p0 [sflag:s11], $0x2000  }
0x63: {  	[sflag:s11] =	ssyncset.done @!p0 $0x0  }
0x64: {  	s23 =	sor.u32 $0x180, s12;
	[sflag:s11] =	ssyncadd.s32 @!p0 $0xFFFFE000;
	p0 =	sne.s32 s16, $0x4E00  }
0x65: {  	[tilespmem:s29], [sflag:$0x4] =	stream.indirect.gather [hbm4b:s6+s21], $0x80, s23, s21, $0xb8;
	[tilespmem:$0x1C800] =	vst v63  }
.Ltmp2:
0x66: {  	s7 =	sadd.s32 $0x480, s12;
	(pc) =	sbr.rel @!p0 .LBB2_3-.Ltmp2, $4  }
0x67: {  	[spmem:s1] =	stream.indirect.scatter.add.f32 [tilespmem:s24], [sflag:$0x6], $0x80, s7, s21, $0xb8;
	[tilespmem:$0x1C800] =	vst v63  }
0x68: {  	_ =	swait.ge [sflag:s30], $0x2000  }
0x69: {  	[sflag:s30] =	ssyncset.done $0x0  }
0x6a: {  	[sflag:s30] =	ssyncadd.s32 $0xFFFFE000  }
0x6b: {  	_ =	swait.ge [sflag:s0], $0x2000  }
0x6c: {  	[sflag:s0] =	ssyncset.done $0x0  }
0x6d: {  	s7 =	sshll.u32 s17, $0x9;
	[sflag:s0] =	ssyncadd.s32 $0xFFFFE000  }
0x6e: {  	[tilespmem:s22], [sflag:$0x1] =	stream.indirect.gather [hbm4b:s6+s21], $0x80, s7, s21, $0xb8;
	[tilespmem:$0x1C800] =	vst v63  }
0x6f: {  	s2 =	sor.u32 $0x400, s2  }
0x70: {  	[spmem:s1] =	stream.indirect.scatter.add.f32 [tilespmem:s26], [sflag:$0x7], $0x80, s2, s21, $0xb8;
	[tilespmem:$0x1C800] =	vst v63  }
0x71: {  	_ =	swait.ge [sflag:s31], $0x2000  }
0x72: {  	[sflag:s31] =	ssyncset.done $0x0  }
0x73: {  	s16 =	sadd.s32 $0x200, s16;
	[sflag:s31] =	ssyncadd.s32 $0xFFFFE000  }
0x74: {  	p0 =	sne.s32 s16, $0x5000;
	_ =	swait.ge [sflag:s3], $0x2000  }
.Ltmp3:
0x75: {  	[sflag:s3] =	ssyncset.done $0x0;
	(pc) =	sbr.rel @p0 .LBB2_2-.Ltmp3, $4  }
.Ltmp4:
0x76: {  	s17 =	sor.u32 $0x80, s7;
	[sflag:s3] =	ssyncadd.s32 $0xFFFFE000;
	(pc) =	sbr.rel @!p0 .LBB2_5-.Ltmp4, $4  }
0x77: {  	[tilespmem:s24], [sflag:$0x2] =	stream.indirect.gather [hbm4b:s6+s21], $0x80, s17, s21, $0xb8;
	[tilespmem:$0x1C800] =	vst v63  }
0x78: {  	s23 =	sor.u32 $0x400, s23;
	s20 =	sadd.s32 $0x1, s20  }
0x79: {  	[spmem:s1] =	stream.indirect.scatter.add.f32 [tilespmem:s29], [sflag:$0x8], $0x80, s23, s21, $0xb8;
	[tilespmem:$0x1C800] =	vst v63  }
0x7a: {  	_ = 	snop  }
.LBB2_3:
0x7b: {  	s2 =	sor.u32 $0x400, s2  }
0x7c: {  	[spmem:s1] =	stream.indirect.scatter.add.f32 [tilespmem:s26], [sflag:$0x7], $0x80, s2, s21, $0xb8;
	[tilespmem:$0x1C800] =	vst v63  }
0x7d: {  	_ =	swait.ge [sflag:s31], $0x2000  }
0x7e: {  	[sflag:s31] =	ssyncset.done $0x0  }
0x7f: {  	s23 =	sor.u32 $0x400, s23;
	[sflag:s31] =	ssyncadd.s32 $0xFFFFE000  }
0x80: {  	[spmem:s1] =	stream.indirect.scatter.add.f32 [tilespmem:s29], [sflag:$0x8], $0x80, s23, s21, $0xb8;
	[tilespmem:$0x1C800] =	vst v63  }
.LBB2_5:
0x81: {  	_ =	swait.ge [sflag:s0], $0x2000  }
0x82: {  	[sflag:s0] =	ssyncset.done $0x0  }
0x83: {  	[sflag:s0] =	ssyncadd.s32 $0xFFFFE000  }
0x84: {  	_ =	swait.ge [sflag:s3], $0x2000  }
0x85: {  	[sflag:s3] =	ssyncset.done $0x0  }
0x86: {  	s2 =	simm.s32 $0x7;
	[sflag:s3] =	ssyncadd.s32 $0xFFFFE000  }
0x87: {  	_ =	swait.ge [sflag:s2], $0x2000  }
0x88: {  	[sflag:s2] =	ssyncset.done $0x0  }
0x89: {  	[sflag:s2] =	ssyncadd.s32 $0xFFFFE000  }
0x8a: {  	_ =	swait.ge [sflag:s14], $0x2000  }
0x8b: {  	[sflag:s14] =	ssyncset.done $0x0  }
0x8c: {  	[sflag:s14] =	ssyncadd.s32 $0xFFFFE000  }
0x8d: {  	[bflag:$0x0] =	sbarrier.arrive $0xFFFF  }
0x8e: {  	s11 =	rddreg [dreg:$0x6]  }
0x8f: {  	[hbm:s11], [sflag:s9] =	dma.local [spmem:s18], $0x2800  }
0x90: {  	_ =	swait.ge [sflag:s19], $0x2800  }
0x91: {  	[sflag:s19] =	ssyncset.done $0x0  }
0x92: {  	[sflag:s19] =	ssyncadd.s32 $0xFFFFD800  }
0x93: {  	[bflag:$0x0] =	sbarrier.arrive $0xFFFF  }
0x94: {  	s12 =	rddreg [dreg:$0x3]  }
0x95: {  	[spmem:s18], [sflag:s9] =	dma.local [hbm:s12], $0x2800  }
0x96: {  	_ =	swait.ge [sflag:s19], $0x2800  }
0x97: {  	[sflag:s19] =	ssyncset.done $0x0  }
0x98: {  	[sflag:s19] =	ssyncadd.s32 $0xFFFFD800  }
0x99: {  	[bflag:$0x0] =	sbarrier.arrive $0xFFFF  }
0x9a: {  	s20 =	simm.s32 $0x0;
	s16 =	rddreg [dreg:$0x7]  }
0x9b: {  	[tilespmem:s20], [sflag:$0x9] =	stream.linear.gather [hbm4b:s16+s20], $0x200, $0x38;
	[tilespmem:$0x1C800] =	vst v63  }
0x9c: {  	_ =	swait.ge [sflag:s19], $0x200  }
0x9d: {  	[sflag:s19] =	ssyncset.done $0x0  }
0x9e: {  	s7 =	simm.s32 $0x400;
	s17 =	rddreg [dreg:$0x5];
	[sflag:s19] =	ssyncadd.s32 $0xFFFFFE00  }
0x9f: {  	[tilespmem:s7], [sflag:$0x9] =	stream.linear.gather [hbm4b:s17+s20], $0x200, $0x38;
	[tilespmem:$0x1C800] =	vst v63  }
0xa0: {  	_ =	swait.ge [sflag:s19], $0x200  }
0xa1: {  	[sflag:s19] =	ssyncset.done $0x0  }
0xa2: {  	[sflag:s19] =	ssyncadd.s32 $0xFFFFFE00  }
0xa3: {  	[tilespmem:s22], [sflag:$0x1] =	stream.indirect.gather [hbm4b:s6+s21], $0x80, s20, s21, $0xb8;
	[tilespmem:$0x1C800] =	vst v63  }
0xa4: {  	s23 =	simm.s32 $0x80;
	s16 =	simm.s32 $0x1  }
0xa5: {  	[tilespmem:s24], [sflag:$0x2] =	stream.indirect.gather [hbm4b:s6+s21], $0x80, s23, s21, $0xb8;
	[tilespmem:$0x1C800] =	vst v63  }
.LBB2_6:
0xa6: {  	p0 =	seq.s32 s20, $0x4E00  }
0xa7: {  	s2 =	sadd.s32 @!p0 $0x200, s20  }
0xa8: {  	s7 =	sand.u32 @!p0 $0xFC00, s2  }
0xa9: {  	s2 =	sand.u32 @!p0 $0x200, s2;
	s11 =	sadd.s32 @!p0 s13, s7  }
0xaa: {  	s11 =	sor.u32 @!p0 s2, s11  }
0xab: {  	s17 =	sand.u32 $0x1, s16;
	s11 =	sshrl.u32 @!p0 s11, $0x3  }
0xac: {  	s12 =	sshll.u32 @!p0 s17, $0x9;
	s23 =	simm.s32 @!p0 $0x0;
	s11 =	sadd.s32 @!p0 s4, s11  }
0xad: {  	[tilespmem:s12], [sflag:$0x9] =	stream.linear.gather @!p0 [hbm4b:s11+s23], $0x200, $0x38;
	[tilespmem:$0x1C800] =	vst v63  }
0xae: {  	s7 =	sadd.s32 @!p0 s8, s7;
	s11 =	simm.s32 @!p0 $0x9  }
0xaf: {  	s2 =	sor.u32 @!p0 s2, s7;
	_ =	swait.ge @!p0 [sflag:s11], $0x200  }
0xb0: {  	s2 =	sshrl.u32 @!p0 s2, $0x3;
	[sflag:s11] =	ssyncset.done @!p0 $0x0  }
0xb1: {  	s7 =	sor.u32 @!p0 $0x400, s12;
	s2 =	sadd.s32 @!p0 s5, s2;
	[sflag:s11] =	ssyncadd.s32 @!p0 $0xFFFFFE00  }
0xb2: {  	[tilespmem:s7], [sflag:$0x9] =	stream.linear.gather @!p0 [hbm4b:s2+s23], $0x200, $0x38;
	[tilespmem:$0x1C800] =	vst v63  }
0xb3: {  	_ =	swait.ge @!p0 [sflag:s11], $0x200  }
0xb4: {  	[sflag:s11] =	ssyncset.done @!p0 $0x0  }
0xb5: {  	[sflag:s11] =	ssyncadd.s32 @!p0 $0xFFFFFE00  }
0xb6: {  	_ =	swait.ge [sflag:s25], $0x2000  }
0xb7: {  	p0 =	seq.s32 s20, $0x0;
	[sflag:s25] =	ssyncset.done $0x0  }
0xb8: {  	s2 =	simm.s32 @!p0 $0x7;
	[sflag:s25] =	ssyncadd.s32 $0xFFFFE000  }
0xb9: {  	_ =	swait.ge @!p0 [sflag:s2], $0x2000  }
0xba: {  	s12 =	sand.u32 $0x200, s20;
	[sflag:s2] =	ssyncset.done @!p0 $0x0  }
0xbb: {  	[sflag:s2] =	ssyncadd.s32 @!p0 $0xFFFFE000;
	s2 =	sor.u32 $0x100, s12  }
0xbc: {  	[tilespmem:s26], [sflag:$0x3] =	stream.indirect.gather [hbm4b:s6+s21], $0x80, s2, s21, $0xb8;
	[tilespmem:$0x1C800] =	vst v63  }
0xbd: {  	s23 =	sor.u32 $0x400, s12  }
0xbe: {  	[spmem:s1] =	stream.indirect.scatter.add.f32 [tilespmem:s22], [sflag:$0x5], $0x80, s23, s21, $0xb8;
	[tilespmem:$0x1C800] =	vst v63  }
0xbf: {  	_ =	swait.ge [sflag:s28], $0x2000  }
0xc0: {  	[sflag:s28] =	ssyncset.done $0x0  }
0xc1: {  	s11 =	simm.s32 @!p0 $0x8;
	[sflag:s28] =	ssyncadd.s32 $0xFFFFE000  }
0xc2: {  	_ =	swait.ge @!p0 [sflag:s11], $0x2000  }
0xc3: {  	[sflag:s11] =	ssyncset.done @!p0 $0x0  }
0xc4: {  	s23 =	sor.u32 $0x180, s12;
	[sflag:s11] =	ssyncadd.s32 @!p0 $0xFFFFE000;
	p0 =	sne.s32 s20, $0x4E00  }
0xc5: {  	[tilespmem:s29], [sflag:$0x4] =	stream.indirect.gather [hbm4b:s6+s21], $0x80, s23, s21, $0xb8;
	[tilespmem:$0x1C800] =	vst v63  }
.Ltmp5:
0xc6: {  	s7 =	sadd.s32 $0x480, s12;
	(pc) =	sbr.rel @!p0 .LBB2_7-.Ltmp5, $4  }
0xc7: {  	[spmem:s1] =	stream.indirect.scatter.add.f32 [tilespmem:s24], [sflag:$0x6], $0x80, s7, s21, $0xb8;
	[tilespmem:$0x1C800] =	vst v63  }
0xc8: {  	_ =	swait.ge [sflag:s30], $0x2000  }
0xc9: {  	[sflag:s30] =	ssyncset.done $0x0  }
0xca: {  	[sflag:s30] =	ssyncadd.s32 $0xFFFFE000  }
0xcb: {  	_ =	swait.ge [sflag:s0], $0x2000  }
0xcc: {  	[sflag:s0] =	ssyncset.done $0x0  }
0xcd: {  	s7 =	sshll.u32 s17, $0x9;
	[sflag:s0] =	ssyncadd.s32 $0xFFFFE000  }
0xce: {  	[tilespmem:s22], [sflag:$0x1] =	stream.indirect.gather [hbm4b:s6+s21], $0x80, s7, s21, $0xb8;
	[tilespmem:$0x1C800] =	vst v63  }
0xcf: {  	s2 =	sor.u32 $0x400, s2  }
0xd0: {  	[spmem:s1] =	stream.indirect.scatter.add.f32 [tilespmem:s26], [sflag:$0x7], $0x80, s2, s21, $0xb8;
	[tilespmem:$0x1C800] =	vst v63  }
0xd1: {  	_ =	swait.ge [sflag:s31], $0x2000  }
0xd2: {  	[sflag:s31] =	ssyncset.done $0x0  }
0xd3: {  	s20 =	sadd.s32 $0x200, s20;
	[sflag:s31] =	ssyncadd.s32 $0xFFFFE000  }
0xd4: {  	p0 =	sne.s32 s20, $0x5000;
	_ =	swait.ge [sflag:s3], $0x2000  }
.Ltmp6:
0xd5: {  	[sflag:s3] =	ssyncset.done $0x0;
	(pc) =	sbr.rel @p0 .LBB2_6-.Ltmp6, $4  }
.Ltmp7:
0xd6: {  	s17 =	sor.u32 $0x80, s7;
	[sflag:s3] =	ssyncadd.s32 $0xFFFFE000;
	(pc) =	sbr.rel @!p0 .LBB2_9-.Ltmp7, $4  }
0xd7: {  	[tilespmem:s24], [sflag:$0x2] =	stream.indirect.gather [hbm4b:s6+s21], $0x80, s17, s21, $0xb8;
	[tilespmem:$0x1C800] =	vst v63  }
0xd8: {  	s23 =	sor.u32 $0x400, s23;
	s16 =	sadd.s32 $0x1, s16  }
0xd9: {  	[spmem:s1] =	stream.indirect.scatter.add.f32 [tilespmem:s29], [sflag:$0x8], $0x80, s23, s21, $0xb8;
	[tilespmem:$0x1C800] =	vst v63  }
0xda: {  	_ = 	snop  }
.LBB2_10:
0xdb: {  	_ =	sfence.sel $0x180000  }
0xdc: {  	[bflag:$0x0] =	sbarrier.arrive $0xFFFF  }
0xdd: {  	_ =	strace $0x9000004D  }
0xde: {  	s0 =	stileid.u32;
	[bflag:$0x2] =	sbarrier.arrive $0xFFFF  }
0xdf: {  	p0 =	sne.s32 s0, $0x0;
	s0 =	rddreg [dreg:$0x2]  }
0xe0: {  	s0 =	sadd.s32 @!p0 $0x100000, s0  }
0xe1: {  	[sflag:s0] =	ssyncadd.tile.s32 @!p0 $0x1;
	_ =	shalt  }
.Lfunc_end2:
_tile_overlayer_lowered:
.L_overlay_start_2:
0xe2: {  	(tag) =	ssettag $0x2  }
0xe3: {  	s0 =	rddreg [dreg:$0x0];
	s2 =	stileid.u32  }
0xe4: {  	s1 =	rddreg [dreg:$0x1];
	p0 =	sne.s32 s2, $0x0  }
0xe5: {  	s3 =	rddreg [dreg:$0x2];
	[bflag:$0x3] =	sbarrier.arrive $0xFFFF;
	s2 =	simm.s32 @!p0 $0x1C09  }
0xe6: {  	[timem:s3], [sflag:s2] =	dma.local @!p0 [hbm:s0], s1  }
0xe7: {  	s0 =	simm.s32 @!p0 $0x9  }
0xe8: {  	_ =	swait.ge @!p0 [sflag:s0], s1  }
0xe9: {  	s1 =	ssub.s32 @!p0 $0x0, s1;
	[sflag:s0] =	ssyncset.done @!p0 $0x0  }
0xea: {  	[sflag:s0] =	ssyncadd.s32 @!p0 s1  }
0xeb: {  	[bflag:$0x3] =	sbarrier.arrive $0xFFFF  }
0xec: {  	_ =	shalt  }

// kernel: kernel.21.cloned.1.call-start
scs
__scs_entry_jumppad:
0x0: {  	(pc) =	sbr.rel $0x88, $3  }
0x1: {  	(tag) =	ssettag $0x0;
	lr =	simm.s32 $0x1  }
0x2: {  	[smem:$0x3F96] =	sst lr;
	_ =	strace $0xD0000000  }
0x3: {  	_ = 	snop  }
0x4: {  	_ = 	snop  }
0x5: {  	_ = 	snop  }
0x6: {  	_ = 	snop  }
0x7: {  	_ = 	snop  }
__scs_overlays_trampoline_lowered:
0x8: {  	[smem:$0x3FA5] =	sst s0  }
0x9: {  	[smem:$0x3FA6] =	sst s1  }
0xa: {  	[smem:$0x3FA7] =	sst s2  }
0xb: {  	[smem:$0x3FA8] =	sst s3  }
0xc: {  	[smem:$0x3FA9] =	sst s4  }
0xd: {  	[smem:$0x3FAA] =	sst s5  }
0xe: {  	[smem:$0x3FAB] =	sst s6  }
0xf: {  	[smem:$0x3FAC] =	sst s7  }
0x10: {  	[smem:$0x3FAD] =	sst s8  }
0x11: {  	[smem:$0x3FAE] =	sst s9;
	s0 =	simm.s32 @!p0 $0x0  }
0x12: {  	s1 =	sld [smem:$0x3F94];
	s0 =	simm.s32 @p0 $0x1  }
0x13: {  	[smem:$0x3FAF] =	sst s0;
	s0 =	simm.s32 @!p1 $0x0  }
0x14: {  	s2 =	sld [smem:$0x3F93];
	s0 =	simm.s32 @p1 $0x1  }
0x15: {  	[smem:$0x3FB0] =	sst s0;
	s0 =	simm.s32 @!p2 $0x0  }
0x16: {  	s3 =	sld [smem:$0x3FDB];
	s0 =	simm.s32 @p2 $0x1  }
0x17: {  	s4 =	simm.s32 $0x1BF5;
	[smem:$0x3FB2] =	sst s0  }
0x18: {  	s0 =	sld [smem:$0x3F95];
	_ =	swait.ge [sflag:s4], $0x0  }
0x19: {  	s7 =	sld [smem:$0x3F96]  }
0x1a: {  	s8 =	sadd.s32 $0xFFFFE003, lr  }
0x1b: {  	s9 =	sadd.s32 $0xFFFFFEF7, lr;
	s5 =	simm.s32 $0xFFFFFFFF;
	p2 =	slt.u32 s8, $0xFFFFF086  }
0x1c: {  	p1 =	slt.u32 s9, $0xF7A;
	s5 =	simm.s32 @!p2 $0x0  }
0x1d: {  	s5 =	simm.s32 @p1 $0x1;
	p0 =	seq.s32 s7, s2  }
0x1e: {  	s7 =	smul.u32 @!p0 $0xF7A, s2;
	p2 =	seq.s32 @!p0 s5, $0x0  }
0x1f: {  	s9 =	smul.u32 $0xF7A, s1;
	s8 =	simm.s32 @!p0 $0x1BF5;
	p2 =	por !p2, p0  }
0x20: {  	[sflag:s8] =	ssyncset.s32 @!p0 $0xFFFFF086;
	s6 =	sadd.s32 @!p0 s3, s7;
	s7 =	simm.s32 @!p0 $0x108  }
0x21: {  	s3 =	sadd.s32 s3, s9;
	s6 =	sadd.s32 @!p0 $0x88, s6;
	s7 =	simm.s32 @p2 $0x1082  }
0x22: {  	[simem:s7], [sflag:s8] =	dma.local @!p0 [hbm:s6], $0xF7A  }
0x23: {  	s9 =	sor.u32 $0xD0000000, s2;
	s6 =	simm.s32 $0x108;
	_ =	swait.ge @!p0 [sflag:s8], $0x0  }
0x24: {  	s3 =	sadd.s32 $0x88, s3;
	s6 =	simm.s32 @!p1 $0x1082;
	[sflag:s4] =	ssyncset.s32 $0xFFFFF086  }
0x25: {  	[simem:s6], [sflag:s4] =	dma.local [hbm:s3], $0xF7A  }
0x26: {  	[smem:$0x3F96] =	sst s1;
	(tag) =	ssettag s2;
	_ =	strace s9  }
0x27: {  	s1 =	sld [smem:$0x3FA6]  }
0x28: {  	s2 =	sld [smem:$0x3FA7]  }
0x29: {  	s4 =	sld [smem:$0x3FA9]  }
0x2a: {  	p0 =	seq.s32 s5, $0x0;
	s5 =	sld [smem:$0x3FAA]  }
0x2b: {  	s6 =	sld [smem:$0x3FAB]  }
0x2c: {  	s7 =	sld [smem:$0x3FAC]  }
0x2d: {  	s3 =	simm.s32 $0x108;
	s8 =	sld [smem:$0x3FAD]  }
0x2e: {  	s3 =	simm.s32 @!p0 $0x1082;
	s9 =	sld [smem:$0x3FAE]  }
0x2f: {  	lr =	sadd.s32 s0, s3;
	s0 =	sld [smem:$0x3FA5]  }
0x30: {  	s3 =	sld [smem:$0x3FA8]  }
0x31: {  	[smem:$0x3FB1] =	sst s10  }
0x32: {  	s10 =	sld [smem:$0x3FAF];
	_ =	sdelay $0x3  }
0x33: {  	p0 =	seq.s32 s10, $0x1;
	s10 =	sld [smem:$0x3FB1];
	_ =	sdelay $0x3  }
0x34: {  	[smem:$0x3FB1] =	sst s10  }
0x35: {  	s10 =	sld [smem:$0x3FB0];
	_ =	sdelay $0x3  }
0x36: {  	p1 =	seq.s32 s10, $0x1;
	s10 =	sld [smem:$0x3FB1];
	_ =	sdelay $0x3  }
0x37: {  	[smem:$0x3FB1] =	sst s10  }
0x38: {  	s10 =	sld [smem:$0x3FB2]  }
0x39: {  	_ = 	snop;
	(pc) =	sbr.ind lr, $3  }
0x3a: {  	_ = 	snop  }
0x3b: {  	_ = 	snop  }
0x3c: {  	p2 =	seq.s32 s10, $0x1;
	s10 =	sld [smem:$0x3FB1]  }
0x3d: {  	_ =	shalt  }
0x3e: {  	_ =	shalt  }
0x3f: {  	_ =	shalt  }
0x40: {  	_ =	shalt  }
0x41: {  	_ =	shalt  }
0x42: {  	_ =	shalt  }
0x43: {  	_ =	shalt  }
0x44: {  	_ =	shalt  }
0x45: {  	_ =	shalt  }
0x46: {  	_ =	shalt  }
0x47: {  	_ =	shalt  }
0x48: {  	_ =	shalt  }
0x49: {  	_ =	shalt  }
0x4a: {  	_ =	shalt  }
0x4b: {  	_ =	shalt  }
0x4c: {  	_ =	shalt  }
0x4d: {  	_ =	shalt  }
0x4e: {  	_ =	shalt  }
0x4f: {  	_ =	shalt  }
0x50: {  	_ =	shalt  }
0x51: {  	_ =	shalt  }
0x52: {  	_ =	shalt  }
0x53: {  	_ =	shalt  }
0x54: {  	_ =	shalt  }
0x55: {  	_ =	shalt  }
0x56: {  	_ =	shalt  }
0x57: {  	_ =	shalt  }
0x58: {  	_ =	shalt  }
0x59: {  	_ =	shalt  }
0x5a: {  	_ =	shalt  }
0x5b: {  	_ =	shalt  }
0x5c: {  	_ =	shalt  }
0x5d: {  	_ =	shalt  }
0x5e: {  	_ =	shalt  }
0x5f: {  	_ =	shalt  }
0x60: {  	_ =	shalt  }
0x61: {  	_ =	shalt  }
0x62: {  	_ =	shalt  }
0x63: {  	_ =	shalt  }
0x64: {  	_ =	shalt  }
0x65: {  	_ =	shalt  }
0x66: {  	_ =	shalt  }
0x67: {  	_ =	shalt  }
0x68: {  	_ =	shalt  }
0x69: {  	_ =	shalt  }
0x6a: {  	_ =	shalt  }
0x6b: {  	_ =	shalt  }
0x6c: {  	_ =	shalt  }
0x6d: {  	_ =	shalt  }
0x6e: {  	_ =	shalt  }
0x6f: {  	_ =	shalt  }
0x70: {  	_ =	shalt  }
0x71: {  	_ =	shalt  }
0x72: {  	_ =	shalt  }
0x73: {  	_ =	shalt  }
0x74: {  	_ =	shalt  }
0x75: {  	_ =	shalt  }
0x76: {  	_ =	shalt  }
0x77: {  	_ =	shalt  }
0x78: {  	_ =	shalt  }
0x79: {  	_ =	shalt  }
0x7a: {  	_ =	shalt  }
0x7b: {  	_ =	shalt  }
0x7c: {  	_ =	shalt  }
0x7d: {  	_ =	shalt  }
0x7e: {  	_ =	shalt  }
0x7f: {  	_ =	shalt  }
0x80: {  	_ =	shalt  }
0x81: {  	_ =	shalt  }
0x82: {  	_ =	shalt  }
0x83: {  	_ =	shalt  }
0x84: {  	_ =	shalt  }
0x85: {  	_ =	shalt  }
0x86: {  	_ =	shalt  }
0x87: {  	_ =	shalt  }
.Lfunc_end0:
.L_simem_size_0:
called_computation.3_lowered:
.L_overlay_start_0:
0x88: {  	s2 =	sld [smem:$0x3FD9]  }
0x89: {  	s3 =	sld [smem:$0x3FFE];
	_ =	sdelay $0x1  }
0x8a: {  	s1 =	srdreg.scid  }
0x8b: {  	s0 =	sand.u32 $0x1, s1  }
0x8c: {  	s16 =	sshll.u32 s0, $0xA;
	s2 =	sadd.s32 s3, s2  }
0x8d: {  	s2 =	sadd.s32 s2, s16  }
0x8e: {  	[smem:$0x3FBD] =	sst s2  }
0x8f: {  	_ = 	snop  }
0x90: {  	(tm) =	ssettm $0x1  }
0x91: {  	s17 =	sld [smem:$0x3FFB];
	_ =	sdelay $0x3  }
0x92: {  	_ =	strace s17  }
0x93: {  	s2 =	sld [smem:$0x3FFC];
	_ =	sdelay $0x3  }
0x94: {  	_ =	strace s2  }
0x95: {  	s2 =	sld [smem:$0x3FFD];
	_ =	sdelay $0x3  }
0x96: {  	_ =	strace s2  }
0x97: {  	_ =	strace $0x8FFFFFFF  }
0x98: {  	s18 =	sld [smem:$0x3FDB];
	_ =	sdelay $0x1  }
0x99: {  	s19 =	simm.s32 $_scs_section_size  }
0x9a: {  	s4 =	simm.s32 $_size__tile_overlayer_lowered;
	s5 =	simm.s32 $_tile_overlayer_lowered  }
0x9b: {  	s22 =	simm.s32 $0x1BFF;
	s21 =	sshll.u32 s5, $0x1;
	s2 =	sadd.s32 s19, s18  }
0x9c: {  	s6 =	simm.s32 $0x0;
	s20 =	sshll.u32 s4, $0x1;
	s4 =	sadd.s32 s21, s2  }
0x9d: {  	[timem:s6], [sflag:s22] =	dma.local [hbm:s4], s20  }
0x9e: {  	_ =	swait.ge [sflag:s22], s20  }
0x9f: {  	s3 =	ssub.s32 $0x0, s20;
	[sflag:s22] =	ssyncset.done $0x0  }
0xa0: {  	[sflag:s22] =	ssyncadd.s32 s3;
	_ =	sdelay $0x1  }
0xa1: {  	s23 =	simm.s32 $0x1B8B  }
0xa2: {  	_ =	swait.ge [sflag:s23], $0x1  }
0xa3: {  	[sflag:s23] =	ssyncset.done $0x0  }
0xa4: {  	s25 =	simm.s32 $0x1B8E;
	s24 =	sld [smem:$0x3FFE];
	[sflag:s23] =	ssyncadd.s32 $0xFFFFFFFF  }
0xa5: {  	s26 =	simm.s32 $execute0_lowered;
	[smem:$0x3FD2] =	sst s25  }
0xa6: {  	s4 =	sshll.u32 s26, $0x1;
	_ =	strace $0x8000004F;
	[dreg:$0x1] =	wrdreg $0xFFFFFFFF  }
0xa7: {  	s28 =	simm.s32 $_size_execute0_lowered;
	s2 =	sadd.s32 s2, s4;
	[dreg:$0x0] =	wrdreg $0x0  }
0xa8: {  	s4 =	sshll.u32 s28, $0x1;
	[dreg:$0x2] =	wrdreg s2  }
0xa9: {  	[dreg:$0x3] =	wrdreg s4  }
0xaa: {  	[dreg:$0x4] =	wrdreg $0xC0  }
0xab: {  	_ =	task [dreg:s6], $0x5FFFF  }
0xac: {  	[dreg:$0x1] =	wrdreg $0xFFFFFFFF  }
0xad: {  	[dreg:$0x0] =	wrdreg $0x60  }
0xae: {  	[dreg:$0x2] =	wrdreg s24  }
0xaf: {  	[dreg:$0x3] =	wrdreg $0x88000  }
0xb0: {  	[dreg:$0x4] =	wrdreg $0x9  }
0xb1: {  	_ =	task.clear_ibuf [dreg:s6], $0x5FFFF;
	_ =	strace $0x9000004F  }
0xb2: {  	s29 =	simm.s32 $0x9;
	_ =	strace $0x80000051  }
0xb3: {  	_ =	swait.ge [sflag:s29], $0x1  }
0xb4: {  	[sflag:s29] =	ssyncadd.s32 $0xFFFFFFFF  }
0xb5: {  	_ =	strace $0x90000051  }
0xb6: {  	_ =	sfence  }
0xb7: {  	s30 =	sld [smem:$0x0];
	_ =	sdelay $0x2  }
0xb8: {  	s31 =	sshll.u32 s1, $0xD;
	s1 =	sshrl.u32 s1, $0x2  }
0xb9: {  	s3 =	sand.u32 $0x4000, s31;
	s1 =	sadd.s32 s1, s30  }
0xba: {  	s0 =	sor.u32 s3, s0;
	s1 =	sshll.u32 s1, $0x11  }
0xbb: {  	s0 =	sor.u32 s1, s0  }
0xbc: {  	s0 =	sadd.s32 $0x8F2B, s0  }
0xbd: {  	[sflag:s0] =	ssyncadd.remote.s32 $0x1  }
0xbe: {  	_ =	sfence.sel $0xFFFF  }
0xbf: {  	[dreg:$0x0] =	wrdreg $0xFFFFFFFF;
	(pc) =	sbr.abs _section_cstart, $3  }
0xc0: {  	[dreg:$0x1] =	wrdreg $0xFFFFFFFF  }
0xc1: {  	_ =	task.clear_ibuf [dreg:s6], $0x2FFFF;
	_ =	strace $0x9FFFFFFF  }
0xc2: {  	(tm) =	ssettm $0x7FFFFFFF  }
0xc3: {  	_ =	shalt  }
tec
execute0_lowered:
.L_overlay_start_1:
0x0: {  	(tag) =	ssettag $0x1  }
0x1: {  	s0 =	rddreg [dreg:$0x0]  }
0x2: {  	s1 =	rddreg [dreg:$0x1];
	s2 =	simm.s32 $0x0  }
0x3: {  	s17 =	srdreg.scid;
	s7 =	stileid.u32;
	s28 =	simm.s32 $0x2  }
0x4: {  	s29 =	simm.s32 $0x6800;
	s30 =	simm.s32 $0x3;
	s31 =	simm.s32 $0x4  }
0x5: {  	[smem:$0x7FF] =	sst s2;
	s4 =	sadd.s32 $0x3E800, s0;
	s5 =	sadd.s32 $0x34800, s0  }
0x6: {  	s6 =	sadd.s32 $0x106800, s0;
	s3 =	sadd.s32 $0x2800, s0;
	s18 =	smul.u32 $0x50000, s7  }
0x7: {  	s2 =	sand.u32 $0x1, s17;
	s0 =	sadd.s32 $0x66800, s0;
	s11 =	smul.u32 $0x280, s7  }
0x8: {  	s19 =	sshll.u32 s7, $0x6;
	_ =	strace $0x80000050;
	s10 =	smul.u32 $0xA0000, s2  }
0x9: {  	s8 =	ssub.s32 $0x2, s2;
	s13 =	smul.u32 $0x5000, s2;
	s2 =	sshllo.u32 s2, $0x1  }
0xa: {  	[dreg:$0x3] =	wrdreg s3;
	s9 =	sshrl.u32 s8, $0x1;
	s15 =	smul.u32 $0x50000, s2  }
0xb: {  	s3 =	sshrl.u32 s18, $0x2;
	s2 =	smul.u32 $0x2800, s2;
	s14 =	ssub.s32 s8, s9  }
0xc: {  	s3 =	sadd.s32 s3, s1;
	s8 =	smul.u32 $0x5000, s7;
	s13 =	sadd.s32 s11, s13  }
0xd: {  	s9 =	sor.u32 $0x1C09, s19;
	s19 =	simm.s32 $0x9;
	s22 =	sshll.u32 s13, $0x4  }
0xe: {  	s2 =	sadd.s32 s11, s2;
	s26 =	smax.u32 s14, $0x1;
	s18 =	sshrl.u32 s3, $0x3  }
0xf: {  	s3 =	simm.s32 $0x6;
	s14 =	simm.s32 $0x8;
	s10 =	sadd.s32 s8, s10  }
0x10: {  	s16 =	sshrl.u32 s8, $0x3;
	s13 =	sadd.s32 s8, s15;
	s23 =	sadd.s32 s0, s22  }
0x11: {  	s2 =	sshll.u32 s2, $0x4;
	[dreg:$0x9] =	wrdreg s26;
	s22 =	simm.s32 $0x800  }
0x12: {  	s26 =	simm.s32 $0x4800;
	s15 =	simm.s32 $0x0;
	s12 =	sshrl.u32 s10, $0x3  }
.Ltmp0:
0x13: {  	s21 =	sadd.s32 s5, s16;
	[dreg:$0x6] =	wrdreg s23;
	(pc) =	sbr.rel .LBB2_1-.Ltmp0, $4  }
0x14: {  	s24 =	sshrl.u32 s13, $0x3;
	s0 =	sadd.s32 s0, s2;
	[dreg:$0x5] =	wrdreg s21  }
0x15: {  	s20 =	sadd.s32 s4, s12;
	s25 =	sadd.s32 s4, s24;
	[dreg:$0x8] =	wrdreg s0  }
0x16: {  	s21 =	simm.s32 $0x40;
	s24 =	simm.s32 $0x2800;
	[dreg:$0x4] =	wrdreg s20  }
0x17: {  	s0 =	simm.s32 $0x5;
	[dreg:$0x7] =	wrdreg s25;
	s25 =	simm.s32 $0x1  }
.LBB2_7:
0x18: {  	s2 =	sor.u32 $0x400, s2  }
0x19: {  	[spmem:s1] =	stream.indirect.scatter.add.f32 [tilespmem:s26], [sflag:$0x7], $0x80, s2, s21, $0xb8;
	[tilespmem:$0x1C800] =	vst v63  }
0x1a: {  	_ =	swait.ge [sflag:s31], $0x2000  }
0x1b: {  	[sflag:s31] =	ssyncset.done $0x0  }
0x1c: {  	s23 =	sor.u32 $0x400, s23;
	[sflag:s31] =	ssyncadd.s32 $0xFFFFE000  }
0x1d: {  	[spmem:s1] =	stream.indirect.scatter.add.f32 [tilespmem:s29], [sflag:$0x8], $0x80, s23, s21, $0xb8;
	[tilespmem:$0x1C800] =	vst v63  }
.LBB2_9:
0x1e: {  	_ =	swait.ge [sflag:s0], $0x2000  }
0x1f: {  	[sflag:s0] =	ssyncset.done $0x0  }
0x20: {  	[sflag:s0] =	ssyncadd.s32 $0xFFFFE000  }
0x21: {  	_ =	swait.ge [sflag:s3], $0x2000  }
0x22: {  	[sflag:s3] =	ssyncset.done $0x0  }
0x23: {  	s2 =	simm.s32 $0x7;
	[sflag:s3] =	ssyncadd.s32 $0xFFFFE000  }
0x24: {  	_ =	swait.ge [sflag:s2], $0x2000  }
0x25: {  	[sflag:s2] =	ssyncset.done $0x0  }
0x26: {  	[sflag:s2] =	ssyncadd.s32 $0xFFFFE000  }
0x27: {  	_ =	swait.ge [sflag:s14], $0x2000  }
0x28: {  	[sflag:s14] =	ssyncset.done $0x0  }
0x29: {  	[sflag:s14] =	ssyncadd.s32 $0xFFFFE000  }
0x2a: {  	[bflag:$0x0] =	sbarrier.arrive $0xFFFF  }
0x2b: {  	s20 =	rddreg [dreg:$0x8]  }
0x2c: {  	[hbm:s20], [sflag:s9] =	dma.local [spmem:s18], $0x2800  }
0x2d: {  	_ =	swait.ge [sflag:s19], $0x2800  }
0x2e: {  	s15 =	sadd.s32 $0x1, s15;
	s23 =	rddreg [dreg:$0x9]  }
0x2f: {  	p0 =	sne.s32 s15, s23  }
.Ltmp1:
0x30: {  	_ = 	snop;
	(pc) =	sbr.rel @!p0 .LBB2_10-.Ltmp1, $3  }
0x31: {  	[sflag:s19] =	ssyncset.done $0x0  }
0x32: {  	[sflag:s19] =	ssyncadd.s32 $0xFFFFD800  }
0x33: {  	[bflag:$0x0] =	sbarrier.arrive $0xFFFF;
	_ =	sdelay $0x1  }
.LBB2_1:
0x34: {  	s2 =	rddreg [dreg:$0x3]  }
0x35: {  	[spmem:s18], [sflag:s9] =	dma.local [hbm:s2], $0x2800  }
0x36: {  	_ =	swait.ge [sflag:s19], $0x2800  }
0x37: {  	[sflag:s19] =	ssyncset.done $0x0  }
0x38: {  	[sflag:s19] =	ssyncadd.s32 $0xFFFFD800  }
0x39: {  	[bflag:$0x0] =	sbarrier.arrive $0xFFFF  }
0x3a: {  	s17 =	simm.s32 $0x0;
	s7 =	rddreg [dreg:$0x4]  }
0x3b: {  	[tilespmem:s17], [sflag:$0x9] =	stream.linear.gather [hbm4b:s7+s17], $0x200, $0x38;
	[tilespmem:$0x1C800] =	vst v63  }
0x3c: {  	_ =	swait.ge [sflag:s19], $0x200  }
0x3d: {  	[sflag:s19] =	ssyncset.done $0x0  }
0x3e: {  	s11 =	simm.s32 $0x400;
	s20 =	rddreg [dreg:$0x5];
	[sflag:s19] =	ssyncadd.s32 $0xFFFFFE00  }
0x3f: {  	[tilespmem:s11], [sflag:$0x9] =	stream.linear.gather [hbm4b:s20+s17], $0x200, $0x38;
	[tilespmem:$0x1C800] =	vst v63  }
0x40: {  	_ =	swait.ge [sflag:s19], $0x200  }
0x41: {  	[sflag:s19] =	ssyncset.done $0x0  }
0x42: {  	[sflag:s19] =	ssyncadd.s32 $0xFFFFFE00  }
0x43: {  	[tilespmem:s22], [sflag:$0x1] =	stream.indirect.gather [hbm4b:s6+s21], $0x80, s17, s21, $0xb8;
	[tilespmem:$0x1C800] =	vst v63  }
0x44: {  	s23 =	simm.s32 $0x80;
	s16 =	simm.s32 $0x0;
	s20 =	simm.s32 $0x1  }
0x45: {  	[tilespmem:s24], [sflag:$0x2] =	stream.indirect.gather [hbm4b:s6+s21], $0x80, s23, s21, $0xb8;
	[tilespmem:$0x1C800] =	vst v63  }
.LBB2_2:
0x46: {  	p0 =	seq.s32 s16, $0x4E00  }
0x47: {  	s2 =	sadd.s32 @!p0 $0x200, s16  }
0x48: {  	s23 =	sand.u32 @!p0 $0xFC00, s2  }
0x49: {  	s2 =	sand.u32 @!p0 $0x200, s2;
	s17 =	sadd.s32 @!p0 s10, s23  }
0x4a: {  	s7 =	sor.u32 @!p0 s2, s17  }
0x4b: {  	s17 =	sand.u32 $0x1, s20;
	s7 =	sshrl.u32 @!p0 s7, $0x3  }
0x4c: {  	s11 =	simm.s32 @!p0 $0x0;
	s12 =	sshll.u32 @!p0 s17, $0x9;
	s7 =	sadd.s32 @!p0 s4, s7  }
0x4d: {  	[tilespmem:s12], [sflag:$0x9] =	stream.linear.gather @!p0 [hbm4b:s7+s11], $0x200, $0x38;
	[tilespmem:$0x1C800] =	vst v63  }
0x4e: {  	s23 =	sadd.s32 @!p0 s8, s23;
	s7 =	simm.s32 @!p0 $0x9  }
0x4f: {  	s2 =	sor.u32 @!p0 s2, s23;
	_ =	swait.ge @!p0 [sflag:s7], $0x200  }
0x50: {  	s2 =	sshrl.u32 @!p0 s2, $0x3;
	[sflag:s7] =	ssyncset.done @!p0 $0x0  }
0x51: {  	s2 =	sadd.s32 @!p0 s5, s2;
	s12 =	sor.u32 @!p0 $0x400, s12;
	[sflag:s7] =	ssyncadd.s32 @!p0 $0xFFFFFE00  }
0x52: {  	[tilespmem:s12], [sflag:$0x9] =	stream.linear.gather @!p0 [hbm4b:s2+s11], $0x200, $0x38;
	[tilespmem:$0x1C800] =	vst v63  }
0x53: {  	_ =	swait.ge @!p0 [sflag:s7], $0x200  }
0x54: {  	[sflag:s7] =	ssyncset.done @!p0 $0x0  }
0x55: {  	[sflag:s7] =	ssyncadd.s32 @!p0 $0xFFFFFE00  }
0x56: {  	_ =	swait.ge [sflag:s25], $0x2000  }
0x57: {  	p0 =	seq.s32 s16, $0x0;
	[sflag:s25] =	ssyncset.done $0x0  }
0x58: {  	s2 =	simm.s32 @!p0 $0x7;
	[sflag:s25] =	ssyncadd.s32 $0xFFFFE000  }
0x59: {  	_ =	swait.ge @!p0 [sflag:s2], $0x2000  }
0x5a: {  	s12 =	sand.u32 $0x200, s16;
	[sflag:s2] =	ssyncset.done @!p0 $0x0  }
0x5b: {  	[sflag:s2] =	ssyncadd.s32 @!p0 $0xFFFFE000;
	s2 =	sor.u32 $0x100, s12  }
0x5c: {  	[tilespmem:s26], [sflag:$0x3] =	stream.indirect.gather [hbm4b:s6+s21], $0x80, s2, s21, $0xb8;
	[tilespmem:$0x1C800] =	vst v63  }
0x5d: {  	s23 =	sor.u32 $0x400, s12  }
0x5e: {  	[spmem:s1] =	stream.indirect.scatter.add.f32 [tilespmem:s22], [sflag:$0x5], $0x80, s23, s21, $0xb8;
	[tilespmem:$0x1C800] =	vst v63  }
0x5f: {  	_ =	swait.ge [sflag:s28], $0x2000  }
0x60: {  	[sflag:s28] =	ssyncset.done $0x0  }
0x61: {  	s11 =	simm.s32 @!p0 $0x8;
	[sflag:s28] =	ssyncadd.s32 $0xFFFFE000  }
0x62: {  	_ =	swait.ge @!p0 [sflag:s11], $0x2000  }
0x63: {  	[sflag:s11] =	ssyncset.done @!p0 $0x0  }
0x64: {  	s23 =	sor.u32 $0x180, s12;
	[sflag:s11] =	ssyncadd.s32 @!p0 $0xFFFFE000;
	p0 =	sne.s32 s16, $0x4E00  }
0x65: {  	[tilespmem:s29], [sflag:$0x4] =	stream.indirect.gather [hbm4b:s6+s21], $0x80, s23, s21, $0xb8;
	[tilespmem:$0x1C800] =	vst v63  }
.Ltmp2:
0x66: {  	s7 =	sadd.s32 $0x480, s12;
	(pc) =	sbr.rel @!p0 .LBB2_3-.Ltmp2, $4  }
0x67: {  	[spmem:s1] =	stream.indirect.scatter.add.f32 [tilespmem:s24], [sflag:$0x6], $0x80, s7, s21, $0xb8;
	[tilespmem:$0x1C800] =	vst v63  }
0x68: {  	_ =	swait.ge [sflag:s30], $0x2000  }
0x69: {  	[sflag:s30] =	ssyncset.done $0x0  }
0x6a: {  	[sflag:s30] =	ssyncadd.s32 $0xFFFFE000  }
0x6b: {  	_ =	swait.ge [sflag:s0], $0x2000  }
0x6c: {  	[sflag:s0] =	ssyncset.done $0x0  }
0x6d: {  	s7 =	sshll.u32 s17, $0x9;
	[sflag:s0] =	ssyncadd.s32 $0xFFFFE000  }
0x6e: {  	[tilespmem:s22], [sflag:$0x1] =	stream.indirect.gather [hbm4b:s6+s21], $0x80, s7, s21, $0xb8;
	[tilespmem:$0x1C800] =	vst v63  }
0x6f: {  	s2 =	sor.u32 $0x400, s2  }
0x70: {  	[spmem:s1] =	stream.indirect.scatter.add.f32 [tilespmem:s26], [sflag:$0x7], $0x80, s2, s21, $0xb8;
	[tilespmem:$0x1C800] =	vst v63  }
0x71: {  	_ =	swait.ge [sflag:s31], $0x2000  }
0x72: {  	[sflag:s31] =	ssyncset.done $0x0  }
0x73: {  	s16 =	sadd.s32 $0x200, s16;
	[sflag:s31] =	ssyncadd.s32 $0xFFFFE000  }
0x74: {  	p0 =	sne.s32 s16, $0x5000;
	_ =	swait.ge [sflag:s3], $0x2000  }
.Ltmp3:
0x75: {  	[sflag:s3] =	ssyncset.done $0x0;
	(pc) =	sbr.rel @p0 .LBB2_2-.Ltmp3, $4  }
.Ltmp4:
0x76: {  	s17 =	sor.u32 $0x80, s7;
	[sflag:s3] =	ssyncadd.s32 $0xFFFFE000;
	(pc) =	sbr.rel @!p0 .LBB2_5-.Ltmp4, $4  }
0x77: {  	[tilespmem:s24], [sflag:$0x2] =	stream.indirect.gather [hbm4b:s6+s21], $0x80, s17, s21, $0xb8;
	[tilespmem:$0x1C800] =	vst v63  }
0x78: {  	s23 =	sor.u32 $0x400, s23;
	s20 =	sadd.s32 $0x1, s20  }
0x79: {  	[spmem:s1] =	stream.indirect.scatter.add.f32 [tilespmem:s29], [sflag:$0x8], $0x80, s23, s21, $0xb8;
	[tilespmem:$0x1C800] =	vst v63  }
0x7a: {  	_ = 	snop  }
.LBB2_3:
0x7b: {  	s2 =	sor.u32 $0x400, s2  }
0x7c: {  	[spmem:s1] =	stream.indirect.scatter.add.f32 [tilespmem:s26], [sflag:$0x7], $0x80, s2, s21, $0xb8;
	[tilespmem:$0x1C800] =	vst v63  }
0x7d: {  	_ =	swait.ge [sflag:s31], $0x2000  }
0x7e: {  	[sflag:s31] =	ssyncset.done $0x0  }
0x7f: {  	s23 =	sor.u32 $0x400, s23;
	[sflag:s31] =	ssyncadd.s32 $0xFFFFE000  }
0x80: {  	[spmem:s1] =	stream.indirect.scatter.add.f32 [tilespmem:s29], [sflag:$0x8], $0x80, s23, s21, $0xb8;
	[tilespmem:$0x1C800] =	vst v63  }
.LBB2_5:
0x81: {  	_ =	swait.ge [sflag:s0], $0x2000  }
0x82: {  	[sflag:s0] =	ssyncset.done $0x0  }
0x83: {  	[sflag:s0] =	ssyncadd.s32 $0xFFFFE000  }
0x84: {  	_ =	swait.ge [sflag:s3], $0x2000  }
0x85: {  	[sflag:s3] =	ssyncset.done $0x0  }
0x86: {  	s2 =	simm.s32 $0x7;
	[sflag:s3] =	ssyncadd.s32 $0xFFFFE000  }
0x87: {  	_ =	swait.ge [sflag:s2], $0x2000  }
0x88: {  	[sflag:s2] =	ssyncset.done $0x0  }
0x89: {  	[sflag:s2] =	ssyncadd.s32 $0xFFFFE000  }
0x8a: {  	_ =	swait.ge [sflag:s14], $0x2000  }
0x8b: {  	[sflag:s14] =	ssyncset.done $0x0  }
0x8c: {  	[sflag:s14] =	ssyncadd.s32 $0xFFFFE000  }
0x8d: {  	[bflag:$0x0] =	sbarrier.arrive $0xFFFF  }
0x8e: {  	s11 =	rddreg [dreg:$0x6]  }
0x8f: {  	[hbm:s11], [sflag:s9] =	dma.local [spmem:s18], $0x2800  }
0x90: {  	_ =	swait.ge [sflag:s19], $0x2800  }
0x91: {  	[sflag:s19] =	ssyncset.done $0x0  }
0x92: {  	[sflag:s19] =	ssyncadd.s32 $0xFFFFD800  }
0x93: {  	[bflag:$0x0] =	sbarrier.arrive $0xFFFF  }
0x94: {  	s12 =	rddreg [dreg:$0x3]  }
0x95: {  	[spmem:s18], [sflag:s9] =	dma.local [hbm:s12], $0x2800  }
0x96: {  	_ =	swait.ge [sflag:s19], $0x2800  }
0x97: {  	[sflag:s19] =	ssyncset.done $0x0  }
0x98: {  	[sflag:s19] =	ssyncadd.s32 $0xFFFFD800  }
0x99: {  	[bflag:$0x0] =	sbarrier.arrive $0xFFFF  }
0x9a: {  	s20 =	simm.s32 $0x0;
	s16 =	rddreg [dreg:$0x7]  }
0x9b: {  	[tilespmem:s20], [sflag:$0x9] =	stream.linear.gather [hbm4b:s16+s20], $0x200, $0x38;
	[tilespmem:$0x1C800] =	vst v63  }
0x9c: {  	_ =	swait.ge [sflag:s19], $0x200  }
0x9d: {  	[sflag:s19] =	ssyncset.done $0x0  }
0x9e: {  	s7 =	simm.s32 $0x400;
	s17 =	rddreg [dreg:$0x5];
	[sflag:s19] =	ssyncadd.s32 $0xFFFFFE00  }
0x9f: {  	[tilespmem:s7], [sflag:$0x9] =	stream.linear.gather [hbm4b:s17+s20], $0x200, $0x38;
	[tilespmem:$0x1C800] =	vst v63  }
0xa0: {  	_ =	swait.ge [sflag:s19], $0x200  }
0xa1: {  	[sflag:s19] =	ssyncset.done $0x0  }
0xa2: {  	[sflag:s19] =	ssyncadd.s32 $0xFFFFFE00  }
0xa3: {  	[tilespmem:s22], [sflag:$0x1] =	stream.indirect.gather [hbm4b:s6+s21], $0x80, s20, s21, $0xb8;
	[tilespmem:$0x1C800] =	vst v63  }
0xa4: {  	s23 =	simm.s32 $0x80;
	s16 =	simm.s32 $0x1  }
0xa5: {  	[tilespmem:s24], [sflag:$0x2] =	stream.indirect.gather [hbm4b:s6+s21], $0x80, s23, s21, $0xb8;
	[tilespmem:$0x1C800] =	vst v63  }
.LBB2_6:
0xa6: {  	p0 =	seq.s32 s20, $0x4E00  }
0xa7: {  	s2 =	sadd.s32 @!p0 $0x200, s20  }
0xa8: {  	s7 =	sand.u32 @!p0 $0xFC00, s2  }
0xa9: {  	s2 =	sand.u32 @!p0 $0x200, s2;
	s11 =	sadd.s32 @!p0 s13, s7  }
0xaa: {  	s11 =	sor.u32 @!p0 s2, s11  }
0xab: {  	s17 =	sand.u32 $0x1, s16;
	s11 =	sshrl.u32 @!p0 s11, $0x3  }
0xac: {  	s12 =	sshll.u32 @!p0 s17, $0x9;
	s23 =	simm.s32 @!p0 $0x0;
	s11 =	sadd.s32 @!p0 s4, s11  }
0xad: {  	[tilespmem:s12], [sflag:$0x9] =	stream.linear.gather @!p0 [hbm4b:s11+s23], $0x200, $0x38;
	[tilespmem:$0x1C800] =	vst v63  }
0xae: {  	s7 =	sadd.s32 @!p0 s8, s7;
	s11 =	simm.s32 @!p0 $0x9  }
0xaf: {  	s2 =	sor.u32 @!p0 s2, s7;
	_ =	swait.ge @!p0 [sflag:s11], $0x200  }
0xb0: {  	s2 =	sshrl.u32 @!p0 s2, $0x3;
	[sflag:s11] =	ssyncset.done @!p0 $0x0  }
0xb1: {  	s7 =	sor.u32 @!p0 $0x400, s12;
	s2 =	sadd.s32 @!p0 s5, s2;
	[sflag:s11] =	ssyncadd.s32 @!p0 $0xFFFFFE00  }
0xb2: {  	[tilespmem:s7], [sflag:$0x9] =	stream.linear.gather @!p0 [hbm4b:s2+s23], $0x200, $0x38;
	[tilespmem:$0x1C800] =	vst v63  }
0xb3: {  	_ =	swait.ge @!p0 [sflag:s11], $0x200  }
0xb4: {  	[sflag:s11] =	ssyncset.done @!p0 $0x0  }
0xb5: {  	[sflag:s11] =	ssyncadd.s32 @!p0 $0xFFFFFE00  }
0xb6: {  	_ =	swait.ge [sflag:s25], $0x2000  }
0xb7: {  	p0 =	seq.s32 s20, $0x0;
	[sflag:s25] =	ssyncset.done $0x0  }
0xb8: {  	s2 =	simm.s32 @!p0 $0x7;
	[sflag:s25] =	ssyncadd.s32 $0xFFFFE000  }
0xb9: {  	_ =	swait.ge @!p0 [sflag:s2], $0x2000  }
0xba: {  	s12 =	sand.u32 $0x200, s20;
	[sflag:s2] =	ssyncset.done @!p0 $0x0  }
0xbb: {  	[sflag:s2] =	ssyncadd.s32 @!p0 $0xFFFFE000;
	s2 =	sor.u32 $0x100, s12  }
0xbc: {  	[tilespmem:s26], [sflag:$0x3] =	stream.indirect.gather [hbm4b:s6+s21], $0x80, s2, s21, $0xb8;
	[tilespmem:$0x1C800] =	vst v63  }
0xbd: {  	s23 =	sor.u32 $0x400, s12  }
0xbe: {  	[spmem:s1] =	stream.indirect.scatter.add.f32 [tilespmem:s22], [sflag:$0x5], $0x80, s23, s21, $0xb8;
	[tilespmem:$0x1C800] =	vst v63  }
0xbf: {  	_ =	swait.ge [sflag:s28], $0x2000  }
0xc0: {  	[sflag:s28] =	ssyncset.done $0x0  }
0xc1: {  	s11 =	simm.s32 @!p0 $0x8;
	[sflag:s28] =	ssyncadd.s32 $0xFFFFE000  }
0xc2: {  	_ =	swait.ge @!p0 [sflag:s11], $0x2000  }
0xc3: {  	[sflag:s11] =	ssyncset.done @!p0 $0x0  }
0xc4: {  	s23 =	sor.u32 $0x180, s12;
	[sflag:s11] =	ssyncadd.s32 @!p0 $0xFFFFE000;
	p0 =	sne.s32 s20, $0x4E00  }
0xc5: {  	[tilespmem:s29], [sflag:$0x4] =	stream.indirect.gather [hbm4b:s6+s21], $0x80, s23, s21, $0xb8;
	[tilespmem:$0x1C800] =	vst v63  }
.Ltmp5:
0xc6: {  	s7 =	sadd.s32 $0x480, s12;
	(pc) =	sbr.rel @!p0 .LBB2_7-.Ltmp5, $4  }
0xc7: {  	[spmem:s1] =	stream.indirect.scatter.add.f32 [tilespmem:s24], [sflag:$0x6], $0x80, s7, s21, $0xb8;
	[tilespmem:$0x1C800] =	vst v63  }
0xc8: {  	_ =	swait.ge [sflag:s30], $0x2000  }
0xc9: {  	[sflag:s30] =	ssyncset.done $0x0  }
0xca: {  	[sflag:s30] =	ssyncadd.s32 $0xFFFFE000  }
0xcb: {  	_ =	swait.ge [sflag:s0], $0x2000  }
0xcc: {  	[sflag:s0] =	ssyncset.done $0x0  }
0xcd: {  	s7 =	sshll.u32 s17, $0x9;
	[sflag:s0] =	ssyncadd.s32 $0xFFFFE000  }
0xce: {  	[tilespmem:s22], [sflag:$0x1] =	stream.indirect.gather [hbm4b:s6+s21], $0x80, s7, s21, $0xb8;
	[tilespmem:$0x1C800] =	vst v63  }
0xcf: {  	s2 =	sor.u32 $0x400, s2  }
0xd0: {  	[spmem:s1] =	stream.indirect.scatter.add.f32 [tilespmem:s26], [sflag:$0x7], $0x80, s2, s21, $0xb8;
	[tilespmem:$0x1C800] =	vst v63  }
0xd1: {  	_ =	swait.ge [sflag:s31], $0x2000  }
0xd2: {  	[sflag:s31] =	ssyncset.done $0x0  }
0xd3: {  	s20 =	sadd.s32 $0x200, s20;
	[sflag:s31] =	ssyncadd.s32 $0xFFFFE000  }
0xd4: {  	p0 =	sne.s32 s20, $0x5000;
	_ =	swait.ge [sflag:s3], $0x2000  }
.Ltmp6:
0xd5: {  	[sflag:s3] =	ssyncset.done $0x0;
	(pc) =	sbr.rel @p0 .LBB2_6-.Ltmp6, $4  }
.Ltmp7:
0xd6: {  	s17 =	sor.u32 $0x80, s7;
	[sflag:s3] =	ssyncadd.s32 $0xFFFFE000;
	(pc) =	sbr.rel @!p0 .LBB2_9-.Ltmp7, $4  }
0xd7: {  	[tilespmem:s24], [sflag:$0x2] =	stream.indirect.gather [hbm4b:s6+s21], $0x80, s17, s21, $0xb8;
	[tilespmem:$0x1C800] =	vst v63  }
0xd8: {  	s23 =	sor.u32 $0x400, s23;
	s16 =	sadd.s32 $0x1, s16  }
0xd9: {  	[spmem:s1] =	stream.indirect.scatter.add.f32 [tilespmem:s29], [sflag:$0x8], $0x80, s23, s21, $0xb8;
	[tilespmem:$0x1C800] =	vst v63  }
0xda: {  	_ = 	snop  }
.LBB2_10:
0xdb: {  	_ =	sfence.sel $0x180000  }
0xdc: {  	[bflag:$0x0] =	sbarrier.arrive $0xFFFF  }
0xdd: {  	_ =	strace $0x90000050  }
0xde: {  	s0 =	stileid.u32;
	[bflag:$0x2] =	sbarrier.arrive $0xFFFF  }
0xdf: {  	p0 =	sne.s32 s0, $0x0;
	s0 =	rddreg [dreg:$0x2]  }
0xe0: {  	s0 =	sadd.s32 @!p0 $0x100000, s0  }
0xe1: {  	[sflag:s0] =	ssyncadd.tile.s32 @!p0 $0x1;
	_ =	shalt  }
.Lfunc_end2:
_tile_overlayer_lowered:
.L_overlay_start_2:
0xe2: {  	(tag) =	ssettag $0x2  }
0xe3: {  	s0 =	rddreg [dreg:$0x0];
	s2 =	stileid.u32  }
0xe4: {  	s1 =	rddreg [dreg:$0x1];
	p0 =	sne.s32 s2, $0x0  }
0xe5: {  	s3 =	rddreg [dreg:$0x2];
	[bflag:$0x3] =	sbarrier.arrive $0xFFFF;
	s2 =	simm.s32 @!p0 $0x1C09  }
0xe6: {  	[timem:s3], [sflag:s2] =	dma.local @!p0 [hbm:s0], s1  }
0xe7: {  	s0 =	simm.s32 @!p0 $0x9  }
0xe8: {  	_ =	swait.ge @!p0 [sflag:s0], s1  }
0xe9: {  	s1 =	ssub.s32 @!p0 $0x0, s1;
	[sflag:s0] =	ssyncset.done @!p0 $0x0  }
0xea: {  	[sflag:s0] =	ssyncadd.s32 @!p0 s1  }
0xeb: {  	[bflag:$0x3] =	sbarrier.arrive $0xFFFF  }
0xec: {  	_ =	shalt  }

</sc_bundles>
